<compile_context>
chip_gen: v7x
topology: tpu7x:2x2x1
jax: 0.10.2.dev20260603
libtpu: 0.0.44.dev20260713+nightly
codegen_flags: <defaults>
</compile_context>

<pallas_src>
import functools

import jax
import jax.numpy as jnp
from jax import lax
from jax.experimental import pallas as pl
from jax.experimental.pallas import tpu as pltpu
from jax.experimental.pallas import tpu_sc as plsc

N = 10000
E = 320000
D = 128
H = 128
R = 8
L = 2
T = 16
M = 1024

NC = 2
NS = 16
NW = NC * NS
EB = 80
EPW = E // NW
EPS = E // NS
RN = R * N
HN = N // NC
DACC = 5120
DDEAD = DACC - 1
DPT = DACC // NS
ACC = 10240
APT = ACC // NS
WBT = 624

_f32 = jnp.float32
_i32 = jnp.int32

_MESH = plsc.VectorSubcoreMesh(core_axis_name="c", subcore_axis_name="s")


@functools.partial(
    pl.kernel,
    out_type=jax.ShapeDtypeStruct((NC, DACC, H), _f32),
    mesh=_MESH,
    scratch_types=[
        pltpu.VMEM((EB,), _i32),
        pltpu.VMEM((EB,), _i32),
        pltpu.VMEM((EB,), _i32),
        pltpu.VMEM((EB,), _i32),
        pltpu.VMEM((EB, H), _f32),
        pltpu.VMEM((160, H), _f32),
        pltpu.SemaphoreType.DMA,
        pltpu.VMEM_SHARED((DACC, H), _f32),
    ],
)
def _deg_kernel(onesrel_hbm, et_hbm, dst_hbm, deg_hbm,
                et_v, dst_v, lidx_v, oidx_v, rows_v, zero_v, sem, acc_sh):
    cid = lax.axis_index("c")
    sid = lax.axis_index("s")
    z16f = jnp.zeros((16,), _f32)

    def fill_zero(i, carry):
        for c in range(H // 16):
            zero_v[i, pl.ds(c * 16, 16)] = z16f
        return carry

    lax.fori_loop(0, 160, fill_zero, 0)

    row0 = sid * DPT

    def zchunk(k, carry):
        pltpu.sync_copy(zero_v, acc_sh.at[pl.ds(row0 + k * 160, 160)])
        return carry

    lax.fori_loop(0, DPT // 160, zchunk, 0)
    plsc.subcore_barrier()

    lo = cid * HN
    ebase = sid * EPS

    def ebatch(b, carry):
        off = ebase + b * EB
        pltpu.sync_copy(et_hbm.at[pl.ds(off, EB)], et_v)
        pltpu.sync_copy(dst_hbm.at[pl.ds(off, EB)], dst_v)
        for g in range(EB // 16):
            s = pl.ds(g * 16, 16)
            local = dst_v[s] - lo
            own = jnp.logical_and(local >= 0, local < HN)
            lidx_v[s] = jnp.where(own, local, DDEAD)
            oidx_v[s] = et_v[s]
        pltpu.async_copy(onesrel_hbm.at[oidx_v], rows_v, sem).wait()
        pltpu.sync_copy(rows_v, acc_sh.at[lidx_v], add=True)
        return carry

    lax.fori_loop(0, EPS // EB, ebatch, 0)
    plsc.subcore_barrier()
    pltpu.sync_copy(acc_sh.at[pl.ds(row0, DPT)],
                    deg_hbm.at[cid, pl.ds(row0, DPT)])


@functools.partial(
    pl.kernel,
    out_type=jax.ShapeDtypeStruct((E, 16), _f32),
    mesh=_MESH,
    scratch_types=[
        pltpu.VMEM((EB,), _i32),
        pltpu.VMEM((EB,), _i32),
        pltpu.VMEM((EB,), _i32),
        pltpu.VMEM((EB, H), _f32),
        pltpu.VMEM((EB, 16), _f32),
        pltpu.SemaphoreType.DMA,
    ],
)
def _wprep_kernel(rdeg_hbm, et_hbm, dst_hbm, w_hbm,
                  et_v, dst_v, widx_v, rows_v, w16_v, sem):
    cid = lax.axis_index("c")
    sid = lax.axis_index("s")
    wid = sid * NC + cid
    ebase = wid * EPW

    def ebatch(b, carry):
        off = ebase + b * EB
        pltpu.sync_copy(et_hbm.at[pl.ds(off, EB)], et_v)
        pltpu.sync_copy(dst_hbm.at[pl.ds(off, EB)], dst_v)
        for g in range(EB // 16):
            s = pl.ds(g * 16, 16)
            widx_v[s] = dst_v[s] * R + et_v[s]
        pltpu.async_copy(rdeg_hbm.at[widx_v], rows_v, sem).wait()

        def squeeze_grp(g, c2):
            for l in range(16):
                e = g * 16 + l
                w16_v[e, :] = rows_v[e, pl.ds(0, 16)]
            return c2

        lax.fori_loop(0, EB // 16, squeeze_grp, 0)
        pltpu.sync_copy(w16_v, w_hbm.at[pl.ds(off, EB)])
        return carry

    lax.fori_loop(0, EPW // EB, ebatch, 0)


@functools.partial(
    pl.kernel,
    out_type=jax.ShapeDtypeStruct((NC, N, H), _f32),
    mesh=_MESH,
    scratch_types=[
        pltpu.VMEM((EB,), _i32),
        pltpu.VMEM((EB,), _i32),
        pltpu.VMEM((EB,), _i32),
        pltpu.VMEM((EB,), _i32),
        pltpu.VMEM((EB, H), _f32),
        pltpu.VMEM((EB, 16), _f32),
        pltpu.VMEM((128, H), _f32),
        pltpu.SemaphoreType.DMA,
        pltpu.VMEM_SHARED((ACC, H), _f32),
    ],
)
def _scatter_kernel(hr_hbm, w_hbm, src_hbm, et_hbm, dst_hbm, acc_hbm,
                    src_v, et_v, dst_v, gidx_v, rows_v, wrows_v,
                    zero_v, sem, acc_sh):
    cid = lax.axis_index("c")
    sid = lax.axis_index("s")
    wid = sid * NC + cid
    z16f = jnp.zeros((16,), _f32)

    def fill_zero(i, carry):
        for c in range(H // 16):
            zero_v[i, pl.ds(c * 16, 16)] = z16f
        return carry

    lax.fori_loop(0, 128, fill_zero, 0)

    zrow0 = sid * APT

    def zchunk(k, carry):
        pltpu.sync_copy(zero_v, acc_sh.at[pl.ds(zrow0 + k * 128, 128)])
        return carry

    lax.fori_loop(0, APT // 128, zchunk, 0)
    plsc.subcore_barrier()

    ebase = wid * EPW

    def ebatch(b, carry):
        off = ebase + b * EB
        pltpu.sync_copy(src_hbm.at[pl.ds(off, EB)], src_v)
        pltpu.sync_copy(et_hbm.at[pl.ds(off, EB)], et_v)
        pltpu.sync_copy(dst_hbm.at[pl.ds(off, EB)], dst_v)
        pltpu.sync_copy(w_hbm.at[pl.ds(off, EB)], wrows_v)
        for g in range(EB // 16):
            s = pl.ds(g * 16, 16)
            gidx_v[s] = et_v[s] * N + src_v[s]
        pltpu.async_copy(hr_hbm.at[gidx_v], rows_v, sem).wait()

        def scale_grp(g, c2):
            for l in range(16):
                e = g * 16 + l
                wrow = wrows_v[e, :]
                for c in range(H // 16):
                    s = pl.ds(c * 16, 16)
                    rows_v[e, s] = rows_v[e, s] * wrow
            return c2

        lax.fori_loop(0, EB // 16, scale_grp, 0)
        pltpu.sync_copy(rows_v, acc_sh.at[dst_v], add=True)
        return carry

    lax.fori_loop(0, EPW // EB, ebatch, 0)
    plsc.subcore_barrier()
    pltpu.sync_copy(acc_sh.at[pl.ds(sid * WBT, WBT)],
                    acc_hbm.at[cid, pl.ds(sid * WBT, WBT)])

    @pl.when(sid == 0)
    def _tail():
        pltpu.sync_copy(acc_sh.at[pl.ds(NS * WBT, N - NS * WBT)],
                        acc_hbm.at[cid, pl.ds(NS * WBT, N - NS * WBT)])


GB = M + 256
GPT = GB // NW


@functools.partial(
    pl.kernel,
    out_type=jax.ShapeDtypeStruct((GB, H), _f32),
    mesh=_MESH,
    scratch_types=[
        pltpu.VMEM((GPT,), _i32),
        pltpu.VMEM((GPT, H), _f32),
        pltpu.SemaphoreType.DMA,
    ],
)
def _final_gather_kernel(h_hbm, idx_hbm, out_hbm, idx_v, rows_v, sem):
    wid = lax.axis_index("s") * NC + lax.axis_index("c")
    base = wid * GPT
    pltpu.sync_copy(idx_hbm.at[pl.ds(base, GPT)], idx_v)
    pltpu.async_copy(h_hbm.at[idx_v], rows_v, sem).wait()
    pltpu.sync_copy(rows_v, out_hbm.at[pl.ds(base, GPT)])


BN = 1000
NG = N // BN


def _embed_body(nf_ref, ids_ref, fw_ref, fb_ref, te_ref, out_ref):
    ids = ids_ref[0, 0, :]
    oh = (ids[:, None] == lax.broadcasted_iota(_i32, (1, T), 1)).astype(_f32)
    out_ref[...] = (
        jnp.dot(nf_ref[...], fw_ref[...], preferred_element_type=_f32)
        + jnp.dot(oh, te_ref[...], preferred_element_type=_f32)
        + fb_ref[...]
    )


def _embed_call(nf, ids3, fw, fb, te):
    return pl.pallas_call(
        _embed_body,
        grid=(NG,),
        in_specs=[
            pl.BlockSpec((BN, D), lambda i: (i, 0)),
            pl.BlockSpec((1, 1, BN), lambda i: (i, 0, 0)),
            pl.BlockSpec((D, H), lambda i: (0, 0)),
            pl.BlockSpec((1, H), lambda i: (0, 0)),
            pl.BlockSpec((T, H), lambda i: (0, 0)),
        ],
        out_specs=pl.BlockSpec((BN, H), lambda i: (i, 0)),
        out_shape=jax.ShapeDtypeStruct((N, H), _f32),
    )(nf, ids3, fw, fb, te)


def _expand_body(deg_ref, out_ref):
    d = deg_ref[0]
    msel = (lax.broadcasted_iota(_i32, (H, R), 0) // 16
            == lax.broadcasted_iota(_i32, (H, R), 1)).astype(_f32) * (1.0 / 16.0)
    deg8 = jnp.dot(d, msel, preferred_element_type=_f32)
    rd8 = 1.0 / jnp.maximum(deg8, 1.0)
    out_ref[...] = jnp.broadcast_to(rd8[:, :, None], (BN, R, H))


def _expand_call(deg):
    return pl.pallas_call(
        _expand_body,
        grid=(NG,),
        in_specs=[
            pl.BlockSpec((1, BN, H),
                         lambda i: (i // (NG // NC), i % (NG // NC), 0)),
        ],
        out_specs=pl.BlockSpec((BN, R, H), lambda i: (i, 0, 0)),
        out_shape=jax.ShapeDtypeStruct((N, R, H), _f32),
    )(deg)


def _hr_body(h_ref, rw_ref, out_ref):
    out_ref[...] = jnp.dot(h_ref[...], rw_ref[0], preferred_element_type=_f32)[None]


def _hr_call(h, rw):
    return pl.pallas_call(
        _hr_body,
        grid=(NG, R),
        in_specs=[
            pl.BlockSpec((BN, H), lambda i, r: (i, 0)),
            pl.BlockSpec((1, H, H), lambda i, r: (r, 0, 0)),
        ],
        out_specs=pl.BlockSpec((1, BN, H), lambda i, r: (r, i, 0)),
        out_shape=jax.ShapeDtypeStruct((R, N, H), _f32),
    )(h, rw)


def _combine_body(h_ref, sw_ref, sb_ref, a0_ref, a1_ref, g_ref, b_ref, out_ref):
    o = jnp.dot(h_ref[...], sw_ref[...], preferred_element_type=_f32) + sb_ref[...]
    o = o + a0_ref[...] + a1_ref[...]
    o = jnp.maximum(o, 0.0)
    mu = jnp.mean(o, axis=-1, keepdims=True)
    d = o - mu
    var = jnp.mean(d * d, axis=-1, keepdims=True)
    out_ref[...] = d * lax.rsqrt(var + 1e-5) * g_ref[...] + b_ref[...]


def _combine_call(h, sw, sb, a0, a1, g, b):
    return pl.pallas_call(
        _combine_body,
        grid=(NG,),
        in_specs=[
            pl.BlockSpec((BN, H), lambda i: (i, 0)),
            pl.BlockSpec((H, H), lambda i: (0, 0)),
            pl.BlockSpec((1, H), lambda i: (0, 0)),
            pl.BlockSpec((BN, H), lambda i: (i, 0)),
            pl.BlockSpec((BN, H), lambda i: (i, 0)),
            pl.BlockSpec((1, H), lambda i: (0, 0)),
            pl.BlockSpec((1, H), lambda i: (0, 0)),
        ],
        out_specs=pl.BlockSpec((BN, H), lambda i: (i, 0)),
        out_shape=jax.ShapeDtypeStruct((N, H), _f32),
    )(h, sw, sb, a0, a1, g, b)


def kernel(node_features, node_type_ids, edge_index, edge_type, target_node_idx,
           memory_node_indices, type_emb, feat_W, feat_b, self_W, self_b, rel_W,
           ln_g, ln_b):
    src = edge_index[0]
    dst = edge_index[1]
    et = edge_type
    ids3 = node_type_ids.reshape(NG, 1, BN)
    onesrel = (lax.broadcasted_iota(_i32, (R, H), 1) // 16
               == lax.broadcasted_iota(_i32, (R, H), 0)).astype(_f32)

    h = _embed_call(node_features, ids3, feat_W, feat_b.reshape(1, H), type_emb)
    deg = _deg_kernel(onesrel, et, dst)
    rdeg = _expand_call(deg).reshape(N * R, H)

    w16 = _wprep_kernel(rdeg, et, dst)

    def layer_step(hc, ws):
        rw, sw, sb, g, b = ws
        hr = _hr_call(hc, rw).reshape(RN, H)
        acc = _scatter_kernel(hr, w16, src, et, dst)
        hn = _combine_call(hc, sw, sb.reshape(1, H), acc[0], acc[1],
                           g.reshape(1, H), b.reshape(1, H))
        return hn, None

    h, _ = lax.scan(layer_step, h, (rel_W, self_W, self_b, ln_g, ln_b))

    tgt = jnp.full((GB - M,), target_node_idx, _i32)
    gidx = jnp.concatenate([memory_node_indices.astype(_i32), tgt])
    rows = _final_gather_kernel(h, gidx)
    return rows[M], rows[:M]

# --- scband reference (transcript-rebuilt; emitter-appended) ---
"""Pipeline reference for scband-temporal-relational-encoder-81793357185091 (READ-ONLY COPY).

The authoritative reference and input builder live on the scoring server;
editing this copy changes nothing except your own understanding.
"""

import jax, jax.numpy as jnp
import numpy as np

N = 10000
E = 320000
D = 128
H = 128
R = 8
L = 2
T = 16
M = 1024


def setup_inputs(seed: int = 0) -> dict:
    key = jax.random.key(seed)
    ks = jax.random.split(key, 12)
    node_features = jax.random.normal(ks[0], (N, D), dtype=jnp.float32)
    node_type_ids = jax.random.randint(ks[1], (N,), 0, T, dtype=jnp.int32)
    edge_index = jax.random.randint(ks[2], (2, E), 0, N, dtype=jnp.int32)
    edge_type = jax.random.randint(ks[3], (E,), 0, R, dtype=jnp.int32)
    target_node_idx = 0
    memory_node_indices = jax.random.randint(ks[4], (M,), 0, N, dtype=jnp.int32)
    s = 1.0 / np.sqrt(H)
    type_emb = jax.random.normal(ks[5], (T, H), dtype=jnp.float32) * 0.02
    feat_W = jax.random.normal(ks[6], (D, H), dtype=jnp.float32) * (1.0 / np.sqrt(D))
    feat_b = jnp.zeros((H,), dtype=jnp.float32)
    self_W = jax.random.normal(ks[7], (L, H, H), dtype=jnp.float32) * s
    self_b = jnp.zeros((L, H), dtype=jnp.float32)
    rel_W = jax.random.normal(ks[8], (L, R, H, H), dtype=jnp.float32) * s
    ln_g = jnp.ones((L, H), dtype=jnp.float32)
    ln_b = jnp.zeros((L, H), dtype=jnp.float32)
    return {
        'node_features': node_features,
        'node_type_ids': node_type_ids,
        'edge_index': edge_index,
        'edge_type': edge_type,
        'target_node_idx': target_node_idx,
        'memory_node_indices': memory_node_indices,
        'type_emb': type_emb,
        'feat_W': feat_W,
        'feat_b': feat_b,
        'self_W': self_W,
        'self_b': self_b,
        'rel_W': rel_W,
        'ln_g': ln_g,
        'ln_b': ln_b,
    }


def _layer_norm(x, g, b, eps=1e-5):
    mu = jnp.mean(x, axis=-1, keepdims=True)
    var = jnp.mean((x - mu) ** 2, axis=-1, keepdims=True)
    return (x - mu) / jnp.sqrt(var + eps) * g + b


def reference(node_features, node_type_ids, edge_index, edge_type, target_node_idx,
              memory_node_indices, type_emb, feat_W, feat_b, self_W, self_b, rel_W,
              ln_g, ln_b):
    # h = feat_proj(x) + type_embedding(type_ids)
    h = node_features @ feat_W + feat_b + jnp.take(type_emb, node_type_ids, axis=0)
    src = edge_index[0]
    dst = edge_index[1]
    n = h.shape[0]
    for l in range(L):
        out = h @ self_W[l] + self_b[l]
        h_src = jnp.take(h, src, axis=0)  # gather [E, H]
        for rid in range(R):
            mask = (edge_type == rid).astype(h.dtype)  # [E]
            msgs = (h_src @ rel_W[l, rid]) * mask[:, None]
            agg = jnp.zeros_like(out).at[dst].add(msgs)
            deg = jnp.zeros((n,), dtype=h.dtype).at[dst].add(mask)
            deg = jnp.clip(deg, 1.0, None)[:, None]
            out = out + agg / deg
        h = _layer_norm(jax.nn.relu(out), ln_g[l], ln_b[l])
    target = h[target_node_idx]
    memory = jnp.take(h, memory_node_indices, axis=0)
    return (target, memory)

if __name__ == "__main__":
    import jax
    _d = setup_inputs()
    print(jax.jit(kernel)(*tuple(_d.values())))

</pallas_src>

<mosaic_0001>
#map = affine_map<(d0, d1) -> (0, 0)>
#map1 = affine_map<(d0, d1) -> (0)>
#map2 = affine_map<(d0, d1) -> (0, 0, 0)>
module attributes {stable_mosaic.version = 14 : i64} {
  func.func @_scatter_kernel(%arg0: i32, %arg1: i32, %arg2: memref<80000x128xf32, #tpu.memory_space<hbm>>, %arg3: memref<320000x16xf32, #tpu.memory_space<hbm>>, %arg4: memref<320000xi32, #tpu.memory_space<hbm>>, %arg5: memref<320000xi32, #tpu.memory_space<hbm>>, %arg6: memref<320000xi32, #tpu.memory_space<hbm>>, %arg7: memref<2x10000x128xf32, #tpu.memory_space<hbm>>, %arg8: memref<80xi32, #tpu.memory_space<vmem>>, %arg9: memref<80xi32, #tpu.memory_space<vmem>>, %arg10: memref<80xi32, #tpu.memory_space<vmem>>, %arg11: memref<80xi32, #tpu.memory_space<vmem>>, %arg12: memref<80x128xf32, #tpu.memory_space<vmem>>, %arg13: memref<80x16xf32, #tpu.memory_space<vmem>>, %arg14: memref<128x128xf32, #tpu.memory_space<vmem>>, %arg15: memref<!tpu.dma_semaphore, #tpu.memory_space<semaphore_mem>>, %arg16: memref<10240x128xf32, #tpu.memory_space<vmem_shared>>) attributes {dimension_semantics = [#tpu.dimension_semantics<core_parallel>, #tpu.dimension_semantics<subcore_parallel>], iteration_bounds = array<i64: 2, 16>, scalar_prefetch = 0 : i64, scratch_operands = 9 : i64, tpu.core_type = #tpu.core_type<sc_vector_subcore>, window_params = [{transform_indices = #map}, {transform_indices = #map}, {transform_indices = #map1}, {transform_indices = #map1}, {transform_indices = #map1}, {transform_indices = #map2}]} {
    %mul3A = arith.constant 2 : i32
    %mul3A_0 = arith.muli %arg1, %mul3A : i32
    %add3A = arith.addi %mul3A_0, %arg0 : i32
    %broadcast_in_dim3A = arith.constant 0.000000e+00 : f32
    %broadcast_in_dim3A_1 = vector.broadcast %broadcast_in_dim3A : f32 to vector<16xf32>
    %scan3A = arith.constant 0 : i32
    %scan3A_2 = arith.constant 0 : i32
    %scan3A_3 = arith.constant 128 : i32
    %scan3A_4 = arith.addi %scan3A_2, %scan3A_3 : i32
    %scan3A_5 = arith.constant 1 : i32
    scf.for %scan3A_30 = %scan3A_2 to %scan3A_4 step %scan3A_5  : i32 {
      %swap3A = arith.index_cast %scan3A_30 : i32 to index
      %swap3A_31 = arith.constant 0 : index
      %swap3A_32 = tpu.vector_load %arg14[%swap3A, %swap3A_31] {strides = array<i32>} : memref<128x128xf32, #tpu.memory_space<vmem>>, vector<1x16xf32>,
      %swap3A_33 = vector.shape_cast %swap3A_32 : vector<1x16xf32> to vector<16xf32>
      %swap3A_34 = vector.shape_cast %broadcast_in_dim3A_1 : vector<16xf32> to vector<1x16xf32>
      tpu.vector_store %arg14[%swap3A, %swap3A_31], %swap3A_34 {strides = array<i32>} : memref<128x128xf32, #tpu.memory_space<vmem>>, vector<1x16xf32>,
      %swap3A_35 = arith.index_cast %scan3A_30 : i32 to index
      %swap3A_36 = arith.constant 16 : index
      %swap3A_37 = tpu.vector_load %arg14[%swap3A_35, %swap3A_36] {strides = array<i32>} : memref<128x128xf32, #tpu.memory_space<vmem>>, vector<1x16xf32>,
      %swap3A_38 = vector.shape_cast %swap3A_37 : vector<1x16xf32> to vector<16xf32>
      %swap3A_39 = vector.shape_cast %broadcast_in_dim3A_1 : vector<16xf32> to vector<1x16xf32>
      tpu.vector_store %arg14[%swap3A_35, %swap3A_36], %swap3A_39 {strides = array<i32>} : memref<128x128xf32, #tpu.memory_space<vmem>>, vector<1x16xf32>,
      %swap3A_40 = arith.index_cast %scan3A_30 : i32 to index
      %swap3A_41 = arith.constant 32 : index
      %swap3A_42 = tpu.vector_load %arg14[%swap3A_40, %swap3A_41] {strides = array<i32>} : memref<128x128xf32, #tpu.memory_space<vmem>>, vector<1x16xf32>,
      %swap3A_43 = vector.shape_cast %swap3A_42 : vector<1x16xf32> to vector<16xf32>
      %swap3A_44 = vector.shape_cast %broadcast_in_dim3A_1 : vector<16xf32> to vector<1x16xf32>
      tpu.vector_store %arg14[%swap3A_40, %swap3A_41], %swap3A_44 {strides = array<i32>} : memref<128x128xf32, #tpu.memory_space<vmem>>, vector<1x16xf32>,
      %swap3A_45 = arith.index_cast %scan3A_30 : i32 to index
      %swap3A_46 = arith.constant 48 : index
      %swap3A_47 = tpu.vector_load %arg14[%swap3A_45, %swap3A_46] {strides = array<i32>} : memref<128x128xf32, #tpu.memory_space<vmem>>, vector<1x16xf32>,
      %swap3A_48 = vector.shape_cast %swap3A_47 : vector<1x16xf32> to vector<16xf32>
      %swap3A_49 = vector.shape_cast %broadcast_in_dim3A_1 : vector<16xf32> to vector<1x16xf32>
      tpu.vector_store %arg14[%swap3A_45, %swap3A_46], %swap3A_49 {strides = array<i32>} : memref<128x128xf32, #tpu.memory_space<vmem>>, vector<1x16xf32>,
      %swap3A_50 = arith.index_cast %scan3A_30 : i32 to index
      %swap3A_51 = arith.constant 64 : index
      %swap3A_52 = tpu.vector_load %arg14[%swap3A_50, %swap3A_51] {strides = array<i32>} : memref<128x128xf32, #tpu.memory_space<vmem>>, vector<1x16xf32>,
      %swap3A_53 = vector.shape_cast %swap3A_52 : vector<1x16xf32> to vector<16xf32>
      %swap3A_54 = vector.shape_cast %broadcast_in_dim3A_1 : vector<16xf32> to vector<1x16xf32>
      tpu.vector_store %arg14[%swap3A_50, %swap3A_51], %swap3A_54 {strides = array<i32>} : memref<128x128xf32, #tpu.memory_space<vmem>>, vector<1x16xf32>,
      %swap3A_55 = arith.index_cast %scan3A_30 : i32 to index
      %swap3A_56 = arith.constant 80 : index
      %swap3A_57 = tpu.vector_load %arg14[%swap3A_55, %swap3A_56] {strides = array<i32>} : memref<128x128xf32, #tpu.memory_space<vmem>>, vector<1x16xf32>,
      %swap3A_58 = vector.shape_cast %swap3A_57 : vector<1x16xf32> to vector<16xf32>
      %swap3A_59 = vector.shape_cast %broadcast_in_dim3A_1 : vector<16xf32> to vector<1x16xf32>
      tpu.vector_store %arg14[%swap3A_55, %swap3A_56], %swap3A_59 {strides = array<i32>} : memref<128x128xf32, #tpu.memory_space<vmem>>, vector<1x16xf32>,
      %swap3A_60 = arith.index_cast %scan3A_30 : i32 to index
      %swap3A_61 = arith.constant 96 : index
      %swap3A_62 = tpu.vector_load %arg14[%swap3A_60, %swap3A_61] {strides = array<i32>} : memref<128x128xf32, #tpu.memory_space<vmem>>, vector<1x16xf32>,
      %swap3A_63 = vector.shape_cast %swap3A_62 : vector<1x16xf32> to vector<16xf32>
      %swap3A_64 = vector.shape_cast %broadcast_in_dim3A_1 : vector<16xf32> to vector<1x16xf32>
      tpu.vector_store %arg14[%swap3A_60, %swap3A_61], %swap3A_64 {strides = array<i32>} : memref<128x128xf32, #tpu.memory_space<vmem>>, vector<1x16xf32>,
      %swap3A_65 = arith.index_cast %scan3A_30 : i32 to index
      %swap3A_66 = arith.constant 112 : index
      %swap3A_67 = tpu.vector_load %arg14[%swap3A_65, %swap3A_66] {strides = array<i32>} : memref<128x128xf32, #tpu.memory_space<vmem>>, vector<1x16xf32>,
      %swap3A_68 = vector.shape_cast %swap3A_67 : vector<1x16xf32> to vector<16xf32>
      %swap3A_69 = vector.shape_cast %broadcast_in_dim3A_1 : vector<16xf32> to vector<1x16xf32>
      tpu.vector_store %arg14[%swap3A_65, %swap3A_66], %swap3A_69 {strides = array<i32>} : memref<128x128xf32, #tpu.memory_space<vmem>>, vector<1x16xf32>,
    }
    %scan3A_6 = arith.constant 128 : i32
    %mul3A_7 = arith.constant 640 : i32
    %mul3A_8 = arith.muli %arg1, %mul3A_7 : i32
    %scan3A_9 = arith.constant 0 : i32
    %scan3A_10 = arith.constant 0 : i32
    %scan3A_11 = arith.constant 5 : i32
    %scan3A_12 = arith.addi %scan3A_10, %scan3A_11 : i32
    %scan3A_13 = arith.constant 1 : i32
    scf.for %scan3A_30 = %scan3A_10 to %scan3A_12 step %scan3A_13  : i32 {
      %mul3A_31 = arith.constant 128 : i32
      %mul3A_32 = arith.muli %scan3A_30, %mul3A_31 : i32
      %add3A_33 = arith.addi %mul3A_8, %mul3A_32 : i32
      "tpu.region"() ({
        %run_scoped3A = tpu.sem_alloc : memref<!tpu.dma_semaphore, #tpu.memory_space<semaphore_mem>>
        %dma_start3A = arith.constant 0 : i32
        %dma_start3A_34 = tpu.memref_slice %arg16[%add3A_33, %dma_start3A] : memref<10240x128xf32, #tpu.memory_space<vmem_shared>> -> memref<128x128xf32, #tpu.memory_space<vmem_shared>>
        %dma_start3A_35 = arith.constant 0 : i32
        %dma_start3A_36 = tpu.memref_slice %arg16[%add3A_33, %dma_start3A_35] : memref<10240x128xf32, #tpu.memory_space<vmem_shared>> -> memref<128x128xf32, #tpu.memory_space<vmem_shared>>
        tpu.enqueue_dma source(%arg14 : memref<128x128xf32, #tpu.memory_space<vmem>>) target(%dma_start3A_36 : memref<128x128xf32, #tpu.memory_space<vmem_shared>>) target_semaphore(%run_scoped3A : memref<!tpu.dma_semaphore, #tpu.memory_space<semaphore_mem>>)
        %dma_wait3A = arith.constant 0 : i32
        %dma_wait3A_37 = tpu.memref_slice %arg16[%add3A_33, %dma_wait3A] : memref<10240x128xf32, #tpu.memory_space<vmem_shared>> -> memref<128x128xf32, #tpu.memory_space<vmem_shared>>
        %dma_wait3A_38 = arith.constant 0 : i32
        %dma_wait3A_39 = tpu.memref_slice %arg16[%add3A_33, %dma_wait3A_38] : memref<10240x128xf32, #tpu.memory_space<vmem_shared>> -> memref<128x128xf32, #tpu.memory_space<vmem_shared>>
        tpu.wait_dma2 semaphore(%run_scoped3A : memref<!tpu.dma_semaphore, #tpu.memory_space<semaphore_mem>>) src(%arg14 : memref<128x128xf32, #tpu.memory_space<vmem>>) dst(%dma_wait3A_39 : memref<128x128xf32, #tpu.memory_space<vmem_shared>>)
        tpu.yield
      }) : () -> ()
    }
    %scan3A_14 = arith.constant 5 : i32
    %barrier3A = arith.constant 0 : index
    tpu.barrier barrier_id(%barrier3A)
    %mul3A_15 = arith.constant 10000 : i32
    %mul3A_16 = arith.muli %add3A, %mul3A_15 : i32
    %scan3A_17 = arith.constant 0 : i32
    %scan3A_18 = arith.constant 0 : i32
    %scan3A_19 = arith.constant 125 : i32
    %scan3A_20 = arith.addi %scan3A_18, %scan3A_19 : i32
    %scan3A_21 = arith.constant 1 : i32
    scf.for %scan3A_30 = %scan3A_18 to %scan3A_20 step %scan3A_21  : i32 {
      %mul3A_31 = arith.constant 80 : i32
      %mul3A_32 = arith.muli %scan3A_30, %mul3A_31 : i32
      %add3A_33 = arith.addi %mul3A_16, %mul3A_32 : i32
      "tpu.region"() ({
        %run_scoped3A = tpu.sem_alloc : memref<!tpu.dma_semaphore, #tpu.memory_space<semaphore_mem>>
        %dma_start3A_112 = tpu.memref_slice %arg4[%add3A_33] : memref<320000xi32, #tpu.memory_space<hbm>> -> memref<80xi32, #tpu.memory_space<hbm>>
        %dma_start3A_113 = tpu.memref_slice %arg4[%add3A_33] : memref<320000xi32, #tpu.memory_space<hbm>> -> memref<80xi32, #tpu.memory_space<hbm>>
        tpu.enqueue_dma source(%dma_start3A_113 : memref<80xi32, #tpu.memory_space<hbm>>) target(%arg8 : memref<80xi32, #tpu.memory_space<vmem>>) target_semaphore(%run_scoped3A : memref<!tpu.dma_semaphore, #tpu.memory_space<semaphore_mem>>)
        %dma_wait3A_114 = tpu.memref_slice %arg4[%add3A_33] : memref<320000xi32, #tpu.memory_space<hbm>> -> memref<80xi32, #tpu.memory_space<hbm>>
        %dma_wait3A_115 = tpu.memref_slice %arg4[%add3A_33] : memref<320000xi32, #tpu.memory_space<hbm>> -> memref<80xi32, #tpu.memory_space<hbm>>
        tpu.wait_dma2 semaphore(%run_scoped3A : memref<!tpu.dma_semaphore, #tpu.memory_space<semaphore_mem>>) src(%dma_wait3A_115 : memref<80xi32, #tpu.memory_space<hbm>>) dst(%arg8 : memref<80xi32, #tpu.memory_space<vmem>>)
        tpu.yield
      }) : () -> ()
      "tpu.region"() ({
        %run_scoped3A = tpu.sem_alloc : memref<!tpu.dma_semaphore, #tpu.memory_space<semaphore_mem>>
        %dma_start3A_112 = tpu.memref_slice %arg5[%add3A_33] : memref<320000xi32, #tpu.memory_space<hbm>> -> memref<80xi32, #tpu.memory_space<hbm>>
        %dma_start3A_113 = tpu.memref_slice %arg5[%add3A_33] : memref<320000xi32, #tpu.memory_space<hbm>> -> memref<80xi32, #tpu.memory_space<hbm>>
        tpu.enqueue_dma source(%dma_start3A_113 : memref<80xi32, #tpu.memory_space<hbm>>) target(%arg9 : memref<80xi32, #tpu.memory_space<vmem>>) target_semaphore(%run_scoped3A : memref<!tpu.dma_semaphore, #tpu.memory_space<semaphore_mem>>)
        %dma_wait3A_114 = tpu.memref_slice %arg5[%add3A_33] : memref<320000xi32, #tpu.memory_space<hbm>> -> memref<80xi32, #tpu.memory_space<hbm>>
        %dma_wait3A_115 = tpu.memref_slice %arg5[%add3A_33] : memref<320000xi32, #tpu.memory_space<hbm>> -> memref<80xi32, #tpu.memory_space<hbm>>
        tpu.wait_dma2 semaphore(%run_scoped3A : memref<!tpu.dma_semaphore, #tpu.memory_space<semaphore_mem>>) src(%dma_wait3A_115 : memref<80xi32, #tpu.memory_space<hbm>>) dst(%arg9 : memref<80xi32, #tpu.memory_space<vmem>>)
        tpu.yield
      }) : () -> ()
      "tpu.region"() ({
        %run_scoped3A = tpu.sem_alloc : memref<!tpu.dma_semaphore, #tpu.memory_space<semaphore_mem>>
        %dma_start3A_112 = tpu.memref_slice %arg6[%add3A_33] : memref<320000xi32, #tpu.memory_space<hbm>> -> memref<80xi32, #tpu.memory_space<hbm>>
        %dma_start3A_113 = tpu.memref_slice %arg6[%add3A_33] : memref<320000xi32, #tpu.memory_space<hbm>> -> memref<80xi32, #tpu.memory_space<hbm>>
        tpu.enqueue_dma source(%dma_start3A_113 : memref<80xi32, #tpu.memory_space<hbm>>) target(%arg10 : memref<80xi32, #tpu.memory_space<vmem>>) target_semaphore(%run_scoped3A : memref<!tpu.dma_semaphore, #tpu.memory_space<semaphore_mem>>)
        %dma_wait3A_114 = tpu.memref_slice %arg6[%add3A_33] : memref<320000xi32, #tpu.memory_space<hbm>> -> memref<80xi32, #tpu.memory_space<hbm>>
        %dma_wait3A_115 = tpu.memref_slice %arg6[%add3A_33] : memref<320000xi32, #tpu.memory_space<hbm>> -> memref<80xi32, #tpu.memory_space<hbm>>
        tpu.wait_dma2 semaphore(%run_scoped3A : memref<!tpu.dma_semaphore, #tpu.memory_space<semaphore_mem>>) src(%dma_wait3A_115 : memref<80xi32, #tpu.memory_space<hbm>>) dst(%arg10 : memref<80xi32, #tpu.memory_space<vmem>>)
        tpu.yield
      }) : () -> ()
      "tpu.region"() ({
        %run_scoped3A = tpu.sem_alloc : memref<!tpu.dma_semaphore, #tpu.memory_space<semaphore_mem>>
        %dma_start3A_112 = arith.constant 0 : i32
        %dma_start3A_113 = tpu.memref_slice %arg3[%add3A_33, %dma_start3A_112] : memref<320000x16xf32, #tpu.memory_space<hbm>> -> memref<80x16xf32, #tpu.memory_space<hbm>>
        %dma_start3A_114 = arith.constant 0 : i32
        %dma_start3A_115 = tpu.memref_slice %arg3[%add3A_33, %dma_start3A_114] : memref<320000x16xf32, #tpu.memory_space<hbm>> -> memref<80x16xf32, #tpu.memory_space<hbm>>
        tpu.enqueue_dma source(%dma_start3A_115 : memref<80x16xf32, #tpu.memory_space<hbm>>) target(%arg13 : memref<80x16xf32, #tpu.memory_space<vmem>>) target_semaphore(%run_scoped3A : memref<!tpu.dma_semaphore, #tpu.memory_space<semaphore_mem>>)
        %dma_wait3A_116 = arith.constant 0 : i32
        %dma_wait3A_117 = tpu.memref_slice %arg3[%add3A_33, %dma_wait3A_116] : memref<320000x16xf32, #tpu.memory_space<hbm>> -> memref<80x16xf32, #tpu.memory_space<hbm>>
        %dma_wait3A_118 = arith.constant 0 : i32
        %dma_wait3A_119 = tpu.memref_slice %arg3[%add3A_33, %dma_wait3A_118] : memref<320000x16xf32, #tpu.memory_space<hbm>> -> memref<80x16xf32, #tpu.memory_space<hbm>>
        tpu.wait_dma2 semaphore(%run_scoped3A : memref<!tpu.dma_semaphore, #tpu.memory_space<semaphore_mem>>) src(%dma_wait3A_119 : memref<80x16xf32, #tpu.memory_space<hbm>>) dst(%arg13 : memref<80x16xf32, #tpu.memory_space<vmem>>)
        tpu.yield
      }) : () -> ()
      %get3A = arith.constant 0 : index
      %get3A_34 = tpu.vector_load %arg9[%get3A] {strides = array<i32>} : memref<80xi32, #tpu.memory_space<vmem>>, vector<16xi32>,
      %get3A_35 = vector.shape_cast %get3A_34 : vector<16xi32> to vector<16xi32>
      %mul3A_36 = arith.constant 10000 : i32
      %mul3A_37 = vector.broadcast %mul3A_36 : i32 to vector<16xi32>
      %mul3A_38 = arith.muli %get3A_35, %mul3A_37 : vector<16xi32>
      %get3A_39 = arith.constant 0 : index
      %get3A_40 = tpu.vector_load %arg8[%get3A_39] {strides = array<i32>} : memref<80xi32, #tpu.memory_space<vmem>>, vector<16xi32>,
      %get3A_41 = vector.shape_cast %get3A_40 : vector<16xi32> to vector<16xi32>
      %add3A_42 = arith.addi %mul3A_38, %get3A_41 : vector<16xi32>
      %swap3A = arith.constant 0 : index
      %swap3A_43 = tpu.vector_load %arg11[%swap3A] {strides = array<i32>} : memref<80xi32, #tpu.memory_space<vmem>>, vector<16xi32>,
      %swap3A_44 = vector.shape_cast %swap3A_43 : vector<16xi32> to vector<16xi32>
      %swap3A_45 = vector.shape_cast %add3A_42 : vector<16xi32> to vector<16xi32>
      tpu.vector_store %arg11[%swap3A], %swap3A_45 {strides = array<i32>} : memref<80xi32, #tpu.memory_space<vmem>>, vector<16xi32>,
      %get3A_46 = arith.constant 16 : index
      %get3A_47 = tpu.vector_load %arg9[%get3A_46] {strides = array<i32>} : memref<80xi32, #tpu.memory_space<vmem>>, vector<16xi32>,
      %get3A_48 = vector.shape_cast %get3A_47 : vector<16xi32> to vector<16xi32>
      %mul3A_49 = arith.constant 10000 : i32
      %mul3A_50 = vector.broadcast %mul3A_49 : i32 to vector<16xi32>
      %mul3A_51 = arith.muli %get3A_48, %mul3A_50 : vector<16xi32>
      %get3A_52 = arith.constant 16 : index
      %get3A_53 = tpu.vector_load %arg8[%get3A_52] {strides = array<i32>} : memref<80xi32, #tpu.memory_space<vmem>>, vector<16xi32>,
      %get3A_54 = vector.shape_cast %get3A_53 : vector<16xi32> to vector<16xi32>
      %add3A_55 = arith.addi %mul3A_51, %get3A_54 : vector<16xi32>
      %swap3A_56 = arith.constant 16 : index
      %swap3A_57 = tpu.vector_load %arg11[%swap3A_56] {strides = array<i32>} : memref<80xi32, #tpu.memory_space<vmem>>, vector<16xi32>,
      %swap3A_58 = vector.shape_cast %swap3A_57 : vector<16xi32> to vector<16xi32>
      %swap3A_59 = vector.shape_cast %add3A_55 : vector<16xi32> to vector<16xi32>
      tpu.vector_store %arg11[%swap3A_56], %swap3A_59 {strides = array<i32>} : memref<80xi32, #tpu.memory_space<vmem>>, vector<16xi32>,
      %get3A_60 = arith.constant 32 : index
      %get3A_61 = tpu.vector_load %arg9[%get3A_60] {strides = array<i32>} : memref<80xi32, #tpu.memory_space<vmem>>, vector<16xi32>,
      %get3A_62 = vector.shape_cast %get3A_61 : vector<16xi32> to vector<16xi32>
      %mul3A_63 = arith.constant 10000 : i32
      %mul3A_64 = vector.broadcast %mul3A_63 : i32 to vector<16xi32>
      %mul3A_65 = arith.muli %get3A_62, %mul3A_64 : vector<16xi32>
      %get3A_66 = arith.constant 32 : index
      %get3A_67 = tpu.vector_load %arg8[%get3A_66] {strides = array<i32>} : memref<80xi32, #tpu.memory_space<vmem>>, vector<16xi32>,
      %get3A_68 = vector.shape_cast %get3A_67 : vector<16xi32> to vector<16xi32>
      %add3A_69 = arith.addi %mul3A_65, %get3A_68 : vector<16xi32>
      %swap3A_70 = arith.constant 32 : index
      %swap3A_71 = tpu.vector_load %arg11[%swap3A_70] {strides = array<i32>} : memref<80xi32, #tpu.memory_space<vmem>>, vector<16xi32>,
      %swap3A_72 = vector.shape_cast %swap3A_71 : vector<16xi32> to vector<16xi32>
      %swap3A_73 = vector.shape_cast %add3A_69 : vector<16xi32> to vector<16xi32>
      tpu.vector_store %arg11[%swap3A_70], %swap3A_73 {strides = array<i32>} : memref<80xi32, #tpu.memory_space<vmem>>, vector<16xi32>,
      %get3A_74 = arith.constant 48 : index
      %get3A_75 = tpu.vector_load %arg9[%get3A_74] {strides = array<i32>} : memref<80xi32, #tpu.memory_space<vmem>>, vector<16xi32>,
      %get3A_76 = vector.shape_cast %get3A_75 : vector<16xi32> to vector<16xi32>
      %mul3A_77 = arith.constant 10000 : i32
      %mul3A_78 = vector.broadcast %mul3A_77 : i32 to vector<16xi32>
      %mul3A_79 = arith.muli %get3A_76, %mul3A_78 : vector<16xi32>
      %get3A_80 = arith.constant 48 : index
      %get3A_81 = tpu.vector_load %arg8[%get3A_80] {strides = array<i32>} : memref<80xi32, #tpu.memory_space<vmem>>, vector<16xi32>,
      %get3A_82 = vector.shape_cast %get3A_81 : vector<16xi32> to vector<16xi32>
      %add3A_83 = arith.addi %mul3A_79, %get3A_82 : vector<16xi32>
      %swap3A_84 = arith.constant 48 : index
      %swap3A_85 = tpu.vector_load %arg11[%swap3A_84] {strides = array<i32>} : memref<80xi32, #tpu.memory_space<vmem>>, vector<16xi32>,
      %swap3A_86 = vector.shape_cast %swap3A_85 : vector<16xi32> to vector<16xi32>
      %swap3A_87 = vector.shape_cast %add3A_83 : vector<16xi32> to vector<16xi32>
      tpu.vector_store %arg11[%swap3A_84], %swap3A_87 {strides = array<i32>} : memref<80xi32, #tpu.memory_space<vmem>>, vector<16xi32>,
      %get3A_88 = arith.constant 64 : index
      %get3A_89 = tpu.vector_load %arg9[%get3A_88] {strides = array<i32>} : memref<80xi32, #tpu.memory_space<vmem>>, vector<16xi32>,
      %get3A_90 = vector.shape_cast %get3A_89 : vector<16xi32> to vector<16xi32>
      %mul3A_91 = arith.constant 10000 : i32
      %mul3A_92 = vector.broadcast %mul3A_91 : i32 to vector<16xi32>
      %mul3A_93 = arith.muli %get3A_90, %mul3A_92 : vector<16xi32>
      %get3A_94 = arith.constant 64 : index
      %get3A_95 = tpu.vector_load %arg8[%get3A_94] {strides = array<i32>} : memref<80xi32, #tpu.memory_space<vmem>>, vector<16xi32>,
      %get3A_96 = vector.shape_cast %get3A_95 : vector<16xi32> to vector<16xi32>
      %add3A_97 = arith.addi %mul3A_93, %get3A_96 : vector<16xi32>
      %swap3A_98 = arith.constant 64 : index
      %swap3A_99 = tpu.vector_load %arg11[%swap3A_98] {strides = array<i32>} : memref<80xi32, #tpu.memory_space<vmem>>, vector<16xi32>,
      %swap3A_100 = vector.shape_cast %swap3A_99 : vector<16xi32> to vector<16xi32>
      %swap3A_101 = vector.shape_cast %add3A_97 : vector<16xi32> to vector<16xi32>
      tpu.vector_store %arg11[%swap3A_98], %swap3A_101 {strides = array<i32>} : memref<80xi32, #tpu.memory_space<vmem>>, vector<16xi32>,
      %dma_start3A = arith.constant 0 : i32
      %dma_start3A_102 = arith.constant 0 : i32
      %dma_start3A_103 = tpu.memref_slice %arg2[%dma_start3A, %dma_start3A_102] : memref<80000x128xf32, #tpu.memory_space<hbm>> -> memref<80000x128xf32, #tpu.memory_space<hbm>>
      tpu.enqueue_indirect_dma source(%dma_start3A_103 : memref<80000x128xf32, #tpu.memory_space<hbm>>) target(%arg12 : memref<80x128xf32, #tpu.memory_space<vmem>>) offsets(%arg11 : memref<80xi32, #tpu.memory_space<vmem>>) semaphore(%arg15 : memref<!tpu.dma_semaphore, #tpu.memory_space<semaphore_mem>>)
      %dma_wait3A = arith.constant 0 : i32
      %dma_wait3A_104 = arith.constant 0 : i32
      %dma_wait3A_105 = tpu.memref_slice %arg2[%dma_wait3A, %dma_wait3A_104] : memref<80000x128xf32, #tpu.memory_space<hbm>> -> memref<80000x128xf32, #tpu.memory_space<hbm>>
      tpu.wait_indirect_dma semaphore(%arg15 : memref<!tpu.dma_semaphore, #tpu.memory_space<semaphore_mem>>) src(%dma_wait3A_105 : memref<80000x128xf32, #tpu.memory_space<hbm>>) dst(%arg12 : memref<80x128xf32, #tpu.memory_space<vmem>>)
      %scan3A_106 = arith.constant 0 : i32
      %scan3A_107 = arith.constant 0 : i32
      %scan3A_108 = arith.constant 5 : i32
      %scan3A_109 = arith.addi %scan3A_107, %scan3A_108 : i32
      %scan3A_110 = arith.constant 1 : i32
      scf.for %scan3A_112 = %scan3A_107 to %scan3A_109 step %scan3A_110  : i32 {
        %mul3A_113 = arith.constant 16 : i32
        %mul3A_114 = arith.muli %scan3A_112, %mul3A_113 : i32
        %add3A_115 = arith.constant 0 : i32
        %add3A_116 = arith.addi %mul3A_114, %add3A_115 : i32
        %get3A_117 = arith.index_cast %add3A_116 : i32 to index
        %get3A_118 = arith.constant 0 : index
        %get3A_119 = tpu.vector_load %arg13[%get3A_117, %get3A_118] {strides = array<i32>} : memref<80x16xf32, #tpu.memory_space<vmem>>, vector<1x16xf32>,
        %get3A_120 = vector.shape_cast %get3A_119 : vector<1x16xf32> to vector<16xf32>
        %get3A_121 = arith.index_cast %add3A_116 : i32 to index
        %get3A_122 = arith.constant 0 : index
        %get3A_123 = tpu.vector_load %arg12[%get3A_121, %get3A_122] {strides = array<i32>} : memref<80x128xf32, #tpu.memory_space<vmem>>, vector<1x16xf32>,
        %get3A_124 = vector.shape_cast %get3A_123 : vector<1x16xf32> to vector<16xf32>
        %mul3A_125 = arith.mulf %get3A_124, %get3A_120 : vector<16xf32>
        %swap3A_126 = arith.index_cast %add3A_116 : i32 to index
        %swap3A_127 = arith.constant 0 : index
        %swap3A_128 = tpu.vector_load %arg12[%swap3A_126, %swap3A_127] {strides = array<i32>} : memref<80x128xf32, #tpu.memory_space<vmem>>, vector<1x16xf32>,
        %swap3A_129 = vector.shape_cast %swap3A_128 : vector<1x16xf32> to vector<16xf32>
        %swap3A_130 = vector.shape_cast %mul3A_125 : vector<16xf32> to vector<1x16xf32>
        tpu.vector_store %arg12[%swap3A_126, %swap3A_127], %swap3A_130 {strides = array<i32>} : memref<80x128xf32, #tpu.memory_space<vmem>>, vector<1x16xf32>,
        %get3A_131 = arith.index_cast %add3A_116 : i32 to index
        %get3A_132 = arith.constant 16 : index
        %get3A_133 = tpu.vector_load %arg12[%get3A_131, %get3A_132] {strides = array<i32>} : memref<80x128xf32, #tpu.memory_space<vmem>>, vector<1x16xf32>,
        %get3A_134 = vector.shape_cast %get3A_133 : vector<1x16xf32> to vector<16xf32>
        %mul3A_135 = arith.mulf %get3A_134, %get3A_120 : vector<16xf32>
        %swap3A_136 = arith.index_cast %add3A_116 : i32 to index
        %swap3A_137 = arith.constant 16 : index
        %swap3A_138 = tpu.vector_load %arg12[%swap3A_136, %swap3A_137] {strides = array<i32>} : memref<80x128xf32, #tpu.memory_space<vmem>>, vector<1x16xf32>,
        %swap3A_139 = vector.shape_cast %swap3A_138 : vector<1x16xf32> to vector<16xf32>
        %swap3A_140 = vector.shape_cast %mul3A_135 : vector<16xf32> to vector<1x16xf32>
        tpu.vector_store %arg12[%swap3A_136, %swap3A_137], %swap3A_140 {strides = array<i32>} : memref<80x128xf32, #tpu.memory_space<vmem>>, vector<1x16xf32>,
        %get3A_141 = arith.index_cast %add3A_116 : i32 to index
        %get3A_142 = arith.constant 32 : index
        %get3A_143 = tpu.vector_load %arg12[%get3A_141, %get3A_142] {strides = array<i32>} : memref<80x128xf32, #tpu.memory_space<vmem>>, vector<1x16xf32>,
        %get3A_144 = vector.shape_cast %get3A_143 : vector<1x16xf32> to vector<16xf32>
        %mul3A_145 = arith.mulf %get3A_144, %get3A_120 : vector<16xf32>
        %swap3A_146 = arith.index_cast %add3A_116 : i32 to index
        %swap3A_147 = arith.constant 32 : index
        %swap3A_148 = tpu.vector_load %arg12[%swap3A_146, %swap3A_147] {strides = array<i32>} : memref<80x128xf32, #tpu.memory_space<vmem>>, vector<1x16xf32>,
        %swap3A_149 = vector.shape_cast %swap3A_148 : vector<1x16xf32> to vector<16xf32>
        %swap3A_150 = vector.shape_cast %mul3A_145 : vector<16xf32> to vector<1x16xf32>
        tpu.vector_store %arg12[%swap3A_146, %swap3A_147], %swap3A_150 {strides = array<i32>} : memref<80x128xf32, #tpu.memory_space<vmem>>, vector<1x16xf32>,
        %get3A_151 = arith.index_cast %add3A_116 : i32 to index
        %get3A_152 = arith.constant 48 : index
        %get3A_153 = tpu.vector_load %arg12[%get3A_151, %get3A_152] {strides = array<i32>} : memref<80x128xf32, #tpu.memory_space<vmem>>, vector<1x16xf32>,
        %get3A_154 = vector.shape_cast %get3A_153 : vector<1x16xf32> to vector<16xf32>
        %mul3A_155 = arith.mulf %get3A_154, %get3A_120 : vector<16xf32>
        %swap3A_156 = arith.index_cast %add3A_116 : i32 to index
        %swap3A_157 = arith.constant 48 : index
        %swap3A_158 = tpu.vector_load %arg12[%swap3A_156, %swap3A_157] {strides = array<i32>} : memref<80x128xf32, #tpu.memory_space<vmem>>, vector<1x16xf32>,
        %swap3A_159 = vector.shape_cast %swap3A_158 : vector<1x16xf32> to vector<16xf32>
        %swap3A_160 = vector.shape_cast %mul3A_155 : vector<16xf32> to vector<1x16xf32>
        tpu.vector_store %arg12[%swap3A_156, %swap3A_157], %swap3A_160 {strides = array<i32>} : memref<80x128xf32, #tpu.memory_space<vmem>>, vector<1x16xf32>,
        %get3A_161 = arith.index_cast %add3A_116 : i32 to index
        %get3A_162 = arith.constant 64 : index
        %get3A_163 = tpu.vector_load %arg12[%get3A_161, %get3A_162] {strides = array<i32>} : memref<80x128xf32, #tpu.memory_space<vmem>>, vector<1x16xf32>,
        %get3A_164 = vector.shape_cast %get3A_163 : vector<1x16xf32> to vector<16xf32>
        %mul3A_165 = arith.mulf %get3A_164, %get3A_120 : vector<16xf32>
        %swap3A_166 = arith.index_cast %add3A_116 : i32 to index
        %swap3A_167 = arith.constant 64 : index
        %swap3A_168 = tpu.vector_load %arg12[%swap3A_166, %swap3A_167] {strides = array<i32>} : memref<80x128xf32, #tpu.memory_space<vmem>>, vector<1x16xf32>,
        %swap3A_169 = vector.shape_cast %swap3A_168 : vector<1x16xf32> to vector<16xf32>
        %swap3A_170 = vector.shape_cast %mul3A_165 : vector<16xf32> to vector<1x16xf32>
        tpu.vector_store %arg12[%swap3A_166, %swap3A_167], %swap3A_170 {strides = array<i32>} : memref<80x128xf32, #tpu.memory_space<vmem>>, vector<1x16xf32>,
        %get3A_171 = arith.index_cast %add3A_116 : i32 to index
        %get3A_172 = arith.constant 80 : index
        %get3A_173 = tpu.vector_load %arg12[%get3A_171, %get3A_172] {strides = array<i32>} : memref<80x128xf32, #tpu.memory_space<vmem>>, vector<1x16xf32>,
        %get3A_174 = vector.shape_cast %get3A_173 : vector<1x16xf32> to vector<16xf32>
        %mul3A_175 = arith.mulf %get3A_174, %get3A_120 : vector<16xf32>
        %swap3A_176 = arith.index_cast %add3A_116 : i32 to index
        %swap3A_177 = arith.constant 80 : index
        %swap3A_178 = tpu.vector_load %arg12[%swap3A_176, %swap3A_177] {strides = array<i32>} : memref<80x128xf32, #tpu.memory_space<vmem>>, vector<1x16xf32>,
        %swap3A_179 = vector.shape_cast %swap3A_178 : vector<1x16xf32> to vector<16xf32>
        %swap3A_180 = vector.shape_cast %mul3A_175 : vector<16xf32> to vector<1x16xf32>
        tpu.vector_store %arg12[%swap3A_176, %swap3A_177], %swap3A_180 {strides = array<i32>} : memref<80x128xf32, #tpu.memory_space<vmem>>, vector<1x16xf32>,
        %get3A_181 = arith.index_cast %add3A_116 : i32 to index
        %get3A_182 = arith.constant 96 : index
        %get3A_183 = tpu.vector_load %arg12[%get3A_181, %get3A_182] {strides = array<i32>} : memref<80x128xf32, #tpu.memory_space<vmem>>, vector<1x16xf32>,
        %get3A_184 = vector.shape_cast %get3A_183 : vector<1x16xf32> to vector<16xf32>
        %mul3A_185 = arith.mulf %get3A_184, %get3A_120 : vector<16xf32>
        %swap3A_186 = arith.index_cast %add3A_116 : i32 to index
        %swap3A_187 = arith.constant 96 : index
        %swap3A_188 = tpu.vector_load %arg12[%swap3A_186, %swap3A_187] {strides = array<i32>} : memref<80x128xf32, #tpu.memory_space<vmem>>, vector<1x16xf32>,
        %swap3A_189 = vector.shape_cast %swap3A_188 : vector<1x16xf32> to vector<16xf32>
        %swap3A_190 = vector.shape_cast %mul3A_185 : vector<16xf32> to vector<1x16xf32>
        tpu.vector_store %arg12[%swap3A_186, %swap3A_187], %swap3A_190 {strides = array<i32>} : memref<80x128xf32, #tpu.memory_space<vmem>>, vector<1x16xf32>,
        %get3A_191 = arith.index_cast %add3A_116 : i32 to index
        %get3A_192 = arith.constant 112 : index
        %get3A_193 = tpu.vector_load %arg12[%get3A_191, %get3A_192] {strides = array<i32>} : memref<80x128xf32, #tpu.memory_space<vmem>>, vector<1x16xf32>,
        %get3A_194 = vector.shape_cast %get3A_193 : vector<1x16xf32> to vector<16xf32>
        %mul3A_195 = arith.mulf %get3A_194, %get3A_120 : vector<16xf32>
        %swap3A_196 = arith.index_cast %add3A_116 : i32 to index
        %swap3A_197 = arith.constant 112 : index
        %swap3A_198 = tpu.vector_load %arg12[%swap3A_196, %swap3A_197] {strides = array<i32>} : memref<80x128xf32, #tpu.memory_space<vmem>>, vector<1x16xf32>,
        %swap3A_199 = vector.shape_cast %swap3A_198 : vector<1x16xf32> to vector<16xf32>
        %swap3A_200 = vector.shape_cast %mul3A_195 : vector<16xf32> to vector<1x16xf32>
        tpu.vector_store %arg12[%swap3A_196, %swap3A_197], %swap3A_200 {strides = array<i32>} : memref<80x128xf32, #tpu.memory_space<vmem>>, vector<1x16xf32>,
        %mul3A_201 = arith.constant 16 : i32
        %mul3A_202 = arith.muli %scan3A_112, %mul3A_201 : i32
        %add3A_203 = arith.constant 1 : i32
        %add3A_204 = arith.addi %mul3A_202, %add3A_203 : i32
        %get3A_205 = arith.index_cast %add3A_204 : i32 to index
        %get3A_206 = arith.constant 0 : index
        %get3A_207 = tpu.vector_load %arg13[%get3A_205, %get3A_206] {strides = array<i32>} : memref<80x16xf32, #tpu.memory_space<vmem>>, vector<1x16xf32>,
        %get3A_208 = vector.shape_cast %get3A_207 : vector<1x16xf32> to vector<16xf32>
        %get3A_209 = arith.index_cast %add3A_204 : i32 to index
        %get3A_210 = arith.constant 0 : index
        %get3A_211 = tpu.vector_load %arg12[%get3A_209, %get3A_210] {strides = array<i32>} : memref<80x128xf32, #tpu.memory_space<vmem>>, vector<1x16xf32>,
        %get3A_212 = vector.shape_cast %get3A_211 : vector<1x16xf32> to vector<16xf32>
        %mul3A_213 = arith.mulf %get3A_212, %get3A_208 : vector<16xf32>
        %swap3A_214 = arith.index_cast %add3A_204 : i32 to index
        %swap3A_215 = arith.constant 0 : index
        %swap3A_216 = tpu.vector_load %arg12[%swap3A_214, %swap3A_215] {strides = array<i32>} : memref<80x128xf32, #tpu.memory_space<vmem>>, vector<1x16xf32>,
        %swap3A_217 = vector.shape_cast %swap3A_216 : vector<1x16xf32> to vector<16xf32>
        %swap3A_218 = vector.shape_cast %mul3A_213 : vector<16xf32> to vector<1x16xf32>
        tpu.vector_store %arg12[%swap3A_214, %swap3A_215], %swap3A_218 {strides = array<i32>} : memref<80x128xf32, #tpu.memory_space<vmem>>, vector<1x16xf32>,
        %get3A_219 = arith.index_cast %add3A_204 : i32 to index
        %get3A_220 = arith.constant 16 : index
        %get3A_221 = tpu.vector_load %arg12[%get3A_219, %get3A_220] {strides = array<i32>} : memref<80x128xf32, #tpu.memory_space<vmem>>, vector<1x16xf32>,
        %get3A_222 = vector.shape_cast %get3A_221 : vector<1x16xf32> to vector<16xf32>
        %mul3A_223 = arith.mulf %get3A_222, %get3A_208 : vector<16xf32>
        %swap3A_224 = arith.index_cast %add3A_204 : i32 to index
        %swap3A_225 = arith.constant 16 : index
        %swap3A_226 = tpu.vector_load %arg12[%swap3A_224, %swap3A_225] {strides = array<i32>} : memref<80x128xf32, #tpu.memory_space<vmem>>, vector<1x16xf32>,
        %swap3A_227 = vector.shape_cast %swap3A_226 : vector<1x16xf32> to vector<16xf32>
        %swap3A_228 = vector.shape_cast %mul3A_223 : vector<16xf32> to vector<1x16xf32>
        tpu.vector_store %arg12[%swap3A_224, %swap3A_225], %swap3A_228 {strides = array<i32>} : memref<80x128xf32, #tpu.memory_space<vmem>>, vector<1x16xf32>,
        %get3A_229 = arith.index_cast %add3A_204 : i32 to index
        %get3A_230 = arith.constant 32 : index
        %get3A_231 = tpu.vector_load %arg12[%get3A_229, %get3A_230] {strides = array<i32>} : memref<80x128xf32, #tpu.memory_space<vmem>>, vector<1x16xf32>,
        %get3A_232 = vector.shape_cast %get3A_231 : vector<1x16xf32> to vector<16xf32>
        %mul3A_233 = arith.mulf %get3A_232, %get3A_208 : vector<16xf32>
        %swap3A_234 = arith.index_cast %add3A_204 : i32 to index
        %swap3A_235 = arith.constant 32 : index
        %swap3A_236 = tpu.vector_load %arg12[%swap3A_234, %swap3A_235] {strides = array<i32>} : memref<80x128xf32, #tpu.memory_space<vmem>>, vector<1x16xf32>,
        %swap3A_237 = vector.shape_cast %swap3A_236 : vector<1x16xf32> to vector<16xf32>
        %swap3A_238 = vector.shape_cast %mul3A_233 : vector<16xf32> to vector<1x16xf32>
        tpu.vector_store %arg12[%swap3A_234, %swap3A_235], %swap3A_238 {strides = array<i32>} : memref<80x128xf32, #tpu.memory_space<vmem>>, vector<1x16xf32>,
        %get3A_239 = arith.index_cast %add3A_204 : i32 to index
        %get3A_240 = arith.constant 48 : index
        %get3A_241 = tpu.vector_load %arg12[%get3A_239, %get3A_240] {strides = array<i32>} : memref<80x128xf32, #tpu.memory_space<vmem>>, vector<1x16xf32>,
        %get3A_242 = vector.shape_cast %get3A_241 : vector<1x16xf32> to vector<16xf32>
        %mul3A_243 = arith.mulf %get3A_242, %get3A_208 : vector<16xf32>
        %swap3A_244 = arith.index_cast %add3A_204 : i32 to index
        %swap3A_245 = arith.constant 48 : index
        %swap3A_246 = tpu.vector_load %arg12[%swap3A_244, %swap3A_245] {strides = array<i32>} : memref<80x128xf32, #tpu.memory_space<vmem>>, vector<1x16xf32>,
        %swap3A_247 = vector.shape_cast %swap3A_246 : vector<1x16xf32> to vector<16xf32>
        %swap3A_248 = vector.shape_cast %mul3A_243 : vector<16xf32> to vector<1x16xf32>
        tpu.vector_store %arg12[%swap3A_244, %swap3A_245], %swap3A_248 {strides = array<i32>} : memref<80x128xf32, #tpu.memory_space<vmem>>, vector<1x16xf32>,
        %get3A_249 = arith.index_cast %add3A_204 : i32 to index
        %get3A_250 = arith.constant 64 : index
        %get3A_251 = tpu.vector_load %arg12[%get3A_249, %get3A_250] {strides = array<i32>} : memref<80x128xf32, #tpu.memory_space<vmem>>, vector<1x16xf32>,
        %get3A_252 = vector.shape_cast %get3A_251 : vector<1x16xf32> to vector<16xf32>
        %mul3A_253 = arith.mulf %get3A_252, %get3A_208 : vector<16xf32>
        %swap3A_254 = arith.index_cast %add3A_204 : i32 to index
        %swap3A_255 = arith.constant 64 : index
        %swap3A_256 = tpu.vector_load %arg12[%swap3A_254, %swap3A_255] {strides = array<i32>} : memref<80x128xf32, #tpu.memory_space<vmem>>, vector<1x16xf32>,
        %swap3A_257 = vector.shape_cast %swap3A_256 : vector<1x16xf32> to vector<16xf32>
        %swap3A_258 = vector.shape_cast %mul3A_253 : vector<16xf32> to vector<1x16xf32>
        tpu.vector_store %arg12[%swap3A_254, %swap3A_255], %swap3A_258 {strides = array<i32>} : memref<80x128xf32, #tpu.memory_space<vmem>>, vector<1x16xf32>,
        %get3A_259 = arith.index_cast %add3A_204 : i32 to index
        %get3A_260 = arith.constant 80 : index
        %get3A_261 = tpu.vector_load %arg12[%get3A_259, %get3A_260] {strides = array<i32>} : memref<80x128xf32, #tpu.memory_space<vmem>>, vector<1x16xf32>,
        %get3A_262 = vector.shape_cast %get3A_261 : vector<1x16xf32> to vector<16xf32>
        %mul3A_263 = arith.mulf %get3A_262, %get3A_208 : vector<16xf32>
        %swap3A_264 = arith.index_cast %add3A_204 : i32 to index
        %swap3A_265 = arith.constant 80 : index
        %swap3A_266 = tpu.vector_load %arg12[%swap3A_264, %swap3A_265] {strides = array<i32>} : memref<80x128xf32, #tpu.memory_space<vmem>>, vector<1x16xf32>,
        %swap3A_267 = vector.shape_cast %swap3A_266 : vector<1x16xf32> to vector<16xf32>
        %swap3A_268 = vector.shape_cast %mul3A_263 : vector<16xf32> to vector<1x16xf32>
        tpu.vector_store %arg12[%swap3A_264, %swap3A_265], %swap3A_268 {strides = array<i32>} : memref<80x128xf32, #tpu.memory_space<vmem>>, vector<1x16xf32>,
        %get3A_269 = arith.index_cast %add3A_204 : i32 to index
        %get3A_270 = arith.constant 96 : index
        %get3A_271 = tpu.vector_load %arg12[%get3A_269, %get3A_270] {strides = array<i32>} : memref<80x128xf32, #tpu.memory_space<vmem>>, vector<1x16xf32>,
        %get3A_272 = vector.shape_cast %get3A_271 : vector<1x16xf32> to vector<16xf32>
        %mul3A_273 = arith.mulf %get3A_272, %get3A_208 : vector<16xf32>
        %swap3A_274 = arith.index_cast %add3A_204 : i32 to index
        %swap3A_275 = arith.constant 96 : index
        %swap3A_276 = tpu.vector_load %arg12[%swap3A_274, %swap3A_275] {strides = array<i32>} : memref<80x128xf32, #tpu.memory_space<vmem>>, vector<1x16xf32>,
        %swap3A_277 = vector.shape_cast %swap3A_276 : vector<1x16xf32> to vector<16xf32>
        %swap3A_278 = vector.shape_cast %mul3A_273 : vector<16xf32> to vector<1x16xf32>
        tpu.vector_store %arg12[%swap3A_274, %swap3A_275], %swap3A_278 {strides = array<i32>} : memref<80x128xf32, #tpu.memory_space<vmem>>, vector<1x16xf32>,
        %get3A_279 = arith.index_cast %add3A_204 : i32 to index
        %get3A_280 = arith.constant 112 : index
        %get3A_281 = tpu.vector_load %arg12[%get3A_279, %get3A_280] {strides = array<i32>} : memref<80x128xf32, #tpu.memory_space<vmem>>, vector<1x16xf32>,
        %get3A_282 = vector.shape_cast %get3A_281 : vector<1x16xf32> to vector<16xf32>
        %mul3A_283 = arith.mulf %get3A_282, %get3A_208 : vector<16xf32>
        %swap3A_284 = arith.index_cast %add3A_204 : i32 to index
        %swap3A_285 = arith.constant 112 : index
        %swap3A_286 = tpu.vector_load %arg12[%swap3A_284, %swap3A_285] {strides = array<i32>} : memref<80x128xf32, #tpu.memory_space<vmem>>, vector<1x16xf32>,
        %swap3A_287 = vector.shape_cast %swap3A_286 : vector<1x16xf32> to vector<16xf32>
        %swap3A_288 = vector.shape_cast %mul3A_283 : vector<16xf32> to vector<1x16xf32>
        tpu.vector_store %arg12[%swap3A_284, %swap3A_285], %swap3A_288 {strides = array<i32>} : memref<80x128xf32, #tpu.memory_space<vmem>>, vector<1x16xf32>,
        %mul3A_289 = arith.constant 16 : i32
        %mul3A_290 = arith.muli %scan3A_112, %mul3A_289 : i32
        %add3A_291 = arith.constant 2 : i32
        %add3A_292 = arith.addi %mul3A_290, %add3A_291 : i32
        %get3A_293 = arith.index_cast %add3A_292 : i32 to index
        %get3A_294 = arith.constant 0 : index
        %get3A_295 = tpu.vector_load %arg13[%get3A_293, %get3A_294] {strides = array<i32>} : memref<80x16xf32, #tpu.memory_space<vmem>>, vector<1x16xf32>,
        %get3A_296 = vector.shape_cast %get3A_295 : vector<1x16xf32> to vector<16xf32>
        %get3A_297 = arith.index_cast %add3A_292 : i32 to index
        %get3A_298 = arith.constant 0 : index
        %get3A_299 = tpu.vector_load %arg12[%get3A_297, %get3A_298] {strides = array<i32>} : memref<80x128xf32, #tpu.memory_space<vmem>>, vector<1x16xf32>,
        %get3A_300 = vector.shape_cast %get3A_299 : vector<1x16xf32> to vector<16xf32>
        %mul3A_301 = arith.mulf %get3A_300, %get3A_296 : vector<16xf32>
        %swap3A_302 = arith.index_cast %add3A_292 : i32 to index
        %swap3A_303 = arith.constant 0 : index
        %swap3A_304 = tpu.vector_load %arg12[%swap3A_302, %swap3A_303] {strides = array<i32>} : memref<80x128xf32, #tpu.memory_space<vmem>>, vector<1x16xf32>,
        %swap3A_305 = vector.shape_cast %swap3A_304 : vector<1x16xf32> to vector<16xf32>
        %swap3A_306 = vector.shape_cast %mul3A_301 : vector<16xf32> to vector<1x16xf32>
        tpu.vector_store %arg12[%swap3A_302, %swap3A_303], %swap3A_306 {strides = array<i32>} : memref<80x128xf32, #tpu.memory_space<vmem>>, vector<1x16xf32>,
        %get3A_307 = arith.index_cast %add3A_292 : i32 to index
        %get3A_308 = arith.constant 16 : index
        %get3A_309 = tpu.vector_load %arg12[%get3A_307, %get3A_308] {strides = array<i32>} : memref<80x128xf32, #tpu.memory_space<vmem>>, vector<1x16xf32>,
        %get3A_310 = vector.shape_cast %get3A_309 : vector<1x16xf32> to vector<16xf32>
        %mul3A_311 = arith.mulf %get3A_310, %get3A_296 : vector<16xf32>
        %swap3A_312 = arith.index_cast %add3A_292 : i32 to index
        %swap3A_313 = arith.constant 16 : index
        %swap3A_314 = tpu.vector_load %arg12[%swap3A_312, %swap3A_313] {strides = array<i32>} : memref<80x128xf32, #tpu.memory_space<vmem>>, vector<1x16xf32>,
        %swap3A_315 = vector.shape_cast %swap3A_314 : vector<1x16xf32> to vector<16xf32>
        %swap3A_316 = vector.shape_cast %mul3A_311 : vector<16xf32> to vector<1x16xf32>
        tpu.vector_store %arg12[%swap3A_312, %swap3A_313], %swap3A_316 {strides = array<i32>} : memref<80x128xf32, #tpu.memory_space<vmem>>, vector<1x16xf32>,
        %get3A_317 = arith.index_cast %add3A_292 : i32 to index
        %get3A_318 = arith.constant 32 : index
        %get3A_319 = tpu.vector_load %arg12[%get3A_317, %get3A_318] {strides = array<i32>} : memref<80x128xf32, #tpu.memory_space<vmem>>, vector<1x16xf32>,
        %get3A_320 = vector.shape_cast %get3A_319 : vector<1x16xf32> to vector<16xf32>
        %mul3A_321 = arith.mulf %get3A_320, %get3A_296 : vector<16xf32>
        %swap3A_322 = arith.index_cast %add3A_292 : i32 to index
        %swap3A_323 = arith.constant 32 : index
        %swap3A_324 = tpu.vector_load %arg12[%swap3A_322, %swap3A_323] {strides = array<i32>} : memref<80x128xf32, #tpu.memory_space<vmem>>, vector<1x16xf32>,
        %swap3A_325 = vector.shape_cast %swap3A_324 : vector<1x16xf32> to vector<16xf32>
        %swap3A_326 = vector.shape_cast %mul3A_321 : vector<16xf32> to vector<1x16xf32>
        tpu.vector_store %arg12[%swap3A_322, %swap3A_323], %swap3A_326 {strides = array<i32>} : memref<80x128xf32, #tpu.memory_space<vmem>>, vector<1x16xf32>,
        %get3A_327 = arith.index_cast %add3A_292 : i32 to index
        %get3A_328 = arith.constant 48 : index
        %get3A_329 = tpu.vector_load %arg12[%get3A_327, %get3A_328] {strides = array<i32>} : memref<80x128xf32, #tpu.memory_space<vmem>>, vector<1x16xf32>,
        %get3A_330 = vector.shape_cast %get3A_329 : vector<1x16xf32> to vector<16xf32>
        %mul3A_331 = arith.mulf %get3A_330, %get3A_296 : vector<16xf32>
        %swap3A_332 = arith.index_cast %add3A_292 : i32 to index
        %swap3A_333 = arith.constant 48 : index
        %swap3A_334 = tpu.vector_load %arg12[%swap3A_332, %swap3A_333] {strides = array<i32>} : memref<80x128xf32, #tpu.memory_space<vmem>>, vector<1x16xf32>,
        %swap3A_335 = vector.shape_cast %swap3A_334 : vector<1x16xf32> to vector<16xf32>
        %swap3A_336 = vector.shape_cast %mul3A_331 : vector<16xf32> to vector<1x16xf32>
        tpu.vector_store %arg12[%swap3A_332, %swap3A_333], %swap3A_336 {strides = array<i32>} : memref<80x128xf32, #tpu.memory_space<vmem>>, vector<1x16xf32>,
        %get3A_337 = arith.index_cast %add3A_292 : i32 to index
        %get3A_338 = arith.constant 64 : index
        %get3A_339 = tpu.vector_load %arg12[%get3A_337, %get3A_338] {strides = array<i32>} : memref<80x128xf32, #tpu.memory_space<vmem>>, vector<1x16xf32>,
        %get3A_340 = vector.shape_cast %get3A_339 : vector<1x16xf32> to vector<16xf32>
        %mul3A_341 = arith.mulf %get3A_340, %get3A_296 : vector<16xf32>
        %swap3A_342 = arith.index_cast %add3A_292 : i32 to index
        %swap3A_343 = arith.constant 64 : index
        %swap3A_344 = tpu.vector_load %arg12[%swap3A_342, %swap3A_343] {strides = array<i32>} : memref<80x128xf32, #tpu.memory_space<vmem>>, vector<1x16xf32>,
        %swap3A_345 = vector.shape_cast %swap3A_344 : vector<1x16xf32> to vector<16xf32>
        %swap3A_346 = vector.shape_cast %mul3A_341 : vector<16xf32> to vector<1x16xf32>
        tpu.vector_store %arg12[%swap3A_342, %swap3A_343], %swap3A_346 {strides = array<i32>} : memref<80x128xf32, #tpu.memory_space<vmem>>, vector<1x16xf32>,
        %get3A_347 = arith.index_cast %add3A_292 : i32 to index
        %get3A_348 = arith.constant 80 : index
        %get3A_349 = tpu.vector_load %arg12[%get3A_347, %get3A_348] {strides = array<i32>} : memref<80x128xf32, #tpu.memory_space<vmem>>, vector<1x16xf32>,
        %get3A_350 = vector.shape_cast %get3A_349 : vector<1x16xf32> to vector<16xf32>
        %mul3A_351 = arith.mulf %get3A_350, %get3A_296 : vector<16xf32>
        %swap3A_352 = arith.index_cast %add3A_292 : i32 to index
        %swap3A_353 = arith.constant 80 : index
        %swap3A_354 = tpu.vector_load %arg12[%swap3A_352, %swap3A_353] {strides = array<i32>} : memref<80x128xf32, #tpu.memory_space<vmem>>, vector<1x16xf32>,
        %swap3A_355 = vector.shape_cast %swap3A_354 : vector<1x16xf32> to vector<16xf32>
        %swap3A_356 = vector.shape_cast %mul3A_351 : vector<16xf32> to vector<1x16xf32>
        tpu.vector_store %arg12[%swap3A_352, %swap3A_353], %swap3A_356 {strides = array<i32>} : memref<80x128xf32, #tpu.memory_space<vmem>>, vector<1x16xf32>,
        %get3A_357 = arith.index_cast %add3A_292 : i32 to index
        %get3A_358 = arith.constant 96 : index
        %get3A_359 = tpu.vector_load %arg12[%get3A_357, %get3A_358] {strides = array<i32>} : memref<80x128xf32, #tpu.memory_space<vmem>>, vector<1x16xf32>,
        %get3A_360 = vector.shape_cast %get3A_359 : vector<1x16xf32> to vector<16xf32>
        %mul3A_361 = arith.mulf %get3A_360, %get3A_296 : vector<16xf32>
        %swap3A_362 = arith.index_cast %add3A_292 : i32 to index
        %swap3A_363 = arith.constant 96 : index
        %swap3A_364 = tpu.vector_load %arg12[%swap3A_362, %swap3A_363] {strides = array<i32>} : memref<80x128xf32, #tpu.memory_space<vmem>>, vector<1x16xf32>,
        %swap3A_365 = vector.shape_cast %swap3A_364 : vector<1x16xf32> to vector<16xf32>
        %swap3A_366 = vector.shape_cast %mul3A_361 : vector<16xf32> to vector<1x16xf32>
        tpu.vector_store %arg12[%swap3A_362, %swap3A_363], %swap3A_366 {strides = array<i32>} : memref<80x128xf32, #tpu.memory_space<vmem>>, vector<1x16xf32>,
        %get3A_367 = arith.index_cast %add3A_292 : i32 to index
        %get3A_368 = arith.constant 112 : index
        %get3A_369 = tpu.vector_load %arg12[%get3A_367, %get3A_368] {strides = array<i32>} : memref<80x128xf32, #tpu.memory_space<vmem>>, vector<1x16xf32>,
        %get3A_370 = vector.shape_cast %get3A_369 : vector<1x16xf32> to vector<16xf32>
        %mul3A_371 = arith.mulf %get3A_370, %get3A_296 : vector<16xf32>
        %swap3A_372 = arith.index_cast %add3A_292 : i32 to index
        %swap3A_373 = arith.constant 112 : index
        %swap3A_374 = tpu.vector_load %arg12[%swap3A_372, %swap3A_373] {strides = array<i32>} : memref<80x128xf32, #tpu.memory_space<vmem>>, vector<1x16xf32>,
        %swap3A_375 = vector.shape_cast %swap3A_374 : vector<1x16xf32> to vector<16xf32>
        %swap3A_376 = vector.shape_cast %mul3A_371 : vector<16xf32> to vector<1x16xf32>
        tpu.vector_store %arg12[%swap3A_372, %swap3A_373], %swap3A_376 {strides = array<i32>} : memref<80x128xf32, #tpu.memory_space<vmem>>, vector<1x16xf32>,
        %mul3A_377 = arith.constant 16 : i32
        %mul3A_378 = arith.muli %scan3A_112, %mul3A_377 : i32
        %add3A_379 = arith.constant 3 : i32
        %add3A_380 = arith.addi %mul3A_378, %add3A_379 : i32
        %get3A_381 = arith.index_cast %add3A_380 : i32 to index
        %get3A_382 = arith.constant 0 : index
        %get3A_383 = tpu.vector_load %arg13[%get3A_381, %get3A_382] {strides = array<i32>} : memref<80x16xf32, #tpu.memory_space<vmem>>, vector<1x16xf32>,
        %get3A_384 = vector.shape_cast %get3A_383 : vector<1x16xf32> to vector<16xf32>
        %get3A_385 = arith.index_cast %add3A_380 : i32 to index
        %get3A_386 = arith.constant 0 : index
        %get3A_387 = tpu.vector_load %arg12[%get3A_385, %get3A_386] {strides = array<i32>} : memref<80x128xf32, #tpu.memory_space<vmem>>, vector<1x16xf32>,
        %get3A_388 = vector.shape_cast %get3A_387 : vector<1x16xf32> to vector<16xf32>
        %mul3A_389 = arith.mulf %get3A_388, %get3A_384 : vector<16xf32>
        %swap3A_390 = arith.index_cast %add3A_380 : i32 to index
        %swap3A_391 = arith.constant 0 : index
        %swap3A_392 = tpu.vector_load %arg12[%swap3A_390, %swap3A_391] {strides = array<i32>} : memref<80x128xf32, #tpu.memory_space<vmem>>, vector<1x16xf32>,
        %swap3A_393 = vector.shape_cast %swap3A_392 : vector<1x16xf32> to vector<16xf32>
        %swap3A_394 = vector.shape_cast %mul3A_389 : vector<16xf32> to vector<1x16xf32>
        tpu.vector_store %arg12[%swap3A_390, %swap3A_391], %swap3A_394 {strides = array<i32>} : memref<80x128xf32, #tpu.memory_space<vmem>>, vector<1x16xf32>,
        %get3A_395 = arith.index_cast %add3A_380 : i32 to index
        %get3A_396 = arith.constant 16 : index
        %get3A_397 = tpu.vector_load %arg12[%get3A_395, %get3A_396] {strides = array<i32>} : memref<80x128xf32, #tpu.memory_space<vmem>>, vector<1x16xf32>,
        %get3A_398 = vector.shape_cast %get3A_397 : vector<1x16xf32> to vector<16xf32>
        %mul3A_399 = arith.mulf %get3A_398, %get3A_384 : vector<16xf32>
        %swap3A_400 = arith.index_cast %add3A_380 : i32 to index
        %swap3A_401 = arith.constant 16 : index
        %swap3A_402 = tpu.vector_load %arg12[%swap3A_400, %swap3A_401] {strides = array<i32>} : memref<80x128xf32, #tpu.memory_space<vmem>>, vector<1x16xf32>,
        %swap3A_403 = vector.shape_cast %swap3A_402 : vector<1x16xf32> to vector<16xf32>
        %swap3A_404 = vector.shape_cast %mul3A_399 : vector<16xf32> to vector<1x16xf32>
        tpu.vector_store %arg12[%swap3A_400, %swap3A_401], %swap3A_404 {strides = array<i32>} : memref<80x128xf32, #tpu.memory_space<vmem>>, vector<1x16xf32>,
        %get3A_405 = arith.index_cast %add3A_380 : i32 to index
        %get3A_406 = arith.constant 32 : index
        %get3A_407 = tpu.vector_load %arg12[%get3A_405, %get3A_406] {strides = array<i32>} : memref<80x128xf32, #tpu.memory_space<vmem>>, vector<1x16xf32>,
        %get3A_408 = vector.shape_cast %get3A_407 : vector<1x16xf32> to vector<16xf32>
        %mul3A_409 = arith.mulf %get3A_408, %get3A_384 : vector<16xf32>
        %swap3A_410 = arith.index_cast %add3A_380 : i32 to index
        %swap3A_411 = arith.constant 32 : index
        %swap3A_412 = tpu.vector_load %arg12[%swap3A_410, %swap3A_411] {strides = array<i32>} : memref<80x128xf32, #tpu.memory_space<vmem>>, vector<1x16xf32>,
        %swap3A_413 = vector.shape_cast %swap3A_412 : vector<1x16xf32> to vector<16xf32>
        %swap3A_414 = vector.shape_cast %mul3A_409 : vector<16xf32> to vector<1x16xf32>
        tpu.vector_store %arg12[%swap3A_410, %swap3A_411], %swap3A_414 {strides = array<i32>} : memref<80x128xf32, #tpu.memory_space<vmem>>, vector<1x16xf32>,
        %get3A_415 = arith.index_cast %add3A_380 : i32 to index
        %get3A_416 = arith.constant 48 : index
        %get3A_417 = tpu.vector_load %arg12[%get3A_415, %get3A_416] {strides = array<i32>} : memref<80x128xf32, #tpu.memory_space<vmem>>, vector<1x16xf32>,
        %get3A_418 = vector.shape_cast %get3A_417 : vector<1x16xf32> to vector<16xf32>
        %mul3A_419 = arith.mulf %get3A_418, %get3A_384 : vector<16xf32>
        %swap3A_420 = arith.index_cast %add3A_380 : i32 to index
        %swap3A_421 = arith.constant 48 : index
        %swap3A_422 = tpu.vector_load %arg12[%swap3A_420, %swap3A_421] {strides = array<i32>} : memref<80x128xf32, #tpu.memory_space<vmem>>, vector<1x16xf32>,
        %swap3A_423 = vector.shape_cast %swap3A_422 : vector<1x16xf32> to vector<16xf32>
        %swap3A_424 = vector.shape_cast %mul3A_419 : vector<16xf32> to vector<1x16xf32>
        tpu.vector_store %arg12[%swap3A_420, %swap3A_421], %swap3A_424 {strides = array<i32>} : memref<80x128xf32, #tpu.memory_space<vmem>>, vector<1x16xf32>,
        %get3A_425 = arith.index_cast %add3A_380 : i32 to index
        %get3A_426 = arith.constant 64 : index
        %get3A_427 = tpu.vector_load %arg12[%get3A_425, %get3A_426] {strides = array<i32>} : memref<80x128xf32, #tpu.memory_space<vmem>>, vector<1x16xf32>,
        %get3A_428 = vector.shape_cast %get3A_427 : vector<1x16xf32> to vector<16xf32>
        %mul3A_429 = arith.mulf %get3A_428, %get3A_384 : vector<16xf32>
        %swap3A_430 = arith.index_cast %add3A_380 : i32 to index
        %swap3A_431 = arith.constant 64 : index
        %swap3A_432 = tpu.vector_load %arg12[%swap3A_430, %swap3A_431] {strides = array<i32>} : memref<80x128xf32, #tpu.memory_space<vmem>>, vector<1x16xf32>,
        %swap3A_433 = vector.shape_cast %swap3A_432 : vector<1x16xf32> to vector<16xf32>
        %swap3A_434 = vector.shape_cast %mul3A_429 : vector<16xf32> to vector<1x16xf32>
        tpu.vector_store %arg12[%swap3A_430, %swap3A_431], %swap3A_434 {strides = array<i32>} : memref<80x128xf32, #tpu.memory_space<vmem>>, vector<1x16xf32>,
        %get3A_435 = arith.index_cast %add3A_380 : i32 to index
        %get3A_436 = arith.constant 80 : index
        %get3A_437 = tpu.vector_load %arg12[%get3A_435, %get3A_436] {strides = array<i32>} : memref<80x128xf32, #tpu.memory_space<vmem>>, vector<1x16xf32>,
        %get3A_438 = vector.shape_cast %get3A_437 : vector<1x16xf32> to vector<16xf32>
        %mul3A_439 = arith.mulf %get3A_438, %get3A_384 : vector<16xf32>
        %swap3A_440 = arith.index_cast %add3A_380 : i32 to index
        %swap3A_441 = arith.constant 80 : index
        %swap3A_442 = tpu.vector_load %arg12[%swap3A_440, %swap3A_441] {strides = array<i32>} : memref<80x128xf32, #tpu.memory_space<vmem>>, vector<1x16xf32>,
        %swap3A_443 = vector.shape_cast %swap3A_442 : vector<1x16xf32> to vector<16xf32>
        %swap3A_444 = vector.shape_cast %mul3A_439 : vector<16xf32> to vector<1x16xf32>
        tpu.vector_store %arg12[%swap3A_440, %swap3A_441], %swap3A_444 {strides = array<i32>} : memref<80x128xf32, #tpu.memory_space<vmem>>, vector<1x16xf32>,
        %get3A_445 = arith.index_cast %add3A_380 : i32 to index
        %get3A_446 = arith.constant 96 : index
        %get3A_447 = tpu.vector_load %arg12[%get3A_445, %get3A_446] {strides = array<i32>} : memref<80x128xf32, #tpu.memory_space<vmem>>, vector<1x16xf32>,
        %get3A_448 = vector.shape_cast %get3A_447 : vector<1x16xf32> to vector<16xf32>
        %mul3A_449 = arith.mulf %get3A_448, %get3A_384 : vector<16xf32>
        %swap3A_450 = arith.index_cast %add3A_380 : i32 to index
        %swap3A_451 = arith.constant 96 : index
        %swap3A_452 = tpu.vector_load %arg12[%swap3A_450, %swap3A_451] {strides = array<i32>} : memref<80x128xf32, #tpu.memory_space<vmem>>, vector<1x16xf32>,
        %swap3A_453 = vector.shape_cast %swap3A_452 : vector<1x16xf32> to vector<16xf32>
        %swap3A_454 = vector.shape_cast %mul3A_449 : vector<16xf32> to vector<1x16xf32>
        tpu.vector_store %arg12[%swap3A_450, %swap3A_451], %swap3A_454 {strides = array<i32>} : memref<80x128xf32, #tpu.memory_space<vmem>>, vector<1x16xf32>,
        %get3A_455 = arith.index_cast %add3A_380 : i32 to index
        %get3A_456 = arith.constant 112 : index
        %get3A_457 = tpu.vector_load %arg12[%get3A_455, %get3A_456] {strides = array<i32>} : memref<80x128xf32, #tpu.memory_space<vmem>>, vector<1x16xf32>,
        %get3A_458 = vector.shape_cast %get3A_457 : vector<1x16xf32> to vector<16xf32>
        %mul3A_459 = arith.mulf %get3A_458, %get3A_384 : vector<16xf32>
        %swap3A_460 = arith.index_cast %add3A_380 : i32 to index
        %swap3A_461 = arith.constant 112 : index
        %swap3A_462 = tpu.vector_load %arg12[%swap3A_460, %swap3A_461] {strides = array<i32>} : memref<80x128xf32, #tpu.memory_space<vmem>>, vector<1x16xf32>,
        %swap3A_463 = vector.shape_cast %swap3A_462 : vector<1x16xf32> to vector<16xf32>
        %swap3A_464 = vector.shape_cast %mul3A_459 : vector<16xf32> to vector<1x16xf32>
        tpu.vector_store %arg12[%swap3A_460, %swap3A_461], %swap3A_464 {strides = array<i32>} : memref<80x128xf32, #tpu.memory_space<vmem>>, vector<1x16xf32>,
        %mul3A_465 = arith.constant 16 : i32
        %mul3A_466 = arith.muli %scan3A_112, %mul3A_465 : i32
        %add3A_467 = arith.constant 4 : i32
        %add3A_468 = arith.addi %mul3A_466, %add3A_467 : i32
        %get3A_469 = arith.index_cast %add3A_468 : i32 to index
        %get3A_470 = arith.constant 0 : index
        %get3A_471 = tpu.vector_load %arg13[%get3A_469, %get3A_470] {strides = array<i32>} : memref<80x16xf32, #tpu.memory_space<vmem>>, vector<1x16xf32>,
        %get3A_472 = vector.shape_cast %get3A_471 : vector<1x16xf32> to vector<16xf32>
        %get3A_473 = arith.index_cast %add3A_468 : i32 to index
        %get3A_474 = arith.constant 0 : index
        %get3A_475 = tpu.vector_load %arg12[%get3A_473, %get3A_474] {strides = array<i32>} : memref<80x128xf32, #tpu.memory_space<vmem>>, vector<1x16xf32>,
        %get3A_476 = vector.shape_cast %get3A_475 : vector<1x16xf32> to vector<16xf32>
        %mul3A_477 = arith.mulf %get3A_476, %get3A_472 : vector<16xf32>
        %swap3A_478 = arith.index_cast %add3A_468 : i32 to index
        %swap3A_479 = arith.constant 0 : index
        %swap3A_480 = tpu.vector_load %arg12[%swap3A_478, %swap3A_479] {strides = array<i32>} : memref<80x128xf32, #tpu.memory_space<vmem>>, vector<1x16xf32>,
        %swap3A_481 = vector.shape_cast %swap3A_480 : vector<1x16xf32> to vector<16xf32>
        %swap3A_482 = vector.shape_cast %mul3A_477 : vector<16xf32> to vector<1x16xf32>
        tpu.vector_store %arg12[%swap3A_478, %swap3A_479], %swap3A_482 {strides = array<i32>} : memref<80x128xf32, #tpu.memory_space<vmem>>, vector<1x16xf32>,
        %get3A_483 = arith.index_cast %add3A_468 : i32 to index
        %get3A_484 = arith.constant 16 : index
        %get3A_485 = tpu.vector_load %arg12[%get3A_483, %get3A_484] {strides = array<i32>} : memref<80x128xf32, #tpu.memory_space<vmem>>, vector<1x16xf32>,
        %get3A_486 = vector.shape_cast %get3A_485 : vector<1x16xf32> to vector<16xf32>
        %mul3A_487 = arith.mulf %get3A_486, %get3A_472 : vector<16xf32>
        %swap3A_488 = arith.index_cast %add3A_468 : i32 to index
        %swap3A_489 = arith.constant 16 : index
        %swap3A_490 = tpu.vector_load %arg12[%swap3A_488, %swap3A_489] {strides = array<i32>} : memref<80x128xf32, #tpu.memory_space<vmem>>, vector<1x16xf32>,
        %swap3A_491 = vector.shape_cast %swap3A_490 : vector<1x16xf32> to vector<16xf32>
        %swap3A_492 = vector.shape_cast %mul3A_487 : vector<16xf32> to vector<1x16xf32>
        tpu.vector_store %arg12[%swap3A_488, %swap3A_489], %swap3A_492 {strides = array<i32>} : memref<80x128xf32, #tpu.memory_space<vmem>>, vector<1x16xf32>,
        %get3A_493 = arith.index_cast %add3A_468 : i32 to index
        %get3A_494 = arith.constant 32 : index
        %get3A_495 = tpu.vector_load %arg12[%get3A_493, %get3A_494] {strides = array<i32>} : memref<80x128xf32, #tpu.memory_space<vmem>>, vector<1x16xf32>,
        %get3A_496 = vector.shape_cast %get3A_495 : vector<1x16xf32> to vector<16xf32>
        %mul3A_497 = arith.mulf %get3A_496, %get3A_472 : vector<16xf32>
        %swap3A_498 = arith.index_cast %add3A_468 : i32 to index
        %swap3A_499 = arith.constant 32 : index
        %swap3A_500 = tpu.vector_load %arg12[%swap3A_498, %swap3A_499] {strides = array<i32>} : memref<80x128xf32, #tpu.memory_space<vmem>>, vector<1x16xf32>,
        %swap3A_501 = vector.shape_cast %swap3A_500 : vector<1x16xf32> to vector<16xf32>
        %swap3A_502 = vector.shape_cast %mul3A_497 : vector<16xf32> to vector<1x16xf32>
        tpu.vector_store %arg12[%swap3A_498, %swap3A_499], %swap3A_502 {strides = array<i32>} : memref<80x128xf32, #tpu.memory_space<vmem>>, vector<1x16xf32>,
        %get3A_503 = arith.index_cast %add3A_468 : i32 to index
        %get3A_504 = arith.constant 48 : index
        %get3A_505 = tpu.vector_load %arg12[%get3A_503, %get3A_504] {strides = array<i32>} : memref<80x128xf32, #tpu.memory_space<vmem>>, vector<1x16xf32>,
        %get3A_506 = vector.shape_cast %get3A_505 : vector<1x16xf32> to vector<16xf32>
        %mul3A_507 = arith.mulf %get3A_506, %get3A_472 : vector<16xf32>
        %swap3A_508 = arith.index_cast %add3A_468 : i32 to index
        %swap3A_509 = arith.constant 48 : index
        %swap3A_510 = tpu.vector_load %arg12[%swap3A_508, %swap3A_509] {strides = array<i32>} : memref<80x128xf32, #tpu.memory_space<vmem>>, vector<1x16xf32>,
        %swap3A_511 = vector.shape_cast %swap3A_510 : vector<1x16xf32> to vector<16xf32>
        %swap3A_512 = vector.shape_cast %mul3A_507 : vector<16xf32> to vector<1x16xf32>
        tpu.vector_store %arg12[%swap3A_508, %swap3A_509], %swap3A_512 {strides = array<i32>} : memref<80x128xf32, #tpu.memory_space<vmem>>, vector<1x16xf32>,
        %get3A_513 = arith.index_cast %add3A_468 : i32 to index
        %get3A_514 = arith.constant 64 : index
        %get3A_515 = tpu.vector_load %arg12[%get3A_513, %get3A_514] {strides = array<i32>} : memref<80x128xf32, #tpu.memory_space<vmem>>, vector<1x16xf32>,
        %get3A_516 = vector.shape_cast %get3A_515 : vector<1x16xf32> to vector<16xf32>
        %mul3A_517 = arith.mulf %get3A_516, %get3A_472 : vector<16xf32>
        %swap3A_518 = arith.index_cast %add3A_468 : i32 to index
        %swap3A_519 = arith.constant 64 : index
        %swap3A_520 = tpu.vector_load %arg12[%swap3A_518, %swap3A_519] {strides = array<i32>} : memref<80x128xf32, #tpu.memory_space<vmem>>, vector<1x16xf32>,
        %swap3A_521 = vector.shape_cast %swap3A_520 : vector<1x16xf32> to vector<16xf32>
        %swap3A_522 = vector.shape_cast %mul3A_517 : vector<16xf32> to vector<1x16xf32>
        tpu.vector_store %arg12[%swap3A_518, %swap3A_519], %swap3A_522 {strides = array<i32>} : memref<80x128xf32, #tpu.memory_space<vmem>>, vector<1x16xf32>,
        %get3A_523 = arith.index_cast %add3A_468 : i32 to index
        %get3A_524 = arith.constant 80 : index
        %get3A_525 = tpu.vector_load %arg12[%get3A_523, %get3A_524] {strides = array<i32>} : memref<80x128xf32, #tpu.memory_space<vmem>>, vector<1x16xf32>,
        %get3A_526 = vector.shape_cast %get3A_525 : vector<1x16xf32> to vector<16xf32>
        %mul3A_527 = arith.mulf %get3A_526, %get3A_472 : vector<16xf32>
        %swap3A_528 = arith.index_cast %add3A_468 : i32 to index
        %swap3A_529 = arith.constant 80 : index
        %swap3A_530 = tpu.vector_load %arg12[%swap3A_528, %swap3A_529] {strides = array<i32>} : memref<80x128xf32, #tpu.memory_space<vmem>>, vector<1x16xf32>,
        %swap3A_531 = vector.shape_cast %swap3A_530 : vector<1x16xf32> to vector<16xf32>
        %swap3A_532 = vector.shape_cast %mul3A_527 : vector<16xf32> to vector<1x16xf32>
        tpu.vector_store %arg12[%swap3A_528, %swap3A_529], %swap3A_532 {strides = array<i32>} : memref<80x128xf32, #tpu.memory_space<vmem>>, vector<1x16xf32>,
        %get3A_533 = arith.index_cast %add3A_468 : i32 to index
        %get3A_534 = arith.constant 96 : index
        %get3A_535 = tpu.vector_load %arg12[%get3A_533, %get3A_534] {strides = array<i32>} : memref<80x128xf32, #tpu.memory_space<vmem>>, vector<1x16xf32>,
        %get3A_536 = vector.shape_cast %get3A_535 : vector<1x16xf32> to vector<16xf32>
        %mul3A_537 = arith.mulf %get3A_536, %get3A_472 : vector<16xf32>
        %swap3A_538 = arith.index_cast %add3A_468 : i32 to index
        %swap3A_539 = arith.constant 96 : index
        %swap3A_540 = tpu.vector_load %arg12[%swap3A_538, %swap3A_539] {strides = array<i32>} : memref<80x128xf32, #tpu.memory_space<vmem>>, vector<1x16xf32>,
        %swap3A_541 = vector.shape_cast %swap3A_540 : vector<1x16xf32> to vector<16xf32>
        %swap3A_542 = vector.shape_cast %mul3A_537 : vector<16xf32> to vector<1x16xf32>
        tpu.vector_store %arg12[%swap3A_538, %swap3A_539], %swap3A_542 {strides = array<i32>} : memref<80x128xf32, #tpu.memory_space<vmem>>, vector<1x16xf32>,
        %get3A_543 = arith.index_cast %add3A_468 : i32 to index
        %get3A_544 = arith.constant 112 : index
        %get3A_545 = tpu.vector_load %arg12[%get3A_543, %get3A_544] {strides = array<i32>} : memref<80x128xf32, #tpu.memory_space<vmem>>, vector<1x16xf32>,
        %get3A_546 = vector.shape_cast %get3A_545 : vector<1x16xf32> to vector<16xf32>
        %mul3A_547 = arith.mulf %get3A_546, %get3A_472 : vector<16xf32>
        %swap3A_548 = arith.index_cast %add3A_468 : i32 to index
        %swap3A_549 = arith.constant 112 : index
        %swap3A_550 = tpu.vector_load %arg12[%swap3A_548, %swap3A_549] {strides = array<i32>} : memref<80x128xf32, #tpu.memory_space<vmem>>, vector<1x16xf32>,
        %swap3A_551 = vector.shape_cast %swap3A_550 : vector<1x16xf32> to vector<16xf32>
        %swap3A_552 = vector.shape_cast %mul3A_547 : vector<16xf32> to vector<1x16xf32>
        tpu.vector_store %arg12[%swap3A_548, %swap3A_549], %swap3A_552 {strides = array<i32>} : memref<80x128xf32, #tpu.memory_space<vmem>>, vector<1x16xf32>,
        %mul3A_553 = arith.constant 16 : i32
        %mul3A_554 = arith.muli %scan3A_112, %mul3A_553 : i32
        %add3A_555 = arith.constant 5 : i32
        %add3A_556 = arith.addi %mul3A_554, %add3A_555 : i32
        %get3A_557 = arith.index_cast %add3A_556 : i32 to index
        %get3A_558 = arith.constant 0 : index
        %get3A_559 = tpu.vector_load %arg13[%get3A_557, %get3A_558] {strides = array<i32>} : memref<80x16xf32, #tpu.memory_space<vmem>>, vector<1x16xf32>,
        %get3A_560 = vector.shape_cast %get3A_559 : vector<1x16xf32> to vector<16xf32>
        %get3A_561 = arith.index_cast %add3A_556 : i32 to index
        %get3A_562 = arith.constant 0 : index
        %get3A_563 = tpu.vector_load %arg12[%get3A_561, %get3A_562] {strides = array<i32>} : memref<80x128xf32, #tpu.memory_space<vmem>>, vector<1x16xf32>,
        %get3A_564 = vector.shape_cast %get3A_563 : vector<1x16xf32> to vector<16xf32>
        %mul3A_565 = arith.mulf %get3A_564, %get3A_560 : vector<16xf32>
        %swap3A_566 = arith.index_cast %add3A_556 : i32 to index
        %swap3A_567 = arith.constant 0 : index
        %swap3A_568 = tpu.vector_load %arg12[%swap3A_566, %swap3A_567] {strides = array<i32>} : memref<80x128xf32, #tpu.memory_space<vmem>>, vector<1x16xf32>,
        %swap3A_569 = vector.shape_cast %swap3A_568 : vector<1x16xf32> to vector<16xf32>
        %swap3A_570 = vector.shape_cast %mul3A_565 : vector<16xf32> to vector<1x16xf32>
        tpu.vector_store %arg12[%swap3A_566, %swap3A_567], %swap3A_570 {strides = array<i32>} : memref<80x128xf32, #tpu.memory_space<vmem>>, vector<1x16xf32>,
        %get3A_571 = arith.index_cast %add3A_556 : i32 to index
        %get3A_572 = arith.constant 16 : index
        %get3A_573 = tpu.vector_load %arg12[%get3A_571, %get3A_572] {strides = array<i32>} : memref<80x128xf32, #tpu.memory_space<vmem>>, vector<1x16xf32>,
        %get3A_574 = vector.shape_cast %get3A_573 : vector<1x16xf32> to vector<16xf32>
        %mul3A_575 = arith.mulf %get3A_574, %get3A_560 : vector<16xf32>
        %swap3A_576 = arith.index_cast %add3A_556 : i32 to index
        %swap3A_577 = arith.constant 16 : index
        %swap3A_578 = tpu.vector_load %arg12[%swap3A_576, %swap3A_577] {strides = array<i32>} : memref<80x128xf32, #tpu.memory_space<vmem>>, vector<1x16xf32>,
        %swap3A_579 = vector.shape_cast %swap3A_578 : vector<1x16xf32> to vector<16xf32>
        %swap3A_580 = vector.shape_cast %mul3A_575 : vector<16xf32> to vector<1x16xf32>
        tpu.vector_store %arg12[%swap3A_576, %swap3A_577], %swap3A_580 {strides = array<i32>} : memref<80x128xf32, #tpu.memory_space<vmem>>, vector<1x16xf32>,
        %get3A_581 = arith.index_cast %add3A_556 : i32 to index
        %get3A_582 = arith.constant 32 : index
        %get3A_583 = tpu.vector_load %arg12[%get3A_581, %get3A_582] {strides = array<i32>} : memref<80x128xf32, #tpu.memory_space<vmem>>, vector<1x16xf32>,
        %get3A_584 = vector.shape_cast %get3A_583 : vector<1x16xf32> to vector<16xf32>
        %mul3A_585 = arith.mulf %get3A_584, %get3A_560 : vector<16xf32>
        %swap3A_586 = arith.index_cast %add3A_556 : i32 to index
        %swap3A_587 = arith.constant 32 : index
        %swap3A_588 = tpu.vector_load %arg12[%swap3A_586, %swap3A_587] {strides = array<i32>} : memref<80x128xf32, #tpu.memory_space<vmem>>, vector<1x16xf32>,
        %swap3A_589 = vector.shape_cast %swap3A_588 : vector<1x16xf32> to vector<16xf32>
        %swap3A_590 = vector.shape_cast %mul3A_585 : vector<16xf32> to vector<1x16xf32>
        tpu.vector_store %arg12[%swap3A_586, %swap3A_587], %swap3A_590 {strides = array<i32>} : memref<80x128xf32, #tpu.memory_space<vmem>>, vector<1x16xf32>,
        %get3A_591 = arith.index_cast %add3A_556 : i32 to index
        %get3A_592 = arith.constant 48 : index
        %get3A_593 = tpu.vector_load %arg12[%get3A_591, %get3A_592] {strides = array<i32>} : memref<80x128xf32, #tpu.memory_space<vmem>>, vector<1x16xf32>,
        %get3A_594 = vector.shape_cast %get3A_593 : vector<1x16xf32> to vector<16xf32>
        %mul3A_595 = arith.mulf %get3A_594, %get3A_560 : vector<16xf32>
        %swap3A_596 = arith.index_cast %add3A_556 : i32 to index
        %swap3A_597 = arith.constant 48 : index
        %swap3A_598 = tpu.vector_load %arg12[%swap3A_596, %swap3A_597] {strides = array<i32>} : memref<80x128xf32, #tpu.memory_space<vmem>>, vector<1x16xf32>,
        %swap3A_599 = vector.shape_cast %swap3A_598 : vector<1x16xf32> to vector<16xf32>
        %swap3A_600 = vector.shape_cast %mul3A_595 : vector<16xf32> to vector<1x16xf32>
        tpu.vector_store %arg12[%swap3A_596, %swap3A_597], %swap3A_600 {strides = array<i32>} : memref<80x128xf32, #tpu.memory_space<vmem>>, vector<1x16xf32>,
        %get3A_601 = arith.index_cast %add3A_556 : i32 to index
        %get3A_602 = arith.constant 64 : index
        %get3A_603 = tpu.vector_load %arg12[%get3A_601, %get3A_602] {strides = array<i32>} : memref<80x128xf32, #tpu.memory_space<vmem>>, vector<1x16xf32>,
        %get3A_604 = vector.shape_cast %get3A_603 : vector<1x16xf32> to vector<16xf32>
        %mul3A_605 = arith.mulf %get3A_604, %get3A_560 : vector<16xf32>
        %swap3A_606 = arith.index_cast %add3A_556 : i32 to index
        %swap3A_607 = arith.constant 64 : index
        %swap3A_608 = tpu.vector_load %arg12[%swap3A_606, %swap3A_607] {strides = array<i32>} : memref<80x128xf32, #tpu.memory_space<vmem>>, vector<1x16xf32>,
        %swap3A_609 = vector.shape_cast %swap3A_608 : vector<1x16xf32> to vector<16xf32>
        %swap3A_610 = vector.shape_cast %mul3A_605 : vector<16xf32> to vector<1x16xf32>
        tpu.vector_store %arg12[%swap3A_606, %swap3A_607], %swap3A_610 {strides = array<i32>} : memref<80x128xf32, #tpu.memory_space<vmem>>, vector<1x16xf32>,
        %get3A_611 = arith.index_cast %add3A_556 : i32 to index
        %get3A_612 = arith.constant 80 : index
        %get3A_613 = tpu.vector_load %arg12[%get3A_611, %get3A_612] {strides = array<i32>} : memref<80x128xf32, #tpu.memory_space<vmem>>, vector<1x16xf32>,
        %get3A_614 = vector.shape_cast %get3A_613 : vector<1x16xf32> to vector<16xf32>
        %mul3A_615 = arith.mulf %get3A_614, %get3A_560 : vector<16xf32>
        %swap3A_616 = arith.index_cast %add3A_556 : i32 to index
        %swap3A_617 = arith.constant 80 : index
        %swap3A_618 = tpu.vector_load %arg12[%swap3A_616, %swap3A_617] {strides = array<i32>} : memref<80x128xf32, #tpu.memory_space<vmem>>, vector<1x16xf32>,
        %swap3A_619 = vector.shape_cast %swap3A_618 : vector<1x16xf32> to vector<16xf32>
        %swap3A_620 = vector.shape_cast %mul3A_615 : vector<16xf32> to vector<1x16xf32>
        tpu.vector_store %arg12[%swap3A_616, %swap3A_617], %swap3A_620 {strides = array<i32>} : memref<80x128xf32, #tpu.memory_space<vmem>>, vector<1x16xf32>,
        %get3A_621 = arith.index_cast %add3A_556 : i32 to index
        %get3A_622 = arith.constant 96 : index
        %get3A_623 = tpu.vector_load %arg12[%get3A_621, %get3A_622] {strides = array<i32>} : memref<80x128xf32, #tpu.memory_space<vmem>>, vector<1x16xf32>,
        %get3A_624 = vector.shape_cast %get3A_623 : vector<1x16xf32> to vector<16xf32>
        %mul3A_625 = arith.mulf %get3A_624, %get3A_560 : vector<16xf32>
        %swap3A_626 = arith.index_cast %add3A_556 : i32 to index
        %swap3A_627 = arith.constant 96 : index
        %swap3A_628 = tpu.vector_load %arg12[%swap3A_626, %swap3A_627] {strides = array<i32>} : memref<80x128xf32, #tpu.memory_space<vmem>>, vector<1x16xf32>,
        %swap3A_629 = vector.shape_cast %swap3A_628 : vector<1x16xf32> to vector<16xf32>
        %swap3A_630 = vector.shape_cast %mul3A_625 : vector<16xf32> to vector<1x16xf32>
        tpu.vector_store %arg12[%swap3A_626, %swap3A_627], %swap3A_630 {strides = array<i32>} : memref<80x128xf32, #tpu.memory_space<vmem>>, vector<1x16xf32>,
        %get3A_631 = arith.index_cast %add3A_556 : i32 to index
        %get3A_632 = arith.constant 112 : index
        %get3A_633 = tpu.vector_load %arg12[%get3A_631, %get3A_632] {strides = array<i32>} : memref<80x128xf32, #tpu.memory_space<vmem>>, vector<1x16xf32>,
        %get3A_634 = vector.shape_cast %get3A_633 : vector<1x16xf32> to vector<16xf32>
        %mul3A_635 = arith.mulf %get3A_634, %get3A_560 : vector<16xf32>
        %swap3A_636 = arith.index_cast %add3A_556 : i32 to index
        %swap3A_637 = arith.constant 112 : index
        %swap3A_638 = tpu.vector_load %arg12[%swap3A_636, %swap3A_637] {strides = array<i32>} : memref<80x128xf32, #tpu.memory_space<vmem>>, vector<1x16xf32>,
        %swap3A_639 = vector.shape_cast %swap3A_638 : vector<1x16xf32> to vector<16xf32>
        %swap3A_640 = vector.shape_cast %mul3A_635 : vector<16xf32> to vector<1x16xf32>
        tpu.vector_store %arg12[%swap3A_636, %swap3A_637], %swap3A_640 {strides = array<i32>} : memref<80x128xf32, #tpu.memory_space<vmem>>, vector<1x16xf32>,
        %mul3A_641 = arith.constant 16 : i32
        %mul3A_642 = arith.muli %scan3A_112, %mul3A_641 : i32
        %add3A_643 = arith.constant 6 : i32
        %add3A_644 = arith.addi %mul3A_642, %add3A_643 : i32
        %get3A_645 = arith.index_cast %add3A_644 : i32 to index
        %get3A_646 = arith.constant 0 : index
        %get3A_647 = tpu.vector_load %arg13[%get3A_645, %get3A_646] {strides = array<i32>} : memref<80x16xf32, #tpu.memory_space<vmem>>, vector<1x16xf32>,
        %get3A_648 = vector.shape_cast %get3A_647 : vector<1x16xf32> to vector<16xf32>
        %get3A_649 = arith.index_cast %add3A_644 : i32 to index
        %get3A_650 = arith.constant 0 : index
        %get3A_651 = tpu.vector_load %arg12[%get3A_649, %get3A_650] {strides = array<i32>} : memref<80x128xf32, #tpu.memory_space<vmem>>, vector<1x16xf32>,
        %get3A_652 = vector.shape_cast %get3A_651 : vector<1x16xf32> to vector<16xf32>
        %mul3A_653 = arith.mulf %get3A_652, %get3A_648 : vector<16xf32>
        %swap3A_654 = arith.index_cast %add3A_644 : i32 to index
        %swap3A_655 = arith.constant 0 : index
        %swap3A_656 = tpu.vector_load %arg12[%swap3A_654, %swap3A_655] {strides = array<i32>} : memref<80x128xf32, #tpu.memory_space<vmem>>, vector<1x16xf32>,
        %swap3A_657 = vector.shape_cast %swap3A_656 : vector<1x16xf32> to vector<16xf32>
        %swap3A_658 = vector.shape_cast %mul3A_653 : vector<16xf32> to vector<1x16xf32>
        tpu.vector_store %arg12[%swap3A_654, %swap3A_655], %swap3A_658 {strides = array<i32>} : memref<80x128xf32, #tpu.memory_space<vmem>>, vector<1x16xf32>,
        %get3A_659 = arith.index_cast %add3A_644 : i32 to index
        %get3A_660 = arith.constant 16 : index
        %get3A_661 = tpu.vector_load %arg12[%get3A_659, %get3A_660] {strides = array<i32>} : memref<80x128xf32, #tpu.memory_space<vmem>>, vector<1x16xf32>,
        %get3A_662 = vector.shape_cast %get3A_661 : vector<1x16xf32> to vector<16xf32>
        %mul3A_663 = arith.mulf %get3A_662, %get3A_648 : vector<16xf32>
        %swap3A_664 = arith.index_cast %add3A_644 : i32 to index
        %swap3A_665 = arith.constant 16 : index
        %swap3A_666 = tpu.vector_load %arg12[%swap3A_664, %swap3A_665] {strides = array<i32>} : memref<80x128xf32, #tpu.memory_space<vmem>>, vector<1x16xf32>,
        %swap3A_667 = vector.shape_cast %swap3A_666 : vector<1x16xf32> to vector<16xf32>
        %swap3A_668 = vector.shape_cast %mul3A_663 : vector<16xf32> to vector<1x16xf32>
        tpu.vector_store %arg12[%swap3A_664, %swap3A_665], %swap3A_668 {strides = array<i32>} : memref<80x128xf32, #tpu.memory_space<vmem>>, vector<1x16xf32>,
        %get3A_669 = arith.index_cast %add3A_644 : i32 to index
        %get3A_670 = arith.constant 32 : index
        %get3A_671 = tpu.vector_load %arg12[%get3A_669, %get3A_670] {strides = array<i32>} : memref<80x128xf32, #tpu.memory_space<vmem>>, vector<1x16xf32>,
        %get3A_672 = vector.shape_cast %get3A_671 : vector<1x16xf32> to vector<16xf32>
        %mul3A_673 = arith.mulf %get3A_672, %get3A_648 : vector<16xf32>
        %swap3A_674 = arith.index_cast %add3A_644 : i32 to index
        %swap3A_675 = arith.constant 32 : index
        %swap3A_676 = tpu.vector_load %arg12[%swap3A_674, %swap3A_675] {strides = array<i32>} : memref<80x128xf32, #tpu.memory_space<vmem>>, vector<1x16xf32>,
        %swap3A_677 = vector.shape_cast %swap3A_676 : vector<1x16xf32> to vector<16xf32>
        %swap3A_678 = vector.shape_cast %mul3A_673 : vector<16xf32> to vector<1x16xf32>
        tpu.vector_store %arg12[%swap3A_674, %swap3A_675], %swap3A_678 {strides = array<i32>} : memref<80x128xf32, #tpu.memory_space<vmem>>, vector<1x16xf32>,
        %get3A_679 = arith.index_cast %add3A_644 : i32 to index
        %get3A_680 = arith.constant 48 : index
        %get3A_681 = tpu.vector_load %arg12[%get3A_679, %get3A_680] {strides = array<i32>} : memref<80x128xf32, #tpu.memory_space<vmem>>, vector<1x16xf32>,
        %get3A_682 = vector.shape_cast %get3A_681 : vector<1x16xf32> to vector<16xf32>
        %mul3A_683 = arith.mulf %get3A_682, %get3A_648 : vector<16xf32>
        %swap3A_684 = arith.index_cast %add3A_644 : i32 to index
        %swap3A_685 = arith.constant 48 : index
        %swap3A_686 = tpu.vector_load %arg12[%swap3A_684, %swap3A_685] {strides = array<i32>} : memref<80x128xf32, #tpu.memory_space<vmem>>, vector<1x16xf32>,
        %swap3A_687 = vector.shape_cast %swap3A_686 : vector<1x16xf32> to vector<16xf32>
        %swap3A_688 = vector.shape_cast %mul3A_683 : vector<16xf32> to vector<1x16xf32>
        tpu.vector_store %arg12[%swap3A_684, %swap3A_685], %swap3A_688 {strides = array<i32>} : memref<80x128xf32, #tpu.memory_space<vmem>>, vector<1x16xf32>,
        %get3A_689 = arith.index_cast %add3A_644 : i32 to index
        %get3A_690 = arith.constant 64 : index
        %get3A_691 = tpu.vector_load %arg12[%get3A_689, %get3A_690] {strides = array<i32>} : memref<80x128xf32, #tpu.memory_space<vmem>>, vector<1x16xf32>,
        %get3A_692 = vector.shape_cast %get3A_691 : vector<1x16xf32> to vector<16xf32>
        %mul3A_693 = arith.mulf %get3A_692, %get3A_648 : vector<16xf32>
        %swap3A_694 = arith.index_cast %add3A_644 : i32 to index
        %swap3A_695 = arith.constant 64 : index
        %swap3A_696 = tpu.vector_load %arg12[%swap3A_694, %swap3A_695] {strides = array<i32>} : memref<80x128xf32, #tpu.memory_space<vmem>>, vector<1x16xf32>,
        %swap3A_697 = vector.shape_cast %swap3A_696 : vector<1x16xf32> to vector<16xf32>
        %swap3A_698 = vector.shape_cast %mul3A_693 : vector<16xf32> to vector<1x16xf32>
        tpu.vector_store %arg12[%swap3A_694, %swap3A_695], %swap3A_698 {strides = array<i32>} : memref<80x128xf32, #tpu.memory_space<vmem>>, vector<1x16xf32>,
        %get3A_699 = arith.index_cast %add3A_644 : i32 to index
        %get3A_700 = arith.constant 80 : index
        %get3A_701 = tpu.vector_load %arg12[%get3A_699, %get3A_700] {strides = array<i32>} : memref<80x128xf32, #tpu.memory_space<vmem>>, vector<1x16xf32>,
        %get3A_702 = vector.shape_cast %get3A_701 : vector<1x16xf32> to vector<16xf32>
        %mul3A_703 = arith.mulf %get3A_702, %get3A_648 : vector<16xf32>
        %swap3A_704 = arith.index_cast %add3A_644 : i32 to index
        %swap3A_705 = arith.constant 80 : index
        %swap3A_706 = tpu.vector_load %arg12[%swap3A_704, %swap3A_705] {strides = array<i32>} : memref<80x128xf32, #tpu.memory_space<vmem>>, vector<1x16xf32>,
        %swap3A_707 = vector.shape_cast %swap3A_706 : vector<1x16xf32> to vector<16xf32>
        %swap3A_708 = vector.shape_cast %mul3A_703 : vector<16xf32> to vector<1x16xf32>
        tpu.vector_store %arg12[%swap3A_704, %swap3A_705], %swap3A_708 {strides = array<i32>} : memref<80x128xf32, #tpu.memory_space<vmem>>, vector<1x16xf32>,
        %get3A_709 = arith.index_cast %add3A_644 : i32 to index
        %get3A_710 = arith.constant 96 : index
        %get3A_711 = tpu.vector_load %arg12[%get3A_709, %get3A_710] {strides = array<i32>} : memref<80x128xf32, #tpu.memory_space<vmem>>, vector<1x16xf32>,
        %get3A_712 = vector.shape_cast %get3A_711 : vector<1x16xf32> to vector<16xf32>
        %mul3A_713 = arith.mulf %get3A_712, %get3A_648 : vector<16xf32>
        %swap3A_714 = arith.index_cast %add3A_644 : i32 to index
        %swap3A_715 = arith.constant 96 : index
        %swap3A_716 = tpu.vector_load %arg12[%swap3A_714, %swap3A_715] {strides = array<i32>} : memref<80x128xf32, #tpu.memory_space<vmem>>, vector<1x16xf32>,
        %swap3A_717 = vector.shape_cast %swap3A_716 : vector<1x16xf32> to vector<16xf32>
        %swap3A_718 = vector.shape_cast %mul3A_713 : vector<16xf32> to vector<1x16xf32>
        tpu.vector_store %arg12[%swap3A_714, %swap3A_715], %swap3A_718 {strides = array<i32>} : memref<80x128xf32, #tpu.memory_space<vmem>>, vector<1x16xf32>,
        %get3A_719 = arith.index_cast %add3A_644 : i32 to index
        %get3A_720 = arith.constant 112 : index
        %get3A_721 = tpu.vector_load %arg12[%get3A_719, %get3A_720] {strides = array<i32>} : memref<80x128xf32, #tpu.memory_space<vmem>>, vector<1x16xf32>,
        %get3A_722 = vector.shape_cast %get3A_721 : vector<1x16xf32> to vector<16xf32>
        %mul3A_723 = arith.mulf %get3A_722, %get3A_648 : vector<16xf32>
        %swap3A_724 = arith.index_cast %add3A_644 : i32 to index
        %swap3A_725 = arith.constant 112 : index
        %swap3A_726 = tpu.vector_load %arg12[%swap3A_724, %swap3A_725] {strides = array<i32>} : memref<80x128xf32, #tpu.memory_space<vmem>>, vector<1x16xf32>,
        %swap3A_727 = vector.shape_cast %swap3A_726 : vector<1x16xf32> to vector<16xf32>
        %swap3A_728 = vector.shape_cast %mul3A_723 : vector<16xf32> to vector<1x16xf32>
        tpu.vector_store %arg12[%swap3A_724, %swap3A_725], %swap3A_728 {strides = array<i32>} : memref<80x128xf32, #tpu.memory_space<vmem>>, vector<1x16xf32>,
        %mul3A_729 = arith.constant 16 : i32
        %mul3A_730 = arith.muli %scan3A_112, %mul3A_729 : i32
        %add3A_731 = arith.constant 7 : i32
        %add3A_732 = arith.addi %mul3A_730, %add3A_731 : i32
        %get3A_733 = arith.index_cast %add3A_732 : i32 to index
        %get3A_734 = arith.constant 0 : index
        %get3A_735 = tpu.vector_load %arg13[%get3A_733, %get3A_734] {strides = array<i32>} : memref<80x16xf32, #tpu.memory_space<vmem>>, vector<1x16xf32>,
        %get3A_736 = vector.shape_cast %get3A_735 : vector<1x16xf32> to vector<16xf32>
        %get3A_737 = arith.index_cast %add3A_732 : i32 to index
        %get3A_738 = arith.constant 0 : index
        %get3A_739 = tpu.vector_load %arg12[%get3A_737, %get3A_738] {strides = array<i32>} : memref<80x128xf32, #tpu.memory_space<vmem>>, vector<1x16xf32>,
        %get3A_740 = vector.shape_cast %get3A_739 : vector<1x16xf32> to vector<16xf32>
        %mul3A_741 = arith.mulf %get3A_740, %get3A_736 : vector<16xf32>
        %swap3A_742 = arith.index_cast %add3A_732 : i32 to index
        %swap3A_743 = arith.constant 0 : index
        %swap3A_744 = tpu.vector_load %arg12[%swap3A_742, %swap3A_743] {strides = array<i32>} : memref<80x128xf32, #tpu.memory_space<vmem>>, vector<1x16xf32>,
        %swap3A_745 = vector.shape_cast %swap3A_744 : vector<1x16xf32> to vector<16xf32>
        %swap3A_746 = vector.shape_cast %mul3A_741 : vector<16xf32> to vector<1x16xf32>
        tpu.vector_store %arg12[%swap3A_742, %swap3A_743], %swap3A_746 {strides = array<i32>} : memref<80x128xf32, #tpu.memory_space<vmem>>, vector<1x16xf32>,
        %get3A_747 = arith.index_cast %add3A_732 : i32 to index
        %get3A_748 = arith.constant 16 : index
        %get3A_749 = tpu.vector_load %arg12[%get3A_747, %get3A_748] {strides = array<i32>} : memref<80x128xf32, #tpu.memory_space<vmem>>, vector<1x16xf32>,
        %get3A_750 = vector.shape_cast %get3A_749 : vector<1x16xf32> to vector<16xf32>
        %mul3A_751 = arith.mulf %get3A_750, %get3A_736 : vector<16xf32>
        %swap3A_752 = arith.index_cast %add3A_732 : i32 to index
        %swap3A_753 = arith.constant 16 : index
        %swap3A_754 = tpu.vector_load %arg12[%swap3A_752, %swap3A_753] {strides = array<i32>} : memref<80x128xf32, #tpu.memory_space<vmem>>, vector<1x16xf32>,
        %swap3A_755 = vector.shape_cast %swap3A_754 : vector<1x16xf32> to vector<16xf32>
        %swap3A_756 = vector.shape_cast %mul3A_751 : vector<16xf32> to vector<1x16xf32>
        tpu.vector_store %arg12[%swap3A_752, %swap3A_753], %swap3A_756 {strides = array<i32>} : memref<80x128xf32, #tpu.memory_space<vmem>>, vector<1x16xf32>,
        %get3A_757 = arith.index_cast %add3A_732 : i32 to index
        %get3A_758 = arith.constant 32 : index
        %get3A_759 = tpu.vector_load %arg12[%get3A_757, %get3A_758] {strides = array<i32>} : memref<80x128xf32, #tpu.memory_space<vmem>>, vector<1x16xf32>,
        %get3A_760 = vector.shape_cast %get3A_759 : vector<1x16xf32> to vector<16xf32>
        %mul3A_761 = arith.mulf %get3A_760, %get3A_736 : vector<16xf32>
        %swap3A_762 = arith.index_cast %add3A_732 : i32 to index
        %swap3A_763 = arith.constant 32 : index
        %swap3A_764 = tpu.vector_load %arg12[%swap3A_762, %swap3A_763] {strides = array<i32>} : memref<80x128xf32, #tpu.memory_space<vmem>>, vector<1x16xf32>,
        %swap3A_765 = vector.shape_cast %swap3A_764 : vector<1x16xf32> to vector<16xf32>
        %swap3A_766 = vector.shape_cast %mul3A_761 : vector<16xf32> to vector<1x16xf32>
        tpu.vector_store %arg12[%swap3A_762, %swap3A_763], %swap3A_766 {strides = array<i32>} : memref<80x128xf32, #tpu.memory_space<vmem>>, vector<1x16xf32>,
        %get3A_767 = arith.index_cast %add3A_732 : i32 to index
        %get3A_768 = arith.constant 48 : index
        %get3A_769 = tpu.vector_load %arg12[%get3A_767, %get3A_768] {strides = array<i32>} : memref<80x128xf32, #tpu.memory_space<vmem>>, vector<1x16xf32>,
        %get3A_770 = vector.shape_cast %get3A_769 : vector<1x16xf32> to vector<16xf32>
        %mul3A_771 = arith.mulf %get3A_770, %get3A_736 : vector<16xf32>
        %swap3A_772 = arith.index_cast %add3A_732 : i32 to index
        %swap3A_773 = arith.constant 48 : index
        %swap3A_774 = tpu.vector_load %arg12[%swap3A_772, %swap3A_773] {strides = array<i32>} : memref<80x128xf32, #tpu.memory_space<vmem>>, vector<1x16xf32>,
        %swap3A_775 = vector.shape_cast %swap3A_774 : vector<1x16xf32> to vector<16xf32>
        %swap3A_776 = vector.shape_cast %mul3A_771 : vector<16xf32> to vector<1x16xf32>
        tpu.vector_store %arg12[%swap3A_772, %swap3A_773], %swap3A_776 {strides = array<i32>} : memref<80x128xf32, #tpu.memory_space<vmem>>, vector<1x16xf32>,
        %get3A_777 = arith.index_cast %add3A_732 : i32 to index
        %get3A_778 = arith.constant 64 : index
        %get3A_779 = tpu.vector_load %arg12[%get3A_777, %get3A_778] {strides = array<i32>} : memref<80x128xf32, #tpu.memory_space<vmem>>, vector<1x16xf32>,
        %get3A_780 = vector.shape_cast %get3A_779 : vector<1x16xf32> to vector<16xf32>
        %mul3A_781 = arith.mulf %get3A_780, %get3A_736 : vector<16xf32>
        %swap3A_782 = arith.index_cast %add3A_732 : i32 to index
        %swap3A_783 = arith.constant 64 : index
        %swap3A_784 = tpu.vector_load %arg12[%swap3A_782, %swap3A_783] {strides = array<i32>} : memref<80x128xf32, #tpu.memory_space<vmem>>, vector<1x16xf32>,
        %swap3A_785 = vector.shape_cast %swap3A_784 : vector<1x16xf32> to vector<16xf32>
        %swap3A_786 = vector.shape_cast %mul3A_781 : vector<16xf32> to vector<1x16xf32>
        tpu.vector_store %arg12[%swap3A_782, %swap3A_783], %swap3A_786 {strides = array<i32>} : memref<80x128xf32, #tpu.memory_space<vmem>>, vector<1x16xf32>,
        %get3A_787 = arith.index_cast %add3A_732 : i32 to index
        %get3A_788 = arith.constant 80 : index
        %get3A_789 = tpu.vector_load %arg12[%get3A_787, %get3A_788] {strides = array<i32>} : memref<80x128xf32, #tpu.memory_space<vmem>>, vector<1x16xf32>,
        %get3A_790 = vector.shape_cast %get3A_789 : vector<1x16xf32> to vector<16xf32>
        %mul3A_791 = arith.mulf %get3A_790, %get3A_736 : vector<16xf32>
        %swap3A_792 = arith.index_cast %add3A_732 : i32 to index
        %swap3A_793 = arith.constant 80 : index
        %swap3A_794 = tpu.vector_load %arg12[%swap3A_792, %swap3A_793] {strides = array<i32>} : memref<80x128xf32, #tpu.memory_space<vmem>>, vector<1x16xf32>,
        %swap3A_795 = vector.shape_cast %swap3A_794 : vector<1x16xf32> to vector<16xf32>
        %swap3A_796 = vector.shape_cast %mul3A_791 : vector<16xf32> to vector<1x16xf32>
        tpu.vector_store %arg12[%swap3A_792, %swap3A_793], %swap3A_796 {strides = array<i32>} : memref<80x128xf32, #tpu.memory_space<vmem>>, vector<1x16xf32>,
        %get3A_797 = arith.index_cast %add3A_732 : i32 to index
        %get3A_798 = arith.constant 96 : index
        %get3A_799 = tpu.vector_load %arg12[%get3A_797, %get3A_798] {strides = array<i32>} : memref<80x128xf32, #tpu.memory_space<vmem>>, vector<1x16xf32>,
        %get3A_800 = vector.shape_cast %get3A_799 : vector<1x16xf32> to vector<16xf32>
        %mul3A_801 = arith.mulf %get3A_800, %get3A_736 : vector<16xf32>
        %swap3A_802 = arith.index_cast %add3A_732 : i32 to index
        %swap3A_803 = arith.constant 96 : index
        %swap3A_804 = tpu.vector_load %arg12[%swap3A_802, %swap3A_803] {strides = array<i32>} : memref<80x128xf32, #tpu.memory_space<vmem>>, vector<1x16xf32>,
        %swap3A_805 = vector.shape_cast %swap3A_804 : vector<1x16xf32> to vector<16xf32>
        %swap3A_806 = vector.shape_cast %mul3A_801 : vector<16xf32> to vector<1x16xf32>
        tpu.vector_store %arg12[%swap3A_802, %swap3A_803], %swap3A_806 {strides = array<i32>} : memref<80x128xf32, #tpu.memory_space<vmem>>, vector<1x16xf32>,
        %get3A_807 = arith.index_cast %add3A_732 : i32 to index
        %get3A_808 = arith.constant 112 : index
        %get3A_809 = tpu.vector_load %arg12[%get3A_807, %get3A_808] {strides = array<i32>} : memref<80x128xf32, #tpu.memory_space<vmem>>, vector<1x16xf32>,
        %get3A_810 = vector.shape_cast %get3A_809 : vector<1x16xf32> to vector<16xf32>
        %mul3A_811 = arith.mulf %get3A_810, %get3A_736 : vector<16xf32>
        %swap3A_812 = arith.index_cast %add3A_732 : i32 to index
        %swap3A_813 = arith.constant 112 : index
        %swap3A_814 = tpu.vector_load %arg12[%swap3A_812, %swap3A_813] {strides = array<i32>} : memref<80x128xf32, #tpu.memory_space<vmem>>, vector<1x16xf32>,
        %swap3A_815 = vector.shape_cast %swap3A_814 : vector<1x16xf32> to vector<16xf32>
        %swap3A_816 = vector.shape_cast %mul3A_811 : vector<16xf32> to vector<1x16xf32>
        tpu.vector_store %arg12[%swap3A_812, %swap3A_813], %swap3A_816 {strides = array<i32>} : memref<80x128xf32, #tpu.memory_space<vmem>>, vector<1x16xf32>,
        %mul3A_817 = arith.constant 16 : i32
        %mul3A_818 = arith.muli %scan3A_112, %mul3A_817 : i32
        %add3A_819 = arith.constant 8 : i32
        %add3A_820 = arith.addi %mul3A_818, %add3A_819 : i32
        %get3A_821 = arith.index_cast %add3A_820 : i32 to index
        %get3A_822 = arith.constant 0 : index
        %get3A_823 = tpu.vector_load %arg13[%get3A_821, %get3A_822] {strides = array<i32>} : memref<80x16xf32, #tpu.memory_space<vmem>>, vector<1x16xf32>,
        %get3A_824 = vector.shape_cast %get3A_823 : vector<1x16xf32> to vector<16xf32>
        %get3A_825 = arith.index_cast %add3A_820 : i32 to index
        %get3A_826 = arith.constant 0 : index
        %get3A_827 = tpu.vector_load %arg12[%get3A_825, %get3A_826] {strides = array<i32>} : memref<80x128xf32, #tpu.memory_space<vmem>>, vector<1x16xf32>,
        %get3A_828 = vector.shape_cast %get3A_827 : vector<1x16xf32> to vector<16xf32>
        %mul3A_829 = arith.mulf %get3A_828, %get3A_824 : vector<16xf32>
        %swap3A_830 = arith.index_cast %add3A_820 : i32 to index
        %swap3A_831 = arith.constant 0 : index
        %swap3A_832 = tpu.vector_load %arg12[%swap3A_830, %swap3A_831] {strides = array<i32>} : memref<80x128xf32, #tpu.memory_space<vmem>>, vector<1x16xf32>,
        %swap3A_833 = vector.shape_cast %swap3A_832 : vector<1x16xf32> to vector<16xf32>
        %swap3A_834 = vector.shape_cast %mul3A_829 : vector<16xf32> to vector<1x16xf32>
        tpu.vector_store %arg12[%swap3A_830, %swap3A_831], %swap3A_834 {strides = array<i32>} : memref<80x128xf32, #tpu.memory_space<vmem>>, vector<1x16xf32>,
        %get3A_835 = arith.index_cast %add3A_820 : i32 to index
        %get3A_836 = arith.constant 16 : index
        %get3A_837 = tpu.vector_load %arg12[%get3A_835, %get3A_836] {strides = array<i32>} : memref<80x128xf32, #tpu.memory_space<vmem>>, vector<1x16xf32>,
        %get3A_838 = vector.shape_cast %get3A_837 : vector<1x16xf32> to vector<16xf32>
        %mul3A_839 = arith.mulf %get3A_838, %get3A_824 : vector<16xf32>
        %swap3A_840 = arith.index_cast %add3A_820 : i32 to index
        %swap3A_841 = arith.constant 16 : index
        %swap3A_842 = tpu.vector_load %arg12[%swap3A_840, %swap3A_841] {strides = array<i32>} : memref<80x128xf32, #tpu.memory_space<vmem>>, vector<1x16xf32>,
        %swap3A_843 = vector.shape_cast %swap3A_842 : vector<1x16xf32> to vector<16xf32>
        %swap3A_844 = vector.shape_cast %mul3A_839 : vector<16xf32> to vector<1x16xf32>
        tpu.vector_store %arg12[%swap3A_840, %swap3A_841], %swap3A_844 {strides = array<i32>} : memref<80x128xf32, #tpu.memory_space<vmem>>, vector<1x16xf32>,
        %get3A_845 = arith.index_cast %add3A_820 : i32 to index
        %get3A_846 = arith.constant 32 : index
        %get3A_847 = tpu.vector_load %arg12[%get3A_845, %get3A_846] {strides = array<i32>} : memref<80x128xf32, #tpu.memory_space<vmem>>, vector<1x16xf32>,
        %get3A_848 = vector.shape_cast %get3A_847 : vector<1x16xf32> to vector<16xf32>
        %mul3A_849 = arith.mulf %get3A_848, %get3A_824 : vector<16xf32>
        %swap3A_850 = arith.index_cast %add3A_820 : i32 to index
        %swap3A_851 = arith.constant 32 : index
        %swap3A_852 = tpu.vector_load %arg12[%swap3A_850, %swap3A_851] {strides = array<i32>} : memref<80x128xf32, #tpu.memory_space<vmem>>, vector<1x16xf32>,
        %swap3A_853 = vector.shape_cast %swap3A_852 : vector<1x16xf32> to vector<16xf32>
        %swap3A_854 = vector.shape_cast %mul3A_849 : vector<16xf32> to vector<1x16xf32>
        tpu.vector_store %arg12[%swap3A_850, %swap3A_851], %swap3A_854 {strides = array<i32>} : memref<80x128xf32, #tpu.memory_space<vmem>>, vector<1x16xf32>,
        %get3A_855 = arith.index_cast %add3A_820 : i32 to index
        %get3A_856 = arith.constant 48 : index
        %get3A_857 = tpu.vector_load %arg12[%get3A_855, %get3A_856] {strides = array<i32>} : memref<80x128xf32, #tpu.memory_space<vmem>>, vector<1x16xf32>,
        %get3A_858 = vector.shape_cast %get3A_857 : vector<1x16xf32> to vector<16xf32>
        %mul3A_859 = arith.mulf %get3A_858, %get3A_824 : vector<16xf32>
        %swap3A_860 = arith.index_cast %add3A_820 : i32 to index
        %swap3A_861 = arith.constant 48 : index
        %swap3A_862 = tpu.vector_load %arg12[%swap3A_860, %swap3A_861] {strides = array<i32>} : memref<80x128xf32, #tpu.memory_space<vmem>>, vector<1x16xf32>,
        %swap3A_863 = vector.shape_cast %swap3A_862 : vector<1x16xf32> to vector<16xf32>
        %swap3A_864 = vector.shape_cast %mul3A_859 : vector<16xf32> to vector<1x16xf32>
        tpu.vector_store %arg12[%swap3A_860, %swap3A_861], %swap3A_864 {strides = array<i32>} : memref<80x128xf32, #tpu.memory_space<vmem>>, vector<1x16xf32>,
        %get3A_865 = arith.index_cast %add3A_820 : i32 to index
        %get3A_866 = arith.constant 64 : index
        %get3A_867 = tpu.vector_load %arg12[%get3A_865, %get3A_866] {strides = array<i32>} : memref<80x128xf32, #tpu.memory_space<vmem>>, vector<1x16xf32>,
        %get3A_868 = vector.shape_cast %get3A_867 : vector<1x16xf32> to vector<16xf32>
        %mul3A_869 = arith.mulf %get3A_868, %get3A_824 : vector<16xf32>
        %swap3A_870 = arith.index_cast %add3A_820 : i32 to index
        %swap3A_871 = arith.constant 64 : index
        %swap3A_872 = tpu.vector_load %arg12[%swap3A_870, %swap3A_871] {strides = array<i32>} : memref<80x128xf32, #tpu.memory_space<vmem>>, vector<1x16xf32>,
        %swap3A_873 = vector.shape_cast %swap3A_872 : vector<1x16xf32> to vector<16xf32>
        %swap3A_874 = vector.shape_cast %mul3A_869 : vector<16xf32> to vector<1x16xf32>
        tpu.vector_store %arg12[%swap3A_870, %swap3A_871], %swap3A_874 {strides = array<i32>} : memref<80x128xf32, #tpu.memory_space<vmem>>, vector<1x16xf32>,
        %get3A_875 = arith.index_cast %add3A_820 : i32 to index
        %get3A_876 = arith.constant 80 : index
        %get3A_877 = tpu.vector_load %arg12[%get3A_875, %get3A_876] {strides = array<i32>} : memref<80x128xf32, #tpu.memory_space<vmem>>, vector<1x16xf32>,
        %get3A_878 = vector.shape_cast %get3A_877 : vector<1x16xf32> to vector<16xf32>
        %mul3A_879 = arith.mulf %get3A_878, %get3A_824 : vector<16xf32>
        %swap3A_880 = arith.index_cast %add3A_820 : i32 to index
        %swap3A_881 = arith.constant 80 : index
        %swap3A_882 = tpu.vector_load %arg12[%swap3A_880, %swap3A_881] {strides = array<i32>} : memref<80x128xf32, #tpu.memory_space<vmem>>, vector<1x16xf32>,
        %swap3A_883 = vector.shape_cast %swap3A_882 : vector<1x16xf32> to vector<16xf32>
        %swap3A_884 = vector.shape_cast %mul3A_879 : vector<16xf32> to vector<1x16xf32>
        tpu.vector_store %arg12[%swap3A_880, %swap3A_881], %swap3A_884 {strides = array<i32>} : memref<80x128xf32, #tpu.memory_space<vmem>>, vector<1x16xf32>,
        %get3A_885 = arith.index_cast %add3A_820 : i32 to index
        %get3A_886 = arith.constant 96 : index
        %get3A_887 = tpu.vector_load %arg12[%get3A_885, %get3A_886] {strides = array<i32>} : memref<80x128xf32, #tpu.memory_space<vmem>>, vector<1x16xf32>,
        %get3A_888 = vector.shape_cast %get3A_887 : vector<1x16xf32> to vector<16xf32>
        %mul3A_889 = arith.mulf %get3A_888, %get3A_824 : vector<16xf32>
        %swap3A_890 = arith.index_cast %add3A_820 : i32 to index
        %swap3A_891 = arith.constant 96 : index
        %swap3A_892 = tpu.vector_load %arg12[%swap3A_890, %swap3A_891] {strides = array<i32>} : memref<80x128xf32, #tpu.memory_space<vmem>>, vector<1x16xf32>,
        %swap3A_893 = vector.shape_cast %swap3A_892 : vector<1x16xf32> to vector<16xf32>
        %swap3A_894 = vector.shape_cast %mul3A_889 : vector<16xf32> to vector<1x16xf32>
        tpu.vector_store %arg12[%swap3A_890, %swap3A_891], %swap3A_894 {strides = array<i32>} : memref<80x128xf32, #tpu.memory_space<vmem>>, vector<1x16xf32>,
        %get3A_895 = arith.index_cast %add3A_820 : i32 to index
        %get3A_896 = arith.constant 112 : index
        %get3A_897 = tpu.vector_load %arg12[%get3A_895, %get3A_896] {strides = array<i32>} : memref<80x128xf32, #tpu.memory_space<vmem>>, vector<1x16xf32>,
        %get3A_898 = vector.shape_cast %get3A_897 : vector<1x16xf32> to vector<16xf32>
        %mul3A_899 = arith.mulf %get3A_898, %get3A_824 : vector<16xf32>
        %swap3A_900 = arith.index_cast %add3A_820 : i32 to index
        %swap3A_901 = arith.constant 112 : index
        %swap3A_902 = tpu.vector_load %arg12[%swap3A_900, %swap3A_901] {strides = array<i32>} : memref<80x128xf32, #tpu.memory_space<vmem>>, vector<1x16xf32>,
        %swap3A_903 = vector.shape_cast %swap3A_902 : vector<1x16xf32> to vector<16xf32>
        %swap3A_904 = vector.shape_cast %mul3A_899 : vector<16xf32> to vector<1x16xf32>
        tpu.vector_store %arg12[%swap3A_900, %swap3A_901], %swap3A_904 {strides = array<i32>} : memref<80x128xf32, #tpu.memory_space<vmem>>, vector<1x16xf32>,
        %mul3A_905 = arith.constant 16 : i32
        %mul3A_906 = arith.muli %scan3A_112, %mul3A_905 : i32
        %add3A_907 = arith.constant 9 : i32
        %add3A_908 = arith.addi %mul3A_906, %add3A_907 : i32
        %get3A_909 = arith.index_cast %add3A_908 : i32 to index
        %get3A_910 = arith.constant 0 : index
        %get3A_911 = tpu.vector_load %arg13[%get3A_909, %get3A_910] {strides = array<i32>} : memref<80x16xf32, #tpu.memory_space<vmem>>, vector<1x16xf32>,
        %get3A_912 = vector.shape_cast %get3A_911 : vector<1x16xf32> to vector<16xf32>
        %get3A_913 = arith.index_cast %add3A_908 : i32 to index
        %get3A_914 = arith.constant 0 : index
        %get3A_915 = tpu.vector_load %arg12[%get3A_913, %get3A_914] {strides = array<i32>} : memref<80x128xf32, #tpu.memory_space<vmem>>, vector<1x16xf32>,
        %get3A_916 = vector.shape_cast %get3A_915 : vector<1x16xf32> to vector<16xf32>
        %mul3A_917 = arith.mulf %get3A_916, %get3A_912 : vector<16xf32>
        %swap3A_918 = arith.index_cast %add3A_908 : i32 to index
        %swap3A_919 = arith.constant 0 : index
        %swap3A_920 = tpu.vector_load %arg12[%swap3A_918, %swap3A_919] {strides = array<i32>} : memref<80x128xf32, #tpu.memory_space<vmem>>, vector<1x16xf32>,
        %swap3A_921 = vector.shape_cast %swap3A_920 : vector<1x16xf32> to vector<16xf32>
        %swap3A_922 = vector.shape_cast %mul3A_917 : vector<16xf32> to vector<1x16xf32>
        tpu.vector_store %arg12[%swap3A_918, %swap3A_919], %swap3A_922 {strides = array<i32>} : memref<80x128xf32, #tpu.memory_space<vmem>>, vector<1x16xf32>,
        %get3A_923 = arith.index_cast %add3A_908 : i32 to index
        %get3A_924 = arith.constant 16 : index
        %get3A_925 = tpu.vector_load %arg12[%get3A_923, %get3A_924] {strides = array<i32>} : memref<80x128xf32, #tpu.memory_space<vmem>>, vector<1x16xf32>,
        %get3A_926 = vector.shape_cast %get3A_925 : vector<1x16xf32> to vector<16xf32>
        %mul3A_927 = arith.mulf %get3A_926, %get3A_912 : vector<16xf32>
        %swap3A_928 = arith.index_cast %add3A_908 : i32 to index
        %swap3A_929 = arith.constant 16 : index
        %swap3A_930 = tpu.vector_load %arg12[%swap3A_928, %swap3A_929] {strides = array<i32>} : memref<80x128xf32, #tpu.memory_space<vmem>>, vector<1x16xf32>,
        %swap3A_931 = vector.shape_cast %swap3A_930 : vector<1x16xf32> to vector<16xf32>
        %swap3A_932 = vector.shape_cast %mul3A_927 : vector<16xf32> to vector<1x16xf32>
        tpu.vector_store %arg12[%swap3A_928, %swap3A_929], %swap3A_932 {strides = array<i32>} : memref<80x128xf32, #tpu.memory_space<vmem>>, vector<1x16xf32>,
        %get3A_933 = arith.index_cast %add3A_908 : i32 to index
        %get3A_934 = arith.constant 32 : index
        %get3A_935 = tpu.vector_load %arg12[%get3A_933, %get3A_934] {strides = array<i32>} : memref<80x128xf32, #tpu.memory_space<vmem>>, vector<1x16xf32>,
        %get3A_936 = vector.shape_cast %get3A_935 : vector<1x16xf32> to vector<16xf32>
        %mul3A_937 = arith.mulf %get3A_936, %get3A_912 : vector<16xf32>
        %swap3A_938 = arith.index_cast %add3A_908 : i32 to index
        %swap3A_939 = arith.constant 32 : index
        %swap3A_940 = tpu.vector_load %arg12[%swap3A_938, %swap3A_939] {strides = array<i32>} : memref<80x128xf32, #tpu.memory_space<vmem>>, vector<1x16xf32>,
        %swap3A_941 = vector.shape_cast %swap3A_940 : vector<1x16xf32> to vector<16xf32>
        %swap3A_942 = vector.shape_cast %mul3A_937 : vector<16xf32> to vector<1x16xf32>
        tpu.vector_store %arg12[%swap3A_938, %swap3A_939], %swap3A_942 {strides = array<i32>} : memref<80x128xf32, #tpu.memory_space<vmem>>, vector<1x16xf32>,
        %get3A_943 = arith.index_cast %add3A_908 : i32 to index
        %get3A_944 = arith.constant 48 : index
        %get3A_945 = tpu.vector_load %arg12[%get3A_943, %get3A_944] {strides = array<i32>} : memref<80x128xf32, #tpu.memory_space<vmem>>, vector<1x16xf32>,
        %get3A_946 = vector.shape_cast %get3A_945 : vector<1x16xf32> to vector<16xf32>
        %mul3A_947 = arith.mulf %get3A_946, %get3A_912 : vector<16xf32>
        %swap3A_948 = arith.index_cast %add3A_908 : i32 to index
        %swap3A_949 = arith.constant 48 : index
        %swap3A_950 = tpu.vector_load %arg12[%swap3A_948, %swap3A_949] {strides = array<i32>} : memref<80x128xf32, #tpu.memory_space<vmem>>, vector<1x16xf32>,
        %swap3A_951 = vector.shape_cast %swap3A_950 : vector<1x16xf32> to vector<16xf32>
        %swap3A_952 = vector.shape_cast %mul3A_947 : vector<16xf32> to vector<1x16xf32>
        tpu.vector_store %arg12[%swap3A_948, %swap3A_949], %swap3A_952 {strides = array<i32>} : memref<80x128xf32, #tpu.memory_space<vmem>>, vector<1x16xf32>,
        %get3A_953 = arith.index_cast %add3A_908 : i32 to index
        %get3A_954 = arith.constant 64 : index
        %get3A_955 = tpu.vector_load %arg12[%get3A_953, %get3A_954] {strides = array<i32>} : memref<80x128xf32, #tpu.memory_space<vmem>>, vector<1x16xf32>,
        %get3A_956 = vector.shape_cast %get3A_955 : vector<1x16xf32> to vector<16xf32>
        %mul3A_957 = arith.mulf %get3A_956, %get3A_912 : vector<16xf32>
        %swap3A_958 = arith.index_cast %add3A_908 : i32 to index
        %swap3A_959 = arith.constant 64 : index
        %swap3A_960 = tpu.vector_load %arg12[%swap3A_958, %swap3A_959] {strides = array<i32>} : memref<80x128xf32, #tpu.memory_space<vmem>>, vector<1x16xf32>,
        %swap3A_961 = vector.shape_cast %swap3A_960 : vector<1x16xf32> to vector<16xf32>
        %swap3A_962 = vector.shape_cast %mul3A_957 : vector<16xf32> to vector<1x16xf32>
        tpu.vector_store %arg12[%swap3A_958, %swap3A_959], %swap3A_962 {strides = array<i32>} : memref<80x128xf32, #tpu.memory_space<vmem>>, vector<1x16xf32>,
        %get3A_963 = arith.index_cast %add3A_908 : i32 to index
        %get3A_964 = arith.constant 80 : index
        %get3A_965 = tpu.vector_load %arg12[%get3A_963, %get3A_964] {strides = array<i32>} : memref<80x128xf32, #tpu.memory_space<vmem>>, vector<1x16xf32>,
        %get3A_966 = vector.shape_cast %get3A_965 : vector<1x16xf32> to vector<16xf32>
        %mul3A_967 = arith.mulf %get3A_966, %get3A_912 : vector<16xf32>
        %swap3A_968 = arith.index_cast %add3A_908 : i32 to index
        %swap3A_969 = arith.constant 80 : index
        %swap3A_970 = tpu.vector_load %arg12[%swap3A_968, %swap3A_969] {strides = array<i32>} : memref<80x128xf32, #tpu.memory_space<vmem>>, vector<1x16xf32>,
        %swap3A_971 = vector.shape_cast %swap3A_970 : vector<1x16xf32> to vector<16xf32>
        %swap3A_972 = vector.shape_cast %mul3A_967 : vector<16xf32> to vector<1x16xf32>
        tpu.vector_store %arg12[%swap3A_968, %swap3A_969], %swap3A_972 {strides = array<i32>} : memref<80x128xf32, #tpu.memory_space<vmem>>, vector<1x16xf32>,
        %get3A_973 = arith.index_cast %add3A_908 : i32 to index
        %get3A_974 = arith.constant 96 : index
        %get3A_975 = tpu.vector_load %arg12[%get3A_973, %get3A_974] {strides = array<i32>} : memref<80x128xf32, #tpu.memory_space<vmem>>, vector<1x16xf32>,
        %get3A_976 = vector.shape_cast %get3A_975 : vector<1x16xf32> to vector<16xf32>
        %mul3A_977 = arith.mulf %get3A_976, %get3A_912 : vector<16xf32>
        %swap3A_978 = arith.index_cast %add3A_908 : i32 to index
        %swap3A_979 = arith.constant 96 : index
        %swap3A_980 = tpu.vector_load %arg12[%swap3A_978, %swap3A_979] {strides = array<i32>} : memref<80x128xf32, #tpu.memory_space<vmem>>, vector<1x16xf32>,
        %swap3A_981 = vector.shape_cast %swap3A_980 : vector<1x16xf32> to vector<16xf32>
        %swap3A_982 = vector.shape_cast %mul3A_977 : vector<16xf32> to vector<1x16xf32>
        tpu.vector_store %arg12[%swap3A_978, %swap3A_979], %swap3A_982 {strides = array<i32>} : memref<80x128xf32, #tpu.memory_space<vmem>>, vector<1x16xf32>,
        %get3A_983 = arith.index_cast %add3A_908 : i32 to index
        %get3A_984 = arith.constant 112 : index
        %get3A_985 = tpu.vector_load %arg12[%get3A_983, %get3A_984] {strides = array<i32>} : memref<80x128xf32, #tpu.memory_space<vmem>>, vector<1x16xf32>,
        %get3A_986 = vector.shape_cast %get3A_985 : vector<1x16xf32> to vector<16xf32>
        %mul3A_987 = arith.mulf %get3A_986, %get3A_912 : vector<16xf32>
        %swap3A_988 = arith.index_cast %add3A_908 : i32 to index
        %swap3A_989 = arith.constant 112 : index
        %swap3A_990 = tpu.vector_load %arg12[%swap3A_988, %swap3A_989] {strides = array<i32>} : memref<80x128xf32, #tpu.memory_space<vmem>>, vector<1x16xf32>,
        %swap3A_991 = vector.shape_cast %swap3A_990 : vector<1x16xf32> to vector<16xf32>
        %swap3A_992 = vector.shape_cast %mul3A_987 : vector<16xf32> to vector<1x16xf32>
        tpu.vector_store %arg12[%swap3A_988, %swap3A_989], %swap3A_992 {strides = array<i32>} : memref<80x128xf32, #tpu.memory_space<vmem>>, vector<1x16xf32>,
        %mul3A_993 = arith.constant 16 : i32
        %mul3A_994 = arith.muli %scan3A_112, %mul3A_993 : i32
        %add3A_995 = arith.constant 10 : i32
        %add3A_996 = arith.addi %mul3A_994, %add3A_995 : i32
        %get3A_997 = arith.index_cast %add3A_996 : i32 to index
        %get3A_998 = arith.constant 0 : index
        %get3A_999 = tpu.vector_load %arg13[%get3A_997, %get3A_998] {strides = array<i32>} : memref<80x16xf32, #tpu.memory_space<vmem>>, vector<1x16xf32>,
        %get3A_1000 = vector.shape_cast %get3A_999 : vector<1x16xf32> to vector<16xf32>
        %get3A_1001 = arith.index_cast %add3A_996 : i32 to index
        %get3A_1002 = arith.constant 0 : index
        %get3A_1003 = tpu.vector_load %arg12[%get3A_1001, %get3A_1002] {strides = array<i32>} : memref<80x128xf32, #tpu.memory_space<vmem>>, vector<1x16xf32>,
        %get3A_1004 = vector.shape_cast %get3A_1003 : vector<1x16xf32> to vector<16xf32>
        %mul3A_1005 = arith.mulf %get3A_1004, %get3A_1000 : vector<16xf32>
        %swap3A_1006 = arith.index_cast %add3A_996 : i32 to index
        %swap3A_1007 = arith.constant 0 : index
        %swap3A_1008 = tpu.vector_load %arg12[%swap3A_1006, %swap3A_1007] {strides = array<i32>} : memref<80x128xf32, #tpu.memory_space<vmem>>, vector<1x16xf32>,
        %swap3A_1009 = vector.shape_cast %swap3A_1008 : vector<1x16xf32> to vector<16xf32>
        %swap3A_1010 = vector.shape_cast %mul3A_1005 : vector<16xf32> to vector<1x16xf32>
        tpu.vector_store %arg12[%swap3A_1006, %swap3A_1007], %swap3A_1010 {strides = array<i32>} : memref<80x128xf32, #tpu.memory_space<vmem>>, vector<1x16xf32>,
        %get3A_1011 = arith.index_cast %add3A_996 : i32 to index
        %get3A_1012 = arith.constant 16 : index
        %get3A_1013 = tpu.vector_load %arg12[%get3A_1011, %get3A_1012] {strides = array<i32>} : memref<80x128xf32, #tpu.memory_space<vmem>>, vector<1x16xf32>,
        %get3A_1014 = vector.shape_cast %get3A_1013 : vector<1x16xf32> to vector<16xf32>
        %mul3A_1015 = arith.mulf %get3A_1014, %get3A_1000 : vector<16xf32>
        %swap3A_1016 = arith.index_cast %add3A_996 : i32 to index
        %swap3A_1017 = arith.constant 16 : index
        %swap3A_1018 = tpu.vector_load %arg12[%swap3A_1016, %swap3A_1017] {strides = array<i32>} : memref<80x128xf32, #tpu.memory_space<vmem>>, vector<1x16xf32>,
        %swap3A_1019 = vector.shape_cast %swap3A_1018 : vector<1x16xf32> to vector<16xf32>
        %swap3A_1020 = vector.shape_cast %mul3A_1015 : vector<16xf32> to vector<1x16xf32>
        tpu.vector_store %arg12[%swap3A_1016, %swap3A_1017], %swap3A_1020 {strides = array<i32>} : memref<80x128xf32, #tpu.memory_space<vmem>>, vector<1x16xf32>,
        %get3A_1021 = arith.index_cast %add3A_996 : i32 to index
        %get3A_1022 = arith.constant 32 : index
        %get3A_1023 = tpu.vector_load %arg12[%get3A_1021, %get3A_1022] {strides = array<i32>} : memref<80x128xf32, #tpu.memory_space<vmem>>, vector<1x16xf32>,
        %get3A_1024 = vector.shape_cast %get3A_1023 : vector<1x16xf32> to vector<16xf32>
        %mul3A_1025 = arith.mulf %get3A_1024, %get3A_1000 : vector<16xf32>
        %swap3A_1026 = arith.index_cast %add3A_996 : i32 to index
        %swap3A_1027 = arith.constant 32 : index
        %swap3A_1028 = tpu.vector_load %arg12[%swap3A_1026, %swap3A_1027] {strides = array<i32>} : memref<80x128xf32, #tpu.memory_space<vmem>>, vector<1x16xf32>,
        %swap3A_1029 = vector.shape_cast %swap3A_1028 : vector<1x16xf32> to vector<16xf32>
        %swap3A_1030 = vector.shape_cast %mul3A_1025 : vector<16xf32> to vector<1x16xf32>
        tpu.vector_store %arg12[%swap3A_1026, %swap3A_1027], %swap3A_1030 {strides = array<i32>} : memref<80x128xf32, #tpu.memory_space<vmem>>, vector<1x16xf32>,
        %get3A_1031 = arith.index_cast %add3A_996 : i32 to index
        %get3A_1032 = arith.constant 48 : index
        %get3A_1033 = tpu.vector_load %arg12[%get3A_1031, %get3A_1032] {strides = array<i32>} : memref<80x128xf32, #tpu.memory_space<vmem>>, vector<1x16xf32>,
        %get3A_1034 = vector.shape_cast %get3A_1033 : vector<1x16xf32> to vector<16xf32>
        %mul3A_1035 = arith.mulf %get3A_1034, %get3A_1000 : vector<16xf32>
        %swap3A_1036 = arith.index_cast %add3A_996 : i32 to index
        %swap3A_1037 = arith.constant 48 : index
        %swap3A_1038 = tpu.vector_load %arg12[%swap3A_1036, %swap3A_1037] {strides = array<i32>} : memref<80x128xf32, #tpu.memory_space<vmem>>, vector<1x16xf32>,
        %swap3A_1039 = vector.shape_cast %swap3A_1038 : vector<1x16xf32> to vector<16xf32>
        %swap3A_1040 = vector.shape_cast %mul3A_1035 : vector<16xf32> to vector<1x16xf32>
        tpu.vector_store %arg12[%swap3A_1036, %swap3A_1037], %swap3A_1040 {strides = array<i32>} : memref<80x128xf32, #tpu.memory_space<vmem>>, vector<1x16xf32>,
        %get3A_1041 = arith.index_cast %add3A_996 : i32 to index
        %get3A_1042 = arith.constant 64 : index
        %get3A_1043 = tpu.vector_load %arg12[%get3A_1041, %get3A_1042] {strides = array<i32>} : memref<80x128xf32, #tpu.memory_space<vmem>>, vector<1x16xf32>,
        %get3A_1044 = vector.shape_cast %get3A_1043 : vector<1x16xf32> to vector<16xf32>
        %mul3A_1045 = arith.mulf %get3A_1044, %get3A_1000 : vector<16xf32>
        %swap3A_1046 = arith.index_cast %add3A_996 : i32 to index
        %swap3A_1047 = arith.constant 64 : index
        %swap3A_1048 = tpu.vector_load %arg12[%swap3A_1046, %swap3A_1047] {strides = array<i32>} : memref<80x128xf32, #tpu.memory_space<vmem>>, vector<1x16xf32>,
        %swap3A_1049 = vector.shape_cast %swap3A_1048 : vector<1x16xf32> to vector<16xf32>
        %swap3A_1050 = vector.shape_cast %mul3A_1045 : vector<16xf32> to vector<1x16xf32>
        tpu.vector_store %arg12[%swap3A_1046, %swap3A_1047], %swap3A_1050 {strides = array<i32>} : memref<80x128xf32, #tpu.memory_space<vmem>>, vector<1x16xf32>,
        %get3A_1051 = arith.index_cast %add3A_996 : i32 to index
        %get3A_1052 = arith.constant 80 : index
        %get3A_1053 = tpu.vector_load %arg12[%get3A_1051, %get3A_1052] {strides = array<i32>} : memref<80x128xf32, #tpu.memory_space<vmem>>, vector<1x16xf32>,
        %get3A_1054 = vector.shape_cast %get3A_1053 : vector<1x16xf32> to vector<16xf32>
        %mul3A_1055 = arith.mulf %get3A_1054, %get3A_1000 : vector<16xf32>
        %swap3A_1056 = arith.index_cast %add3A_996 : i32 to index
        %swap3A_1057 = arith.constant 80 : index
        %swap3A_1058 = tpu.vector_load %arg12[%swap3A_1056, %swap3A_1057] {strides = array<i32>} : memref<80x128xf32, #tpu.memory_space<vmem>>, vector<1x16xf32>,
        %swap3A_1059 = vector.shape_cast %swap3A_1058 : vector<1x16xf32> to vector<16xf32>
        %swap3A_1060 = vector.shape_cast %mul3A_1055 : vector<16xf32> to vector<1x16xf32>
        tpu.vector_store %arg12[%swap3A_1056, %swap3A_1057], %swap3A_1060 {strides = array<i32>} : memref<80x128xf32, #tpu.memory_space<vmem>>, vector<1x16xf32>,
        %get3A_1061 = arith.index_cast %add3A_996 : i32 to index
        %get3A_1062 = arith.constant 96 : index
        %get3A_1063 = tpu.vector_load %arg12[%get3A_1061, %get3A_1062] {strides = array<i32>} : memref<80x128xf32, #tpu.memory_space<vmem>>, vector<1x16xf32>,
        %get3A_1064 = vector.shape_cast %get3A_1063 : vector<1x16xf32> to vector<16xf32>
        %mul3A_1065 = arith.mulf %get3A_1064, %get3A_1000 : vector<16xf32>
        %swap3A_1066 = arith.index_cast %add3A_996 : i32 to index
        %swap3A_1067 = arith.constant 96 : index
        %swap3A_1068 = tpu.vector_load %arg12[%swap3A_1066, %swap3A_1067] {strides = array<i32>} : memref<80x128xf32, #tpu.memory_space<vmem>>, vector<1x16xf32>,
        %swap3A_1069 = vector.shape_cast %swap3A_1068 : vector<1x16xf32> to vector<16xf32>
        %swap3A_1070 = vector.shape_cast %mul3A_1065 : vector<16xf32> to vector<1x16xf32>
        tpu.vector_store %arg12[%swap3A_1066, %swap3A_1067], %swap3A_1070 {strides = array<i32>} : memref<80x128xf32, #tpu.memory_space<vmem>>, vector<1x16xf32>,
        %get3A_1071 = arith.index_cast %add3A_996 : i32 to index
        %get3A_1072 = arith.constant 112 : index
        %get3A_1073 = tpu.vector_load %arg12[%get3A_1071, %get3A_1072] {strides = array<i32>} : memref<80x128xf32, #tpu.memory_space<vmem>>, vector<1x16xf32>,
        %get3A_1074 = vector.shape_cast %get3A_1073 : vector<1x16xf32> to vector<16xf32>
        %mul3A_1075 = arith.mulf %get3A_1074, %get3A_1000 : vector<16xf32>
        %swap3A_1076 = arith.index_cast %add3A_996 : i32 to index
        %swap3A_1077 = arith.constant 112 : index
        %swap3A_1078 = tpu.vector_load %arg12[%swap3A_1076, %swap3A_1077] {strides = array<i32>} : memref<80x128xf32, #tpu.memory_space<vmem>>, vector<1x16xf32>,
        %swap3A_1079 = vector.shape_cast %swap3A_1078 : vector<1x16xf32> to vector<16xf32>
        %swap3A_1080 = vector.shape_cast %mul3A_1075 : vector<16xf32> to vector<1x16xf32>
        tpu.vector_store %arg12[%swap3A_1076, %swap3A_1077], %swap3A_1080 {strides = array<i32>} : memref<80x128xf32, #tpu.memory_space<vmem>>, vector<1x16xf32>,
        %mul3A_1081 = arith.constant 16 : i32
        %mul3A_1082 = arith.muli %scan3A_112, %mul3A_1081 : i32
        %add3A_1083 = arith.constant 11 : i32
        %add3A_1084 = arith.addi %mul3A_1082, %add3A_1083 : i32
        %get3A_1085 = arith.index_cast %add3A_1084 : i32 to index
        %get3A_1086 = arith.constant 0 : index
        %get3A_1087 = tpu.vector_load %arg13[%get3A_1085, %get3A_1086] {strides = array<i32>} : memref<80x16xf32, #tpu.memory_space<vmem>>, vector<1x16xf32>,
        %get3A_1088 = vector.shape_cast %get3A_1087 : vector<1x16xf32> to vector<16xf32>
        %get3A_1089 = arith.index_cast %add3A_1084 : i32 to index
        %get3A_1090 = arith.constant 0 : index
        %get3A_1091 = tpu.vector_load %arg12[%get3A_1089, %get3A_1090] {strides = array<i32>} : memref<80x128xf32, #tpu.memory_space<vmem>>, vector<1x16xf32>,
        %get3A_1092 = vector.shape_cast %get3A_1091 : vector<1x16xf32> to vector<16xf32>
        %mul3A_1093 = arith.mulf %get3A_1092, %get3A_1088 : vector<16xf32>
        %swap3A_1094 = arith.index_cast %add3A_1084 : i32 to index
        %swap3A_1095 = arith.constant 0 : index
        %swap3A_1096 = tpu.vector_load %arg12[%swap3A_1094, %swap3A_1095] {strides = array<i32>} : memref<80x128xf32, #tpu.memory_space<vmem>>, vector<1x16xf32>,
        %swap3A_1097 = vector.shape_cast %swap3A_1096 : vector<1x16xf32> to vector<16xf32>
        %swap3A_1098 = vector.shape_cast %mul3A_1093 : vector<16xf32> to vector<1x16xf32>
        tpu.vector_store %arg12[%swap3A_1094, %swap3A_1095], %swap3A_1098 {strides = array<i32>} : memref<80x128xf32, #tpu.memory_space<vmem>>, vector<1x16xf32>,
        %get3A_1099 = arith.index_cast %add3A_1084 : i32 to index
        %get3A_1100 = arith.constant 16 : index
        %get3A_1101 = tpu.vector_load %arg12[%get3A_1099, %get3A_1100] {strides = array<i32>} : memref<80x128xf32, #tpu.memory_space<vmem>>, vector<1x16xf32>,
        %get3A_1102 = vector.shape_cast %get3A_1101 : vector<1x16xf32> to vector<16xf32>
        %mul3A_1103 = arith.mulf %get3A_1102, %get3A_1088 : vector<16xf32>
        %swap3A_1104 = arith.index_cast %add3A_1084 : i32 to index
        %swap3A_1105 = arith.constant 16 : index
        %swap3A_1106 = tpu.vector_load %arg12[%swap3A_1104, %swap3A_1105] {strides = array<i32>} : memref<80x128xf32, #tpu.memory_space<vmem>>, vector<1x16xf32>,
        %swap3A_1107 = vector.shape_cast %swap3A_1106 : vector<1x16xf32> to vector<16xf32>
        %swap3A_1108 = vector.shape_cast %mul3A_1103 : vector<16xf32> to vector<1x16xf32>
        tpu.vector_store %arg12[%swap3A_1104, %swap3A_1105], %swap3A_1108 {strides = array<i32>} : memref<80x128xf32, #tpu.memory_space<vmem>>, vector<1x16xf32>,
        %get3A_1109 = arith.index_cast %add3A_1084 : i32 to index
        %get3A_1110 = arith.constant 32 : index
        %get3A_1111 = tpu.vector_load %arg12[%get3A_1109, %get3A_1110] {strides = array<i32>} : memref<80x128xf32, #tpu.memory_space<vmem>>, vector<1x16xf32>,
        %get3A_1112 = vector.shape_cast %get3A_1111 : vector<1x16xf32> to vector<16xf32>
        %mul3A_1113 = arith.mulf %get3A_1112, %get3A_1088 : vector<16xf32>
        %swap3A_1114 = arith.index_cast %add3A_1084 : i32 to index
        %swap3A_1115 = arith.constant 32 : index
        %swap3A_1116 = tpu.vector_load %arg12[%swap3A_1114, %swap3A_1115] {strides = array<i32>} : memref<80x128xf32, #tpu.memory_space<vmem>>, vector<1x16xf32>,
        %swap3A_1117 = vector.shape_cast %swap3A_1116 : vector<1x16xf32> to vector<16xf32>
        %swap3A_1118 = vector.shape_cast %mul3A_1113 : vector<16xf32> to vector<1x16xf32>
        tpu.vector_store %arg12[%swap3A_1114, %swap3A_1115], %swap3A_1118 {strides = array<i32>} : memref<80x128xf32, #tpu.memory_space<vmem>>, vector<1x16xf32>,
        %get3A_1119 = arith.index_cast %add3A_1084 : i32 to index
        %get3A_1120 = arith.constant 48 : index
        %get3A_1121 = tpu.vector_load %arg12[%get3A_1119, %get3A_1120] {strides = array<i32>} : memref<80x128xf32, #tpu.memory_space<vmem>>, vector<1x16xf32>,
        %get3A_1122 = vector.shape_cast %get3A_1121 : vector<1x16xf32> to vector<16xf32>
        %mul3A_1123 = arith.mulf %get3A_1122, %get3A_1088 : vector<16xf32>
        %swap3A_1124 = arith.index_cast %add3A_1084 : i32 to index
        %swap3A_1125 = arith.constant 48 : index
        %swap3A_1126 = tpu.vector_load %arg12[%swap3A_1124, %swap3A_1125] {strides = array<i32>} : memref<80x128xf32, #tpu.memory_space<vmem>>, vector<1x16xf32>,
        %swap3A_1127 = vector.shape_cast %swap3A_1126 : vector<1x16xf32> to vector<16xf32>
        %swap3A_1128 = vector.shape_cast %mul3A_1123 : vector<16xf32> to vector<1x16xf32>
        tpu.vector_store %arg12[%swap3A_1124, %swap3A_1125], %swap3A_1128 {strides = array<i32>} : memref<80x128xf32, #tpu.memory_space<vmem>>, vector<1x16xf32>,
        %get3A_1129 = arith.index_cast %add3A_1084 : i32 to index
        %get3A_1130 = arith.constant 64 : index
        %get3A_1131 = tpu.vector_load %arg12[%get3A_1129, %get3A_1130] {strides = array<i32>} : memref<80x128xf32, #tpu.memory_space<vmem>>, vector<1x16xf32>,
        %get3A_1132 = vector.shape_cast %get3A_1131 : vector<1x16xf32> to vector<16xf32>
        %mul3A_1133 = arith.mulf %get3A_1132, %get3A_1088 : vector<16xf32>
        %swap3A_1134 = arith.index_cast %add3A_1084 : i32 to index
        %swap3A_1135 = arith.constant 64 : index
        %swap3A_1136 = tpu.vector_load %arg12[%swap3A_1134, %swap3A_1135] {strides = array<i32>} : memref<80x128xf32, #tpu.memory_space<vmem>>, vector<1x16xf32>,
        %swap3A_1137 = vector.shape_cast %swap3A_1136 : vector<1x16xf32> to vector<16xf32>
        %swap3A_1138 = vector.shape_cast %mul3A_1133 : vector<16xf32> to vector<1x16xf32>
        tpu.vector_store %arg12[%swap3A_1134, %swap3A_1135], %swap3A_1138 {strides = array<i32>} : memref<80x128xf32, #tpu.memory_space<vmem>>, vector<1x16xf32>,
        %get3A_1139 = arith.index_cast %add3A_1084 : i32 to index
        %get3A_1140 = arith.constant 80 : index
        %get3A_1141 = tpu.vector_load %arg12[%get3A_1139, %get3A_1140] {strides = array<i32>} : memref<80x128xf32, #tpu.memory_space<vmem>>, vector<1x16xf32>,
        %get3A_1142 = vector.shape_cast %get3A_1141 : vector<1x16xf32> to vector<16xf32>
        %mul3A_1143 = arith.mulf %get3A_1142, %get3A_1088 : vector<16xf32>
        %swap3A_1144 = arith.index_cast %add3A_1084 : i32 to index
        %swap3A_1145 = arith.constant 80 : index
        %swap3A_1146 = tpu.vector_load %arg12[%swap3A_1144, %swap3A_1145] {strides = array<i32>} : memref<80x128xf32, #tpu.memory_space<vmem>>, vector<1x16xf32>,
        %swap3A_1147 = vector.shape_cast %swap3A_1146 : vector<1x16xf32> to vector<16xf32>
        %swap3A_1148 = vector.shape_cast %mul3A_1143 : vector<16xf32> to vector<1x16xf32>
        tpu.vector_store %arg12[%swap3A_1144, %swap3A_1145], %swap3A_1148 {strides = array<i32>} : memref<80x128xf32, #tpu.memory_space<vmem>>, vector<1x16xf32>,
        %get3A_1149 = arith.index_cast %add3A_1084 : i32 to index
        %get3A_1150 = arith.constant 96 : index
        %get3A_1151 = tpu.vector_load %arg12[%get3A_1149, %get3A_1150] {strides = array<i32>} : memref<80x128xf32, #tpu.memory_space<vmem>>, vector<1x16xf32>,
        %get3A_1152 = vector.shape_cast %get3A_1151 : vector<1x16xf32> to vector<16xf32>
        %mul3A_1153 = arith.mulf %get3A_1152, %get3A_1088 : vector<16xf32>
        %swap3A_1154 = arith.index_cast %add3A_1084 : i32 to index
        %swap3A_1155 = arith.constant 96 : index
        %swap3A_1156 = tpu.vector_load %arg12[%swap3A_1154, %swap3A_1155] {strides = array<i32>} : memref<80x128xf32, #tpu.memory_space<vmem>>, vector<1x16xf32>,
        %swap3A_1157 = vector.shape_cast %swap3A_1156 : vector<1x16xf32> to vector<16xf32>
        %swap3A_1158 = vector.shape_cast %mul3A_1153 : vector<16xf32> to vector<1x16xf32>
        tpu.vector_store %arg12[%swap3A_1154, %swap3A_1155], %swap3A_1158 {strides = array<i32>} : memref<80x128xf32, #tpu.memory_space<vmem>>, vector<1x16xf32>,
        %get3A_1159 = arith.index_cast %add3A_1084 : i32 to index
        %get3A_1160 = arith.constant 112 : index
        %get3A_1161 = tpu.vector_load %arg12[%get3A_1159, %get3A_1160] {strides = array<i32>} : memref<80x128xf32, #tpu.memory_space<vmem>>, vector<1x16xf32>,
        %get3A_1162 = vector.shape_cast %get3A_1161 : vector<1x16xf32> to vector<16xf32>
        %mul3A_1163 = arith.mulf %get3A_1162, %get3A_1088 : vector<16xf32>
        %swap3A_1164 = arith.index_cast %add3A_1084 : i32 to index
        %swap3A_1165 = arith.constant 112 : index
        %swap3A_1166 = tpu.vector_load %arg12[%swap3A_1164, %swap3A_1165] {strides = array<i32>} : memref<80x128xf32, #tpu.memory_space<vmem>>, vector<1x16xf32>,
        %swap3A_1167 = vector.shape_cast %swap3A_1166 : vector<1x16xf32> to vector<16xf32>
        %swap3A_1168 = vector.shape_cast %mul3A_1163 : vector<16xf32> to vector<1x16xf32>
        tpu.vector_store %arg12[%swap3A_1164, %swap3A_1165], %swap3A_1168 {strides = array<i32>} : memref<80x128xf32, #tpu.memory_space<vmem>>, vector<1x16xf32>,
        %mul3A_1169 = arith.constant 16 : i32
        %mul3A_1170 = arith.muli %scan3A_112, %mul3A_1169 : i32
        %add3A_1171 = arith.constant 12 : i32
        %add3A_1172 = arith.addi %mul3A_1170, %add3A_1171 : i32
        %get3A_1173 = arith.index_cast %add3A_1172 : i32 to index
        %get3A_1174 = arith.constant 0 : index
        %get3A_1175 = tpu.vector_load %arg13[%get3A_1173, %get3A_1174] {strides = array<i32>} : memref<80x16xf32, #tpu.memory_space<vmem>>, vector<1x16xf32>,
        %get3A_1176 = vector.shape_cast %get3A_1175 : vector<1x16xf32> to vector<16xf32>
        %get3A_1177 = arith.index_cast %add3A_1172 : i32 to index
        %get3A_1178 = arith.constant 0 : index
        %get3A_1179 = tpu.vector_load %arg12[%get3A_1177, %get3A_1178] {strides = array<i32>} : memref<80x128xf32, #tpu.memory_space<vmem>>, vector<1x16xf32>,
        %get3A_1180 = vector.shape_cast %get3A_1179 : vector<1x16xf32> to vector<16xf32>
        %mul3A_1181 = arith.mulf %get3A_1180, %get3A_1176 : vector<16xf32>
        %swap3A_1182 = arith.index_cast %add3A_1172 : i32 to index
        %swap3A_1183 = arith.constant 0 : index
        %swap3A_1184 = tpu.vector_load %arg12[%swap3A_1182, %swap3A_1183] {strides = array<i32>} : memref<80x128xf32, #tpu.memory_space<vmem>>, vector<1x16xf32>,
        %swap3A_1185 = vector.shape_cast %swap3A_1184 : vector<1x16xf32> to vector<16xf32>
        %swap3A_1186 = vector.shape_cast %mul3A_1181 : vector<16xf32> to vector<1x16xf32>
        tpu.vector_store %arg12[%swap3A_1182, %swap3A_1183], %swap3A_1186 {strides = array<i32>} : memref<80x128xf32, #tpu.memory_space<vmem>>, vector<1x16xf32>,
        %get3A_1187 = arith.index_cast %add3A_1172 : i32 to index
        %get3A_1188 = arith.constant 16 : index
        %get3A_1189 = tpu.vector_load %arg12[%get3A_1187, %get3A_1188] {strides = array<i32>} : memref<80x128xf32, #tpu.memory_space<vmem>>, vector<1x16xf32>,
        %get3A_1190 = vector.shape_cast %get3A_1189 : vector<1x16xf32> to vector<16xf32>
        %mul3A_1191 = arith.mulf %get3A_1190, %get3A_1176 : vector<16xf32>
        %swap3A_1192 = arith.index_cast %add3A_1172 : i32 to index
        %swap3A_1193 = arith.constant 16 : index
        %swap3A_1194 = tpu.vector_load %arg12[%swap3A_1192, %swap3A_1193] {strides = array<i32>} : memref<80x128xf32, #tpu.memory_space<vmem>>, vector<1x16xf32>,
        %swap3A_1195 = vector.shape_cast %swap3A_1194 : vector<1x16xf32> to vector<16xf32>
        %swap3A_1196 = vector.shape_cast %mul3A_1191 : vector<16xf32> to vector<1x16xf32>
        tpu.vector_store %arg12[%swap3A_1192, %swap3A_1193], %swap3A_1196 {strides = array<i32>} : memref<80x128xf32, #tpu.memory_space<vmem>>, vector<1x16xf32>,
        %get3A_1197 = arith.index_cast %add3A_1172 : i32 to index
        %get3A_1198 = arith.constant 32 : index
        %get3A_1199 = tpu.vector_load %arg12[%get3A_1197, %get3A_1198] {strides = array<i32>} : memref<80x128xf32, #tpu.memory_space<vmem>>, vector<1x16xf32>,
        %get3A_1200 = vector.shape_cast %get3A_1199 : vector<1x16xf32> to vector<16xf32>
        %mul3A_1201 = arith.mulf %get3A_1200, %get3A_1176 : vector<16xf32>
        %swap3A_1202 = arith.index_cast %add3A_1172 : i32 to index
        %swap3A_1203 = arith.constant 32 : index
        %swap3A_1204 = tpu.vector_load %arg12[%swap3A_1202, %swap3A_1203] {strides = array<i32>} : memref<80x128xf32, #tpu.memory_space<vmem>>, vector<1x16xf32>,
        %swap3A_1205 = vector.shape_cast %swap3A_1204 : vector<1x16xf32> to vector<16xf32>
        %swap3A_1206 = vector.shape_cast %mul3A_1201 : vector<16xf32> to vector<1x16xf32>
        tpu.vector_store %arg12[%swap3A_1202, %swap3A_1203], %swap3A_1206 {strides = array<i32>} : memref<80x128xf32, #tpu.memory_space<vmem>>, vector<1x16xf32>,
        %get3A_1207 = arith.index_cast %add3A_1172 : i32 to index
        %get3A_1208 = arith.constant 48 : index
        %get3A_1209 = tpu.vector_load %arg12[%get3A_1207, %get3A_1208] {strides = array<i32>} : memref<80x128xf32, #tpu.memory_space<vmem>>, vector<1x16xf32>,
        %get3A_1210 = vector.shape_cast %get3A_1209 : vector<1x16xf32> to vector<16xf32>
        %mul3A_1211 = arith.mulf %get3A_1210, %get3A_1176 : vector<16xf32>
        %swap3A_1212 = arith.index_cast %add3A_1172 : i32 to index
        %swap3A_1213 = arith.constant 48 : index
        %swap3A_1214 = tpu.vector_load %arg12[%swap3A_1212, %swap3A_1213] {strides = array<i32>} : memref<80x128xf32, #tpu.memory_space<vmem>>, vector<1x16xf32>,
        %swap3A_1215 = vector.shape_cast %swap3A_1214 : vector<1x16xf32> to vector<16xf32>
        %swap3A_1216 = vector.shape_cast %mul3A_1211 : vector<16xf32> to vector<1x16xf32>
        tpu.vector_store %arg12[%swap3A_1212, %swap3A_1213], %swap3A_1216 {strides = array<i32>} : memref<80x128xf32, #tpu.memory_space<vmem>>, vector<1x16xf32>,
        %get3A_1217 = arith.index_cast %add3A_1172 : i32 to index
        %get3A_1218 = arith.constant 64 : index
        %get3A_1219 = tpu.vector_load %arg12[%get3A_1217, %get3A_1218] {strides = array<i32>} : memref<80x128xf32, #tpu.memory_space<vmem>>, vector<1x16xf32>,
        %get3A_1220 = vector.shape_cast %get3A_1219 : vector<1x16xf32> to vector<16xf32>
        %mul3A_1221 = arith.mulf %get3A_1220, %get3A_1176 : vector<16xf32>
        %swap3A_1222 = arith.index_cast %add3A_1172 : i32 to index
        %swap3A_1223 = arith.constant 64 : index
        %swap3A_1224 = tpu.vector_load %arg12[%swap3A_1222, %swap3A_1223] {strides = array<i32>} : memref<80x128xf32, #tpu.memory_space<vmem>>, vector<1x16xf32>,
        %swap3A_1225 = vector.shape_cast %swap3A_1224 : vector<1x16xf32> to vector<16xf32>
        %swap3A_1226 = vector.shape_cast %mul3A_1221 : vector<16xf32> to vector<1x16xf32>
        tpu.vector_store %arg12[%swap3A_1222, %swap3A_1223], %swap3A_1226 {strides = array<i32>} : memref<80x128xf32, #tpu.memory_space<vmem>>, vector<1x16xf32>,
        %get3A_1227 = arith.index_cast %add3A_1172 : i32 to index
        %get3A_1228 = arith.constant 80 : index
        %get3A_1229 = tpu.vector_load %arg12[%get3A_1227, %get3A_1228] {strides = array<i32>} : memref<80x128xf32, #tpu.memory_space<vmem>>, vector<1x16xf32>,
        %get3A_1230 = vector.shape_cast %get3A_1229 : vector<1x16xf32> to vector<16xf32>
        %mul3A_1231 = arith.mulf %get3A_1230, %get3A_1176 : vector<16xf32>
        %swap3A_1232 = arith.index_cast %add3A_1172 : i32 to index
        %swap3A_1233 = arith.constant 80 : index
        %swap3A_1234 = tpu.vector_load %arg12[%swap3A_1232, %swap3A_1233] {strides = array<i32>} : memref<80x128xf32, #tpu.memory_space<vmem>>, vector<1x16xf32>,
        %swap3A_1235 = vector.shape_cast %swap3A_1234 : vector<1x16xf32> to vector<16xf32>
        %swap3A_1236 = vector.shape_cast %mul3A_1231 : vector<16xf32> to vector<1x16xf32>
        tpu.vector_store %arg12[%swap3A_1232, %swap3A_1233], %swap3A_1236 {strides = array<i32>} : memref<80x128xf32, #tpu.memory_space<vmem>>, vector<1x16xf32>,
        %get3A_1237 = arith.index_cast %add3A_1172 : i32 to index
        %get3A_1238 = arith.constant 96 : index
        %get3A_1239 = tpu.vector_load %arg12[%get3A_1237, %get3A_1238] {strides = array<i32>} : memref<80x128xf32, #tpu.memory_space<vmem>>, vector<1x16xf32>,
        %get3A_1240 = vector.shape_cast %get3A_1239 : vector<1x16xf32> to vector<16xf32>
        %mul3A_1241 = arith.mulf %get3A_1240, %get3A_1176 : vector<16xf32>
        %swap3A_1242 = arith.index_cast %add3A_1172 : i32 to index
        %swap3A_1243 = arith.constant 96 : index
        %swap3A_1244 = tpu.vector_load %arg12[%swap3A_1242, %swap3A_1243] {strides = array<i32>} : memref<80x128xf32, #tpu.memory_space<vmem>>, vector<1x16xf32>,
        %swap3A_1245 = vector.shape_cast %swap3A_1244 : vector<1x16xf32> to vector<16xf32>
        %swap3A_1246 = vector.shape_cast %mul3A_1241 : vector<16xf32> to vector<1x16xf32>
        tpu.vector_store %arg12[%swap3A_1242, %swap3A_1243], %swap3A_1246 {strides = array<i32>} : memref<80x128xf32, #tpu.memory_space<vmem>>, vector<1x16xf32>,
        %get3A_1247 = arith.index_cast %add3A_1172 : i32 to index
        %get3A_1248 = arith.constant 112 : index
        %get3A_1249 = tpu.vector_load %arg12[%get3A_1247, %get3A_1248] {strides = array<i32>} : memref<80x128xf32, #tpu.memory_space<vmem>>, vector<1x16xf32>,
        %get3A_1250 = vector.shape_cast %get3A_1249 : vector<1x16xf32> to vector<16xf32>
        %mul3A_1251 = arith.mulf %get3A_1250, %get3A_1176 : vector<16xf32>
        %swap3A_1252 = arith.index_cast %add3A_1172 : i32 to index
        %swap3A_1253 = arith.constant 112 : index
        %swap3A_1254 = tpu.vector_load %arg12[%swap3A_1252, %swap3A_1253] {strides = array<i32>} : memref<80x128xf32, #tpu.memory_space<vmem>>, vector<1x16xf32>,
        %swap3A_1255 = vector.shape_cast %swap3A_1254 : vector<1x16xf32> to vector<16xf32>
        %swap3A_1256 = vector.shape_cast %mul3A_1251 : vector<16xf32> to vector<1x16xf32>
        tpu.vector_store %arg12[%swap3A_1252, %swap3A_1253], %swap3A_1256 {strides = array<i32>} : memref<80x128xf32, #tpu.memory_space<vmem>>, vector<1x16xf32>,
        %mul3A_1257 = arith.constant 16 : i32
        %mul3A_1258 = arith.muli %scan3A_112, %mul3A_1257 : i32
        %add3A_1259 = arith.constant 13 : i32
        %add3A_1260 = arith.addi %mul3A_1258, %add3A_1259 : i32
        %get3A_1261 = arith.index_cast %add3A_1260 : i32 to index
        %get3A_1262 = arith.constant 0 : index
        %get3A_1263 = tpu.vector_load %arg13[%get3A_1261, %get3A_1262] {strides = array<i32>} : memref<80x16xf32, #tpu.memory_space<vmem>>, vector<1x16xf32>,
        %get3A_1264 = vector.shape_cast %get3A_1263 : vector<1x16xf32> to vector<16xf32>
        %get3A_1265 = arith.index_cast %add3A_1260 : i32 to index
        %get3A_1266 = arith.constant 0 : index
        %get3A_1267 = tpu.vector_load %arg12[%get3A_1265, %get3A_1266] {strides = array<i32>} : memref<80x128xf32, #tpu.memory_space<vmem>>, vector<1x16xf32>,
        %get3A_1268 = vector.shape_cast %get3A_1267 : vector<1x16xf32> to vector<16xf32>
        %mul3A_1269 = arith.mulf %get3A_1268, %get3A_1264 : vector<16xf32>
        %swap3A_1270 = arith.index_cast %add3A_1260 : i32 to index
        %swap3A_1271 = arith.constant 0 : index
        %swap3A_1272 = tpu.vector_load %arg12[%swap3A_1270, %swap3A_1271] {strides = array<i32>} : memref<80x128xf32, #tpu.memory_space<vmem>>, vector<1x16xf32>,
        %swap3A_1273 = vector.shape_cast %swap3A_1272 : vector<1x16xf32> to vector<16xf32>
        %swap3A_1274 = vector.shape_cast %mul3A_1269 : vector<16xf32> to vector<1x16xf32>
        tpu.vector_store %arg12[%swap3A_1270, %swap3A_1271], %swap3A_1274 {strides = array<i32>} : memref<80x128xf32, #tpu.memory_space<vmem>>, vector<1x16xf32>,
        %get3A_1275 = arith.index_cast %add3A_1260 : i32 to index
        %get3A_1276 = arith.constant 16 : index
        %get3A_1277 = tpu.vector_load %arg12[%get3A_1275, %get3A_1276] {strides = array<i32>} : memref<80x128xf32, #tpu.memory_space<vmem>>, vector<1x16xf32>,
        %get3A_1278 = vector.shape_cast %get3A_1277 : vector<1x16xf32> to vector<16xf32>
        %mul3A_1279 = arith.mulf %get3A_1278, %get3A_1264 : vector<16xf32>
        %swap3A_1280 = arith.index_cast %add3A_1260 : i32 to index
        %swap3A_1281 = arith.constant 16 : index
        %swap3A_1282 = tpu.vector_load %arg12[%swap3A_1280, %swap3A_1281] {strides = array<i32>} : memref<80x128xf32, #tpu.memory_space<vmem>>, vector<1x16xf32>,
        %swap3A_1283 = vector.shape_cast %swap3A_1282 : vector<1x16xf32> to vector<16xf32>
        %swap3A_1284 = vector.shape_cast %mul3A_1279 : vector<16xf32> to vector<1x16xf32>
        tpu.vector_store %arg12[%swap3A_1280, %swap3A_1281], %swap3A_1284 {strides = array<i32>} : memref<80x128xf32, #tpu.memory_space<vmem>>, vector<1x16xf32>,
        %get3A_1285 = arith.index_cast %add3A_1260 : i32 to index
        %get3A_1286 = arith.constant 32 : index
        %get3A_1287 = tpu.vector_load %arg12[%get3A_1285, %get3A_1286] {strides = array<i32>} : memref<80x128xf32, #tpu.memory_space<vmem>>, vector<1x16xf32>,
        %get3A_1288 = vector.shape_cast %get3A_1287 : vector<1x16xf32> to vector<16xf32>
        %mul3A_1289 = arith.mulf %get3A_1288, %get3A_1264 : vector<16xf32>
        %swap3A_1290 = arith.index_cast %add3A_1260 : i32 to index
        %swap3A_1291 = arith.constant 32 : index
        %swap3A_1292 = tpu.vector_load %arg12[%swap3A_1290, %swap3A_1291] {strides = array<i32>} : memref<80x128xf32, #tpu.memory_space<vmem>>, vector<1x16xf32>,
        %swap3A_1293 = vector.shape_cast %swap3A_1292 : vector<1x16xf32> to vector<16xf32>
        %swap3A_1294 = vector.shape_cast %mul3A_1289 : vector<16xf32> to vector<1x16xf32>
        tpu.vector_store %arg12[%swap3A_1290, %swap3A_1291], %swap3A_1294 {strides = array<i32>} : memref<80x128xf32, #tpu.memory_space<vmem>>, vector<1x16xf32>,
        %get3A_1295 = arith.index_cast %add3A_1260 : i32 to index
        %get3A_1296 = arith.constant 48 : index
        %get3A_1297 = tpu.vector_load %arg12[%get3A_1295, %get3A_1296] {strides = array<i32>} : memref<80x128xf32, #tpu.memory_space<vmem>>, vector<1x16xf32>,
        %get3A_1298 = vector.shape_cast %get3A_1297 : vector<1x16xf32> to vector<16xf32>
        %mul3A_1299 = arith.mulf %get3A_1298, %get3A_1264 : vector<16xf32>
        %swap3A_1300 = arith.index_cast %add3A_1260 : i32 to index
        %swap3A_1301 = arith.constant 48 : index
        %swap3A_1302 = tpu.vector_load %arg12[%swap3A_1300, %swap3A_1301] {strides = array<i32>} : memref<80x128xf32, #tpu.memory_space<vmem>>, vector<1x16xf32>,
        %swap3A_1303 = vector.shape_cast %swap3A_1302 : vector<1x16xf32> to vector<16xf32>
        %swap3A_1304 = vector.shape_cast %mul3A_1299 : vector<16xf32> to vector<1x16xf32>
        tpu.vector_store %arg12[%swap3A_1300, %swap3A_1301], %swap3A_1304 {strides = array<i32>} : memref<80x128xf32, #tpu.memory_space<vmem>>, vector<1x16xf32>,
        %get3A_1305 = arith.index_cast %add3A_1260 : i32 to index
        %get3A_1306 = arith.constant 64 : index
        %get3A_1307 = tpu.vector_load %arg12[%get3A_1305, %get3A_1306] {strides = array<i32>} : memref<80x128xf32, #tpu.memory_space<vmem>>, vector<1x16xf32>,
        %get3A_1308 = vector.shape_cast %get3A_1307 : vector<1x16xf32> to vector<16xf32>
        %mul3A_1309 = arith.mulf %get3A_1308, %get3A_1264 : vector<16xf32>
        %swap3A_1310 = arith.index_cast %add3A_1260 : i32 to index
        %swap3A_1311 = arith.constant 64 : index
        %swap3A_1312 = tpu.vector_load %arg12[%swap3A_1310, %swap3A_1311] {strides = array<i32>} : memref<80x128xf32, #tpu.memory_space<vmem>>, vector<1x16xf32>,
        %swap3A_1313 = vector.shape_cast %swap3A_1312 : vector<1x16xf32> to vector<16xf32>
        %swap3A_1314 = vector.shape_cast %mul3A_1309 : vector<16xf32> to vector<1x16xf32>
        tpu.vector_store %arg12[%swap3A_1310, %swap3A_1311], %swap3A_1314 {strides = array<i32>} : memref<80x128xf32, #tpu.memory_space<vmem>>, vector<1x16xf32>,
        %get3A_1315 = arith.index_cast %add3A_1260 : i32 to index
        %get3A_1316 = arith.constant 80 : index
        %get3A_1317 = tpu.vector_load %arg12[%get3A_1315, %get3A_1316] {strides = array<i32>} : memref<80x128xf32, #tpu.memory_space<vmem>>, vector<1x16xf32>,
        %get3A_1318 = vector.shape_cast %get3A_1317 : vector<1x16xf32> to vector<16xf32>
        %mul3A_1319 = arith.mulf %get3A_1318, %get3A_1264 : vector<16xf32>
        %swap3A_1320 = arith.index_cast %add3A_1260 : i32 to index
        %swap3A_1321 = arith.constant 80 : index
        %swap3A_1322 = tpu.vector_load %arg12[%swap3A_1320, %swap3A_1321] {strides = array<i32>} : memref<80x128xf32, #tpu.memory_space<vmem>>, vector<1x16xf32>,
        %swap3A_1323 = vector.shape_cast %swap3A_1322 : vector<1x16xf32> to vector<16xf32>
        %swap3A_1324 = vector.shape_cast %mul3A_1319 : vector<16xf32> to vector<1x16xf32>
        tpu.vector_store %arg12[%swap3A_1320, %swap3A_1321], %swap3A_1324 {strides = array<i32>} : memref<80x128xf32, #tpu.memory_space<vmem>>, vector<1x16xf32>,
        %get3A_1325 = arith.index_cast %add3A_1260 : i32 to index
        %get3A_1326 = arith.constant 96 : index
        %get3A_1327 = tpu.vector_load %arg12[%get3A_1325, %get3A_1326] {strides = array<i32>} : memref<80x128xf32, #tpu.memory_space<vmem>>, vector<1x16xf32>,
        %get3A_1328 = vector.shape_cast %get3A_1327 : vector<1x16xf32> to vector<16xf32>
        %mul3A_1329 = arith.mulf %get3A_1328, %get3A_1264 : vector<16xf32>
        %swap3A_1330 = arith.index_cast %add3A_1260 : i32 to index
        %swap3A_1331 = arith.constant 96 : index
        %swap3A_1332 = tpu.vector_load %arg12[%swap3A_1330, %swap3A_1331] {strides = array<i32>} : memref<80x128xf32, #tpu.memory_space<vmem>>, vector<1x16xf32>,
        %swap3A_1333 = vector.shape_cast %swap3A_1332 : vector<1x16xf32> to vector<16xf32>
        %swap3A_1334 = vector.shape_cast %mul3A_1329 : vector<16xf32> to vector<1x16xf32>
        tpu.vector_store %arg12[%swap3A_1330, %swap3A_1331], %swap3A_1334 {strides = array<i32>} : memref<80x128xf32, #tpu.memory_space<vmem>>, vector<1x16xf32>,
        %get3A_1335 = arith.index_cast %add3A_1260 : i32 to index
        %get3A_1336 = arith.constant 112 : index
        %get3A_1337 = tpu.vector_load %arg12[%get3A_1335, %get3A_1336] {strides = array<i32>} : memref<80x128xf32, #tpu.memory_space<vmem>>, vector<1x16xf32>,
        %get3A_1338 = vector.shape_cast %get3A_1337 : vector<1x16xf32> to vector<16xf32>
        %mul3A_1339 = arith.mulf %get3A_1338, %get3A_1264 : vector<16xf32>
        %swap3A_1340 = arith.index_cast %add3A_1260 : i32 to index
        %swap3A_1341 = arith.constant 112 : index
        %swap3A_1342 = tpu.vector_load %arg12[%swap3A_1340, %swap3A_1341] {strides = array<i32>} : memref<80x128xf32, #tpu.memory_space<vmem>>, vector<1x16xf32>,
        %swap3A_1343 = vector.shape_cast %swap3A_1342 : vector<1x16xf32> to vector<16xf32>
        %swap3A_1344 = vector.shape_cast %mul3A_1339 : vector<16xf32> to vector<1x16xf32>
        tpu.vector_store %arg12[%swap3A_1340, %swap3A_1341], %swap3A_1344 {strides = array<i32>} : memref<80x128xf32, #tpu.memory_space<vmem>>, vector<1x16xf32>,
        %mul3A_1345 = arith.constant 16 : i32
        %mul3A_1346 = arith.muli %scan3A_112, %mul3A_1345 : i32
        %add3A_1347 = arith.constant 14 : i32
        %add3A_1348 = arith.addi %mul3A_1346, %add3A_1347 : i32
        %get3A_1349 = arith.index_cast %add3A_1348 : i32 to index
        %get3A_1350 = arith.constant 0 : index
        %get3A_1351 = tpu.vector_load %arg13[%get3A_1349, %get3A_1350] {strides = array<i32>} : memref<80x16xf32, #tpu.memory_space<vmem>>, vector<1x16xf32>,
        %get3A_1352 = vector.shape_cast %get3A_1351 : vector<1x16xf32> to vector<16xf32>
        %get3A_1353 = arith.index_cast %add3A_1348 : i32 to index
        %get3A_1354 = arith.constant 0 : index
        %get3A_1355 = tpu.vector_load %arg12[%get3A_1353, %get3A_1354] {strides = array<i32>} : memref<80x128xf32, #tpu.memory_space<vmem>>, vector<1x16xf32>,
        %get3A_1356 = vector.shape_cast %get3A_1355 : vector<1x16xf32> to vector<16xf32>
        %mul3A_1357 = arith.mulf %get3A_1356, %get3A_1352 : vector<16xf32>
        %swap3A_1358 = arith.index_cast %add3A_1348 : i32 to index
        %swap3A_1359 = arith.constant 0 : index
        %swap3A_1360 = tpu.vector_load %arg12[%swap3A_1358, %swap3A_1359] {strides = array<i32>} : memref<80x128xf32, #tpu.memory_space<vmem>>, vector<1x16xf32>,
        %swap3A_1361 = vector.shape_cast %swap3A_1360 : vector<1x16xf32> to vector<16xf32>
        %swap3A_1362 = vector.shape_cast %mul3A_1357 : vector<16xf32> to vector<1x16xf32>
        tpu.vector_store %arg12[%swap3A_1358, %swap3A_1359], %swap3A_1362 {strides = array<i32>} : memref<80x128xf32, #tpu.memory_space<vmem>>, vector<1x16xf32>,
        %get3A_1363 = arith.index_cast %add3A_1348 : i32 to index
        %get3A_1364 = arith.constant 16 : index
        %get3A_1365 = tpu.vector_load %arg12[%get3A_1363, %get3A_1364] {strides = array<i32>} : memref<80x128xf32, #tpu.memory_space<vmem>>, vector<1x16xf32>,
        %get3A_1366 = vector.shape_cast %get3A_1365 : vector<1x16xf32> to vector<16xf32>
        %mul3A_1367 = arith.mulf %get3A_1366, %get3A_1352 : vector<16xf32>
        %swap3A_1368 = arith.index_cast %add3A_1348 : i32 to index
        %swap3A_1369 = arith.constant 16 : index
        %swap3A_1370 = tpu.vector_load %arg12[%swap3A_1368, %swap3A_1369] {strides = array<i32>} : memref<80x128xf32, #tpu.memory_space<vmem>>, vector<1x16xf32>,
        %swap3A_1371 = vector.shape_cast %swap3A_1370 : vector<1x16xf32> to vector<16xf32>
        %swap3A_1372 = vector.shape_cast %mul3A_1367 : vector<16xf32> to vector<1x16xf32>
        tpu.vector_store %arg12[%swap3A_1368, %swap3A_1369], %swap3A_1372 {strides = array<i32>} : memref<80x128xf32, #tpu.memory_space<vmem>>, vector<1x16xf32>,
        %get3A_1373 = arith.index_cast %add3A_1348 : i32 to index
        %get3A_1374 = arith.constant 32 : index
        %get3A_1375 = tpu.vector_load %arg12[%get3A_1373, %get3A_1374] {strides = array<i32>} : memref<80x128xf32, #tpu.memory_space<vmem>>, vector<1x16xf32>,
        %get3A_1376 = vector.shape_cast %get3A_1375 : vector<1x16xf32> to vector<16xf32>
        %mul3A_1377 = arith.mulf %get3A_1376, %get3A_1352 : vector<16xf32>
        %swap3A_1378 = arith.index_cast %add3A_1348 : i32 to index
        %swap3A_1379 = arith.constant 32 : index
        %swap3A_1380 = tpu.vector_load %arg12[%swap3A_1378, %swap3A_1379] {strides = array<i32>} : memref<80x128xf32, #tpu.memory_space<vmem>>, vector<1x16xf32>,
        %swap3A_1381 = vector.shape_cast %swap3A_1380 : vector<1x16xf32> to vector<16xf32>
        %swap3A_1382 = vector.shape_cast %mul3A_1377 : vector<16xf32> to vector<1x16xf32>
        tpu.vector_store %arg12[%swap3A_1378, %swap3A_1379], %swap3A_1382 {strides = array<i32>} : memref<80x128xf32, #tpu.memory_space<vmem>>, vector<1x16xf32>,
        %get3A_1383 = arith.index_cast %add3A_1348 : i32 to index
        %get3A_1384 = arith.constant 48 : index
        %get3A_1385 = tpu.vector_load %arg12[%get3A_1383, %get3A_1384] {strides = array<i32>} : memref<80x128xf32, #tpu.memory_space<vmem>>, vector<1x16xf32>,
        %get3A_1386 = vector.shape_cast %get3A_1385 : vector<1x16xf32> to vector<16xf32>
        %mul3A_1387 = arith.mulf %get3A_1386, %get3A_1352 : vector<16xf32>
        %swap3A_1388 = arith.index_cast %add3A_1348 : i32 to index
        %swap3A_1389 = arith.constant 48 : index
        %swap3A_1390 = tpu.vector_load %arg12[%swap3A_1388, %swap3A_1389] {strides = array<i32>} : memref<80x128xf32, #tpu.memory_space<vmem>>, vector<1x16xf32>,
        %swap3A_1391 = vector.shape_cast %swap3A_1390 : vector<1x16xf32> to vector<16xf32>
        %swap3A_1392 = vector.shape_cast %mul3A_1387 : vector<16xf32> to vector<1x16xf32>
        tpu.vector_store %arg12[%swap3A_1388, %swap3A_1389], %swap3A_1392 {strides = array<i32>} : memref<80x128xf32, #tpu.memory_space<vmem>>, vector<1x16xf32>,
        %get3A_1393 = arith.index_cast %add3A_1348 : i32 to index
        %get3A_1394 = arith.constant 64 : index
        %get3A_1395 = tpu.vector_load %arg12[%get3A_1393, %get3A_1394] {strides = array<i32>} : memref<80x128xf32, #tpu.memory_space<vmem>>, vector<1x16xf32>,
        %get3A_1396 = vector.shape_cast %get3A_1395 : vector<1x16xf32> to vector<16xf32>
        %mul3A_1397 = arith.mulf %get3A_1396, %get3A_1352 : vector<16xf32>
        %swap3A_1398 = arith.index_cast %add3A_1348 : i32 to index
        %swap3A_1399 = arith.constant 64 : index
        %swap3A_1400 = tpu.vector_load %arg12[%swap3A_1398, %swap3A_1399] {strides = array<i32>} : memref<80x128xf32, #tpu.memory_space<vmem>>, vector<1x16xf32>,
        %swap3A_1401 = vector.shape_cast %swap3A_1400 : vector<1x16xf32> to vector<16xf32>
        %swap3A_1402 = vector.shape_cast %mul3A_1397 : vector<16xf32> to vector<1x16xf32>
        tpu.vector_store %arg12[%swap3A_1398, %swap3A_1399], %swap3A_1402 {strides = array<i32>} : memref<80x128xf32, #tpu.memory_space<vmem>>, vector<1x16xf32>,
        %get3A_1403 = arith.index_cast %add3A_1348 : i32 to index
        %get3A_1404 = arith.constant 80 : index
        %get3A_1405 = tpu.vector_load %arg12[%get3A_1403, %get3A_1404] {strides = array<i32>} : memref<80x128xf32, #tpu.memory_space<vmem>>, vector<1x16xf32>,
        %get3A_1406 = vector.shape_cast %get3A_1405 : vector<1x16xf32> to vector<16xf32>
        %mul3A_1407 = arith.mulf %get3A_1406, %get3A_1352 : vector<16xf32>
        %swap3A_1408 = arith.index_cast %add3A_1348 : i32 to index
        %swap3A_1409 = arith.constant 80 : index
        %swap3A_1410 = tpu.vector_load %arg12[%swap3A_1408, %swap3A_1409] {strides = array<i32>} : memref<80x128xf32, #tpu.memory_space<vmem>>, vector<1x16xf32>,
        %swap3A_1411 = vector.shape_cast %swap3A_1410 : vector<1x16xf32> to vector<16xf32>
        %swap3A_1412 = vector.shape_cast %mul3A_1407 : vector<16xf32> to vector<1x16xf32>
        tpu.vector_store %arg12[%swap3A_1408, %swap3A_1409], %swap3A_1412 {strides = array<i32>} : memref<80x128xf32, #tpu.memory_space<vmem>>, vector<1x16xf32>,
        %get3A_1413 = arith.index_cast %add3A_1348 : i32 to index
        %get3A_1414 = arith.constant 96 : index
        %get3A_1415 = tpu.vector_load %arg12[%get3A_1413, %get3A_1414] {strides = array<i32>} : memref<80x128xf32, #tpu.memory_space<vmem>>, vector<1x16xf32>,
        %get3A_1416 = vector.shape_cast %get3A_1415 : vector<1x16xf32> to vector<16xf32>
        %mul3A_1417 = arith.mulf %get3A_1416, %get3A_1352 : vector<16xf32>
        %swap3A_1418 = arith.index_cast %add3A_1348 : i32 to index
        %swap3A_1419 = arith.constant 96 : index
        %swap3A_1420 = tpu.vector_load %arg12[%swap3A_1418, %swap3A_1419] {strides = array<i32>} : memref<80x128xf32, #tpu.memory_space<vmem>>, vector<1x16xf32>,
        %swap3A_1421 = vector.shape_cast %swap3A_1420 : vector<1x16xf32> to vector<16xf32>
        %swap3A_1422 = vector.shape_cast %mul3A_1417 : vector<16xf32> to vector<1x16xf32>
        tpu.vector_store %arg12[%swap3A_1418, %swap3A_1419], %swap3A_1422 {strides = array<i32>} : memref<80x128xf32, #tpu.memory_space<vmem>>, vector<1x16xf32>,
        %get3A_1423 = arith.index_cast %add3A_1348 : i32 to index
        %get3A_1424 = arith.constant 112 : index
        %get3A_1425 = tpu.vector_load %arg12[%get3A_1423, %get3A_1424] {strides = array<i32>} : memref<80x128xf32, #tpu.memory_space<vmem>>, vector<1x16xf32>,
        %get3A_1426 = vector.shape_cast %get3A_1425 : vector<1x16xf32> to vector<16xf32>
        %mul3A_1427 = arith.mulf %get3A_1426, %get3A_1352 : vector<16xf32>
        %swap3A_1428 = arith.index_cast %add3A_1348 : i32 to index
        %swap3A_1429 = arith.constant 112 : index
        %swap3A_1430 = tpu.vector_load %arg12[%swap3A_1428, %swap3A_1429] {strides = array<i32>} : memref<80x128xf32, #tpu.memory_space<vmem>>, vector<1x16xf32>,
        %swap3A_1431 = vector.shape_cast %swap3A_1430 : vector<1x16xf32> to vector<16xf32>
        %swap3A_1432 = vector.shape_cast %mul3A_1427 : vector<16xf32> to vector<1x16xf32>
        tpu.vector_store %arg12[%swap3A_1428, %swap3A_1429], %swap3A_1432 {strides = array<i32>} : memref<80x128xf32, #tpu.memory_space<vmem>>, vector<1x16xf32>,
        %mul3A_1433 = arith.constant 16 : i32
        %mul3A_1434 = arith.muli %scan3A_112, %mul3A_1433 : i32
        %add3A_1435 = arith.constant 15 : i32
        %add3A_1436 = arith.addi %mul3A_1434, %add3A_1435 : i32
        %get3A_1437 = arith.index_cast %add3A_1436 : i32 to index
        %get3A_1438 = arith.constant 0 : index
        %get3A_1439 = tpu.vector_load %arg13[%get3A_1437, %get3A_1438] {strides = array<i32>} : memref<80x16xf32, #tpu.memory_space<vmem>>, vector<1x16xf32>,
        %get3A_1440 = vector.shape_cast %get3A_1439 : vector<1x16xf32> to vector<16xf32>
        %get3A_1441 = arith.index_cast %add3A_1436 : i32 to index
        %get3A_1442 = arith.constant 0 : index
        %get3A_1443 = tpu.vector_load %arg12[%get3A_1441, %get3A_1442] {strides = array<i32>} : memref<80x128xf32, #tpu.memory_space<vmem>>, vector<1x16xf32>,
        %get3A_1444 = vector.shape_cast %get3A_1443 : vector<1x16xf32> to vector<16xf32>
        %mul3A_1445 = arith.mulf %get3A_1444, %get3A_1440 : vector<16xf32>
        %swap3A_1446 = arith.index_cast %add3A_1436 : i32 to index
        %swap3A_1447 = arith.constant 0 : index
        %swap3A_1448 = tpu.vector_load %arg12[%swap3A_1446, %swap3A_1447] {strides = array<i32>} : memref<80x128xf32, #tpu.memory_space<vmem>>, vector<1x16xf32>,
        %swap3A_1449 = vector.shape_cast %swap3A_1448 : vector<1x16xf32> to vector<16xf32>
        %swap3A_1450 = vector.shape_cast %mul3A_1445 : vector<16xf32> to vector<1x16xf32>
        tpu.vector_store %arg12[%swap3A_1446, %swap3A_1447], %swap3A_1450 {strides = array<i32>} : memref<80x128xf32, #tpu.memory_space<vmem>>, vector<1x16xf32>,
        %get3A_1451 = arith.index_cast %add3A_1436 : i32 to index
        %get3A_1452 = arith.constant 16 : index
        %get3A_1453 = tpu.vector_load %arg12[%get3A_1451, %get3A_1452] {strides = array<i32>} : memref<80x128xf32, #tpu.memory_space<vmem>>, vector<1x16xf32>,
        %get3A_1454 = vector.shape_cast %get3A_1453 : vector<1x16xf32> to vector<16xf32>
        %mul3A_1455 = arith.mulf %get3A_1454, %get3A_1440 : vector<16xf32>
        %swap3A_1456 = arith.index_cast %add3A_1436 : i32 to index
        %swap3A_1457 = arith.constant 16 : index
        %swap3A_1458 = tpu.vector_load %arg12[%swap3A_1456, %swap3A_1457] {strides = array<i32>} : memref<80x128xf32, #tpu.memory_space<vmem>>, vector<1x16xf32>,
        %swap3A_1459 = vector.shape_cast %swap3A_1458 : vector<1x16xf32> to vector<16xf32>
        %swap3A_1460 = vector.shape_cast %mul3A_1455 : vector<16xf32> to vector<1x16xf32>
        tpu.vector_store %arg12[%swap3A_1456, %swap3A_1457], %swap3A_1460 {strides = array<i32>} : memref<80x128xf32, #tpu.memory_space<vmem>>, vector<1x16xf32>,
        %get3A_1461 = arith.index_cast %add3A_1436 : i32 to index
        %get3A_1462 = arith.constant 32 : index
        %get3A_1463 = tpu.vector_load %arg12[%get3A_1461, %get3A_1462] {strides = array<i32>} : memref<80x128xf32, #tpu.memory_space<vmem>>, vector<1x16xf32>,
        %get3A_1464 = vector.shape_cast %get3A_1463 : vector<1x16xf32> to vector<16xf32>
        %mul3A_1465 = arith.mulf %get3A_1464, %get3A_1440 : vector<16xf32>
        %swap3A_1466 = arith.index_cast %add3A_1436 : i32 to index
        %swap3A_1467 = arith.constant 32 : index
        %swap3A_1468 = tpu.vector_load %arg12[%swap3A_1466, %swap3A_1467] {strides = array<i32>} : memref<80x128xf32, #tpu.memory_space<vmem>>, vector<1x16xf32>,
        %swap3A_1469 = vector.shape_cast %swap3A_1468 : vector<1x16xf32> to vector<16xf32>
        %swap3A_1470 = vector.shape_cast %mul3A_1465 : vector<16xf32> to vector<1x16xf32>
        tpu.vector_store %arg12[%swap3A_1466, %swap3A_1467], %swap3A_1470 {strides = array<i32>} : memref<80x128xf32, #tpu.memory_space<vmem>>, vector<1x16xf32>,
        %get3A_1471 = arith.index_cast %add3A_1436 : i32 to index
        %get3A_1472 = arith.constant 48 : index
        %get3A_1473 = tpu.vector_load %arg12[%get3A_1471, %get3A_1472] {strides = array<i32>} : memref<80x128xf32, #tpu.memory_space<vmem>>, vector<1x16xf32>,
        %get3A_1474 = vector.shape_cast %get3A_1473 : vector<1x16xf32> to vector<16xf32>
        %mul3A_1475 = arith.mulf %get3A_1474, %get3A_1440 : vector<16xf32>
        %swap3A_1476 = arith.index_cast %add3A_1436 : i32 to index
        %swap3A_1477 = arith.constant 48 : index
        %swap3A_1478 = tpu.vector_load %arg12[%swap3A_1476, %swap3A_1477] {strides = array<i32>} : memref<80x128xf32, #tpu.memory_space<vmem>>, vector<1x16xf32>,
        %swap3A_1479 = vector.shape_cast %swap3A_1478 : vector<1x16xf32> to vector<16xf32>
        %swap3A_1480 = vector.shape_cast %mul3A_1475 : vector<16xf32> to vector<1x16xf32>
        tpu.vector_store %arg12[%swap3A_1476, %swap3A_1477], %swap3A_1480 {strides = array<i32>} : memref<80x128xf32, #tpu.memory_space<vmem>>, vector<1x16xf32>,
        %get3A_1481 = arith.index_cast %add3A_1436 : i32 to index
        %get3A_1482 = arith.constant 64 : index
        %get3A_1483 = tpu.vector_load %arg12[%get3A_1481, %get3A_1482] {strides = array<i32>} : memref<80x128xf32, #tpu.memory_space<vmem>>, vector<1x16xf32>,
        %get3A_1484 = vector.shape_cast %get3A_1483 : vector<1x16xf32> to vector<16xf32>
        %mul3A_1485 = arith.mulf %get3A_1484, %get3A_1440 : vector<16xf32>
        %swap3A_1486 = arith.index_cast %add3A_1436 : i32 to index
        %swap3A_1487 = arith.constant 64 : index
        %swap3A_1488 = tpu.vector_load %arg12[%swap3A_1486, %swap3A_1487] {strides = array<i32>} : memref<80x128xf32, #tpu.memory_space<vmem>>, vector<1x16xf32>,
        %swap3A_1489 = vector.shape_cast %swap3A_1488 : vector<1x16xf32> to vector<16xf32>
        %swap3A_1490 = vector.shape_cast %mul3A_1485 : vector<16xf32> to vector<1x16xf32>
        tpu.vector_store %arg12[%swap3A_1486, %swap3A_1487], %swap3A_1490 {strides = array<i32>} : memref<80x128xf32, #tpu.memory_space<vmem>>, vector<1x16xf32>,
        %get3A_1491 = arith.index_cast %add3A_1436 : i32 to index
        %get3A_1492 = arith.constant 80 : index
        %get3A_1493 = tpu.vector_load %arg12[%get3A_1491, %get3A_1492] {strides = array<i32>} : memref<80x128xf32, #tpu.memory_space<vmem>>, vector<1x16xf32>,
        %get3A_1494 = vector.shape_cast %get3A_1493 : vector<1x16xf32> to vector<16xf32>
        %mul3A_1495 = arith.mulf %get3A_1494, %get3A_1440 : vector<16xf32>
        %swap3A_1496 = arith.index_cast %add3A_1436 : i32 to index
        %swap3A_1497 = arith.constant 80 : index
        %swap3A_1498 = tpu.vector_load %arg12[%swap3A_1496, %swap3A_1497] {strides = array<i32>} : memref<80x128xf32, #tpu.memory_space<vmem>>, vector<1x16xf32>,
        %swap3A_1499 = vector.shape_cast %swap3A_1498 : vector<1x16xf32> to vector<16xf32>
        %swap3A_1500 = vector.shape_cast %mul3A_1495 : vector<16xf32> to vector<1x16xf32>
        tpu.vector_store %arg12[%swap3A_1496, %swap3A_1497], %swap3A_1500 {strides = array<i32>} : memref<80x128xf32, #tpu.memory_space<vmem>>, vector<1x16xf32>,
        %get3A_1501 = arith.index_cast %add3A_1436 : i32 to index
        %get3A_1502 = arith.constant 96 : index
        %get3A_1503 = tpu.vector_load %arg12[%get3A_1501, %get3A_1502] {strides = array<i32>} : memref<80x128xf32, #tpu.memory_space<vmem>>, vector<1x16xf32>,
        %get3A_1504 = vector.shape_cast %get3A_1503 : vector<1x16xf32> to vector<16xf32>
        %mul3A_1505 = arith.mulf %get3A_1504, %get3A_1440 : vector<16xf32>
        %swap3A_1506 = arith.index_cast %add3A_1436 : i32 to index
        %swap3A_1507 = arith.constant 96 : index
        %swap3A_1508 = tpu.vector_load %arg12[%swap3A_1506, %swap3A_1507] {strides = array<i32>} : memref<80x128xf32, #tpu.memory_space<vmem>>, vector<1x16xf32>,
        %swap3A_1509 = vector.shape_cast %swap3A_1508 : vector<1x16xf32> to vector<16xf32>
        %swap3A_1510 = vector.shape_cast %mul3A_1505 : vector<16xf32> to vector<1x16xf32>
        tpu.vector_store %arg12[%swap3A_1506, %swap3A_1507], %swap3A_1510 {strides = array<i32>} : memref<80x128xf32, #tpu.memory_space<vmem>>, vector<1x16xf32>,
        %get3A_1511 = arith.index_cast %add3A_1436 : i32 to index
        %get3A_1512 = arith.constant 112 : index
        %get3A_1513 = tpu.vector_load %arg12[%get3A_1511, %get3A_1512] {strides = array<i32>} : memref<80x128xf32, #tpu.memory_space<vmem>>, vector<1x16xf32>,
        %get3A_1514 = vector.shape_cast %get3A_1513 : vector<1x16xf32> to vector<16xf32>
        %mul3A_1515 = arith.mulf %get3A_1514, %get3A_1440 : vector<16xf32>
        %swap3A_1516 = arith.index_cast %add3A_1436 : i32 to index
        %swap3A_1517 = arith.constant 112 : index
        %swap3A_1518 = tpu.vector_load %arg12[%swap3A_1516, %swap3A_1517] {strides = array<i32>} : memref<80x128xf32, #tpu.memory_space<vmem>>, vector<1x16xf32>,
        %swap3A_1519 = vector.shape_cast %swap3A_1518 : vector<1x16xf32> to vector<16xf32>
        %swap3A_1520 = vector.shape_cast %mul3A_1515 : vector<16xf32> to vector<1x16xf32>
        tpu.vector_store %arg12[%swap3A_1516, %swap3A_1517], %swap3A_1520 {strides = array<i32>} : memref<80x128xf32, #tpu.memory_space<vmem>>, vector<1x16xf32>,
      }
      %scan3A_111 = arith.constant 5 : i32
      "tpu.region"() ({
        %run_scoped3A = tpu.sem_alloc : memref<!tpu.dma_semaphore, #tpu.memory_space<semaphore_mem>>
        %dma_start3A_112 = arith.constant 0 : i32
        %dma_start3A_113 = arith.constant 0 : i32
        %dma_start3A_114 = tpu.memref_slice %arg16[%dma_start3A_112, %dma_start3A_113] : memref<10240x128xf32, #tpu.memory_space<vmem_shared>> -> memref<10240x128xf32, #tpu.memory_space<vmem_shared>>
        tpu.enqueue_indirect_dma source(%arg12 : memref<80x128xf32, #tpu.memory_space<vmem>>) target(%dma_start3A_114 : memref<10240x128xf32, #tpu.memory_space<vmem_shared>>) offsets(%arg10 : memref<80xi32, #tpu.memory_space<vmem>>) semaphore(%run_scoped3A : memref<!tpu.dma_semaphore, #tpu.memory_space<semaphore_mem>>) {add = true}
        %dma_wait3A_115 = arith.constant 0 : i32
        %dma_wait3A_116 = arith.constant 0 : i32
        %dma_wait3A_117 = tpu.memref_slice %arg16[%dma_wait3A_115, %dma_wait3A_116] : memref<10240x128xf32, #tpu.memory_space<vmem_shared>> -> memref<10240x128xf32, #tpu.memory_space<vmem_shared>>
        tpu.wait_indirect_dma semaphore(%run_scoped3A : memref<!tpu.dma_semaphore, #tpu.memory_space<semaphore_mem>>) src(%arg12 : memref<80x128xf32, #tpu.memory_space<vmem>>) dst(%dma_wait3A_117 : memref<10240x128xf32, #tpu.memory_space<vmem_shared>>)
        tpu.yield
      }) : () -> ()
    }
    %scan3A_22 = arith.constant 125 : i32
    %barrier3A_23 = arith.constant 0 : index
    tpu.barrier barrier_id(%barrier3A_23)
    %mul3A_24 = arith.constant 624 : i32
    %mul3A_25 = arith.muli %arg1, %mul3A_24 : i32
    %mul3A_26 = arith.constant 624 : i32
    %mul3A_27 = arith.muli %arg1, %mul3A_26 : i32
    "tpu.region"() ({
      %run_scoped3A = tpu.sem_alloc : memref<!tpu.dma_semaphore, #tpu.memory_space<semaphore_mem>>
      %dma_start3A = arith.constant 0 : i32
      %dma_start3A_30 = tpu.memref_slice %arg7[%arg0, %mul3A_27, %dma_start3A] : memref<2x10000x128xf32, #tpu.memory_space<hbm>> -> memref<1x624x128xf32, #tpu.memory_space<hbm>>
      %dma_start3A_31 = tpu.memref_squeeze %dma_start3A_30 : memref<1x624x128xf32, #tpu.memory_space<hbm>> -> memref<624x128xf32, #tpu.memory_space<hbm>>
      %dma_start3A_32 = arith.constant 0 : i32
      %dma_start3A_33 = tpu.memref_slice %arg16[%mul3A_25, %dma_start3A_32] : memref<10240x128xf32, #tpu.memory_space<vmem_shared>> -> memref<624x128xf32, #tpu.memory_space<vmem_shared>>
      tpu.enqueue_dma source(%dma_start3A_33 : memref<624x128xf32, #tpu.memory_space<vmem_shared>>) target(%dma_start3A_31 : memref<624x128xf32, #tpu.memory_space<hbm>>) target_semaphore(%run_scoped3A : memref<!tpu.dma_semaphore, #tpu.memory_space<semaphore_mem>>)
      %dma_wait3A = arith.constant 0 : i32
      %dma_wait3A_34 = tpu.memref_slice %arg7[%arg0, %mul3A_27, %dma_wait3A] : memref<2x10000x128xf32, #tpu.memory_space<hbm>> -> memref<1x624x128xf32, #tpu.memory_space<hbm>>
      %dma_wait3A_35 = tpu.memref_squeeze %dma_wait3A_34 : memref<1x624x128xf32, #tpu.memory_space<hbm>> -> memref<624x128xf32, #tpu.memory_space<hbm>>
      %dma_wait3A_36 = arith.constant 0 : i32
      %dma_wait3A_37 = tpu.memref_slice %arg16[%mul3A_25, %dma_wait3A_36] : memref<10240x128xf32, #tpu.memory_space<vmem_shared>> -> memref<624x128xf32, #tpu.memory_space<vmem_shared>>
      tpu.wait_dma2 semaphore(%run_scoped3A : memref<!tpu.dma_semaphore, #tpu.memory_space<semaphore_mem>>) src(%dma_wait3A_37 : memref<624x128xf32, #tpu.memory_space<vmem_shared>>) dst(%dma_wait3A_35 : memref<624x128xf32, #tpu.memory_space<hbm>>)
      tpu.yield
    }) : () -> ()
    %eq3A = arith.constant 0 : i32
    %eq3A_28 = arith.cmpi eq, %arg1, %eq3A : i32
    %convert_element_type3A = arith.extui %eq3A_28 : i1 to i32
    %cond3A = arith.constant 0 : i32
    %cond3A_29 = arith.cmpi ne, %convert_element_type3A, %cond3A : i32
    scf.if %cond3A_29 {
      "tpu.region"() ({
        %run_scoped3A = tpu.sem_alloc : memref<!tpu.dma_semaphore, #tpu.memory_space<semaphore_mem>>
        %dma_start3A = arith.constant 9984 : i32
        %dma_start3A_30 = arith.constant 0 : i32
        %dma_start3A_31 = tpu.memref_slice %arg7[%arg0, %dma_start3A, %dma_start3A_30] : memref<2x10000x128xf32, #tpu.memory_space<hbm>> -> memref<1x16x128xf32, #tpu.memory_space<hbm>>
        %dma_start3A_32 = tpu.memref_squeeze %dma_start3A_31 : memref<1x16x128xf32, #tpu.memory_space<hbm>> -> memref<16x128xf32, #tpu.memory_space<hbm>>
        %dma_start3A_33 = arith.constant 9984 : i32
        %dma_start3A_34 = arith.constant 0 : i32
        %dma_start3A_35 = tpu.memref_slice %arg16[%dma_start3A_33, %dma_start3A_34] : memref<10240x128xf32, #tpu.memory_space<vmem_shared>> -> memref<16x128xf32, #tpu.memory_space<vmem_shared>>
        tpu.enqueue_dma source(%dma_start3A_35 : memref<16x128xf32, #tpu.memory_space<vmem_shared>>) target(%dma_start3A_32 : memref<16x128xf32, #tpu.memory_space<hbm>>) target_semaphore(%run_scoped3A : memref<!tpu.dma_semaphore, #tpu.memory_space<semaphore_mem>>)
        %dma_wait3A = arith.constant 9984 : i32
        %dma_wait3A_36 = arith.constant 0 : i32
        %dma_wait3A_37 = tpu.memref_slice %arg7[%arg0, %dma_wait3A, %dma_wait3A_36] : memref<2x10000x128xf32, #tpu.memory_space<hbm>> -> memref<1x16x128xf32, #tpu.memory_space<hbm>>
        %dma_wait3A_38 = tpu.memref_squeeze %dma_wait3A_37 : memref<1x16x128xf32, #tpu.memory_space<hbm>> -> memref<16x128xf32, #tpu.memory_space<hbm>>
        %dma_wait3A_39 = arith.constant 9984 : i32
        %dma_wait3A_40 = arith.constant 0 : i32
        %dma_wait3A_41 = tpu.memref_slice %arg16[%dma_wait3A_39, %dma_wait3A_40] : memref<10240x128xf32, #tpu.memory_space<vmem_shared>> -> memref<16x128xf32, #tpu.memory_space<vmem_shared>>
        tpu.wait_dma2 semaphore(%run_scoped3A : memref<!tpu.dma_semaphore, #tpu.memory_space<semaphore_mem>>) src(%dma_wait3A_41 : memref<16x128xf32, #tpu.memory_space<vmem_shared>>) dst(%dma_wait3A_38 : memref<16x128xf32, #tpu.memory_space<hbm>>)
        tpu.yield
      }) : () -> ()
    } else {
    }
    return
  }
}

#map = affine_map<(d0, d1) -> (0, 0)>
#map1 = affine_map<(d0, d1) -> (0)>
module attributes {stable_mosaic.version = 14 : i64} {
  func.func @_final_gather_kernel(%arg0: i32, %arg1: i32, %arg2: memref<10000x128xf32, #tpu.memory_space<hbm>>, %arg3: memref<1280xi32, #tpu.memory_space<hbm>>, %arg4: memref<1280x128xf32, #tpu.memory_space<hbm>>, %arg5: memref<40xi32, #tpu.memory_space<vmem>>, %arg6: memref<40x128xf32, #tpu.memory_space<vmem>>, %arg7: memref<!tpu.dma_semaphore, #tpu.memory_space<semaphore_mem>>) attributes {dimension_semantics = [#tpu.dimension_semantics<core_parallel>, #tpu.dimension_semantics<subcore_parallel>], iteration_bounds = array<i64: 2, 16>, scalar_prefetch = 0 : i64, scratch_operands = 3 : i64, tpu.core_type = #tpu.core_type<sc_vector_subcore>, window_params = [{transform_indices = #map}, {transform_indices = #map1}, {transform_indices = #map}]} {
    %mul3A = arith.constant 2 : i32
    %mul3A_0 = arith.muli %arg1, %mul3A : i32
    %add3A = arith.addi %mul3A_0, %arg0 : i32
    %mul3A_1 = arith.constant 40 : i32
    %mul3A_2 = arith.muli %add3A, %mul3A_1 : i32
    "tpu.region"() ({
      %run_scoped3A = tpu.sem_alloc : memref<!tpu.dma_semaphore, #tpu.memory_space<semaphore_mem>>
      %dma_start3A_7 = tpu.memref_slice %arg3[%mul3A_2] : memref<1280xi32, #tpu.memory_space<hbm>> -> memref<40xi32, #tpu.memory_space<hbm>>
      %dma_start3A_8 = tpu.memref_slice %arg3[%mul3A_2] : memref<1280xi32, #tpu.memory_space<hbm>> -> memref<40xi32, #tpu.memory_space<hbm>>
      tpu.enqueue_dma source(%dma_start3A_8 : memref<40xi32, #tpu.memory_space<hbm>>) target(%arg5 : memref<40xi32, #tpu.memory_space<vmem>>) target_semaphore(%run_scoped3A : memref<!tpu.dma_semaphore, #tpu.memory_space<semaphore_mem>>)
      %dma_wait3A_9 = tpu.memref_slice %arg3[%mul3A_2] : memref<1280xi32, #tpu.memory_space<hbm>> -> memref<40xi32, #tpu.memory_space<hbm>>
      %dma_wait3A_10 = tpu.memref_slice %arg3[%mul3A_2] : memref<1280xi32, #tpu.memory_space<hbm>> -> memref<40xi32, #tpu.memory_space<hbm>>
      tpu.wait_dma2 semaphore(%run_scoped3A : memref<!tpu.dma_semaphore, #tpu.memory_space<semaphore_mem>>) src(%dma_wait3A_10 : memref<40xi32, #tpu.memory_space<hbm>>) dst(%arg5 : memref<40xi32, #tpu.memory_space<vmem>>)
      tpu.yield
    }) : () -> ()
    %dma_start3A = arith.constant 0 : i32
    %dma_start3A_3 = arith.constant 0 : i32
    %dma_start3A_4 = tpu.memref_slice %arg2[%dma_start3A, %dma_start3A_3] : memref<10000x128xf32, #tpu.memory_space<hbm>> -> memref<10000x128xf32, #tpu.memory_space<hbm>>
    tpu.enqueue_indirect_dma source(%dma_start3A_4 : memref<10000x128xf32, #tpu.memory_space<hbm>>) target(%arg6 : memref<40x128xf32, #tpu.memory_space<vmem>>) offsets(%arg5 : memref<40xi32, #tpu.memory_space<vmem>>) semaphore(%arg7 : memref<!tpu.dma_semaphore, #tpu.memory_space<semaphore_mem>>)
    %dma_wait3A = arith.constant 0 : i32
    %dma_wait3A_5 = arith.constant 0 : i32
    %dma_wait3A_6 = tpu.memref_slice %arg2[%dma_wait3A, %dma_wait3A_5] : memref<10000x128xf32, #tpu.memory_space<hbm>> -> memref<10000x128xf32, #tpu.memory_space<hbm>>
    tpu.wait_indirect_dma semaphore(%arg7 : memref<!tpu.dma_semaphore, #tpu.memory_space<semaphore_mem>>) src(%dma_wait3A_6 : memref<10000x128xf32, #tpu.memory_space<hbm>>) dst(%arg6 : memref<40x128xf32, #tpu.memory_space<vmem>>)
    "tpu.region"() ({
      %run_scoped3A = tpu.sem_alloc : memref<!tpu.dma_semaphore, #tpu.memory_space<semaphore_mem>>
      %dma_start3A_7 = arith.constant 0 : i32
      %dma_start3A_8 = tpu.memref_slice %arg4[%mul3A_2, %dma_start3A_7] : memref<1280x128xf32, #tpu.memory_space<hbm>> -> memref<40x128xf32, #tpu.memory_space<hbm>>
      %dma_start3A_9 = arith.constant 0 : i32
      %dma_start3A_10 = tpu.memref_slice %arg4[%mul3A_2, %dma_start3A_9] : memref<1280x128xf32, #tpu.memory_space<hbm>> -> memref<40x128xf32, #tpu.memory_space<hbm>>
      tpu.enqueue_dma source(%arg6 : memref<40x128xf32, #tpu.memory_space<vmem>>) target(%dma_start3A_10 : memref<40x128xf32, #tpu.memory_space<hbm>>) target_semaphore(%run_scoped3A : memref<!tpu.dma_semaphore, #tpu.memory_space<semaphore_mem>>)
      %dma_wait3A_11 = arith.constant 0 : i32
      %dma_wait3A_12 = tpu.memref_slice %arg4[%mul3A_2, %dma_wait3A_11] : memref<1280x128xf32, #tpu.memory_space<hbm>> -> memref<40x128xf32, #tpu.memory_space<hbm>>
      %dma_wait3A_13 = arith.constant 0 : i32
      %dma_wait3A_14 = tpu.memref_slice %arg4[%mul3A_2, %dma_wait3A_13] : memref<1280x128xf32, #tpu.memory_space<hbm>> -> memref<40x128xf32, #tpu.memory_space<hbm>>
      tpu.wait_dma2 semaphore(%run_scoped3A : memref<!tpu.dma_semaphore, #tpu.memory_space<semaphore_mem>>) src(%arg6 : memref<40x128xf32, #tpu.memory_space<vmem>>) dst(%dma_wait3A_14 : memref<40x128xf32, #tpu.memory_space<hbm>>)
      tpu.yield
    }) : () -> ()
    return
  }
}

#map = affine_map<(d0, d1) -> (0, 0)>
#map1 = affine_map<(d0, d1) -> (0)>
#map2 = affine_map<(d0, d1) -> (0, 0, 0)>
module attributes {stable_mosaic.version = 14 : i64} {
  func.func @_deg_kernel(%arg0: i32, %arg1: i32, %arg2: memref<8x128xf32, #tpu.memory_space<hbm>>, %arg3: memref<320000xi32, #tpu.memory_space<hbm>>, %arg4: memref<320000xi32, #tpu.memory_space<hbm>>, %arg5: memref<2x5120x128xf32, #tpu.memory_space<hbm>>, %arg6: memref<80xi32, #tpu.memory_space<vmem>>, %arg7: memref<80xi32, #tpu.memory_space<vmem>>, %arg8: memref<80xi32, #tpu.memory_space<vmem>>, %arg9: memref<80xi32, #tpu.memory_space<vmem>>, %arg10: memref<80x128xf32, #tpu.memory_space<vmem>>, %arg11: memref<160x128xf32, #tpu.memory_space<vmem>>, %arg12: memref<!tpu.dma_semaphore, #tpu.memory_space<semaphore_mem>>, %arg13: memref<5120x128xf32, #tpu.memory_space<vmem_shared>>) attributes {dimension_semantics = [#tpu.dimension_semantics<core_parallel>, #tpu.dimension_semantics<subcore_parallel>], iteration_bounds = array<i64: 2, 16>, scalar_prefetch = 0 : i64, scratch_operands = 8 : i64, tpu.core_type = #tpu.core_type<sc_vector_subcore>, window_params = [{transform_indices = #map}, {transform_indices = #map1}, {transform_indices = #map1}, {transform_indices = #map2}]} {
    %broadcast_in_dim3A = arith.constant 0.000000e+00 : f32
    %broadcast_in_dim3A_0 = vector.broadcast %broadcast_in_dim3A : f32 to vector<16xf32>
    %scan3A = arith.constant 0 : i32
    %scan3A_1 = arith.constant 0 : i32
    %scan3A_2 = arith.constant 160 : i32
    %scan3A_3 = arith.addi %scan3A_1, %scan3A_2 : i32
    %scan3A_4 = arith.constant 1 : i32
    scf.for %scan3A_24 = %scan3A_1 to %scan3A_3 step %scan3A_4  : i32 {
      %swap3A = arith.index_cast %scan3A_24 : i32 to index
      %swap3A_25 = arith.constant 0 : index
      %swap3A_26 = tpu.vector_load %arg11[%swap3A, %swap3A_25] {strides = array<i32>} : memref<160x128xf32, #tpu.memory_space<vmem>>, vector<1x16xf32>,
      %swap3A_27 = vector.shape_cast %swap3A_26 : vector<1x16xf32> to vector<16xf32>
      %swap3A_28 = vector.shape_cast %broadcast_in_dim3A_0 : vector<16xf32> to vector<1x16xf32>
      tpu.vector_store %arg11[%swap3A, %swap3A_25], %swap3A_28 {strides = array<i32>} : memref<160x128xf32, #tpu.memory_space<vmem>>, vector<1x16xf32>,
      %swap3A_29 = arith.index_cast %scan3A_24 : i32 to index
      %swap3A_30 = arith.constant 16 : index
      %swap3A_31 = tpu.vector_load %arg11[%swap3A_29, %swap3A_30] {strides = array<i32>} : memref<160x128xf32, #tpu.memory_space<vmem>>, vector<1x16xf32>,
      %swap3A_32 = vector.shape_cast %swap3A_31 : vector<1x16xf32> to vector<16xf32>
      %swap3A_33 = vector.shape_cast %broadcast_in_dim3A_0 : vector<16xf32> to vector<1x16xf32>
      tpu.vector_store %arg11[%swap3A_29, %swap3A_30], %swap3A_33 {strides = array<i32>} : memref<160x128xf32, #tpu.memory_space<vmem>>, vector<1x16xf32>,
      %swap3A_34 = arith.index_cast %scan3A_24 : i32 to index
      %swap3A_35 = arith.constant 32 : index
      %swap3A_36 = tpu.vector_load %arg11[%swap3A_34, %swap3A_35] {strides = array<i32>} : memref<160x128xf32, #tpu.memory_space<vmem>>, vector<1x16xf32>,
      %swap3A_37 = vector.shape_cast %swap3A_36 : vector<1x16xf32> to vector<16xf32>
      %swap3A_38 = vector.shape_cast %broadcast_in_dim3A_0 : vector<16xf32> to vector<1x16xf32>
      tpu.vector_store %arg11[%swap3A_34, %swap3A_35], %swap3A_38 {strides = array<i32>} : memref<160x128xf32, #tpu.memory_space<vmem>>, vector<1x16xf32>,
      %swap3A_39 = arith.index_cast %scan3A_24 : i32 to index
      %swap3A_40 = arith.constant 48 : index
      %swap3A_41 = tpu.vector_load %arg11[%swap3A_39, %swap3A_40] {strides = array<i32>} : memref<160x128xf32, #tpu.memory_space<vmem>>, vector<1x16xf32>,
      %swap3A_42 = vector.shape_cast %swap3A_41 : vector<1x16xf32> to vector<16xf32>
      %swap3A_43 = vector.shape_cast %broadcast_in_dim3A_0 : vector<16xf32> to vector<1x16xf32>
      tpu.vector_store %arg11[%swap3A_39, %swap3A_40], %swap3A_43 {strides = array<i32>} : memref<160x128xf32, #tpu.memory_space<vmem>>, vector<1x16xf32>,
      %swap3A_44 = arith.index_cast %scan3A_24 : i32 to index
      %swap3A_45 = arith.constant 64 : index
      %swap3A_46 = tpu.vector_load %arg11[%swap3A_44, %swap3A_45] {strides = array<i32>} : memref<160x128xf32, #tpu.memory_space<vmem>>, vector<1x16xf32>,
      %swap3A_47 = vector.shape_cast %swap3A_46 : vector<1x16xf32> to vector<16xf32>
      %swap3A_48 = vector.shape_cast %broadcast_in_dim3A_0 : vector<16xf32> to vector<1x16xf32>
      tpu.vector_store %arg11[%swap3A_44, %swap3A_45], %swap3A_48 {strides = array<i32>} : memref<160x128xf32, #tpu.memory_space<vmem>>, vector<1x16xf32>,
      %swap3A_49 = arith.index_cast %scan3A_24 : i32 to index
      %swap3A_50 = arith.constant 80 : index
      %swap3A_51 = tpu.vector_load %arg11[%swap3A_49, %swap3A_50] {strides = array<i32>} : memref<160x128xf32, #tpu.memory_space<vmem>>, vector<1x16xf32>,
      %swap3A_52 = vector.shape_cast %swap3A_51 : vector<1x16xf32> to vector<16xf32>
      %swap3A_53 = vector.shape_cast %broadcast_in_dim3A_0 : vector<16xf32> to vector<1x16xf32>
      tpu.vector_store %arg11[%swap3A_49, %swap3A_50], %swap3A_53 {strides = array<i32>} : memref<160x128xf32, #tpu.memory_space<vmem>>, vector<1x16xf32>,
      %swap3A_54 = arith.index_cast %scan3A_24 : i32 to index
      %swap3A_55 = arith.constant 96 : index
      %swap3A_56 = tpu.vector_load %arg11[%swap3A_54, %swap3A_55] {strides = array<i32>} : memref<160x128xf32, #tpu.memory_space<vmem>>, vector<1x16xf32>,
      %swap3A_57 = vector.shape_cast %swap3A_56 : vector<1x16xf32> to vector<16xf32>
      %swap3A_58 = vector.shape_cast %broadcast_in_dim3A_0 : vector<16xf32> to vector<1x16xf32>
      tpu.vector_store %arg11[%swap3A_54, %swap3A_55], %swap3A_58 {strides = array<i32>} : memref<160x128xf32, #tpu.memory_space<vmem>>, vector<1x16xf32>,
      %swap3A_59 = arith.index_cast %scan3A_24 : i32 to index
      %swap3A_60 = arith.constant 112 : index
      %swap3A_61 = tpu.vector_load %arg11[%swap3A_59, %swap3A_60] {strides = array<i32>} : memref<160x128xf32, #tpu.memory_space<vmem>>, vector<1x16xf32>,
      %swap3A_62 = vector.shape_cast %swap3A_61 : vector<1x16xf32> to vector<16xf32>
      %swap3A_63 = vector.shape_cast %broadcast_in_dim3A_0 : vector<16xf32> to vector<1x16xf32>
      tpu.vector_store %arg11[%swap3A_59, %swap3A_60], %swap3A_63 {strides = array<i32>} : memref<160x128xf32, #tpu.memory_space<vmem>>, vector<1x16xf32>,
    }
    %scan3A_5 = arith.constant 160 : i32
    %mul3A = arith.constant 320 : i32
    %mul3A_6 = arith.muli %arg1, %mul3A : i32
    %scan3A_7 = arith.constant 0 : i32
    %scan3A_8 = arith.constant 0 : i32
    %scan3A_9 = arith.constant 2 : i32
    %scan3A_10 = arith.addi %scan3A_8, %scan3A_9 : i32
    %scan3A_11 = arith.constant 1 : i32
    scf.for %scan3A_24 = %scan3A_8 to %scan3A_10 step %scan3A_11  : i32 {
      %mul3A_25 = arith.constant 160 : i32
      %mul3A_26 = arith.muli %scan3A_24, %mul3A_25 : i32
      %add3A = arith.addi %mul3A_6, %mul3A_26 : i32
      "tpu.region"() ({
        %run_scoped3A = tpu.sem_alloc : memref<!tpu.dma_semaphore, #tpu.memory_space<semaphore_mem>>
        %dma_start3A = arith.constant 0 : i32
        %dma_start3A_27 = tpu.memref_slice %arg13[%add3A, %dma_start3A] : memref<5120x128xf32, #tpu.memory_space<vmem_shared>> -> memref<160x128xf32, #tpu.memory_space<vmem_shared>>
        %dma_start3A_28 = arith.constant 0 : i32
        %dma_start3A_29 = tpu.memref_slice %arg13[%add3A, %dma_start3A_28] : memref<5120x128xf32, #tpu.memory_space<vmem_shared>> -> memref<160x128xf32, #tpu.memory_space<vmem_shared>>
        tpu.enqueue_dma source(%arg11 : memref<160x128xf32, #tpu.memory_space<vmem>>) target(%dma_start3A_29 : memref<160x128xf32, #tpu.memory_space<vmem_shared>>) target_semaphore(%run_scoped3A : memref<!tpu.dma_semaphore, #tpu.memory_space<semaphore_mem>>)
        %dma_wait3A = arith.constant 0 : i32
        %dma_wait3A_30 = tpu.memref_slice %arg13[%add3A, %dma_wait3A] : memref<5120x128xf32, #tpu.memory_space<vmem_shared>> -> memref<160x128xf32, #tpu.memory_space<vmem_shared>>
        %dma_wait3A_31 = arith.constant 0 : i32
        %dma_wait3A_32 = tpu.memref_slice %arg13[%add3A, %dma_wait3A_31] : memref<5120x128xf32, #tpu.memory_space<vmem_shared>> -> memref<160x128xf32, #tpu.memory_space<vmem_shared>>
        tpu.wait_dma2 semaphore(%run_scoped3A : memref<!tpu.dma_semaphore, #tpu.memory_space<semaphore_mem>>) src(%arg11 : memref<160x128xf32, #tpu.memory_space<vmem>>) dst(%dma_wait3A_32 : memref<160x128xf32, #tpu.memory_space<vmem_shared>>)
        tpu.yield
      }) : () -> ()
    }
    %scan3A_12 = arith.constant 2 : i32
    %barrier3A = arith.constant 0 : index
    tpu.barrier barrier_id(%barrier3A)
    %mul3A_13 = arith.constant 5000 : i32
    %mul3A_14 = arith.muli %arg0, %mul3A_13 : i32
    %mul3A_15 = arith.constant 20000 : i32
    %mul3A_16 = arith.muli %arg1, %mul3A_15 : i32
    %scan3A_17 = arith.constant 0 : i32
    %scan3A_18 = arith.constant 0 : i32
    %scan3A_19 = arith.constant 250 : i32
    %scan3A_20 = arith.addi %scan3A_18, %scan3A_19 : i32
    %scan3A_21 = arith.constant 1 : i32
    scf.for %scan3A_24 = %scan3A_18 to %scan3A_20 step %scan3A_21  : i32 {
      %mul3A_25 = arith.constant 80 : i32
      %mul3A_26 = arith.muli %scan3A_24, %mul3A_25 : i32
      %add3A = arith.addi %mul3A_16, %mul3A_26 : i32
      "tpu.region"() ({
        %run_scoped3A = tpu.sem_alloc : memref<!tpu.dma_semaphore, #tpu.memory_space<semaphore_mem>>
        %dma_start3A_153 = tpu.memref_slice %arg3[%add3A] : memref<320000xi32, #tpu.memory_space<hbm>> -> memref<80xi32, #tpu.memory_space<hbm>>
        %dma_start3A_154 = tpu.memref_slice %arg3[%add3A] : memref<320000xi32, #tpu.memory_space<hbm>> -> memref<80xi32, #tpu.memory_space<hbm>>
        tpu.enqueue_dma source(%dma_start3A_154 : memref<80xi32, #tpu.memory_space<hbm>>) target(%arg6 : memref<80xi32, #tpu.memory_space<vmem>>) target_semaphore(%run_scoped3A : memref<!tpu.dma_semaphore, #tpu.memory_space<semaphore_mem>>)
        %dma_wait3A_155 = tpu.memref_slice %arg3[%add3A] : memref<320000xi32, #tpu.memory_space<hbm>> -> memref<80xi32, #tpu.memory_space<hbm>>
        %dma_wait3A_156 = tpu.memref_slice %arg3[%add3A] : memref<320000xi32, #tpu.memory_space<hbm>> -> memref<80xi32, #tpu.memory_space<hbm>>
        tpu.wait_dma2 semaphore(%run_scoped3A : memref<!tpu.dma_semaphore, #tpu.memory_space<semaphore_mem>>) src(%dma_wait3A_156 : memref<80xi32, #tpu.memory_space<hbm>>) dst(%arg6 : memref<80xi32, #tpu.memory_space<vmem>>)
        tpu.yield
      }) : () -> ()
      "tpu.region"() ({
        %run_scoped3A = tpu.sem_alloc : memref<!tpu.dma_semaphore, #tpu.memory_space<semaphore_mem>>
        %dma_start3A_153 = tpu.memref_slice %arg4[%add3A] : memref<320000xi32, #tpu.memory_space<hbm>> -> memref<80xi32, #tpu.memory_space<hbm>>
        %dma_start3A_154 = tpu.memref_slice %arg4[%add3A] : memref<320000xi32, #tpu.memory_space<hbm>> -> memref<80xi32, #tpu.memory_space<hbm>>
        tpu.enqueue_dma source(%dma_start3A_154 : memref<80xi32, #tpu.memory_space<hbm>>) target(%arg7 : memref<80xi32, #tpu.memory_space<vmem>>) target_semaphore(%run_scoped3A : memref<!tpu.dma_semaphore, #tpu.memory_space<semaphore_mem>>)
        %dma_wait3A_155 = tpu.memref_slice %arg4[%add3A] : memref<320000xi32, #tpu.memory_space<hbm>> -> memref<80xi32, #tpu.memory_space<hbm>>
        %dma_wait3A_156 = tpu.memref_slice %arg4[%add3A] : memref<320000xi32, #tpu.memory_space<hbm>> -> memref<80xi32, #tpu.memory_space<hbm>>
        tpu.wait_dma2 semaphore(%run_scoped3A : memref<!tpu.dma_semaphore, #tpu.memory_space<semaphore_mem>>) src(%dma_wait3A_156 : memref<80xi32, #tpu.memory_space<hbm>>) dst(%arg7 : memref<80xi32, #tpu.memory_space<vmem>>)
        tpu.yield
      }) : () -> ()
      %get3A = arith.constant 0 : index
      %get3A_27 = tpu.vector_load %arg7[%get3A] {strides = array<i32>} : memref<80xi32, #tpu.memory_space<vmem>>, vector<16xi32>,
      %get3A_28 = vector.shape_cast %get3A_27 : vector<16xi32> to vector<16xi32>
      %sub3A = vector.broadcast %mul3A_14 : i32 to vector<16xi32>
      %sub3A_29 = arith.subi %get3A_28, %sub3A : vector<16xi32>
      %ge3A = arith.constant 0 : i32
      %ge3A_30 = vector.broadcast %ge3A : i32 to vector<16xi32>
      %ge3A_31 = arith.cmpi sge, %sub3A_29, %ge3A_30 : vector<16xi32>
      %lt3A = arith.constant 5000 : i32
      %lt3A_32 = vector.broadcast %lt3A : i32 to vector<16xi32>
      %lt3A_33 = arith.cmpi slt, %sub3A_29, %lt3A_32 : vector<16xi32>
      %and3A = arith.andi %ge3A_31, %lt3A_33 : vector<16xi1>
      %jit3A = arith.constant 5119 : i32
      %broadcast_in_dim3A_34 = vector.broadcast %jit3A : i32 to vector<16xi32>
      %select_n3A = arith.select %and3A, %sub3A_29, %broadcast_in_dim3A_34 : vector<16xi1>, vector<16xi32>
      %swap3A = arith.constant 0 : index
      %swap3A_35 = tpu.vector_load %arg8[%swap3A] {strides = array<i32>} : memref<80xi32, #tpu.memory_space<vmem>>, vector<16xi32>,
      %swap3A_36 = vector.shape_cast %swap3A_35 : vector<16xi32> to vector<16xi32>
      %swap3A_37 = vector.shape_cast %select_n3A : vector<16xi32> to vector<16xi32>
      tpu.vector_store %arg8[%swap3A], %swap3A_37 {strides = array<i32>} : memref<80xi32, #tpu.memory_space<vmem>>, vector<16xi32>,
      %get3A_38 = arith.constant 0 : index
      %get3A_39 = tpu.vector_load %arg6[%get3A_38] {strides = array<i32>} : memref<80xi32, #tpu.memory_space<vmem>>, vector<16xi32>,
      %get3A_40 = vector.shape_cast %get3A_39 : vector<16xi32> to vector<16xi32>
      %swap3A_41 = arith.constant 0 : index
      %swap3A_42 = tpu.vector_load %arg9[%swap3A_41] {strides = array<i32>} : memref<80xi32, #tpu.memory_space<vmem>>, vector<16xi32>,
      %swap3A_43 = vector.shape_cast %swap3A_42 : vector<16xi32> to vector<16xi32>
      %swap3A_44 = vector.shape_cast %get3A_40 : vector<16xi32> to vector<16xi32>
      tpu.vector_store %arg9[%swap3A_41], %swap3A_44 {strides = array<i32>} : memref<80xi32, #tpu.memory_space<vmem>>, vector<16xi32>,
      %get3A_45 = arith.constant 16 : index
      %get3A_46 = tpu.vector_load %arg7[%get3A_45] {strides = array<i32>} : memref<80xi32, #tpu.memory_space<vmem>>, vector<16xi32>,
      %get3A_47 = vector.shape_cast %get3A_46 : vector<16xi32> to vector<16xi32>
      %sub3A_48 = vector.broadcast %mul3A_14 : i32 to vector<16xi32>
      %sub3A_49 = arith.subi %get3A_47, %sub3A_48 : vector<16xi32>
      %ge3A_50 = arith.constant 0 : i32
      %ge3A_51 = vector.broadcast %ge3A_50 : i32 to vector<16xi32>
      %ge3A_52 = arith.cmpi sge, %sub3A_49, %ge3A_51 : vector<16xi32>
      %lt3A_53 = arith.constant 5000 : i32
      %lt3A_54 = vector.broadcast %lt3A_53 : i32 to vector<16xi32>
      %lt3A_55 = arith.cmpi slt, %sub3A_49, %lt3A_54 : vector<16xi32>
      %and3A_56 = arith.andi %ge3A_52, %lt3A_55 : vector<16xi1>
      %jit3A_57 = arith.constant 5119 : i32
      %broadcast_in_dim3A_58 = vector.broadcast %jit3A_57 : i32 to vector<16xi32>
      %select_n3A_59 = arith.select %and3A_56, %sub3A_49, %broadcast_in_dim3A_58 : vector<16xi1>, vector<16xi32>
      %swap3A_60 = arith.constant 16 : index
      %swap3A_61 = tpu.vector_load %arg8[%swap3A_60] {strides = array<i32>} : memref<80xi32, #tpu.memory_space<vmem>>, vector<16xi32>,
      %swap3A_62 = vector.shape_cast %swap3A_61 : vector<16xi32> to vector<16xi32>
      %swap3A_63 = vector.shape_cast %select_n3A_59 : vector<16xi32> to vector<16xi32>
      tpu.vector_store %arg8[%swap3A_60], %swap3A_63 {strides = array<i32>} : memref<80xi32, #tpu.memory_space<vmem>>, vector<16xi32>,
      %get3A_64 = arith.constant 16 : index
      %get3A_65 = tpu.vector_load %arg6[%get3A_64] {strides = array<i32>} : memref<80xi32, #tpu.memory_space<vmem>>, vector<16xi32>,
      %get3A_66 = vector.shape_cast %get3A_65 : vector<16xi32> to vector<16xi32>
      %swap3A_67 = arith.constant 16 : index
      %swap3A_68 = tpu.vector_load %arg9[%swap3A_67] {strides = array<i32>} : memref<80xi32, #tpu.memory_space<vmem>>, vector<16xi32>,
      %swap3A_69 = vector.shape_cast %swap3A_68 : vector<16xi32> to vector<16xi32>
      %swap3A_70 = vector.shape_cast %get3A_66 : vector<16xi32> to vector<16xi32>
      tpu.vector_store %arg9[%swap3A_67], %swap3A_70 {strides = array<i32>} : memref<80xi32, #tpu.memory_space<vmem>>, vector<16xi32>,
      %get3A_71 = arith.constant 32 : index
      %get3A_72 = tpu.vector_load %arg7[%get3A_71] {strides = array<i32>} : memref<80xi32, #tpu.memory_space<vmem>>, vector<16xi32>,
      %get3A_73 = vector.shape_cast %get3A_72 : vector<16xi32> to vector<16xi32>
      %sub3A_74 = vector.broadcast %mul3A_14 : i32 to vector<16xi32>
      %sub3A_75 = arith.subi %get3A_73, %sub3A_74 : vector<16xi32>
      %ge3A_76 = arith.constant 0 : i32
      %ge3A_77 = vector.broadcast %ge3A_76 : i32 to vector<16xi32>
      %ge3A_78 = arith.cmpi sge, %sub3A_75, %ge3A_77 : vector<16xi32>
      %lt3A_79 = arith.constant 5000 : i32
      %lt3A_80 = vector.broadcast %lt3A_79 : i32 to vector<16xi32>
      %lt3A_81 = arith.cmpi slt, %sub3A_75, %lt3A_80 : vector<16xi32>
      %and3A_82 = arith.andi %ge3A_78, %lt3A_81 : vector<16xi1>
      %jit3A_83 = arith.constant 5119 : i32
      %broadcast_in_dim3A_84 = vector.broadcast %jit3A_83 : i32 to vector<16xi32>
      %select_n3A_85 = arith.select %and3A_82, %sub3A_75, %broadcast_in_dim3A_84 : vector<16xi1>, vector<16xi32>
      %swap3A_86 = arith.constant 32 : index
      %swap3A_87 = tpu.vector_load %arg8[%swap3A_86] {strides = array<i32>} : memref<80xi32, #tpu.memory_space<vmem>>, vector<16xi32>,
      %swap3A_88 = vector.shape_cast %swap3A_87 : vector<16xi32> to vector<16xi32>
      %swap3A_89 = vector.shape_cast %select_n3A_85 : vector<16xi32> to vector<16xi32>
      tpu.vector_store %arg8[%swap3A_86], %swap3A_89 {strides = array<i32>} : memref<80xi32, #tpu.memory_space<vmem>>, vector<16xi32>,
      %get3A_90 = arith.constant 32 : index
      %get3A_91 = tpu.vector_load %arg6[%get3A_90] {strides = array<i32>} : memref<80xi32, #tpu.memory_space<vmem>>, vector<16xi32>,
      %get3A_92 = vector.shape_cast %get3A_91 : vector<16xi32> to vector<16xi32>
      %swap3A_93 = arith.constant 32 : index
      %swap3A_94 = tpu.vector_load %arg9[%swap3A_93] {strides = array<i32>} : memref<80xi32, #tpu.memory_space<vmem>>, vector<16xi32>,
      %swap3A_95 = vector.shape_cast %swap3A_94 : vector<16xi32> to vector<16xi32>
      %swap3A_96 = vector.shape_cast %get3A_92 : vector<16xi32> to vector<16xi32>
      tpu.vector_store %arg9[%swap3A_93], %swap3A_96 {strides = array<i32>} : memref<80xi32, #tpu.memory_space<vmem>>, vector<16xi32>,
      %get3A_97 = arith.constant 48 : index
      %get3A_98 = tpu.vector_load %arg7[%get3A_97] {strides = array<i32>} : memref<80xi32, #tpu.memory_space<vmem>>, vector<16xi32>,
      %get3A_99 = vector.shape_cast %get3A_98 : vector<16xi32> to vector<16xi32>
      %sub3A_100 = vector.broadcast %mul3A_14 : i32 to vector<16xi32>
      %sub3A_101 = arith.subi %get3A_99, %sub3A_100 : vector<16xi32>
      %ge3A_102 = arith.constant 0 : i32
      %ge3A_103 = vector.broadcast %ge3A_102 : i32 to vector<16xi32>
      %ge3A_104 = arith.cmpi sge, %sub3A_101, %ge3A_103 : vector<16xi32>
      %lt3A_105 = arith.constant 5000 : i32
      %lt3A_106 = vector.broadcast %lt3A_105 : i32 to vector<16xi32>
      %lt3A_107 = arith.cmpi slt, %sub3A_101, %lt3A_106 : vector<16xi32>
      %and3A_108 = arith.andi %ge3A_104, %lt3A_107 : vector<16xi1>
      %jit3A_109 = arith.constant 5119 : i32
      %broadcast_in_dim3A_110 = vector.broadcast %jit3A_109 : i32 to vector<16xi32>
      %select_n3A_111 = arith.select %and3A_108, %sub3A_101, %broadcast_in_dim3A_110 : vector<16xi1>, vector<16xi32>
      %swap3A_112 = arith.constant 48 : index
      %swap3A_113 = tpu.vector_load %arg8[%swap3A_112] {strides = array<i32>} : memref<80xi32, #tpu.memory_space<vmem>>, vector<16xi32>,
      %swap3A_114 = vector.shape_cast %swap3A_113 : vector<16xi32> to vector<16xi32>
      %swap3A_115 = vector.shape_cast %select_n3A_111 : vector<16xi32> to vector<16xi32>
      tpu.vector_store %arg8[%swap3A_112], %swap3A_115 {strides = array<i32>} : memref<80xi32, #tpu.memory_space<vmem>>, vector<16xi32>,
      %get3A_116 = arith.constant 48 : index
      %get3A_117 = tpu.vector_load %arg6[%get3A_116] {strides = array<i32>} : memref<80xi32, #tpu.memory_space<vmem>>, vector<16xi32>,
      %get3A_118 = vector.shape_cast %get3A_117 : vector<16xi32> to vector<16xi32>
      %swap3A_119 = arith.constant 48 : index
      %swap3A_120 = tpu.vector_load %arg9[%swap3A_119] {strides = array<i32>} : memref<80xi32, #tpu.memory_space<vmem>>, vector<16xi32>,
      %swap3A_121 = vector.shape_cast %swap3A_120 : vector<16xi32> to vector<16xi32>
      %swap3A_122 = vector.shape_cast %get3A_118 : vector<16xi32> to vector<16xi32>
      tpu.vector_store %arg9[%swap3A_119], %swap3A_122 {strides = array<i32>} : memref<80xi32, #tpu.memory_space<vmem>>, vector<16xi32>,
      %get3A_123 = arith.constant 64 : index
      %get3A_124 = tpu.vector_load %arg7[%get3A_123] {strides = array<i32>} : memref<80xi32, #tpu.memory_space<vmem>>, vector<16xi32>,
      %get3A_125 = vector.shape_cast %get3A_124 : vector<16xi32> to vector<16xi32>
      %sub3A_126 = vector.broadcast %mul3A_14 : i32 to vector<16xi32>
      %sub3A_127 = arith.subi %get3A_125, %sub3A_126 : vector<16xi32>
      %ge3A_128 = arith.constant 0 : i32
      %ge3A_129 = vector.broadcast %ge3A_128 : i32 to vector<16xi32>
      %ge3A_130 = arith.cmpi sge, %sub3A_127, %ge3A_129 : vector<16xi32>
      %lt3A_131 = arith.constant 5000 : i32
      %lt3A_132 = vector.broadcast %lt3A_131 : i32 to vector<16xi32>
      %lt3A_133 = arith.cmpi slt, %sub3A_127, %lt3A_132 : vector<16xi32>
      %and3A_134 = arith.andi %ge3A_130, %lt3A_133 : vector<16xi1>
      %jit3A_135 = arith.constant 5119 : i32
      %broadcast_in_dim3A_136 = vector.broadcast %jit3A_135 : i32 to vector<16xi32>
      %select_n3A_137 = arith.select %and3A_134, %sub3A_127, %broadcast_in_dim3A_136 : vector<16xi1>, vector<16xi32>
      %swap3A_138 = arith.constant 64 : index
      %swap3A_139 = tpu.vector_load %arg8[%swap3A_138] {strides = array<i32>} : memref<80xi32, #tpu.memory_space<vmem>>, vector<16xi32>,
      %swap3A_140 = vector.shape_cast %swap3A_139 : vector<16xi32> to vector<16xi32>
      %swap3A_141 = vector.shape_cast %select_n3A_137 : vector<16xi32> to vector<16xi32>
      tpu.vector_store %arg8[%swap3A_138], %swap3A_141 {strides = array<i32>} : memref<80xi32, #tpu.memory_space<vmem>>, vector<16xi32>,
      %get3A_142 = arith.constant 64 : index
      %get3A_143 = tpu.vector_load %arg6[%get3A_142] {strides = array<i32>} : memref<80xi32, #tpu.memory_space<vmem>>, vector<16xi32>,
      %get3A_144 = vector.shape_cast %get3A_143 : vector<16xi32> to vector<16xi32>
      %swap3A_145 = arith.constant 64 : index
      %swap3A_146 = tpu.vector_load %arg9[%swap3A_145] {strides = array<i32>} : memref<80xi32, #tpu.memory_space<vmem>>, vector<16xi32>,
      %swap3A_147 = vector.shape_cast %swap3A_146 : vector<16xi32> to vector<16xi32>
      %swap3A_148 = vector.shape_cast %get3A_144 : vector<16xi32> to vector<16xi32>
      tpu.vector_store %arg9[%swap3A_145], %swap3A_148 {strides = array<i32>} : memref<80xi32, #tpu.memory_space<vmem>>, vector<16xi32>,
      %dma_start3A = arith.constant 0 : i32
      %dma_start3A_149 = arith.constant 0 : i32
      %dma_start3A_150 = tpu.memref_slice %arg2[%dma_start3A, %dma_start3A_149] : memref<8x128xf32, #tpu.memory_space<hbm>> -> memref<8x128xf32, #tpu.memory_space<hbm>>
      tpu.enqueue_indirect_dma source(%dma_start3A_150 : memref<8x128xf32, #tpu.memory_space<hbm>>) target(%arg10 : memref<80x128xf32, #tpu.memory_space<vmem>>) offsets(%arg9 : memref<80xi32, #tpu.memory_space<vmem>>) semaphore(%arg12 : memref<!tpu.dma_semaphore, #tpu.memory_space<semaphore_mem>>)
      %dma_wait3A = arith.constant 0 : i32
      %dma_wait3A_151 = arith.constant 0 : i32
      %dma_wait3A_152 = tpu.memref_slice %arg2[%dma_wait3A, %dma_wait3A_151] : memref<8x128xf32, #tpu.memory_space<hbm>> -> memref<8x128xf32, #tpu.memory_space<hbm>>
      tpu.wait_indirect_dma semaphore(%arg12 : memref<!tpu.dma_semaphore, #tpu.memory_space<semaphore_mem>>) src(%dma_wait3A_152 : memref<8x128xf32, #tpu.memory_space<hbm>>) dst(%arg10 : memref<80x128xf32, #tpu.memory_space<vmem>>)
      "tpu.region"() ({
        %run_scoped3A = tpu.sem_alloc : memref<!tpu.dma_semaphore, #tpu.memory_space<semaphore_mem>>
        %dma_start3A_153 = arith.constant 0 : i32
        %dma_start3A_154 = arith.constant 0 : i32
        %dma_start3A_155 = tpu.memref_slice %arg13[%dma_start3A_153, %dma_start3A_154] : memref<5120x128xf32, #tpu.memory_space<vmem_shared>> -> memref<5120x128xf32, #tpu.memory_space<vmem_shared>>
        tpu.enqueue_indirect_dma source(%arg10 : memref<80x128xf32, #tpu.memory_space<vmem>>) target(%dma_start3A_155 : memref<5120x128xf32, #tpu.memory_space<vmem_shared>>) offsets(%arg8 : memref<80xi32, #tpu.memory_space<vmem>>) semaphore(%run_scoped3A : memref<!tpu.dma_semaphore, #tpu.memory_space<semaphore_mem>>) {add = true}
        %dma_wait3A_156 = arith.constant 0 : i32
        %dma_wait3A_157 = arith.constant 0 : i32
        %dma_wait3A_158 = tpu.memref_slice %arg13[%dma_wait3A_156, %dma_wait3A_157] : memref<5120x128xf32, #tpu.memory_space<vmem_shared>> -> memref<5120x128xf32, #tpu.memory_space<vmem_shared>>
        tpu.wait_indirect_dma semaphore(%run_scoped3A : memref<!tpu.dma_semaphore, #tpu.memory_space<semaphore_mem>>) src(%arg10 : memref<80x128xf32, #tpu.memory_space<vmem>>) dst(%dma_wait3A_158 : memref<5120x128xf32, #tpu.memory_space<vmem_shared>>)
        tpu.yield
      }) : () -> ()
    }
    %scan3A_22 = arith.constant 250 : i32
    %barrier3A_23 = arith.constant 0 : index
    tpu.barrier barrier_id(%barrier3A_23)
    "tpu.region"() ({
      %run_scoped3A = tpu.sem_alloc : memref<!tpu.dma_semaphore, #tpu.memory_space<semaphore_mem>>
      %dma_start3A = arith.constant 0 : i32
      %dma_start3A_24 = tpu.memref_slice %arg5[%arg0, %mul3A_6, %dma_start3A] : memref<2x5120x128xf32, #tpu.memory_space<hbm>> -> memref<1x320x128xf32, #tpu.memory_space<hbm>>
      %dma_start3A_25 = tpu.memref_squeeze %dma_start3A_24 : memref<1x320x128xf32, #tpu.memory_space<hbm>> -> memref<320x128xf32, #tpu.memory_space<hbm>>
      %dma_start3A_26 = arith.constant 0 : i32
      %dma_start3A_27 = tpu.memref_slice %arg13[%mul3A_6, %dma_start3A_26] : memref<5120x128xf32, #tpu.memory_space<vmem_shared>> -> memref<320x128xf32, #tpu.memory_space<vmem_shared>>
      tpu.enqueue_dma source(%dma_start3A_27 : memref<320x128xf32, #tpu.memory_space<vmem_shared>>) target(%dma_start3A_25 : memref<320x128xf32, #tpu.memory_space<hbm>>) target_semaphore(%run_scoped3A : memref<!tpu.dma_semaphore, #tpu.memory_space<semaphore_mem>>)
      %dma_wait3A = arith.constant 0 : i32
      %dma_wait3A_28 = tpu.memref_slice %arg5[%arg0, %mul3A_6, %dma_wait3A] : memref<2x5120x128xf32, #tpu.memory_space<hbm>> -> memref<1x320x128xf32, #tpu.memory_space<hbm>>
      %dma_wait3A_29 = tpu.memref_squeeze %dma_wait3A_28 : memref<1x320x128xf32, #tpu.memory_space<hbm>> -> memref<320x128xf32, #tpu.memory_space<hbm>>
      %dma_wait3A_30 = arith.constant 0 : i32
      %dma_wait3A_31 = tpu.memref_slice %arg13[%mul3A_6, %dma_wait3A_30] : memref<5120x128xf32, #tpu.memory_space<vmem_shared>> -> memref<320x128xf32, #tpu.memory_space<vmem_shared>>
      tpu.wait_dma2 semaphore(%run_scoped3A : memref<!tpu.dma_semaphore, #tpu.memory_space<semaphore_mem>>) src(%dma_wait3A_31 : memref<320x128xf32, #tpu.memory_space<vmem_shared>>) dst(%dma_wait3A_29 : memref<320x128xf32, #tpu.memory_space<hbm>>)
      tpu.yield
    }) : () -> ()
    return
  }
}

#map = affine_map<(d0, d1) -> (0, 0)>
#map1 = affine_map<(d0, d1) -> (0)>
module attributes {stable_mosaic.version = 14 : i64} {
  func.func @_wprep_kernel(%arg0: i32, %arg1: i32, %arg2: memref<80000x128xf32, #tpu.memory_space<hbm>>, %arg3: memref<320000xi32, #tpu.memory_space<hbm>>, %arg4: memref<320000xi32, #tpu.memory_space<hbm>>, %arg5: memref<320000x16xf32, #tpu.memory_space<hbm>>, %arg6: memref<80xi32, #tpu.memory_space<vmem>>, %arg7: memref<80xi32, #tpu.memory_space<vmem>>, %arg8: memref<80xi32, #tpu.memory_space<vmem>>, %arg9: memref<80x128xf32, #tpu.memory_space<vmem>>, %arg10: memref<80x16xf32, #tpu.memory_space<vmem>>, %arg11: memref<!tpu.dma_semaphore, #tpu.memory_space<semaphore_mem>>) attributes {dimension_semantics = [#tpu.dimension_semantics<core_parallel>, #tpu.dimension_semantics<subcore_parallel>], iteration_bounds = array<i64: 2, 16>, scalar_prefetch = 0 : i64, scratch_operands = 6 : i64, tpu.core_type = #tpu.core_type<sc_vector_subcore>, window_params = [{transform_indices = #map}, {transform_indices = #map1}, {transform_indices = #map1}, {transform_indices = #map}]} {
    %mul3A = arith.constant 2 : i32
    %mul3A_0 = arith.muli %arg1, %mul3A : i32
    %add3A = arith.addi %mul3A_0, %arg0 : i32
    %mul3A_1 = arith.constant 10000 : i32
    %mul3A_2 = arith.muli %add3A, %mul3A_1 : i32
    %scan3A = arith.constant 0 : i32
    %scan3A_3 = arith.constant 0 : i32
    %scan3A_4 = arith.constant 125 : i32
    %scan3A_5 = arith.addi %scan3A_3, %scan3A_4 : i32
    %scan3A_6 = arith.constant 1 : i32
    scf.for %scan3A_8 = %scan3A_3 to %scan3A_5 step %scan3A_6  : i32 {
      %mul3A_9 = arith.constant 80 : i32
      %mul3A_10 = arith.muli %scan3A_8, %mul3A_9 : i32
      %add3A_11 = arith.addi %mul3A_2, %mul3A_10 : i32
      "tpu.region"() ({
        %run_scoped3A = tpu.sem_alloc : memref<!tpu.dma_semaphore, #tpu.memory_space<semaphore_mem>>
        %dma_start3A_90 = tpu.memref_slice %arg3[%add3A_11] : memref<320000xi32, #tpu.memory_space<hbm>> -> memref<80xi32, #tpu.memory_space<hbm>>
        %dma_start3A_91 = tpu.memref_slice %arg3[%add3A_11] : memref<320000xi32, #tpu.memory_space<hbm>> -> memref<80xi32, #tpu.memory_space<hbm>>
        tpu.enqueue_dma source(%dma_start3A_91 : memref<80xi32, #tpu.memory_space<hbm>>) target(%arg6 : memref<80xi32, #tpu.memory_space<vmem>>) target_semaphore(%run_scoped3A : memref<!tpu.dma_semaphore, #tpu.memory_space<semaphore_mem>>)
        %dma_wait3A_92 = tpu.memref_slice %arg3[%add3A_11] : memref<320000xi32, #tpu.memory_space<hbm>> -> memref<80xi32, #tpu.memory_space<hbm>>
        %dma_wait3A_93 = tpu.memref_slice %arg3[%add3A_11] : memref<320000xi32, #tpu.memory_space<hbm>> -> memref<80xi32, #tpu.memory_space<hbm>>
        tpu.wait_dma2 semaphore(%run_scoped3A : memref<!tpu.dma_semaphore, #tpu.memory_space<semaphore_mem>>) src(%dma_wait3A_93 : memref<80xi32, #tpu.memory_space<hbm>>) dst(%arg6 : memref<80xi32, #tpu.memory_space<vmem>>)
        tpu.yield
      }) : () -> ()
      "tpu.region"() ({
        %run_scoped3A = tpu.sem_alloc : memref<!tpu.dma_semaphore, #tpu.memory_space<semaphore_mem>>
        %dma_start3A_90 = tpu.memref_slice %arg4[%add3A_11] : memref<320000xi32, #tpu.memory_space<hbm>> -> memref<80xi32, #tpu.memory_space<hbm>>
        %dma_start3A_91 = tpu.memref_slice %arg4[%add3A_11] : memref<320000xi32, #tpu.memory_space<hbm>> -> memref<80xi32, #tpu.memory_space<hbm>>
        tpu.enqueue_dma source(%dma_start3A_91 : memref<80xi32, #tpu.memory_space<hbm>>) target(%arg7 : memref<80xi32, #tpu.memory_space<vmem>>) target_semaphore(%run_scoped3A : memref<!tpu.dma_semaphore, #tpu.memory_space<semaphore_mem>>)
        %dma_wait3A_92 = tpu.memref_slice %arg4[%add3A_11] : memref<320000xi32, #tpu.memory_space<hbm>> -> memref<80xi32, #tpu.memory_space<hbm>>
        %dma_wait3A_93 = tpu.memref_slice %arg4[%add3A_11] : memref<320000xi32, #tpu.memory_space<hbm>> -> memref<80xi32, #tpu.memory_space<hbm>>
        tpu.wait_dma2 semaphore(%run_scoped3A : memref<!tpu.dma_semaphore, #tpu.memory_space<semaphore_mem>>) src(%dma_wait3A_93 : memref<80xi32, #tpu.memory_space<hbm>>) dst(%arg7 : memref<80xi32, #tpu.memory_space<vmem>>)
        tpu.yield
      }) : () -> ()
      %get3A = arith.constant 0 : index
      %get3A_12 = tpu.vector_load %arg7[%get3A] {strides = array<i32>} : memref<80xi32, #tpu.memory_space<vmem>>, vector<16xi32>,
      %get3A_13 = vector.shape_cast %get3A_12 : vector<16xi32> to vector<16xi32>
      %mul3A_14 = arith.constant 8 : i32
      %mul3A_15 = vector.broadcast %mul3A_14 : i32 to vector<16xi32>
      %mul3A_16 = arith.muli %get3A_13, %mul3A_15 : vector<16xi32>
      %get3A_17 = arith.constant 0 : index
      %get3A_18 = tpu.vector_load %arg6[%get3A_17] {strides = array<i32>} : memref<80xi32, #tpu.memory_space<vmem>>, vector<16xi32>,
      %get3A_19 = vector.shape_cast %get3A_18 : vector<16xi32> to vector<16xi32>
      %add3A_20 = arith.addi %mul3A_16, %get3A_19 : vector<16xi32>
      %swap3A = arith.constant 0 : index
      %swap3A_21 = tpu.vector_load %arg8[%swap3A] {strides = array<i32>} : memref<80xi32, #tpu.memory_space<vmem>>, vector<16xi32>,
      %swap3A_22 = vector.shape_cast %swap3A_21 : vector<16xi32> to vector<16xi32>
      %swap3A_23 = vector.shape_cast %add3A_20 : vector<16xi32> to vector<16xi32>
      tpu.vector_store %arg8[%swap3A], %swap3A_23 {strides = array<i32>} : memref<80xi32, #tpu.memory_space<vmem>>, vector<16xi32>,
      %get3A_24 = arith.constant 16 : index
      %get3A_25 = tpu.vector_load %arg7[%get3A_24] {strides = array<i32>} : memref<80xi32, #tpu.memory_space<vmem>>, vector<16xi32>,
      %get3A_26 = vector.shape_cast %get3A_25 : vector<16xi32> to vector<16xi32>
      %mul3A_27 = arith.constant 8 : i32
      %mul3A_28 = vector.broadcast %mul3A_27 : i32 to vector<16xi32>
      %mul3A_29 = arith.muli %get3A_26, %mul3A_28 : vector<16xi32>
      %get3A_30 = arith.constant 16 : index
      %get3A_31 = tpu.vector_load %arg6[%get3A_30] {strides = array<i32>} : memref<80xi32, #tpu.memory_space<vmem>>, vector<16xi32>,
      %get3A_32 = vector.shape_cast %get3A_31 : vector<16xi32> to vector<16xi32>
      %add3A_33 = arith.addi %mul3A_29, %get3A_32 : vector<16xi32>
      %swap3A_34 = arith.constant 16 : index
      %swap3A_35 = tpu.vector_load %arg8[%swap3A_34] {strides = array<i32>} : memref<80xi32, #tpu.memory_space<vmem>>, vector<16xi32>,
      %swap3A_36 = vector.shape_cast %swap3A_35 : vector<16xi32> to vector<16xi32>
      %swap3A_37 = vector.shape_cast %add3A_33 : vector<16xi32> to vector<16xi32>
      tpu.vector_store %arg8[%swap3A_34], %swap3A_37 {strides = array<i32>} : memref<80xi32, #tpu.memory_space<vmem>>, vector<16xi32>,
      %get3A_38 = arith.constant 32 : index
      %get3A_39 = tpu.vector_load %arg7[%get3A_38] {strides = array<i32>} : memref<80xi32, #tpu.memory_space<vmem>>, vector<16xi32>,
      %get3A_40 = vector.shape_cast %get3A_39 : vector<16xi32> to vector<16xi32>
      %mul3A_41 = arith.constant 8 : i32
      %mul3A_42 = vector.broadcast %mul3A_41 : i32 to vector<16xi32>
      %mul3A_43 = arith.muli %get3A_40, %mul3A_42 : vector<16xi32>
      %get3A_44 = arith.constant 32 : index
      %get3A_45 = tpu.vector_load %arg6[%get3A_44] {strides = array<i32>} : memref<80xi32, #tpu.memory_space<vmem>>, vector<16xi32>,
      %get3A_46 = vector.shape_cast %get3A_45 : vector<16xi32> to vector<16xi32>
      %add3A_47 = arith.addi %mul3A_43, %get3A_46 : vector<16xi32>
      %swap3A_48 = arith.constant 32 : index
      %swap3A_49 = tpu.vector_load %arg8[%swap3A_48] {strides = array<i32>} : memref<80xi32, #tpu.memory_space<vmem>>, vector<16xi32>,
      %swap3A_50 = vector.shape_cast %swap3A_49 : vector<16xi32> to vector<16xi32>
      %swap3A_51 = vector.shape_cast %add3A_47 : vector<16xi32> to vector<16xi32>
      tpu.vector_store %arg8[%swap3A_48], %swap3A_51 {strides = array<i32>} : memref<80xi32, #tpu.memory_space<vmem>>, vector<16xi32>,
      %get3A_52 = arith.constant 48 : index
      %get3A_53 = tpu.vector_load %arg7[%get3A_52] {strides = array<i32>} : memref<80xi32, #tpu.memory_space<vmem>>, vector<16xi32>,
      %get3A_54 = vector.shape_cast %get3A_53 : vector<16xi32> to vector<16xi32>
      %mul3A_55 = arith.constant 8 : i32
      %mul3A_56 = vector.broadcast %mul3A_55 : i32 to vector<16xi32>
      %mul3A_57 = arith.muli %get3A_54, %mul3A_56 : vector<16xi32>
      %get3A_58 = arith.constant 48 : index
      %get3A_59 = tpu.vector_load %arg6[%get3A_58] {strides = array<i32>} : memref<80xi32, #tpu.memory_space<vmem>>, vector<16xi32>,
      %get3A_60 = vector.shape_cast %get3A_59 : vector<16xi32> to vector<16xi32>
      %add3A_61 = arith.addi %mul3A_57, %get3A_60 : vector<16xi32>
      %swap3A_62 = arith.constant 48 : index
      %swap3A_63 = tpu.vector_load %arg8[%swap3A_62] {strides = array<i32>} : memref<80xi32, #tpu.memory_space<vmem>>, vector<16xi32>,
      %swap3A_64 = vector.shape_cast %swap3A_63 : vector<16xi32> to vector<16xi32>
      %swap3A_65 = vector.shape_cast %add3A_61 : vector<16xi32> to vector<16xi32>
      tpu.vector_store %arg8[%swap3A_62], %swap3A_65 {strides = array<i32>} : memref<80xi32, #tpu.memory_space<vmem>>, vector<16xi32>,
      %get3A_66 = arith.constant 64 : index
      %get3A_67 = tpu.vector_load %arg7[%get3A_66] {strides = array<i32>} : memref<80xi32, #tpu.memory_space<vmem>>, vector<16xi32>,
      %get3A_68 = vector.shape_cast %get3A_67 : vector<16xi32> to vector<16xi32>
      %mul3A_69 = arith.constant 8 : i32
      %mul3A_70 = vector.broadcast %mul3A_69 : i32 to vector<16xi32>
      %mul3A_71 = arith.muli %get3A_68, %mul3A_70 : vector<16xi32>
      %get3A_72 = arith.constant 64 : index
      %get3A_73 = tpu.vector_load %arg6[%get3A_72] {strides = array<i32>} : memref<80xi32, #tpu.memory_space<vmem>>, vector<16xi32>,
      %get3A_74 = vector.shape_cast %get3A_73 : vector<16xi32> to vector<16xi32>
      %add3A_75 = arith.addi %mul3A_71, %get3A_74 : vector<16xi32>
      %swap3A_76 = arith.constant 64 : index
      %swap3A_77 = tpu.vector_load %arg8[%swap3A_76] {strides = array<i32>} : memref<80xi32, #tpu.memory_space<vmem>>, vector<16xi32>,
      %swap3A_78 = vector.shape_cast %swap3A_77 : vector<16xi32> to vector<16xi32>
      %swap3A_79 = vector.shape_cast %add3A_75 : vector<16xi32> to vector<16xi32>
      tpu.vector_store %arg8[%swap3A_76], %swap3A_79 {strides = array<i32>} : memref<80xi32, #tpu.memory_space<vmem>>, vector<16xi32>,
      %dma_start3A = arith.constant 0 : i32
      %dma_start3A_80 = arith.constant 0 : i32
      %dma_start3A_81 = tpu.memref_slice %arg2[%dma_start3A, %dma_start3A_80] : memref<80000x128xf32, #tpu.memory_space<hbm>> -> memref<80000x128xf32, #tpu.memory_space<hbm>>
      tpu.enqueue_indirect_dma source(%dma_start3A_81 : memref<80000x128xf32, #tpu.memory_space<hbm>>) target(%arg9 : memref<80x128xf32, #tpu.memory_space<vmem>>) offsets(%arg8 : memref<80xi32, #tpu.memory_space<vmem>>) semaphore(%arg11 : memref<!tpu.dma_semaphore, #tpu.memory_space<semaphore_mem>>)
      %dma_wait3A = arith.constant 0 : i32
      %dma_wait3A_82 = arith.constant 0 : i32
      %dma_wait3A_83 = tpu.memref_slice %arg2[%dma_wait3A, %dma_wait3A_82] : memref<80000x128xf32, #tpu.memory_space<hbm>> -> memref<80000x128xf32, #tpu.memory_space<hbm>>
      tpu.wait_indirect_dma semaphore(%arg11 : memref<!tpu.dma_semaphore, #tpu.memory_space<semaphore_mem>>) src(%dma_wait3A_83 : memref<80000x128xf32, #tpu.memory_space<hbm>>) dst(%arg9 : memref<80x128xf32, #tpu.memory_space<vmem>>)
      %scan3A_84 = arith.constant 0 : i32
      %scan3A_85 = arith.constant 0 : i32
      %scan3A_86 = arith.constant 5 : i32
      %scan3A_87 = arith.addi %scan3A_85, %scan3A_86 : i32
      %scan3A_88 = arith.constant 1 : i32
      scf.for %scan3A_90 = %scan3A_85 to %scan3A_87 step %scan3A_88  : i32 {
        %mul3A_91 = arith.constant 16 : i32
        %mul3A_92 = arith.muli %scan3A_90, %mul3A_91 : i32
        %add3A_93 = arith.constant 0 : i32
        %add3A_94 = arith.addi %mul3A_92, %add3A_93 : i32
        %get3A_95 = arith.index_cast %add3A_94 : i32 to index
        %get3A_96 = arith.constant 0 : index
        %get3A_97 = tpu.vector_load %arg9[%get3A_95, %get3A_96] {strides = array<i32>} : memref<80x128xf32, #tpu.memory_space<vmem>>, vector<1x16xf32>,
        %get3A_98 = vector.shape_cast %get3A_97 : vector<1x16xf32> to vector<16xf32>
        %swap3A_99 = arith.index_cast %add3A_94 : i32 to index
        %swap3A_100 = arith.constant 0 : index
        %swap3A_101 = tpu.vector_load %arg10[%swap3A_99, %swap3A_100] {strides = array<i32>} : memref<80x16xf32, #tpu.memory_space<vmem>>, vector<1x16xf32>,
        %swap3A_102 = vector.shape_cast %swap3A_101 : vector<1x16xf32> to vector<16xf32>
        %swap3A_103 = vector.shape_cast %get3A_98 : vector<16xf32> to vector<1x16xf32>
        tpu.vector_store %arg10[%swap3A_99, %swap3A_100], %swap3A_103 {strides = array<i32>} : memref<80x16xf32, #tpu.memory_space<vmem>>, vector<1x16xf32>,
        %mul3A_104 = arith.constant 16 : i32
        %mul3A_105 = arith.muli %scan3A_90, %mul3A_104 : i32
        %add3A_106 = arith.constant 1 : i32
        %add3A_107 = arith.addi %mul3A_105, %add3A_106 : i32
        %get3A_108 = arith.index_cast %add3A_107 : i32 to index
        %get3A_109 = arith.constant 0 : index
        %get3A_110 = tpu.vector_load %arg9[%get3A_108, %get3A_109] {strides = array<i32>} : memref<80x128xf32, #tpu.memory_space<vmem>>, vector<1x16xf32>,
        %get3A_111 = vector.shape_cast %get3A_110 : vector<1x16xf32> to vector<16xf32>
        %swap3A_112 = arith.index_cast %add3A_107 : i32 to index
        %swap3A_113 = arith.constant 0 : index
        %swap3A_114 = tpu.vector_load %arg10[%swap3A_112, %swap3A_113] {strides = array<i32>} : memref<80x16xf32, #tpu.memory_space<vmem>>, vector<1x16xf32>,
        %swap3A_115 = vector.shape_cast %swap3A_114 : vector<1x16xf32> to vector<16xf32>
        %swap3A_116 = vector.shape_cast %get3A_111 : vector<16xf32> to vector<1x16xf32>
        tpu.vector_store %arg10[%swap3A_112, %swap3A_113], %swap3A_116 {strides = array<i32>} : memref<80x16xf32, #tpu.memory_space<vmem>>, vector<1x16xf32>,
        %mul3A_117 = arith.constant 16 : i32
        %mul3A_118 = arith.muli %scan3A_90, %mul3A_117 : i32
        %add3A_119 = arith.constant 2 : i32
        %add3A_120 = arith.addi %mul3A_118, %add3A_119 : i32
        %get3A_121 = arith.index_cast %add3A_120 : i32 to index
        %get3A_122 = arith.constant 0 : index
        %get3A_123 = tpu.vector_load %arg9[%get3A_121, %get3A_122] {strides = array<i32>} : memref<80x128xf32, #tpu.memory_space<vmem>>, vector<1x16xf32>,
        %get3A_124 = vector.shape_cast %get3A_123 : vector<1x16xf32> to vector<16xf32>
        %swap3A_125 = arith.index_cast %add3A_120 : i32 to index
        %swap3A_126 = arith.constant 0 : index
        %swap3A_127 = tpu.vector_load %arg10[%swap3A_125, %swap3A_126] {strides = array<i32>} : memref<80x16xf32, #tpu.memory_space<vmem>>, vector<1x16xf32>,
        %swap3A_128 = vector.shape_cast %swap3A_127 : vector<1x16xf32> to vector<16xf32>
        %swap3A_129 = vector.shape_cast %get3A_124 : vector<16xf32> to vector<1x16xf32>
        tpu.vector_store %arg10[%swap3A_125, %swap3A_126], %swap3A_129 {strides = array<i32>} : memref<80x16xf32, #tpu.memory_space<vmem>>, vector<1x16xf32>,
        %mul3A_130 = arith.constant 16 : i32
        %mul3A_131 = arith.muli %scan3A_90, %mul3A_130 : i32
        %add3A_132 = arith.constant 3 : i32
        %add3A_133 = arith.addi %mul3A_131, %add3A_132 : i32
        %get3A_134 = arith.index_cast %add3A_133 : i32 to index
        %get3A_135 = arith.constant 0 : index
        %get3A_136 = tpu.vector_load %arg9[%get3A_134, %get3A_135] {strides = array<i32>} : memref<80x128xf32, #tpu.memory_space<vmem>>, vector<1x16xf32>,
        %get3A_137 = vector.shape_cast %get3A_136 : vector<1x16xf32> to vector<16xf32>
        %swap3A_138 = arith.index_cast %add3A_133 : i32 to index
        %swap3A_139 = arith.constant 0 : index
        %swap3A_140 = tpu.vector_load %arg10[%swap3A_138, %swap3A_139] {strides = array<i32>} : memref<80x16xf32, #tpu.memory_space<vmem>>, vector<1x16xf32>,
        %swap3A_141 = vector.shape_cast %swap3A_140 : vector<1x16xf32> to vector<16xf32>
        %swap3A_142 = vector.shape_cast %get3A_137 : vector<16xf32> to vector<1x16xf32>
        tpu.vector_store %arg10[%swap3A_138, %swap3A_139], %swap3A_142 {strides = array<i32>} : memref<80x16xf32, #tpu.memory_space<vmem>>, vector<1x16xf32>,
        %mul3A_143 = arith.constant 16 : i32
        %mul3A_144 = arith.muli %scan3A_90, %mul3A_143 : i32
        %add3A_145 = arith.constant 4 : i32
        %add3A_146 = arith.addi %mul3A_144, %add3A_145 : i32
        %get3A_147 = arith.index_cast %add3A_146 : i32 to index
        %get3A_148 = arith.constant 0 : index
        %get3A_149 = tpu.vector_load %arg9[%get3A_147, %get3A_148] {strides = array<i32>} : memref<80x128xf32, #tpu.memory_space<vmem>>, vector<1x16xf32>,
        %get3A_150 = vector.shape_cast %get3A_149 : vector<1x16xf32> to vector<16xf32>
        %swap3A_151 = arith.index_cast %add3A_146 : i32 to index
        %swap3A_152 = arith.constant 0 : index
        %swap3A_153 = tpu.vector_load %arg10[%swap3A_151, %swap3A_152] {strides = array<i32>} : memref<80x16xf32, #tpu.memory_space<vmem>>, vector<1x16xf32>,
        %swap3A_154 = vector.shape_cast %swap3A_153 : vector<1x16xf32> to vector<16xf32>
        %swap3A_155 = vector.shape_cast %get3A_150 : vector<16xf32> to vector<1x16xf32>
        tpu.vector_store %arg10[%swap3A_151, %swap3A_152], %swap3A_155 {strides = array<i32>} : memref<80x16xf32, #tpu.memory_space<vmem>>, vector<1x16xf32>,
        %mul3A_156 = arith.constant 16 : i32
        %mul3A_157 = arith.muli %scan3A_90, %mul3A_156 : i32
        %add3A_158 = arith.constant 5 : i32
        %add3A_159 = arith.addi %mul3A_157, %add3A_158 : i32
        %get3A_160 = arith.index_cast %add3A_159 : i32 to index
        %get3A_161 = arith.constant 0 : index
        %get3A_162 = tpu.vector_load %arg9[%get3A_160, %get3A_161] {strides = array<i32>} : memref<80x128xf32, #tpu.memory_space<vmem>>, vector<1x16xf32>,
        %get3A_163 = vector.shape_cast %get3A_162 : vector<1x16xf32> to vector<16xf32>
        %swap3A_164 = arith.index_cast %add3A_159 : i32 to index
        %swap3A_165 = arith.constant 0 : index
        %swap3A_166 = tpu.vector_load %arg10[%swap3A_164, %swap3A_165] {strides = array<i32>} : memref<80x16xf32, #tpu.memory_space<vmem>>, vector<1x16xf32>,
        %swap3A_167 = vector.shape_cast %swap3A_166 : vector<1x16xf32> to vector<16xf32>
        %swap3A_168 = vector.shape_cast %get3A_163 : vector<16xf32> to vector<1x16xf32>
        tpu.vector_store %arg10[%swap3A_164, %swap3A_165], %swap3A_168 {strides = array<i32>} : memref<80x16xf32, #tpu.memory_space<vmem>>, vector<1x16xf32>,
        %mul3A_169 = arith.constant 16 : i32
        %mul3A_170 = arith.muli %scan3A_90, %mul3A_169 : i32
        %add3A_171 = arith.constant 6 : i32
        %add3A_172 = arith.addi %mul3A_170, %add3A_171 : i32
        %get3A_173 = arith.index_cast %add3A_172 : i32 to index
        %get3A_174 = arith.constant 0 : index
        %get3A_175 = tpu.vector_load %arg9[%get3A_173, %get3A_174] {strides = array<i32>} : memref<80x128xf32, #tpu.memory_space<vmem>>, vector<1x16xf32>,
        %get3A_176 = vector.shape_cast %get3A_175 : vector<1x16xf32> to vector<16xf32>
        %swap3A_177 = arith.index_cast %add3A_172 : i32 to index
        %swap3A_178 = arith.constant 0 : index
        %swap3A_179 = tpu.vector_load %arg10[%swap3A_177, %swap3A_178] {strides = array<i32>} : memref<80x16xf32, #tpu.memory_space<vmem>>, vector<1x16xf32>,
        %swap3A_180 = vector.shape_cast %swap3A_179 : vector<1x16xf32> to vector<16xf32>
        %swap3A_181 = vector.shape_cast %get3A_176 : vector<16xf32> to vector<1x16xf32>
        tpu.vector_store %arg10[%swap3A_177, %swap3A_178], %swap3A_181 {strides = array<i32>} : memref<80x16xf32, #tpu.memory_space<vmem>>, vector<1x16xf32>,
        %mul3A_182 = arith.constant 16 : i32
        %mul3A_183 = arith.muli %scan3A_90, %mul3A_182 : i32
        %add3A_184 = arith.constant 7 : i32
        %add3A_185 = arith.addi %mul3A_183, %add3A_184 : i32
        %get3A_186 = arith.index_cast %add3A_185 : i32 to index
        %get3A_187 = arith.constant 0 : index
        %get3A_188 = tpu.vector_load %arg9[%get3A_186, %get3A_187] {strides = array<i32>} : memref<80x128xf32, #tpu.memory_space<vmem>>, vector<1x16xf32>,
        %get3A_189 = vector.shape_cast %get3A_188 : vector<1x16xf32> to vector<16xf32>
        %swap3A_190 = arith.index_cast %add3A_185 : i32 to index
        %swap3A_191 = arith.constant 0 : index
        %swap3A_192 = tpu.vector_load %arg10[%swap3A_190, %swap3A_191] {strides = array<i32>} : memref<80x16xf32, #tpu.memory_space<vmem>>, vector<1x16xf32>,
        %swap3A_193 = vector.shape_cast %swap3A_192 : vector<1x16xf32> to vector<16xf32>
        %swap3A_194 = vector.shape_cast %get3A_189 : vector<16xf32> to vector<1x16xf32>
        tpu.vector_store %arg10[%swap3A_190, %swap3A_191], %swap3A_194 {strides = array<i32>} : memref<80x16xf32, #tpu.memory_space<vmem>>, vector<1x16xf32>,
        %mul3A_195 = arith.constant 16 : i32
        %mul3A_196 = arith.muli %scan3A_90, %mul3A_195 : i32
        %add3A_197 = arith.constant 8 : i32
        %add3A_198 = arith.addi %mul3A_196, %add3A_197 : i32
        %get3A_199 = arith.index_cast %add3A_198 : i32 to index
        %get3A_200 = arith.constant 0 : index
        %get3A_201 = tpu.vector_load %arg9[%get3A_199, %get3A_200] {strides = array<i32>} : memref<80x128xf32, #tpu.memory_space<vmem>>, vector<1x16xf32>,
        %get3A_202 = vector.shape_cast %get3A_201 : vector<1x16xf32> to vector<16xf32>
        %swap3A_203 = arith.index_cast %add3A_198 : i32 to index
        %swap3A_204 = arith.constant 0 : index
        %swap3A_205 = tpu.vector_load %arg10[%swap3A_203, %swap3A_204] {strides = array<i32>} : memref<80x16xf32, #tpu.memory_space<vmem>>, vector<1x16xf32>,
        %swap3A_206 = vector.shape_cast %swap3A_205 : vector<1x16xf32> to vector<16xf32>
        %swap3A_207 = vector.shape_cast %get3A_202 : vector<16xf32> to vector<1x16xf32>
        tpu.vector_store %arg10[%swap3A_203, %swap3A_204], %swap3A_207 {strides = array<i32>} : memref<80x16xf32, #tpu.memory_space<vmem>>, vector<1x16xf32>,
        %mul3A_208 = arith.constant 16 : i32
        %mul3A_209 = arith.muli %scan3A_90, %mul3A_208 : i32
        %add3A_210 = arith.constant 9 : i32
        %add3A_211 = arith.addi %mul3A_209, %add3A_210 : i32
        %get3A_212 = arith.index_cast %add3A_211 : i32 to index
        %get3A_213 = arith.constant 0 : index
        %get3A_214 = tpu.vector_load %arg9[%get3A_212, %get3A_213] {strides = array<i32>} : memref<80x128xf32, #tpu.memory_space<vmem>>, vector<1x16xf32>,
        %get3A_215 = vector.shape_cast %get3A_214 : vector<1x16xf32> to vector<16xf32>
        %swap3A_216 = arith.index_cast %add3A_211 : i32 to index
        %swap3A_217 = arith.constant 0 : index
        %swap3A_218 = tpu.vector_load %arg10[%swap3A_216, %swap3A_217] {strides = array<i32>} : memref<80x16xf32, #tpu.memory_space<vmem>>, vector<1x16xf32>,
        %swap3A_219 = vector.shape_cast %swap3A_218 : vector<1x16xf32> to vector<16xf32>
        %swap3A_220 = vector.shape_cast %get3A_215 : vector<16xf32> to vector<1x16xf32>
        tpu.vector_store %arg10[%swap3A_216, %swap3A_217], %swap3A_220 {strides = array<i32>} : memref<80x16xf32, #tpu.memory_space<vmem>>, vector<1x16xf32>,
        %mul3A_221 = arith.constant 16 : i32
        %mul3A_222 = arith.muli %scan3A_90, %mul3A_221 : i32
        %add3A_223 = arith.constant 10 : i32
        %add3A_224 = arith.addi %mul3A_222, %add3A_223 : i32
        %get3A_225 = arith.index_cast %add3A_224 : i32 to index
        %get3A_226 = arith.constant 0 : index
        %get3A_227 = tpu.vector_load %arg9[%get3A_225, %get3A_226] {strides = array<i32>} : memref<80x128xf32, #tpu.memory_space<vmem>>, vector<1x16xf32>,
        %get3A_228 = vector.shape_cast %get3A_227 : vector<1x16xf32> to vector<16xf32>
        %swap3A_229 = arith.index_cast %add3A_224 : i32 to index
        %swap3A_230 = arith.constant 0 : index
        %swap3A_231 = tpu.vector_load %arg10[%swap3A_229, %swap3A_230] {strides = array<i32>} : memref<80x16xf32, #tpu.memory_space<vmem>>, vector<1x16xf32>,
        %swap3A_232 = vector.shape_cast %swap3A_231 : vector<1x16xf32> to vector<16xf32>
        %swap3A_233 = vector.shape_cast %get3A_228 : vector<16xf32> to vector<1x16xf32>
        tpu.vector_store %arg10[%swap3A_229, %swap3A_230], %swap3A_233 {strides = array<i32>} : memref<80x16xf32, #tpu.memory_space<vmem>>, vector<1x16xf32>,
        %mul3A_234 = arith.constant 16 : i32
        %mul3A_235 = arith.muli %scan3A_90, %mul3A_234 : i32
        %add3A_236 = arith.constant 11 : i32
        %add3A_237 = arith.addi %mul3A_235, %add3A_236 : i32
        %get3A_238 = arith.index_cast %add3A_237 : i32 to index
        %get3A_239 = arith.constant 0 : index
        %get3A_240 = tpu.vector_load %arg9[%get3A_238, %get3A_239] {strides = array<i32>} : memref<80x128xf32, #tpu.memory_space<vmem>>, vector<1x16xf32>,
        %get3A_241 = vector.shape_cast %get3A_240 : vector<1x16xf32> to vector<16xf32>
        %swap3A_242 = arith.index_cast %add3A_237 : i32 to index
        %swap3A_243 = arith.constant 0 : index
        %swap3A_244 = tpu.vector_load %arg10[%swap3A_242, %swap3A_243] {strides = array<i32>} : memref<80x16xf32, #tpu.memory_space<vmem>>, vector<1x16xf32>,
        %swap3A_245 = vector.shape_cast %swap3A_244 : vector<1x16xf32> to vector<16xf32>
        %swap3A_246 = vector.shape_cast %get3A_241 : vector<16xf32> to vector<1x16xf32>
        tpu.vector_store %arg10[%swap3A_242, %swap3A_243], %swap3A_246 {strides = array<i32>} : memref<80x16xf32, #tpu.memory_space<vmem>>, vector<1x16xf32>,
        %mul3A_247 = arith.constant 16 : i32
        %mul3A_248 = arith.muli %scan3A_90, %mul3A_247 : i32
        %add3A_249 = arith.constant 12 : i32
        %add3A_250 = arith.addi %mul3A_248, %add3A_249 : i32
        %get3A_251 = arith.index_cast %add3A_250 : i32 to index
        %get3A_252 = arith.constant 0 : index
        %get3A_253 = tpu.vector_load %arg9[%get3A_251, %get3A_252] {strides = array<i32>} : memref<80x128xf32, #tpu.memory_space<vmem>>, vector<1x16xf32>,
        %get3A_254 = vector.shape_cast %get3A_253 : vector<1x16xf32> to vector<16xf32>
        %swap3A_255 = arith.index_cast %add3A_250 : i32 to index
        %swap3A_256 = arith.constant 0 : index
        %swap3A_257 = tpu.vector_load %arg10[%swap3A_255, %swap3A_256] {strides = array<i32>} : memref<80x16xf32, #tpu.memory_space<vmem>>, vector<1x16xf32>,
        %swap3A_258 = vector.shape_cast %swap3A_257 : vector<1x16xf32> to vector<16xf32>
        %swap3A_259 = vector.shape_cast %get3A_254 : vector<16xf32> to vector<1x16xf32>
        tpu.vector_store %arg10[%swap3A_255, %swap3A_256], %swap3A_259 {strides = array<i32>} : memref<80x16xf32, #tpu.memory_space<vmem>>, vector<1x16xf32>,
        %mul3A_260 = arith.constant 16 : i32
        %mul3A_261 = arith.muli %scan3A_90, %mul3A_260 : i32
        %add3A_262 = arith.constant 13 : i32
        %add3A_263 = arith.addi %mul3A_261, %add3A_262 : i32
        %get3A_264 = arith.index_cast %add3A_263 : i32 to index
        %get3A_265 = arith.constant 0 : index
        %get3A_266 = tpu.vector_load %arg9[%get3A_264, %get3A_265] {strides = array<i32>} : memref<80x128xf32, #tpu.memory_space<vmem>>, vector<1x16xf32>,
        %get3A_267 = vector.shape_cast %get3A_266 : vector<1x16xf32> to vector<16xf32>
        %swap3A_268 = arith.index_cast %add3A_263 : i32 to index
        %swap3A_269 = arith.constant 0 : index
        %swap3A_270 = tpu.vector_load %arg10[%swap3A_268, %swap3A_269] {strides = array<i32>} : memref<80x16xf32, #tpu.memory_space<vmem>>, vector<1x16xf32>,
        %swap3A_271 = vector.shape_cast %swap3A_270 : vector<1x16xf32> to vector<16xf32>
        %swap3A_272 = vector.shape_cast %get3A_267 : vector<16xf32> to vector<1x16xf32>
        tpu.vector_store %arg10[%swap3A_268, %swap3A_269], %swap3A_272 {strides = array<i32>} : memref<80x16xf32, #tpu.memory_space<vmem>>, vector<1x16xf32>,
        %mul3A_273 = arith.constant 16 : i32
        %mul3A_274 = arith.muli %scan3A_90, %mul3A_273 : i32
        %add3A_275 = arith.constant 14 : i32
        %add3A_276 = arith.addi %mul3A_274, %add3A_275 : i32
        %get3A_277 = arith.index_cast %add3A_276 : i32 to index
        %get3A_278 = arith.constant 0 : index
        %get3A_279 = tpu.vector_load %arg9[%get3A_277, %get3A_278] {strides = array<i32>} : memref<80x128xf32, #tpu.memory_space<vmem>>, vector<1x16xf32>,
        %get3A_280 = vector.shape_cast %get3A_279 : vector<1x16xf32> to vector<16xf32>
        %swap3A_281 = arith.index_cast %add3A_276 : i32 to index
        %swap3A_282 = arith.constant 0 : index
        %swap3A_283 = tpu.vector_load %arg10[%swap3A_281, %swap3A_282] {strides = array<i32>} : memref<80x16xf32, #tpu.memory_space<vmem>>, vector<1x16xf32>,
        %swap3A_284 = vector.shape_cast %swap3A_283 : vector<1x16xf32> to vector<16xf32>
        %swap3A_285 = vector.shape_cast %get3A_280 : vector<16xf32> to vector<1x16xf32>
        tpu.vector_store %arg10[%swap3A_281, %swap3A_282], %swap3A_285 {strides = array<i32>} : memref<80x16xf32, #tpu.memory_space<vmem>>, vector<1x16xf32>,
        %mul3A_286 = arith.constant 16 : i32
        %mul3A_287 = arith.muli %scan3A_90, %mul3A_286 : i32
        %add3A_288 = arith.constant 15 : i32
        %add3A_289 = arith.addi %mul3A_287, %add3A_288 : i32
        %get3A_290 = arith.index_cast %add3A_289 : i32 to index
        %get3A_291 = arith.constant 0 : index
        %get3A_292 = tpu.vector_load %arg9[%get3A_290, %get3A_291] {strides = array<i32>} : memref<80x128xf32, #tpu.memory_space<vmem>>, vector<1x16xf32>,
        %get3A_293 = vector.shape_cast %get3A_292 : vector<1x16xf32> to vector<16xf32>
        %swap3A_294 = arith.index_cast %add3A_289 : i32 to index
        %swap3A_295 = arith.constant 0 : index
        %swap3A_296 = tpu.vector_load %arg10[%swap3A_294, %swap3A_295] {strides = array<i32>} : memref<80x16xf32, #tpu.memory_space<vmem>>, vector<1x16xf32>,
        %swap3A_297 = vector.shape_cast %swap3A_296 : vector<1x16xf32> to vector<16xf32>
        %swap3A_298 = vector.shape_cast %get3A_293 : vector<16xf32> to vector<1x16xf32>
        tpu.vector_store %arg10[%swap3A_294, %swap3A_295], %swap3A_298 {strides = array<i32>} : memref<80x16xf32, #tpu.memory_space<vmem>>, vector<1x16xf32>,
      }
      %scan3A_89 = arith.constant 5 : i32
      "tpu.region"() ({
        %run_scoped3A = tpu.sem_alloc : memref<!tpu.dma_semaphore, #tpu.memory_space<semaphore_mem>>
        %dma_start3A_90 = arith.constant 0 : i32
        %dma_start3A_91 = tpu.memref_slice %arg5[%add3A_11, %dma_start3A_90] : memref<320000x16xf32, #tpu.memory_space<hbm>> -> memref<80x16xf32, #tpu.memory_space<hbm>>
        %dma_start3A_92 = arith.constant 0 : i32
        %dma_start3A_93 = tpu.memref_slice %arg5[%add3A_11, %dma_start3A_92] : memref<320000x16xf32, #tpu.memory_space<hbm>> -> memref<80x16xf32, #tpu.memory_space<hbm>>
        tpu.enqueue_dma source(%arg10 : memref<80x16xf32, #tpu.memory_space<vmem>>) target(%dma_start3A_93 : memref<80x16xf32, #tpu.memory_space<hbm>>) target_semaphore(%run_scoped3A : memref<!tpu.dma_semaphore, #tpu.memory_space<semaphore_mem>>)
        %dma_wait3A_94 = arith.constant 0 : i32
        %dma_wait3A_95 = tpu.memref_slice %arg5[%add3A_11, %dma_wait3A_94] : memref<320000x16xf32, #tpu.memory_space<hbm>> -> memref<80x16xf32, #tpu.memory_space<hbm>>
        %dma_wait3A_96 = arith.constant 0 : i32
        %dma_wait3A_97 = tpu.memref_slice %arg5[%add3A_11, %dma_wait3A_96] : memref<320000x16xf32, #tpu.memory_space<hbm>> -> memref<80x16xf32, #tpu.memory_space<hbm>>
        tpu.wait_dma2 semaphore(%run_scoped3A : memref<!tpu.dma_semaphore, #tpu.memory_space<semaphore_mem>>) src(%arg10 : memref<80x16xf32, #tpu.memory_space<vmem>>) dst(%dma_wait3A_97 : memref<80x16xf32, #tpu.memory_space<hbm>>)
        tpu.yield
      }) : () -> ()
    }
    %scan3A_7 = arith.constant 125 : i32
    return
  }
}

module attributes {stable_mosaic.version = 14 : i64} {
  func.func @_expand_body(%arg0: i32, %arg1: memref<1x1000x128xf32, #tpu.memory_space<vmem>>, %arg2: memref<1000x8x128xf32, #tpu.memory_space<vmem>>) attributes {dimension_semantics = [#tpu.dimension_semantics<arbitrary>], iteration_bounds = array<i64: 10>, scalar_prefetch = 0 : i64, scratch_operands = 0 : i64, tpu.core_type = #tpu.core_type<tc>, window_params = [{transform_indices = @transform_0, window_bounds = array<i64: 1, 1000, 128>}, {transform_indices = @transform_1, window_bounds = array<i64: 1000, 8, 128>}]} {
    %get3A = arith.constant 0 : index
    %get3A_0 = arith.constant 0 : index
    %get3A_1 = arith.constant 0 : index
    %get3A_2 = vector.load %arg1[%get3A, %get3A_0, %get3A_1] : memref<1x1000x128xf32, #tpu.memory_space<vmem>>, vector<1x1000x128xf32>
    %get3A_3 = vector.shape_cast %get3A_2 : vector<1x1000x128xf32> to vector<1000x128xf32>
    %iota3A = tpu.iota {dimensions = array<i32: 0>} : vector<128x8xi32>
    %jit3A = arith.constant 16 : i32
    %div3A = vector.broadcast %jit3A : i32 to vector<128x8xi32>
    %div3A_4 = arith.divsi %iota3A, %div3A : vector<128x8xi32>
    %sign3A = arith.constant 0 : i32
    %sign3A_5 = vector.broadcast %sign3A : i32 to vector<128x8xi32>
    %sign3A_6 = arith.cmpi sgt, %iota3A, %sign3A_5 : vector<128x8xi32>
    %sign3A_7 = arith.extui %sign3A_6 : vector<128x8xi1> to vector<128x8xi32>
    %sign3A_8 = arith.constant 0 : i32
    %sign3A_9 = vector.broadcast %sign3A_8 : i32 to vector<128x8xi32>
    %sign3A_10 = arith.cmpi slt, %iota3A, %sign3A_9 : vector<128x8xi32>
    %sign3A_11 = arith.extui %sign3A_10 : vector<128x8xi1> to vector<128x8xi32>
    %sign3A_12 = arith.subi %sign3A_7, %sign3A_11 : vector<128x8xi32>
    %sign3A_13 = arith.constant 0 : i32
    %sign3A_14 = arith.cmpi sgt, %jit3A, %sign3A_13 : i32
    %sign3A_15 = arith.extui %sign3A_14 : i1 to i32
    %sign3A_16 = arith.constant 0 : i32
    %sign3A_17 = arith.cmpi slt, %jit3A, %sign3A_16 : i32
    %sign3A_18 = arith.extui %sign3A_17 : i1 to i32
    %sign3A_19 = arith.subi %sign3A_15, %sign3A_18 : i32
    %ne3A = vector.broadcast %sign3A_19 : i32 to vector<128x8xi32>
    %ne3A_20 = arith.cmpi ne, %sign3A_12, %ne3A : vector<128x8xi32>
    %rem3A = vector.broadcast %jit3A : i32 to vector<128x8xi32>
    %rem3A_21 = arith.remsi %iota3A, %rem3A : vector<128x8xi32>
    %ne3A_22 = arith.constant 0 : i32
    %ne3A_23 = vector.broadcast %ne3A_22 : i32 to vector<128x8xi32>
    %ne3A_24 = arith.cmpi ne, %rem3A_21, %ne3A_23 : vector<128x8xi32>
    %and3A = arith.andi %ne3A_20, %ne3A_24 : vector<128x8xi1>
    %sub3A = arith.constant 1 : i32
    %sub3A_25 = vector.broadcast %sub3A : i32 to vector<128x8xi32>
    %sub3A_26 = arith.subi %div3A_4, %sub3A_25 : vector<128x8xi32>
    %select_n3A = arith.select %and3A, %sub3A_26, %div3A_4 : vector<128x8xi1>, vector<128x8xi32>
    %iota3A_27 = tpu.iota {dimensions = array<i32: 1>} : vector<128x8xi32>
    %eq3A = arith.cmpi eq, %select_n3A, %iota3A_27 : vector<128x8xi32>
    %convert_element_type3A = arith.extui %eq3A : vector<128x8xi1> to vector<128x8xi32>
    %convert_element_type3A_28 = arith.sitofp %convert_element_type3A : vector<128x8xi32> to vector<128x8xf32>
    %mul3A = arith.constant 6.250000e-02 : f32
    %mul3A_29 = vector.broadcast %mul3A : f32 to vector<128x8xf32>
    %mul3A_30 = arith.mulf %convert_element_type3A_28, %mul3A_29 : vector<128x8xf32>
    %dot_general3A = arith.constant dense<0.000000e+00> : vector<1000x8xf32>
    %dot_general3A_31 = tpu.matmul %get3A_3, %mul3A_30, %dot_general3A {dimension_numbers = #tpu.dot_dimension_numbers<[1], [0], [0], [1], [0, 0, 1, 1], [], []>, transpose_lhs_hint = false} : vector<1000x128xf32>, vector<128x8xf32>, vector<1000x8xf32> -> vector<1000x8xf32>
    %max3A = arith.constant 1.000000e+00 : f32
    %max3A_32 = vector.broadcast %max3A : f32 to vector<1000x8xf32>
    %max3A_33 = arith.maximumf %dot_general3A_31, %max3A_32 : vector<1000x8xf32>
    %div3A_34 = arith.constant 1.000000e+00 : f32
    %div3A_35 = vector.broadcast %div3A_34 : f32 to vector<1000x8xf32>
    %div3A_36 = arith.divf %div3A_35, %max3A_33 : vector<1000x8xf32>
    %broadcast_in_dim3A = vector.shape_cast %div3A_36 : vector<1000x8xf32> to vector<1000x8x1xf32>
    %broadcast_in_dim3A_37 = vector.shape_cast %broadcast_in_dim3A : vector<1000x8x1xf32> to vector<1000x8x1xf32>
    %broadcast_in_dim3A_38 = vector.broadcast %broadcast_in_dim3A_37 : vector<1000x8x1xf32> to vector<1000x8x128xf32>
    %swap3A = arith.constant 0 : index
    %swap3A_39 = arith.constant 0 : index
    %swap3A_40 = arith.constant 0 : index
    %swap3A_41 = vector.load %arg2[%swap3A, %swap3A_39, %swap3A_40] : memref<1000x8x128xf32, #tpu.memory_space<vmem>>, vector<1000x8x128xf32>
    tpu.vector_store %arg2[%swap3A, %swap3A_39, %swap3A_40], %broadcast_in_dim3A_38 {strides = array<i32>} : memref<1000x8x128xf32, #tpu.memory_space<vmem>>, vector<1000x8x128xf32>,
    return
  }
  func.func @transform_0(%arg0: i32) -> (i32, i32, i32) {
    %jit3A = arith.constant 5 : i32
    %div3A = arith.divsi %arg0, %jit3A : i32
    %sign3A = arith.constant 0 : i32
    %sign3A_0 = arith.cmpi sgt, %arg0, %sign3A : i32
    %sign3A_1 = arith.extui %sign3A_0 : i1 to i32
    %sign3A_2 = arith.constant 0 : i32
    %sign3A_3 = arith.cmpi slt, %arg0, %sign3A_2 : i32
    %sign3A_4 = arith.extui %sign3A_3 : i1 to i32
    %sign3A_5 = arith.subi %sign3A_1, %sign3A_4 : i32
    %sign3A_6 = arith.constant 0 : i32
    %sign3A_7 = arith.cmpi sgt, %jit3A, %sign3A_6 : i32
    %sign3A_8 = arith.extui %sign3A_7 : i1 to i32
    %sign3A_9 = arith.constant 0 : i32
    %sign3A_10 = arith.cmpi slt, %jit3A, %sign3A_9 : i32
    %sign3A_11 = arith.extui %sign3A_10 : i1 to i32
    %sign3A_12 = arith.subi %sign3A_8, %sign3A_11 : i32
    %ne3A = arith.cmpi ne, %sign3A_5, %sign3A_12 : i32
    %rem3A = arith.remsi %arg0, %jit3A : i32
    %ne3A_13 = arith.constant 0 : i32
    %ne3A_14 = arith.cmpi ne, %rem3A, %ne3A_13 : i32
    %and3A = arith.andi %ne3A, %ne3A_14 : i1
    %sub3A = arith.constant 1 : i32
    %sub3A_15 = arith.subi %div3A, %sub3A : i32
    %select_n3A = arith.select %and3A, %sub3A_15, %div3A : i32
    %jit3A_16 = arith.constant 5 : i32
    %eq3A = arith.constant 0 : i32
    %eq3A_17 = arith.cmpi eq, %jit3A_16, %eq3A : i32
    %jit3A_18 = arith.constant 1 : i32
    %select_n3A_19 = arith.select %eq3A_17, %jit3A_18, %jit3A_16 : i32
    %rem3A_20 = arith.remsi %arg0, %select_n3A_19 : i32
    %ne3A_21 = arith.constant 0 : i32
    %ne3A_22 = arith.cmpi ne, %rem3A_20, %ne3A_21 : i32
    %lt3A = arith.constant 0 : i32
    %lt3A_23 = arith.cmpi slt, %rem3A_20, %lt3A : i32
    %lt3A_24 = arith.constant 0 : i32
    %lt3A_25 = arith.cmpi slt, %select_n3A_19, %lt3A_24 : i32
    %ne3A_26 = arith.xori %lt3A_23, %lt3A_25 : i1
    %and3A_27 = arith.andi %ne3A_26, %ne3A_22 : i1
    %add3A = arith.addi %rem3A_20, %select_n3A_19 : i32
    %select_n3A_28 = arith.select %and3A_27, %add3A, %rem3A_20 : i32
    %c0_i32 = arith.constant 0 : i32
    %c0_i32_29 = arith.constant 0 : i32
    return %select_n3A, %select_n3A_28, %c0_i32 : i32, i32, i32
  }
  func.func @transform_1(%arg0: i32) -> (i32, i32, i32) {
    %c0_i32 = arith.constant 0 : i32
    %c0_i32_0 = arith.constant 0 : i32
    %c0_i32_1 = arith.constant 0 : i32
    return %arg0, %c0_i32, %c0_i32_0 : i32, i32, i32
  }
}

module attributes {stable_mosaic.version = 14 : i64} {
  func.func @_embed_body(%arg0: i32, %arg1: memref<1000x128xf32, #tpu.memory_space<vmem>>, %arg2: memref<1x1x1000xi32, #tpu.memory_space<vmem>>, %arg3: memref<128x128xf32, #tpu.memory_space<vmem>>, %arg4: memref<1x128xf32, #tpu.memory_space<vmem>>, %arg5: memref<16x128xf32, #tpu.memory_space<vmem>>, %arg6: memref<1000x128xf32, #tpu.memory_space<vmem>>) attributes {dimension_semantics = [#tpu.dimension_semantics<arbitrary>], iteration_bounds = array<i64: 10>, scalar_prefetch = 0 : i64, scratch_operands = 0 : i64, tpu.core_type = #tpu.core_type<tc>, window_params = [{transform_indices = @transform_0, window_bounds = array<i64: 1000, 128>}, {transform_indices = @transform_1, window_bounds = array<i64: 1, 1, 1000>}, {pipeline_mode = #tpu.pipeline_mode<synchronous>, transform_indices = @transform_2, window_bounds = array<i64: 128, 128>}, {pipeline_mode = #tpu.pipeline_mode<synchronous>, transform_indices = @transform_3, window_bounds = array<i64: 1, 128>}, {pipeline_mode = #tpu.pipeline_mode<synchronous>, transform_indices = @transform_4, window_bounds = array<i64: 16, 128>}, {transform_indices = @transform_5, window_bounds = array<i64: 1000, 128>}]} {
    %get3A = arith.constant 0 : index
    %get3A_0 = arith.constant 0 : index
    %get3A_1 = arith.constant 0 : index
    %get3A_2 = vector.load %arg2[%get3A, %get3A_0, %get3A_1] : memref<1x1x1000xi32, #tpu.memory_space<vmem>>, vector<1x1x1000xi32>
    %get3A_3 = vector.shape_cast %get3A_2 : vector<1x1x1000xi32> to vector<1000xi32>
    %broadcast_in_dim3A = vector.shape_cast %get3A_3 : vector<1000xi32> to vector<1000x1xi32>
    %iota3A = tpu.iota {dimensions = array<i32: 1>} : vector<1x16xi32>
    %eq3A = vector.broadcast %broadcast_in_dim3A : vector<1000x1xi32> to vector<1000x16xi32>
    %eq3A_4 = vector.broadcast %iota3A : vector<1x16xi32> to vector<1000x16xi32>
    %eq3A_5 = arith.cmpi eq, %eq3A, %eq3A_4 : vector<1000x16xi32>
    %convert_element_type3A = arith.extui %eq3A_5 : vector<1000x16xi1> to vector<1000x16xi32>
    %convert_element_type3A_6 = arith.sitofp %convert_element_type3A : vector<1000x16xi32> to vector<1000x16xf32>
    %get3A_7 = arith.constant 0 : index
    %get3A_8 = arith.constant 0 : index
    %get3A_9 = vector.load %arg1[%get3A_7, %get3A_8] : memref<1000x128xf32, #tpu.memory_space<vmem>>, vector<1000x128xf32>
    %get3A_10 = arith.constant 0 : index
    %get3A_11 = arith.constant 0 : index
    %get3A_12 = vector.load %arg3[%get3A_10, %get3A_11] : memref<128x128xf32, #tpu.memory_space<vmem>>, vector<128x128xf32>
    %dot_general3A = arith.constant dense<0.000000e+00> : vector<1000x128xf32>
    %dot_general3A_13 = tpu.matmul %get3A_9, %get3A_12, %dot_general3A {dimension_numbers = #tpu.dot_dimension_numbers<[1], [0], [0], [1], [0, 0, 1, 1], [], []>, transpose_lhs_hint = false} : vector<1000x128xf32>, vector<128x128xf32>, vector<1000x128xf32> -> vector<1000x128xf32>
    %get3A_14 = arith.constant 0 : index
    %get3A_15 = arith.constant 0 : index
    %get3A_16 = vector.load %arg5[%get3A_14, %get3A_15] : memref<16x128xf32, #tpu.memory_space<vmem>>, vector<16x128xf32>
    %dot_general3A_17 = arith.constant dense<0.000000e+00> : vector<1000x128xf32>
    %dot_general3A_18 = tpu.matmul %convert_element_type3A_6, %get3A_16, %dot_general3A_17 {dimension_numbers = #tpu.dot_dimension_numbers<[1], [0], [0], [1], [0, 0, 1, 1], [], []>, transpose_lhs_hint = false} : vector<1000x16xf32>, vector<16x128xf32>, vector<1000x128xf32> -> vector<1000x128xf32>
    %add3A = arith.addf %dot_general3A_13, %dot_general3A_18 : vector<1000x128xf32>
    %get3A_19 = arith.constant 0 : index
    %get3A_20 = arith.constant 0 : index
    %get3A_21 = vector.load %arg4[%get3A_19, %get3A_20] : memref<1x128xf32, #tpu.memory_space<vmem>>, vector<1x128xf32>
    %add3A_22 = vector.broadcast %get3A_21 : vector<1x128xf32> to vector<1000x128xf32>
    %add3A_23 = arith.addf %add3A, %add3A_22 : vector<1000x128xf32>
    %swap3A = arith.constant 0 : index
    %swap3A_24 = arith.constant 0 : index
    %swap3A_25 = vector.load %arg6[%swap3A, %swap3A_24] : memref<1000x128xf32, #tpu.memory_space<vmem>>, vector<1000x128xf32>
    tpu.vector_store %arg6[%swap3A, %swap3A_24], %add3A_23 {strides = array<i32>} : memref<1000x128xf32, #tpu.memory_space<vmem>>, vector<1000x128xf32>,
    return
  }
  func.func @transform_0(%arg0: i32) -> (i32, i32) {
    %c0_i32 = arith.constant 0 : i32
    %c0_i32_0 = arith.constant 0 : i32
    return %arg0, %c0_i32 : i32, i32
  }
  func.func @transform_1(%arg0: i32) -> (i32, i32, i32) {
    %c0_i32 = arith.constant 0 : i32
    %c0_i32_0 = arith.constant 0 : i32
    %c0_i32_1 = arith.constant 0 : i32
    return %arg0, %c0_i32, %c0_i32_0 : i32, i32, i32
  }
  func.func @transform_2(%arg0: i32) -> (i32, i32) {
    %c0_i32 = arith.constant 0 : i32
    %c0_i32_0 = arith.constant 0 : i32
    %c0_i32_1 = arith.constant 0 : i32
    return %c0_i32, %c0_i32_0 : i32, i32
  }
  func.func @transform_3(%arg0: i32) -> (i32, i32) {
    %c0_i32 = arith.constant 0 : i32
    %c0_i32_0 = arith.constant 0 : i32
    %c0_i32_1 = arith.constant 0 : i32
    return %c0_i32, %c0_i32_0 : i32, i32
  }
  func.func @transform_4(%arg0: i32) -> (i32, i32) {
    %c0_i32 = arith.constant 0 : i32
    %c0_i32_0 = arith.constant 0 : i32
    %c0_i32_1 = arith.constant 0 : i32
    return %c0_i32, %c0_i32_0 : i32, i32
  }
  func.func @transform_5(%arg0: i32) -> (i32, i32) {
    %c0_i32 = arith.constant 0 : i32
    %c0_i32_0 = arith.constant 0 : i32
    return %arg0, %c0_i32 : i32, i32
  }
}

module attributes {stable_mosaic.version = 14 : i64} {
  func.func @_hr_body(%arg0: i32, %arg1: i32, %arg2: memref<1000x128xf32, #tpu.memory_space<vmem>>, %arg3: memref<1x128x128xf32, #tpu.memory_space<vmem>>, %arg4: memref<1x1000x128xf32, #tpu.memory_space<vmem>>) attributes {dimension_semantics = [#tpu.dimension_semantics<arbitrary>, #tpu.dimension_semantics<arbitrary>], iteration_bounds = array<i64: 10, 8>, scalar_prefetch = 0 : i64, scratch_operands = 0 : i64, tpu.core_type = #tpu.core_type<tc>, window_params = [{transform_indices = @transform_0, window_bounds = array<i64: 1000, 128>}, {transform_indices = @transform_1, window_bounds = array<i64: 1, 128, 128>}, {transform_indices = @transform_2, window_bounds = array<i64: 1, 1000, 128>}]} {
    %get3A = arith.constant 0 : index
    %get3A_0 = arith.constant 0 : index
    %get3A_1 = vector.load %arg2[%get3A, %get3A_0] : memref<1000x128xf32, #tpu.memory_space<vmem>>, vector<1000x128xf32>
    %get3A_2 = arith.constant 0 : index
    %get3A_3 = arith.constant 0 : index
    %get3A_4 = arith.constant 0 : index
    %get3A_5 = vector.load %arg3[%get3A_2, %get3A_3, %get3A_4] : memref<1x128x128xf32, #tpu.memory_space<vmem>>, vector<1x128x128xf32>
    %get3A_6 = vector.shape_cast %get3A_5 : vector<1x128x128xf32> to vector<128x128xf32>
    %dot_general3A = arith.constant dense<0.000000e+00> : vector<1000x128xf32>
    %dot_general3A_7 = tpu.matmul %get3A_1, %get3A_6, %dot_general3A {dimension_numbers = #tpu.dot_dimension_numbers<[1], [0], [0], [1], [0, 0, 1, 1], [], []>, transpose_lhs_hint = false} : vector<1000x128xf32>, vector<128x128xf32>, vector<1000x128xf32> -> vector<1000x128xf32>
    %broadcast_in_dim3A = vector.shape_cast %dot_general3A_7 : vector<1000x128xf32> to vector<1x1000x128xf32>
    %swap3A = arith.constant 0 : index
    %swap3A_8 = arith.constant 0 : index
    %swap3A_9 = arith.constant 0 : index
    %swap3A_10 = vector.load %arg4[%swap3A, %swap3A_8, %swap3A_9] : memref<1x1000x128xf32, #tpu.memory_space<vmem>>, vector<1x1000x128xf32>
    tpu.vector_store %arg4[%swap3A, %swap3A_8, %swap3A_9], %broadcast_in_dim3A {strides = array<i32>} : memref<1x1000x128xf32, #tpu.memory_space<vmem>>, vector<1x1000x128xf32>,
    return
  }
  func.func @transform_0(%arg0: i32, %arg1: i32) -> (i32, i32) {
    %c0_i32 = arith.constant 0 : i32
    %c0_i32_0 = arith.constant 0 : i32
    return %arg0, %c0_i32 : i32, i32
  }
  func.func @transform_1(%arg0: i32, %arg1: i32) -> (i32, i32, i32) {
    %c0_i32 = arith.constant 0 : i32
    %c0_i32_0 = arith.constant 0 : i32
    %c0_i32_1 = arith.constant 0 : i32
    return %arg1, %c0_i32, %c0_i32_0 : i32, i32, i32
  }
  func.func @transform_2(%arg0: i32, %arg1: i32) -> (i32, i32, i32) {
    %c0_i32 = arith.constant 0 : i32
    %c0_i32_0 = arith.constant 0 : i32
    return %arg1, %arg0, %c0_i32 : i32, i32, i32
  }
}

module attributes {stable_mosaic.version = 14 : i64} {
  func.func @_combine_body(%arg0: i32, %arg1: memref<1000x128xf32, #tpu.memory_space<vmem>>, %arg2: memref<128x128xf32, #tpu.memory_space<vmem>>, %arg3: memref<1x128xf32, #tpu.memory_space<vmem>>, %arg4: memref<1000x128xf32, #tpu.memory_space<vmem>>, %arg5: memref<1000x128xf32, #tpu.memory_space<vmem>>, %arg6: memref<1x128xf32, #tpu.memory_space<vmem>>, %arg7: memref<1x128xf32, #tpu.memory_space<vmem>>, %arg8: memref<1000x128xf32, #tpu.memory_space<vmem>>) attributes {dimension_semantics = [#tpu.dimension_semantics<arbitrary>], iteration_bounds = array<i64: 10>, scalar_prefetch = 0 : i64, scratch_operands = 0 : i64, tpu.core_type = #tpu.core_type<tc>, window_params = [{transform_indices = @transform_0, window_bounds = array<i64: 1000, 128>}, {pipeline_mode = #tpu.pipeline_mode<synchronous>, transform_indices = @transform_1, window_bounds = array<i64: 128, 128>}, {pipeline_mode = #tpu.pipeline_mode<synchronous>, transform_indices = @transform_2, window_bounds = array<i64: 1, 128>}, {transform_indices = @transform_3, window_bounds = array<i64: 1000, 128>}, {transform_indices = @transform_4, window_bounds = array<i64: 1000, 128>}, {pipeline_mode = #tpu.pipeline_mode<synchronous>, transform_indices = @transform_5, window_bounds = array<i64: 1, 128>}, {pipeline_mode = #tpu.pipeline_mode<synchronous>, transform_indices = @transform_6, window_bounds = array<i64: 1, 128>}, {transform_indices = @transform_7, window_bounds = array<i64: 1000, 128>}]} {
    %get3A = arith.constant 0 : index
    %get3A_0 = arith.constant 0 : index
    %get3A_1 = vector.load %arg1[%get3A, %get3A_0] : memref<1000x128xf32, #tpu.memory_space<vmem>>, vector<1000x128xf32>
    %get3A_2 = arith.constant 0 : index
    %get3A_3 = arith.constant 0 : index
    %get3A_4 = vector.load %arg2[%get3A_2, %get3A_3] : memref<128x128xf32, #tpu.memory_space<vmem>>, vector<128x128xf32>
    %dot_general3A = arith.constant dense<0.000000e+00> : vector<1000x128xf32>
    %dot_general3A_5 = tpu.matmul %get3A_1, %get3A_4, %dot_general3A {dimension_numbers = #tpu.dot_dimension_numbers<[1], [0], [0], [1], [0, 0, 1, 1], [], []>, transpose_lhs_hint = false} : vector<1000x128xf32>, vector<128x128xf32>, vector<1000x128xf32> -> vector<1000x128xf32>
    %get3A_6 = arith.constant 0 : index
    %get3A_7 = arith.constant 0 : index
    %get3A_8 = vector.load %arg3[%get3A_6, %get3A_7] : memref<1x128xf32, #tpu.memory_space<vmem>>, vector<1x128xf32>
    %add3A = vector.broadcast %get3A_8 : vector<1x128xf32> to vector<1000x128xf32>
    %add3A_9 = arith.addf %dot_general3A_5, %add3A : vector<1000x128xf32>
    %get3A_10 = arith.constant 0 : index
    %get3A_11 = arith.constant 0 : index
    %get3A_12 = vector.load %arg4[%get3A_10, %get3A_11] : memref<1000x128xf32, #tpu.memory_space<vmem>>, vector<1000x128xf32>
    %add3A_13 = arith.addf %add3A_9, %get3A_12 : vector<1000x128xf32>
    %get3A_14 = arith.constant 0 : index
    %get3A_15 = arith.constant 0 : index
    %get3A_16 = vector.load %arg5[%get3A_14, %get3A_15] : memref<1000x128xf32, #tpu.memory_space<vmem>>, vector<1000x128xf32>
    %add3A_17 = arith.addf %add3A_13, %get3A_16 : vector<1000x128xf32>
    %max3A = arith.constant 0.000000e+00 : f32
    %max3A_18 = vector.broadcast %max3A : f32 to vector<1000x128xf32>
    %max3A_19 = arith.maximumf %add3A_17, %max3A_18 : vector<1000x128xf32>
    %reduce_sum3A = arith.constant dense<0.000000e+00> : vector<1000xf32>
    %reduce_sum3A_20 = vector.multi_reduction <add>, %max3A_19, %reduce_sum3A [1] : vector<1000x128xf32> to vector<1000xf32>
    %broadcast_in_dim3A = vector.shape_cast %reduce_sum3A_20 : vector<1000xf32> to vector<1000x1xf32>
    %div3A = arith.constant 1.280000e+02 : f32
    %div3A_21 = vector.broadcast %div3A : f32 to vector<1000x1xf32>
    %div3A_22 = arith.divf %broadcast_in_dim3A, %div3A_21 : vector<1000x1xf32>
    %sub3A = vector.broadcast %div3A_22 : vector<1000x1xf32> to vector<1000x128xf32>
    %sub3A_23 = arith.subf %max3A_19, %sub3A : vector<1000x128xf32>
    %mul3A = arith.mulf %sub3A_23, %sub3A_23 : vector<1000x128xf32>
    %reduce_sum3A_24 = arith.constant dense<0.000000e+00> : vector<1000xf32>
    %reduce_sum3A_25 = vector.multi_reduction <add>, %mul3A, %reduce_sum3A_24 [1] : vector<1000x128xf32> to vector<1000xf32>
    %broadcast_in_dim3A_26 = vector.shape_cast %reduce_sum3A_25 : vector<1000xf32> to vector<1000x1xf32>
    %div3A_27 = arith.constant 1.280000e+02 : f32
    %div3A_28 = vector.broadcast %div3A_27 : f32 to vector<1000x1xf32>
    %div3A_29 = arith.divf %broadcast_in_dim3A_26, %div3A_28 : vector<1000x1xf32>
    %add3A_30 = arith.constant 9.99999974E-6 : f32
    %add3A_31 = vector.broadcast %add3A_30 : f32 to vector<1000x1xf32>
    %add3A_32 = arith.addf %div3A_29, %add3A_31 : vector<1000x1xf32>
    %rsqrt3A = math.rsqrt %add3A_32 : vector<1000x1xf32>
    %mul3A_33 = vector.broadcast %rsqrt3A : vector<1000x1xf32> to vector<1000x128xf32>
    %mul3A_34 = arith.mulf %sub3A_23, %mul3A_33 : vector<1000x128xf32>
    %get3A_35 = arith.constant 0 : index
    %get3A_36 = arith.constant 0 : index
    %get3A_37 = vector.load %arg6[%get3A_35, %get3A_36] : memref<1x128xf32, #tpu.memory_space<vmem>>, vector<1x128xf32>
    %mul3A_38 = vector.broadcast %get3A_37 : vector<1x128xf32> to vector<1000x128xf32>
    %mul3A_39 = arith.mulf %mul3A_34, %mul3A_38 : vector<1000x128xf32>
    %get3A_40 = arith.constant 0 : index
    %get3A_41 = arith.constant 0 : index
    %get3A_42 = vector.load %arg7[%get3A_40, %get3A_41] : memref<1x128xf32, #tpu.memory_space<vmem>>, vector<1x128xf32>
    %add3A_43 = vector.broadcast %get3A_42 : vector<1x128xf32> to vector<1000x128xf32>
    %add3A_44 = arith.addf %mul3A_39, %add3A_43 : vector<1000x128xf32>
    %swap3A = arith.constant 0 : index
    %swap3A_45 = arith.constant 0 : index
    %swap3A_46 = vector.load %arg8[%swap3A, %swap3A_45] : memref<1000x128xf32, #tpu.memory_space<vmem>>, vector<1000x128xf32>
    tpu.vector_store %arg8[%swap3A, %swap3A_45], %add3A_44 {strides = array<i32>} : memref<1000x128xf32, #tpu.memory_space<vmem>>, vector<1000x128xf32>,
    return
  }
  func.func @transform_0(%arg0: i32) -> (i32, i32) {
    %c0_i32 = arith.constant 0 : i32
    %c0_i32_0 = arith.constant 0 : i32
    return %arg0, %c0_i32 : i32, i32
  }
  func.func @transform_1(%arg0: i32) -> (i32, i32) {
    %c0_i32 = arith.constant 0 : i32
    %c0_i32_0 = arith.constant 0 : i32
    %c0_i32_1 = arith.constant 0 : i32
    return %c0_i32, %c0_i32_0 : i32, i32
  }
  func.func @transform_2(%arg0: i32) -> (i32, i32) {
    %c0_i32 = arith.constant 0 : i32
    %c0_i32_0 = arith.constant 0 : i32
    %c0_i32_1 = arith.constant 0 : i32
    return %c0_i32, %c0_i32_0 : i32, i32
  }
  func.func @transform_3(%arg0: i32) -> (i32, i32) {
    %c0_i32 = arith.constant 0 : i32
    %c0_i32_0 = arith.constant 0 : i32
    return %arg0, %c0_i32 : i32, i32
  }
  func.func @transform_4(%arg0: i32) -> (i32, i32) {
    %c0_i32 = arith.constant 0 : i32
    %c0_i32_0 = arith.constant 0 : i32
    return %arg0, %c0_i32 : i32, i32
  }
  func.func @transform_5(%arg0: i32) -> (i32, i32) {
    %c0_i32 = arith.constant 0 : i32
    %c0_i32_0 = arith.constant 0 : i32
    %c0_i32_1 = arith.constant 0 : i32
    return %c0_i32, %c0_i32_0 : i32, i32
  }
  func.func @transform_6(%arg0: i32) -> (i32, i32) {
    %c0_i32 = arith.constant 0 : i32
    %c0_i32_0 = arith.constant 0 : i32
    %c0_i32_1 = arith.constant 0 : i32
    return %c0_i32, %c0_i32_0 : i32, i32
  }
  func.func @transform_7(%arg0: i32) -> (i32, i32) {
    %c0_i32 = arith.constant 0 : i32
    %c0_i32_0 = arith.constant 0 : i32
    return %arg0, %c0_i32 : i32, i32
  }
}

</mosaic_0001>

<sc_bundles>
// kernel: closed_call.12.cloned.1.call-start
scs
__scs_entry_jumppad:
0x0: {  	(pc) =	sbr.rel $0x88, $3  }
0x1: {  	(tag) =	ssettag $0x0;
	lr =	simm.s32 $0x1  }
0x2: {  	[smem:$0x3F93] =	sst lr;
	_ =	strace $0xD0000000  }
0x3: {  	_ = 	snop  }
0x4: {  	_ = 	snop  }
0x5: {  	_ = 	snop  }
0x6: {  	_ = 	snop  }
0x7: {  	_ = 	snop  }
__scs_overlays_trampoline_lowered:
0x8: {  	[smem:$0x3FA2] =	sst s0  }
0x9: {  	[smem:$0x3FA3] =	sst s1  }
0xa: {  	[smem:$0x3FA4] =	sst s2  }
0xb: {  	[smem:$0x3FA5] =	sst s3  }
0xc: {  	[smem:$0x3FA6] =	sst s4  }
0xd: {  	[smem:$0x3FA7] =	sst s5  }
0xe: {  	[smem:$0x3FA8] =	sst s6  }
0xf: {  	[smem:$0x3FA9] =	sst s7  }
0x10: {  	[smem:$0x3FAA] =	sst s8  }
0x11: {  	[smem:$0x3FAB] =	sst s9;
	s0 =	simm.s32 @!p0 $0x0  }
0x12: {  	s1 =	sld [smem:$0x3F91];
	s0 =	simm.s32 @p0 $0x1  }
0x13: {  	[smem:$0x3FAC] =	sst s0;
	s0 =	simm.s32 @!p1 $0x0  }
0x14: {  	s2 =	sld [smem:$0x3F90];
	s0 =	simm.s32 @p1 $0x1  }
0x15: {  	[smem:$0x3FAD] =	sst s0;
	s0 =	simm.s32 @!p2 $0x0  }
0x16: {  	s3 =	sld [smem:$0x3FDB];
	s0 =	simm.s32 @p2 $0x1  }
0x17: {  	s4 =	simm.s32 $0x1BF5;
	[smem:$0x3FAF] =	sst s0  }
0x18: {  	s0 =	sld [smem:$0x3F92];
	_ =	swait.ge [sflag:s4], $0x0  }
0x19: {  	s7 =	sld [smem:$0x3F93]  }
0x1a: {  	s8 =	sadd.s32 $0xFFFFE003, lr  }
0x1b: {  	s9 =	sadd.s32 $0xFFFFFEF7, lr;
	s5 =	simm.s32 $0xFFFFFFFF;
	p2 =	slt.u32 s8, $0xFFFFF086  }
0x1c: {  	p1 =	slt.u32 s9, $0xF7A;
	s5 =	simm.s32 @!p2 $0x0  }
0x1d: {  	s5 =	simm.s32 @p1 $0x1;
	p0 =	seq.s32 s7, s2  }
0x1e: {  	s7 =	smul.u32 @!p0 $0xF7A, s2;
	p2 =	seq.s32 @!p0 s5, $0x0  }
0x1f: {  	s9 =	smul.u32 $0xF7A, s1;
	s8 =	simm.s32 @!p0 $0x1BF5;
	p2 =	por !p2, p0  }
0x20: {  	[sflag:s8] =	ssyncset.s32 @!p0 $0xFFFFF086;
	s6 =	sadd.s32 @!p0 s3, s7;
	s7 =	simm.s32 @!p0 $0x108  }
0x21: {  	s3 =	sadd.s32 s3, s9;
	s6 =	sadd.s32 @!p0 $0x88, s6;
	s7 =	simm.s32 @p2 $0x1082  }
0x22: {  	[simem:s7], [sflag:s8] =	dma.local @!p0 [hbm:s6], $0xF7A  }
0x23: {  	s9 =	sor.u32 $0xD0000000, s2;
	s6 =	simm.s32 $0x108;
	_ =	swait.ge @!p0 [sflag:s8], $0x0  }
0x24: {  	s3 =	sadd.s32 $0x88, s3;
	s6 =	simm.s32 @!p1 $0x1082;
	[sflag:s4] =	ssyncset.s32 $0xFFFFF086  }
0x25: {  	[simem:s6], [sflag:s4] =	dma.local [hbm:s3], $0xF7A  }
0x26: {  	[smem:$0x3F93] =	sst s1;
	(tag) =	ssettag s2;
	_ =	strace s9  }
0x27: {  	s1 =	sld [smem:$0x3FA3]  }
0x28: {  	s2 =	sld [smem:$0x3FA4]  }
0x29: {  	s4 =	sld [smem:$0x3FA6]  }
0x2a: {  	p0 =	seq.s32 s5, $0x0;
	s5 =	sld [smem:$0x3FA7]  }
0x2b: {  	s6 =	sld [smem:$0x3FA8]  }
0x2c: {  	s7 =	sld [smem:$0x3FA9]  }
0x2d: {  	s3 =	simm.s32 $0x108;
	s8 =	sld [smem:$0x3FAA]  }
0x2e: {  	s3 =	simm.s32 @!p0 $0x1082;
	s9 =	sld [smem:$0x3FAB]  }
0x2f: {  	lr =	sadd.s32 s0, s3;
	s0 =	sld [smem:$0x3FA2]  }
0x30: {  	s3 =	sld [smem:$0x3FA5]  }
0x31: {  	[smem:$0x3FAE] =	sst s10  }
0x32: {  	s10 =	sld [smem:$0x3FAC];
	_ =	sdelay $0x3  }
0x33: {  	p0 =	seq.s32 s10, $0x1;
	s10 =	sld [smem:$0x3FAE];
	_ =	sdelay $0x3  }
0x34: {  	[smem:$0x3FAE] =	sst s10  }
0x35: {  	s10 =	sld [smem:$0x3FAD];
	_ =	sdelay $0x3  }
0x36: {  	p1 =	seq.s32 s10, $0x1;
	s10 =	sld [smem:$0x3FAE];
	_ =	sdelay $0x3  }
0x37: {  	[smem:$0x3FAE] =	sst s10  }
0x38: {  	s10 =	sld [smem:$0x3FAF]  }
0x39: {  	_ = 	snop;
	(pc) =	sbr.ind lr, $3  }
0x3a: {  	_ = 	snop  }
0x3b: {  	_ = 	snop  }
0x3c: {  	p2 =	seq.s32 s10, $0x1;
	s10 =	sld [smem:$0x3FAE]  }
0x3d: {  	_ =	shalt  }
0x3e: {  	_ =	shalt  }
0x3f: {  	_ =	shalt  }
0x40: {  	_ =	shalt  }
0x41: {  	_ =	shalt  }
0x42: {  	_ =	shalt  }
0x43: {  	_ =	shalt  }
0x44: {  	_ =	shalt  }
0x45: {  	_ =	shalt  }
0x46: {  	_ =	shalt  }
0x47: {  	_ =	shalt  }
0x48: {  	_ =	shalt  }
0x49: {  	_ =	shalt  }
0x4a: {  	_ =	shalt  }
0x4b: {  	_ =	shalt  }
0x4c: {  	_ =	shalt  }
0x4d: {  	_ =	shalt  }
0x4e: {  	_ =	shalt  }
0x4f: {  	_ =	shalt  }
0x50: {  	_ =	shalt  }
0x51: {  	_ =	shalt  }
0x52: {  	_ =	shalt  }
0x53: {  	_ =	shalt  }
0x54: {  	_ =	shalt  }
0x55: {  	_ =	shalt  }
0x56: {  	_ =	shalt  }
0x57: {  	_ =	shalt  }
0x58: {  	_ =	shalt  }
0x59: {  	_ =	shalt  }
0x5a: {  	_ =	shalt  }
0x5b: {  	_ =	shalt  }
0x5c: {  	_ =	shalt  }
0x5d: {  	_ =	shalt  }
0x5e: {  	_ =	shalt  }
0x5f: {  	_ =	shalt  }
0x60: {  	_ =	shalt  }
0x61: {  	_ =	shalt  }
0x62: {  	_ =	shalt  }
0x63: {  	_ =	shalt  }
0x64: {  	_ =	shalt  }
0x65: {  	_ =	shalt  }
0x66: {  	_ =	shalt  }
0x67: {  	_ =	shalt  }
0x68: {  	_ =	shalt  }
0x69: {  	_ =	shalt  }
0x6a: {  	_ =	shalt  }
0x6b: {  	_ =	shalt  }
0x6c: {  	_ =	shalt  }
0x6d: {  	_ =	shalt  }
0x6e: {  	_ =	shalt  }
0x6f: {  	_ =	shalt  }
0x70: {  	_ =	shalt  }
0x71: {  	_ =	shalt  }
0x72: {  	_ =	shalt  }
0x73: {  	_ =	shalt  }
0x74: {  	_ =	shalt  }
0x75: {  	_ =	shalt  }
0x76: {  	_ =	shalt  }
0x77: {  	_ =	shalt  }
0x78: {  	_ =	shalt  }
0x79: {  	_ =	shalt  }
0x7a: {  	_ =	shalt  }
0x7b: {  	_ =	shalt  }
0x7c: {  	_ =	shalt  }
0x7d: {  	_ =	shalt  }
0x7e: {  	_ =	shalt  }
0x7f: {  	_ =	shalt  }
0x80: {  	_ =	shalt  }
0x81: {  	_ =	shalt  }
0x82: {  	_ =	shalt  }
0x83: {  	_ =	shalt  }
0x84: {  	_ =	shalt  }
0x85: {  	_ =	shalt  }
0x86: {  	_ =	shalt  }
0x87: {  	_ =	shalt  }
.Lfunc_end0:
.L_simem_size_0:
called_computation_lowered:
.L_overlay_start_0:
0x88: {  	s2 =	sld [smem:$0x3FD9]  }
0x89: {  	s3 =	sld [smem:$0x3FFE];
	_ =	sdelay $0x1  }
0x8a: {  	s1 =	srdreg.scid  }
0x8b: {  	s0 =	sand.u32 $0x1, s1  }
0x8c: {  	s17 =	sshll.u32 s0, $0xA;
	s2 =	sadd.s32 s3, s2  }
0x8d: {  	s2 =	sadd.s32 s2, s17  }
0x8e: {  	[smem:$0x3FBA] =	sst s2  }
0x8f: {  	_ = 	snop  }
0x90: {  	s2 =	sld [smem:$0x3FC6];
	(tm) =	ssettm $0x1  }
0x91: {  	s18 =	sld [smem:$0x3FFB];
	_ =	sdelay $0x3  }
0x92: {  	_ =	strace s18  }
0x93: {  	s3 =	sld [smem:$0x3FFC];
	_ =	sdelay $0x3  }
0x94: {  	_ =	strace s3  }
0x95: {  	s3 =	sld [smem:$0x3FFD];
	_ =	sdelay $0x3  }
0x96: {  	_ =	strace s3  }
0x97: {  	_ =	strace $0x8FFFFFFF  }
0x98: {  	s19 =	sld [smem:$0x3FDB];
	_ =	sdelay $0x1  }
0x99: {  	s4 =	simm.s32 $_scs_section_size  }
0x9a: {  	s5 =	simm.s32 $_size__tile_overlayer_lowered;
	s6 =	simm.s32 $_tile_overlayer_lowered  }
0x9b: {  	s22 =	simm.s32 $0x1BFF;
	s21 =	sshll.u32 s6, $0x1;
	s3 =	sadd.s32 s4, s19  }
0x9c: {  	s7 =	simm.s32 $0x0;
	s20 =	sshll.u32 s5, $0x1;
	s5 =	sadd.s32 s21, s3  }
0x9d: {  	[timem:s7], [sflag:s22] =	dma.local [hbm:s5], s20  }
0x9e: {  	_ =	swait.ge [sflag:s22], s20  }
0x9f: {  	s4 =	ssub.s32 $0x0, s20;
	[sflag:s22] =	ssyncset.done $0x0  }
0xa0: {  	[sflag:s22] =	ssyncadd.s32 s4;
	_ =	sdelay $0x1  }
0xa1: {  	s23 =	simm.s32 $0x1B8B  }
0xa2: {  	_ =	swait.ge [sflag:s23], $0x1  }
0xa3: {  	[sflag:s23] =	ssyncset.done $0x0  }
0xa4: {  	s25 =	simm.s32 $0x1B8E;
	s24 =	sld [smem:$0x3FFE];
	[sflag:s23] =	ssyncadd.s32 $0xFFFFFFFF  }
0xa5: {  	s26 =	simm.s32 $execute0_lowered;
	[smem:$0x3FD2] =	sst s25  }
0xa6: {  	s5 =	sshll.u32 s26, $0x1;
	_ =	strace $0x8000004F;
	[dreg:$0x1] =	wrdreg $0xFFFFFFFF  }
0xa7: {  	s28 =	simm.s32 $_size_execute0_lowered;
	s3 =	sadd.s32 s3, s5;
	[dreg:$0x0] =	wrdreg $0x0  }
0xa8: {  	s5 =	sshll.u32 s28, $0x1;
	[dreg:$0x2] =	wrdreg s3  }
0xa9: {  	[dreg:$0x3] =	wrdreg s5  }
0xaa: {  	[dreg:$0x4] =	wrdreg $0xC0  }
0xab: {  	_ =	task [dreg:s7], $0x5FFFF  }
0xac: {  	[dreg:$0x1] =	wrdreg $0xFFFFFFFF  }
0xad: {  	[dreg:$0x0] =	wrdreg $0x60  }
0xae: {  	[dreg:$0x2] =	wrdreg s24  }
0xaf: {  	[dreg:$0x3] =	wrdreg s2  }
0xb0: {  	[dreg:$0x4] =	wrdreg $0x92000  }
0xb1: {  	[dreg:$0x5] =	wrdreg $0x9  }
0xb2: {  	_ =	task.clear_ibuf [dreg:s7], $0x6FFFF;
	_ =	strace $0x9000004F  }
0xb3: {  	s29 =	simm.s32 $0x9;
	_ =	strace $0x80000051  }
0xb4: {  	_ =	swait.ge [sflag:s29], $0x1  }
0xb5: {  	[sflag:s29] =	ssyncadd.s32 $0xFFFFFFFF  }
0xb6: {  	_ =	strace $0x90000051  }
0xb7: {  	_ =	sfence  }
0xb8: {  	s30 =	sld [smem:$0x0];
	_ =	sdelay $0x2  }
0xb9: {  	s31 =	sshll.u32 s1, $0xD;
	s1 =	sshrl.u32 s1, $0x2  }
0xba: {  	s3 =	sand.u32 $0x4000, s31;
	s1 =	sadd.s32 s1, s30  }
0xbb: {  	s0 =	sor.u32 s3, s0;
	s1 =	sshll.u32 s1, $0x11  }
0xbc: {  	s0 =	sor.u32 s1, s0  }
0xbd: {  	s0 =	sadd.s32 $0x8F2B, s0  }
0xbe: {  	[sflag:s0] =	ssyncadd.remote.s32 $0x1  }
0xbf: {  	_ =	sfence.sel $0xFFFF  }
0xc0: {  	[dreg:$0x0] =	wrdreg $0xFFFFFFFF;
	(pc) =	sbr.abs _section_cstart, $3  }
0xc1: {  	[dreg:$0x1] =	wrdreg $0xFFFFFFFF  }
0xc2: {  	_ =	task.clear_ibuf [dreg:s7], $0x2FFFF;
	_ =	strace $0x9FFFFFFF  }
0xc3: {  	(tm) =	ssettm $0x7FFFFFFF  }
tec
execute0_lowered:
.L_overlay_start_1:
0x0: {  	(tag) =	ssettag $0x1  }
0x1: {  	s0 =	rddreg [dreg:$0x0]  }
0x2: {  	s1 =	rddreg [dreg:$0x1]  }
0x3: {  	s2 =	rddreg [dreg:$0x2]  }
0x4: {  	s3 =	simm.s32 $0x0;
	s6 =	srdreg.scid;
	s23 =	stileid.u32  }
0x5: {  	s18 =	simm.s32 $0x5200;
	s28 =	simm.s32 $0x200;
	s29 =	simm.s32 $0x1  }
0x6: {  	s30 =	simm.s32 $0x0;
	[smem:$0x7FF] =	sst s3;
	s4 =	sadd.s32 $0x658600, s0  }
0x7: {  	s5 =	sadd.s32 $0x14F400, s0;
	s7 =	sand.u32 $0x1, s6;
	s11 =	smul.u32 $0x50000, s23  }
0x8: {  	s6 =	sadd.s32 $0x3000, s0;
	s8 =	sadd.s32 $0xCE00, s0;
	s21 =	smul.u32 $0x13800, s23  }
0x9: {  	s0 =	sadd.s32 $0x3DE00, s0;
	s19 =	sshll.u32 s23, $0x1;
	s14 =	smul.u32 $0x4E000, s23  }
0xa: {  	p0 =	sne.s32 s23, $0x0;
	s23 =	simm.s32 $0x50;
	_ =	strace $0x80000050  }
0xb: {  	s9 =	ssub.s32 $0x2, s7;
	s12 =	smul.u32 $0x138800, s7;
	s7 =	sor.u32 s7, s19  }
0xc: {  	s19 =	simm.s32 $0x2;
	s10 =	sshrl.u32 s9, $0x1;
	s20 =	sshrl.u32 s11, $0x2  }
0xd: {  	s25 =	sshrl.u32 s14, $0x2;
	s13 =	ssub.s32 s9, s10;
	s9 =	sadd.s32 s20, s2  }
0xe: {  	s10 =	smul.u32 $0x2710, s7;
	s22 =	sadd.s32 s21, s12;
	s24 =	sshrl.u32 s12, $0x3  }
0xf: {  	s31 =	sadd.s32 s25, s2;
	s20 =	simm.s32 $0x80;
	s21 =	simm.s32 $0x100  }
0x10: {  	s7 =	sshrl.u32 s22, $0x3;
	s26 =	sadd.s32 s0, s24;
	s13 =	smax.u32 s13, $0x1  }
0x11: {  	s14 =	sadd.s32 $0x4000, s9;
	s15 =	sadd.s32 $0x8000, s9;
	s16 =	sadd.s32 $0xC000, s9  }
0x12: {  	s17 =	sadd.s32 $0x10000, s9;
	s22 =	simm.s32 $0x2A00;
	s24 =	sshrl.u32 s31, $0x3  }
0x13: {  	s0 =	sadd.s32 s0, s7;
	s12 =	sadd.s32 $0x27000, s26;
	s7 =	sadd.s32 $0x138000, s2  }
0x14: {  	v0 =	vimm.f32 $0.0e+00;
	s26 =	simm.s32 $0x180;
	[dreg:$0x4] =	wrdreg s0;
	s25 =	sshrl.u32 @!p0 s7, $0x3  }
.LBB2_1:
0x15: {  	s0 =	simm.s32 $0x0;
	s7 =	simm.s32 $0x200  }
.LBB2_2:
0x16: {  	p1 =	sne.s32 s7, $0xFE00;
	[tilespmem:s0+$0x5270] =	vst v0  }
0x17: {  	[tilespmem:s0+$0x5200] =	vst v0  }
0x18: {  	[tilespmem:s0+$0x5210] =	vst v0  }
.Ltmp0:
0x19: {  	[tilespmem:s0+$0x5220] =	vst v0;
	(pc) =	sbr.rel @p1 .LBB2_2-.Ltmp0, $4  }
0x1a: {  	[tilespmem:s0+$0x5230] =	vst v0  }
0x1b: {  	[tilespmem:s0+$0x5240] =	vst v0  }
0x1c: {  	[tilespmem:s0+$0x5250] =	vst v0  }
0x1d: {  	[tilespmem:s0+$0x5260] =	vst v0;
	s0 =	sshra.s32 s7, $0x2;
	s7 =	sadd.s32 $0x200, s7  }
0x1e: {  	[tilespmem:s0+$0x5270] =	vst v0  }
0x1f: {  	[tilespmem:s0+$0x5200] =	vst v0  }
0x20: {  	[tilespmem:s0+$0x5210] =	vst v0  }
0x21: {  	[tilespmem:s0+$0x5220] =	vst v0  }
0x22: {  	[tilespmem:s0+$0x5230] =	vst v0  }
0x23: {  	[tilespmem:s0+$0x5240] =	vst v0  }
0x24: {  	[tilespmem:s0+$0x5250] =	vst v0  }
0x25: {  	[tilespmem:s0+$0x5260] =	vst v0  }
0x26: {  	[spmem:s9] =	stream.linear.scatter [tilespmem:s18], [sflag:$0x2], $0x4000, $0x38;
	[tilespmem:$0x1D200] =	vst v63  }
0x27: {  	_ =	swait.ge [sflag:s19], $0x4000  }
0x28: {  	[sflag:s19] =	ssyncset.done $0x0  }
0x29: {  	[sflag:s19] =	ssyncadd.s32 $0xFFFFC000  }
0x2a: {  	[spmem:s14] =	stream.linear.scatter [tilespmem:s18], [sflag:$0x2], $0x4000, $0x38;
	[tilespmem:$0x1D200] =	vst v63  }
0x2b: {  	_ =	swait.ge [sflag:s19], $0x4000  }
0x2c: {  	[sflag:s19] =	ssyncset.done $0x0  }
0x2d: {  	[sflag:s19] =	ssyncadd.s32 $0xFFFFC000  }
0x2e: {  	[spmem:s15] =	stream.linear.scatter [tilespmem:s18], [sflag:$0x2], $0x4000, $0x38;
	[tilespmem:$0x1D200] =	vst v63  }
0x2f: {  	_ =	swait.ge [sflag:s19], $0x4000  }
0x30: {  	[sflag:s19] =	ssyncset.done $0x0  }
0x31: {  	[sflag:s19] =	ssyncadd.s32 $0xFFFFC000  }
0x32: {  	[spmem:s16] =	stream.linear.scatter [tilespmem:s18], [sflag:$0x2], $0x4000, $0x38;
	[tilespmem:$0x1D200] =	vst v63  }
0x33: {  	_ =	swait.ge [sflag:s19], $0x4000  }
0x34: {  	[sflag:s19] =	ssyncset.done $0x0  }
0x35: {  	[sflag:s19] =	ssyncadd.s32 $0xFFFFC000  }
0x36: {  	[spmem:s17] =	stream.linear.scatter [tilespmem:s18], [sflag:$0x2], $0x4000, $0x38;
	[tilespmem:$0x1D200] =	vst v63  }
0x37: {  	_ =	swait.ge [sflag:s19], $0x4000  }
0x38: {  	[sflag:s19] =	ssyncset.done $0x0  }
0x39: {  	[sflag:s19] =	ssyncadd.s32 $0xFFFFC000  }
0x3a: {  	s31 =	simm.s32 $0x0;
	[bflag:$0x0] =	sbarrier.arrive $0xFFFF  }
.LBB2_4:
0x3b: {  	s0 =	smul.u32 $0x50, s31;
	_ =	sdelay $0x1  }
0x3c: {  	s0 =	sadd.s32 s10, s0  }
0x3d: {  	s7 =	sshrl.u32 s0, $0x3  }
0x3e: {  	s11 =	sadd.s32 s6, s7  }
0x3f: {  	[tilespmem:s30], [sflag:$0x2] =	stream.linear.gather [hbm4b:s11+s30], $0x50, $0x38;
	[tilespmem:$0x1D200] =	vst v63  }
0x40: {  	_ =	swait.ge [sflag:s19], $0x50  }
0x41: {  	[sflag:s19] =	ssyncset.done $0x0  }
0x42: {  	s11 =	sadd.s32 s1, s7;
	[sflag:s19] =	ssyncadd.s32 $0xFFFFFFB0  }
0x43: {  	[tilespmem:s20], [sflag:$0x2] =	stream.linear.gather [hbm4b:s11+s30], $0x50, $0x38;
	[tilespmem:$0x1D200] =	vst v63  }
0x44: {  	_ =	swait.ge [sflag:s19], $0x50  }
0x45: {  	[sflag:s19] =	ssyncset.done $0x0  }
0x46: {  	s7 =	sadd.s32 s8, s7;
	[sflag:s19] =	ssyncadd.s32 $0xFFFFFFB0  }
0x47: {  	[tilespmem:s21], [sflag:$0x2] =	stream.linear.gather [hbm4b:s7+s30], $0x50, $0x38;
	[tilespmem:$0x1D200] =	vst v63  }
0x48: {  	_ =	swait.ge [sflag:s19], $0x50  }
0x49: {  	s0 =	sshll.u32 s0, $0x4;
	[sflag:s19] =	ssyncset.done $0x0  }
0x4a: {  	s0 =	sadd.s32 s5, s0;
	[sflag:s19] =	ssyncadd.s32 $0xFFFFFFB0  }
0x4b: {  	[tilespmem:s22], [sflag:$0x2] =	stream.linear.gather [hbm4b:s0+s30], $0x2800, $0x38;
	[tilespmem:$0x1D200] =	vst v63  }
0x4c: {  	_ =	swait.ge [sflag:s19], $0x2800  }
0x4d: {  	[sflag:s19] =	ssyncset.done $0x0  }
0x4e: {  	[sflag:s19] =	ssyncadd.s32 $0xFFFFD800  }
0x4f: {  	v1 =	vld [tilespmem:$0x80]  }
0x50: {  	v2 =	vld [tilespmem:$0x0]  }
0x51: {  	v3 =	vld [tilespmem:$0x90]  }
0x52: {  	v4 =	vld [tilespmem:$0x10]  }
0x53: {  	v5 =	vld [tilespmem:$0xA0]  }
0x54: {  	v6 =	vld [tilespmem:$0x20]  }
0x55: {  	v7 =	vld [tilespmem:$0xB0]  }
0x56: {  	v8 =	vld [tilespmem:$0xC0]  }
0x57: {  	v9 =	vld [tilespmem:$0x30];
	v1 =	vmul.u32 $0x2710, v1  }
0x58: {  	v10 =	vld [tilespmem:$0x40];
	v3 =	vmul.u32 $0x2710, v3  }
0x59: {  	v1 =	vadd.s32 v2, v1;
	v2 =	vmul.u32 $0x2710, v5  }
0x5a: {  	[tilespmem:$0x180] =	vst v1;
	v1 =	vadd.s32 v4, v3;
	v3 =	vmul.u32 $0x2710, v7  }
0x5b: {  	[tilespmem:$0x190] =	vst v1;
	v1 =	vadd.s32 v6, v2;
	v2 =	vmul.u32 $0x2710, v8  }
0x5c: {  	[tilespmem:$0x1A0] =	vst v1;
	v1 =	vadd.s32 v9, v3  }
0x5d: {  	[tilespmem:$0x1B0] =	vst v1;
	v1 =	vadd.s32 v10, v2  }
0x5e: {  	[tilespmem:$0x1C0] =	vst v1  }
0x5f: {  	[tilespmem:s28], [sflag:$0x1] =	stream.indirect.gather [hbm4b:s4+s23], $0x80, s26, s23, $0xb8;
	[tilespmem:$0x1D200] =	vst v63  }
0x60: {  	_ =	swait.ge [sflag:s29], $0x2800  }
0x61: {  	[sflag:s29] =	ssyncset.done $0x0  }
0x62: {  	s0 =	simm.s32 $0x0;
	[sflag:s29] =	ssyncadd.s32 $0xFFFFD800  }
0x63: {  	v13 =	vld [tilespmem:s0+$0x2A00]  }
0x64: {  	v14 =	vld [tilespmem:s0+$0x2A80]  }
0x65: {  	v15 =	vld [tilespmem:s0+$0x2B00]  }
0x66: {  	v16 =	vld [tilespmem:s0+$0x2B80]  }
0x67: {  	v12 =	vld [tilespmem:s0+$0x2C00]  }
0x68: {  	v11 =	vld [tilespmem:s0+$0x2C80]  }
0x69: {  	v10 =	vld [tilespmem:s0+$0x2D00]  }
0x6a: {  	v9 =	vld [tilespmem:s0+$0x2D80]  }
0x6b: {  	v8 =	vld [tilespmem:s0+$0x2E00]  }
0x6c: {  	v7 =	vld [tilespmem:s0+$0x2E80]  }
0x6d: {  	v6 =	vld [tilespmem:s0+$0x2F00]  }
0x6e: {  	v5 =	vld [tilespmem:s0+$0x2F80]  }
0x6f: {  	v4 =	vld [tilespmem:s0+$0x3000]  }
0x70: {  	v17 =	vld [tilespmem:s0+$0x200]  }
0x71: {  	v18 =	vld [tilespmem:s0+$0x210]  }
0x72: {  	v19 =	vld [tilespmem:s0+$0x220]  }
0x73: {  	v20 =	vld [tilespmem:s0+$0x230]  }
0x74: {  	v21 =	vld [tilespmem:s0+$0x240]  }
0x75: {  	v22 =	vld [tilespmem:s0+$0x250]  }
0x76: {  	v23 =	vld [tilespmem:s0+$0x260]  }
0x77: {  	v63 =	vld [tilespmem:s0+$0x270]  }
0x78: {  	v24 =	vld [tilespmem:s0+$0x280]  }
0x79: {  	v25 =	vld [tilespmem:s0+$0x290]  }
0x7a: {  	v26 =	vld [tilespmem:s0+$0x2A0]  }
0x7b: {  	v27 =	vld [tilespmem:s0+$0x2B0]  }
0x7c: {  	v28 =	vld [tilespmem:s0+$0x2C0];
	v17 =	vmul.f32 v17, v13  }
0x7d: {  	v29 =	vld [tilespmem:s0+$0x2D0];
	v18 =	vmul.f32 v18, v13  }
0x7e: {  	v30 =	vld [tilespmem:s0+$0x2E0];
	v19 =	vmul.f32 v19, v13;
	[tilespmem:s0+$0x200] =	vst v17  }
0x7f: {  	v32 =	vld [tilespmem:s0+$0x300];
	v20 =	vmul.f32 v20, v13;
	[tilespmem:s0+$0x210] =	vst v18  }
0x80: {  	v33 =	vld [tilespmem:s0+$0x310];
	v21 =	vmul.f32 v21, v13;
	[tilespmem:s0+$0x220] =	vst v19  }
0x81: {  	v34 =	vld [tilespmem:s0+$0x320];
	v22 =	vmul.f32 v22, v13;
	[tilespmem:s0+$0x230] =	vst v20  }
0x82: {  	v35 =	vld [tilespmem:s0+$0x330];
	v23 =	vmul.f32 v23, v13;
	[tilespmem:s0+$0x240] =	vst v21  }
0x83: {  	v43 =	vld [tilespmem:s0+$0x380];
	v13 =	vmul.f32 v63, v13;
	[tilespmem:s0+$0x250] =	vst v22  }
0x84: {  	v45 =	vld [tilespmem:s0+$0x390];
	v38 =	vmul.f32 v32, v15;
	[tilespmem:s0+$0x260] =	vst v23  }
0x85: {  	v46 =	vld [tilespmem:s0+$0x3A0];
	v40 =	vmul.f32 v33, v15;
	[tilespmem:s0+$0x270] =	vst v13  }
0x86: {  	v55 =	vld [tilespmem:s0+$0x400];
	v42 =	vmul.f32 v34, v15;
	[tilespmem:s0+$0x300] =	vst v38  }
0x87: {  	v56 =	vld [tilespmem:s0+$0x410];
	v44 =	vmul.f32 v35, v15;
	[tilespmem:s0+$0x310] =	vst v40  }
0x88: {  	v31 =	vld [tilespmem:s0+$0x2F0];
	v50 =	vmul.f32 v43, v16;
	[tilespmem:s0+$0x320] =	vst v42  }
0x89: {  	v36 =	vld [tilespmem:s0+$0x340];
	v52 =	vmul.f32 v45, v16;
	[tilespmem:s0+$0x330] =	vst v44  }
0x8a: {  	v37 =	vld [tilespmem:s0+$0x350];
	v54 =	vmul.f32 v46, v16;
	[tilespmem:s0+$0x380] =	vst v50  }
0x8b: {  	v39 =	vld [tilespmem:s0+$0x360];
	v61 =	vmul.f32 v55, v12;
	[tilespmem:s0+$0x390] =	vst v52  }
0x8c: {  	v41 =	vld [tilespmem:s0+$0x370];
	v63 =	vmul.f32 v56, v12;
	[tilespmem:s0+$0x3A0] =	vst v54  }
0x8d: {  	v47 =	vld [tilespmem:s0+$0x3B0];
	v18 =	vmul.f32 v24, v14;
	[tilespmem:s0+$0x400] =	vst v61  }
0x8e: {  	v48 =	vld [tilespmem:s0+$0x3C0];
	v19 =	vmul.f32 v25, v14;
	[tilespmem:s0+$0x410] =	vst v63  }
0x8f: {  	v49 =	vld [tilespmem:s0+$0x3D0];
	v20 =	vmul.f32 v26, v14;
	[tilespmem:s0+$0x280] =	vst v18  }
0x90: {  	v51 =	vld [tilespmem:s0+$0x3E0];
	v21 =	vmul.f32 v27, v14;
	[tilespmem:s0+$0x290] =	vst v19  }
0x91: {  	v53 =	vld [tilespmem:s0+$0x3F0];
	v22 =	vmul.f32 v28, v14;
	[tilespmem:s0+$0x2A0] =	vst v20  }
0x92: {  	v57 =	vld [tilespmem:s0+$0x420];
	v17 =	vmul.f32 v29, v14;
	[tilespmem:s0+$0x2B0] =	vst v21  }
0x93: {  	v58 =	vld [tilespmem:s0+$0x430];
	v13 =	vmul.f32 v30, v14;
	[tilespmem:s0+$0x2C0] =	vst v22  }
0x94: {  	v59 =	vld [tilespmem:s0+$0x440];
	v14 =	vmul.f32 v31, v14;
	[tilespmem:s0+$0x2D0] =	vst v17  }
0x95: {  	v60 =	vld [tilespmem:s0+$0x450];
	[tilespmem:s0+$0x2E0] =	vst v13;
	v17 =	vmul.f32 v36, v15  }
0x96: {  	v62 =	vld [tilespmem:s0+$0x460];
	[tilespmem:s0+$0x2F0] =	vst v14;
	v13 =	vmul.f32 v37, v15  }
0x97: {  	v45 =	vld [tilespmem:s0+$0x610];
	v14 =	vmul.f32 v39, v15;
	[tilespmem:s0+$0x340] =	vst v17  }
0x98: {  	v46 =	vld [tilespmem:s0+$0x620];
	v15 =	vmul.f32 v41, v15;
	[tilespmem:s0+$0x350] =	vst v13  }
0x99: {  	v23 =	vld [tilespmem:s0+$0x490];
	[tilespmem:s0+$0x360] =	vst v14;
	v17 =	vmul.f32 v47, v16  }
0x9a: {  	v24 =	vld [tilespmem:s0+$0x4A0];
	[tilespmem:s0+$0x370] =	vst v15;
	v13 =	vmul.f32 v48, v16  }
0x9b: {  	v44 =	vld [tilespmem:s0+$0x600];
	v14 =	vmul.f32 v49, v16;
	[tilespmem:s0+$0x3B0] =	vst v17  }
0x9c: {  	v25 =	vld [tilespmem:s0+$0x4B0];
	v15 =	vmul.f32 v51, v16;
	[tilespmem:s0+$0x3C0] =	vst v13  }
0x9d: {  	v52 =	vld [tilespmem:s0+$0x680];
	v16 =	vmul.f32 v53, v16;
	[tilespmem:s0+$0x3D0] =	vst v14  }
0x9e: {  	v26 =	vld [tilespmem:s0+$0x4C0];
	v49 =	vmul.f32 v45, v8;
	[tilespmem:s0+$0x3E0] =	vst v15  }
0x9f: {  	v21 =	vld [tilespmem:s0+$0x470];
	v51 =	vmul.f32 v46, v8;
	[tilespmem:s0+$0x3F0] =	vst v16  }
0xa0: {  	v22 =	vld [tilespmem:s0+$0x480];
	v48 =	vmul.f32 v44, v8;
	[tilespmem:s0+$0x610] =	vst v49  }
0xa1: {  	v27 =	vld [tilespmem:s0+$0x4D0];
	v17 =	vmul.f32 v57, v12;
	[tilespmem:s0+$0x620] =	vst v51  }
0xa2: {  	v29 =	vld [tilespmem:s0+$0x4E0];
	v55 =	vmul.f32 v52, v7;
	v13 =	vmul.f32 v58, v12;
	[tilespmem:s0+$0x600] =	vst v48  }
0xa3: {  	v30 =	vld [tilespmem:s0+$0x4F0];
	v14 =	vmul.f32 v59, v12;
	v15 =	vmul.f32 v60, v12;
	[tilespmem:s0+$0x420] =	vst v17  }
0xa4: {  	v32 =	vld [tilespmem:s0+$0x510];
	v16 =	vmul.f32 v62, v12;
	v12 =	vmul.f32 v21, v12;
	[tilespmem:s0+$0x430] =	vst v13  }
0xa5: {  	v33 =	vld [tilespmem:s0+$0x520];
	v28 =	vmul.f32 v22, v11;
	[tilespmem:s0+$0x440] =	vst v14;
	v17 =	vmul.f32 v23, v11  }
0xa6: {  	v34 =	vld [tilespmem:s0+$0x530];
	[tilespmem:s0+$0x450] =	vst v15;
	v13 =	vmul.f32 v24, v11;
	v14 =	vmul.f32 v25, v11  }
0xa7: {  	v35 =	vld [tilespmem:s0+$0x540];
	[tilespmem:s0+$0x460] =	vst v16;
	v15 =	vmul.f32 v26, v11;
	v16 =	vmul.f32 v27, v11  }
0xa8: {  	v31 =	vld [tilespmem:s0+$0x500];
	[tilespmem:s0+$0x470] =	vst v12;
	v12 =	vmul.f32 v29, v11;
	v11 =	vmul.f32 v30, v11  }
0xa9: {  	v36 =	vld [tilespmem:s0+$0x550];
	[tilespmem:s0+$0x680] =	vst v55  }
0xaa: {  	[tilespmem:s0+$0x4F0] =	vst v11;
	v11 =	vld [tilespmem:s0+$0x560]  }
0xab: {  	v37 =	vld [tilespmem:s0+$0x570];
	[tilespmem:s0+$0x490] =	vst v17  }
0xac: {  	v43 =	vld [tilespmem:s0+$0x5F0];
	[tilespmem:s0+$0x4A0] =	vst v13  }
0xad: {  	v38 =	vld [tilespmem:s0+$0x580];
	[tilespmem:s0+$0x4B0] =	vst v14;
	v17 =	vmul.f32 v31, v10;
	v13 =	vmul.f32 v32, v10  }
0xae: {  	v40 =	vld [tilespmem:s0+$0x5A0];
	[tilespmem:s0+$0x4C0] =	vst v15;
	v14 =	vmul.f32 v33, v10;
	v15 =	vmul.f32 v34, v10  }
0xaf: {  	v39 =	vld [tilespmem:s0+$0x590];
	[tilespmem:s0+$0x4D0] =	vst v16;
	v16 =	vmul.f32 v35, v10;
	v11 =	vmul.f32 v11, v10  }
0xb0: {  	v41 =	vld [tilespmem:s0+$0x5B0];
	[tilespmem:s0+$0x4E0] =	vst v12;
	v12 =	vmul.f32 v36, v10;
	v10 =	vmul.f32 v37, v10  }
0xb1: {  	[tilespmem:s0+$0x560] =	vst v11;
	v11 =	vld [tilespmem:s0+$0x5D0]  }
0xb2: {  	[tilespmem:s0+$0x570] =	vst v10;
	v10 =	vld [tilespmem:s0+$0x5E0]  }
0xb3: {  	v42 =	vld [tilespmem:s0+$0x5C0];
	[tilespmem:s0+$0x510] =	vst v13  }
0xb4: {  	v3 =	vld [tilespmem:s0+$0x3080];
	[tilespmem:s0+$0x520] =	vst v14  }
0xb5: {  	v53 =	vld [tilespmem:s0+$0x690];
	[tilespmem:s0+$0x530] =	vst v15;
	v13 =	vmul.f32 v38, v9;
	v14 =	vmul.f32 v39, v9  }
0xb6: {  	v2 =	vld [tilespmem:s0+$0x3100];
	[tilespmem:s0+$0x540] =	vst v16;
	v15 =	vmul.f32 v40, v9;
	v11 =	vmul.f32 v11, v9  }
0xb7: {  	v50 =	vld [tilespmem:s0+$0x670];
	v16 =	vmul.f32 v41, v9;
	[tilespmem:s0+$0x550] =	vst v12;
	v10 =	vmul.f32 v10, v9  }
0xb8: {  	v12 =	vmul.f32 v42, v9;
	v9 =	vmul.f32 v43, v9;
	[tilespmem:s0+$0x5D0] =	vst v11;
	v11 =	vld [tilespmem:s0+$0x640]  }
0xb9: {  	[tilespmem:s0+$0x5E0] =	vst v10;
	v10 =	vld [tilespmem:s0+$0x650]  }
0xba: {  	v56 =	vmul.f32 v53, v7;
	[tilespmem:s0+$0x5F0] =	vst v9;
	v9 =	vld [tilespmem:s0+$0x660]  }
0xbb: {  	v47 =	vld [tilespmem:s0+$0x630];
	[tilespmem:s0+$0x480] =	vst v28  }
0xbc: {  	v58 =	vld [tilespmem:s0+$0x700];
	[tilespmem:s0+$0x690] =	vst v56  }
0xbd: {  	v1 =	vld [tilespmem:s0+$0x3180];
	[tilespmem:s0+$0x500] =	vst v17;
	v11 =	vmul.f32 v11, v8  }
0xbe: {  	v54 =	vld [tilespmem:s0+$0x6A0];
	[tilespmem:s0+$0x5C0] =	vst v12;
	v10 =	vmul.f32 v10, v8  }
0xbf: {  	v9 =	vmul.f32 v9, v8;
	[tilespmem:s0+$0x640] =	vst v11;
	v11 =	vld [tilespmem:s0+$0x6B0]  }
0xc0: {  	v12 =	vmul.f32 v47, v8;
	v8 =	vmul.f32 v50, v8;
	[tilespmem:s0+$0x650] =	vst v10;
	v10 =	vld [tilespmem:s0+$0x6C0]  }
0xc1: {  	v60 =	vmul.f32 v58, v6;
	[tilespmem:s0+$0x660] =	vst v9;
	v9 =	vld [tilespmem:s0+$0x6D0]  }
0xc2: {  	[tilespmem:s0+$0x670] =	vst v8;
	v8 =	vld [tilespmem:s0+$0x6E0]  }
0xc3: {  	v57 =	vld [tilespmem:s0+$0x6F0];
	[tilespmem:s0+$0x700] =	vst v60  }
0xc4: {  	v61 =	vld [tilespmem:s0+$0x770];
	[tilespmem:s0+$0x580] =	vst v13;
	v11 =	vmul.f32 v11, v7  }
0xc5: {  	v63 =	vld [tilespmem:s0+$0x7F0];
	[tilespmem:s0+$0x630] =	vst v12;
	v10 =	vmul.f32 v10, v7  }
0xc6: {  	v9 =	vmul.f32 v9, v7;
	[tilespmem:s0+$0x6B0] =	vst v11;
	v11 =	vld [tilespmem:s0+$0x720]  }
0xc7: {  	v8 =	vmul.f32 v8, v7;
	[tilespmem:s0+$0x6C0] =	vst v10;
	v10 =	vld [tilespmem:s0+$0x730]  }
0xc8: {  	v12 =	vmul.f32 v54, v7;
	v7 =	vmul.f32 v57, v7;
	[tilespmem:s0+$0x6D0] =	vst v9;
	v9 =	vld [tilespmem:s0+$0x740]  }
0xc9: {  	[tilespmem:s0+$0x6E0] =	vst v8;
	v8 =	vld [tilespmem:s0+$0x750]  }
0xca: {  	[tilespmem:s0+$0x6F0] =	vst v7;
	v7 =	vld [tilespmem:s0+$0x760]  }
0xcb: {  	v59 =	vld [tilespmem:s0+$0x710];
	[tilespmem:s0+$0x590] =	vst v14;
	v11 =	vmul.f32 v11, v6  }
0xcc: {  	v62 =	vld [tilespmem:s0+$0x780];
	[tilespmem:s0+$0x6A0] =	vst v12;
	v10 =	vmul.f32 v10, v6  }
0xcd: {  	v9 =	vmul.f32 v9, v6;
	[tilespmem:s0+$0x720] =	vst v11;
	v11 =	vld [tilespmem:s0+$0x790]  }
0xce: {  	v8 =	vmul.f32 v8, v6;
	[tilespmem:s0+$0x730] =	vst v10;
	v10 =	vld [tilespmem:s0+$0x7A0]  }
0xcf: {  	v7 =	vmul.f32 v7, v6;
	[tilespmem:s0+$0x740] =	vst v9;
	v9 =	vld [tilespmem:s0+$0x7B0]  }
0xd0: {  	v12 =	vmul.f32 v59, v6;
	v6 =	vmul.f32 v61, v6;
	[tilespmem:s0+$0x750] =	vst v8;
	v8 =	vld [tilespmem:s0+$0x7C0]  }
0xd1: {  	[tilespmem:s0+$0x760] =	vst v7;
	v7 =	vld [tilespmem:s0+$0x7D0]  }
0xd2: {  	[tilespmem:s0+$0x770] =	vst v6;
	v6 =	vld [tilespmem:s0+$0x7E0]  }
0xd3: {  	[tilespmem:s0+$0x5A0] =	vst v15  }
0xd4: {  	[tilespmem:s0+$0x710] =	vst v12;
	v12 =	vmul.f32 v62, v5;
	v11 =	vmul.f32 v11, v5  }
0xd5: {  	[tilespmem:s0+$0x5B0] =	vst v16;
	v10 =	vmul.f32 v10, v5;
	v9 =	vmul.f32 v9, v5  }
0xd6: {  	v8 =	vmul.f32 v8, v5;
	v7 =	vmul.f32 v7, v5;
	[tilespmem:s0+$0x790] =	vst v11;
	v11 =	vld [tilespmem:s0+$0x800]  }
0xd7: {  	v6 =	vmul.f32 v6, v5;
	v5 =	vmul.f32 v63, v5;
	[tilespmem:s0+$0x7A0] =	vst v10;
	v10 =	vld [tilespmem:s0+$0x810]  }
0xd8: {  	[tilespmem:s0+$0x7B0] =	vst v9;
	v9 =	vld [tilespmem:s0+$0x820]  }
0xd9: {  	[tilespmem:s0+$0x7F0] =	vst v5;
	v5 =	vld [tilespmem:s0+$0x860]  }
0xda: {  	[tilespmem:s0+$0x7C0] =	vst v8;
	v8 =	vld [tilespmem:s0+$0x830]  }
0xdb: {  	[tilespmem:s0+$0x7D0] =	vst v7;
	v7 =	vld [tilespmem:s0+$0x840];
	v11 =	vmul.f32 v11, v4  }
0xdc: {  	[tilespmem:s0+$0x7E0] =	vst v6;
	v6 =	vld [tilespmem:s0+$0x850];
	v10 =	vmul.f32 v10, v4  }
0xdd: {  	v9 =	vmul.f32 v9, v4;
	[tilespmem:s0+$0x800] =	vst v11;
	v11 =	vld [tilespmem:s0+$0x870]  }
0xde: {  	v5 =	vmul.f32 v5, v4;
	[tilespmem:s0+$0x810] =	vst v10;
	v10 =	vld [tilespmem:s0+$0x880]  }
0xdf: {  	v8 =	vmul.f32 v8, v4;
	[tilespmem:s0+$0x820] =	vst v9;
	v9 =	vld [tilespmem:s0+$0x890]  }
0xe0: {  	v7 =	vmul.f32 v7, v4;
	[tilespmem:s0+$0x860] =	vst v5;
	v5 =	vld [tilespmem:s0+$0x8D0]  }
0xe1: {  	v6 =	vmul.f32 v6, v4;
	[tilespmem:s0+$0x830] =	vst v8;
	v8 =	vld [tilespmem:s0+$0x8A0]  }
0xe2: {  	[tilespmem:s0+$0x840] =	vst v7;
	v7 =	vld [tilespmem:s0+$0x8B0];
	v4 =	vmul.f32 v11, v4  }
0xe3: {  	[tilespmem:s0+$0x850] =	vst v6;
	v6 =	vld [tilespmem:s0+$0x8C0];
	v10 =	vmul.f32 v10, v3  }
0xe4: {  	v9 =	vmul.f32 v9, v3;
	[tilespmem:s0+$0x870] =	vst v4;
	v4 =	vld [tilespmem:s0+$0x8E0]  }
0xe5: {  	v5 =	vmul.f32 v5, v3;
	[tilespmem:s0+$0x880] =	vst v10;
	v10 =	vld [tilespmem:s0+$0x8F0]  }
0xe6: {  	v8 =	vmul.f32 v8, v3;
	[tilespmem:s0+$0x890] =	vst v9;
	v9 =	vld [tilespmem:s0+$0x900]  }
0xe7: {  	[tilespmem:s0+$0x8D0] =	vst v5;
	v5 =	vld [tilespmem:s0+$0x940]  }
0xe8: {  	v7 =	vmul.f32 v7, v3;
	[tilespmem:s0+$0x8A0] =	vst v8;
	v8 =	vld [tilespmem:s0+$0x910]  }
0xe9: {  	[tilespmem:s0+$0x780] =	vst v12;
	v6 =	vmul.f32 v6, v3  }
0xea: {  	[tilespmem:s0+$0x8B0] =	vst v7;
	v7 =	vld [tilespmem:s0+$0x920];
	v4 =	vmul.f32 v4, v3  }
0xeb: {  	[tilespmem:s0+$0x8C0] =	vst v6;
	v6 =	vld [tilespmem:s0+$0x930];
	v3 =	vmul.f32 v10, v3  }
0xec: {  	v10 =	vld [tilespmem:s0+$0x950];
	v5 =	vmul.f32 v5, v2;
	[tilespmem:s0+$0x8E0] =	vst v4  }
0xed: {  	v4 =	vmul.f32 v9, v2;
	[tilespmem:s0+$0x8F0] =	vst v3;
	v3 =	vmul.f32 v8, v2;
	v8 =	vld [tilespmem:s0+$0x970]  }
0xee: {  	v9 =	vld [tilespmem:s0+$0x960];
	[tilespmem:s0+$0x940] =	vst v5  }
0xef: {  	[tilespmem:s0+$0x900] =	vst v4;
	v4 =	vmul.f32 v7, v2;
	v7 =	vld [tilespmem:s0+$0x980]  }
0xf0: {  	[tilespmem:s0+$0x910] =	vst v3;
	v3 =	vmul.f32 v6, v2;
	v6 =	vld [tilespmem:s0+$0x990]  }
0xf1: {  	v10 =	vmul.f32 v10, v2;
	[tilespmem:s0+$0x920] =	vst v4;
	v4 =	vld [tilespmem:s0+$0x9A0]  }
0xf2: {  	[tilespmem:s0+$0x930] =	vst v3;
	v3 =	vld [tilespmem:s0+$0x9B0];
	v8 =	vmul.f32 v8, v2  }
0xf3: {  	v5 =	vld [tilespmem:s0+$0x9C0];
	v9 =	vmul.f32 v9, v2;
	[tilespmem:s0+$0x950] =	vst v10  }
0xf4: {  	v2 =	vld [tilespmem:s0+$0x9D0];
	[tilespmem:s0+$0x970] =	vst v8;
	v8 =	vmul.f32 v7, v1  }
0xf5: {  	s7 =	simm.s32 $0x1;
	[tilespmem:s0+$0x960] =	vst v9;
	v7 =	vmul.f32 v6, v1;
	v6 =	vld [tilespmem:s0+$0x9E0]  }
.LBB2_5:
0xf6: {  	s11 =	sshll.u32 s7, $0xB;
	p1 =	sne.s32 s7, $0x4;
	[tilespmem:s0+$0x980] =	vst v8;
	v4 =	vmul.f32 v4, v1;
	v8 =	vld [tilespmem:s0+$0x9F0]  }
0xf7: {  	v15 =	vld [tilespmem:s11+$0x2A00];
	[tilespmem:s0+$0x990] =	vst v7;
	v3 =	vmul.f32 v3, v1  }
0xf8: {  	v16 =	vld [tilespmem:s11+$0x2A80];
	[tilespmem:s0+$0x9A0] =	vst v4;
	v4 =	vmul.f32 v5, v1  }
0xf9: {  	v14 =	vld [tilespmem:s11+$0x2B00];
	[tilespmem:s0+$0x9B0] =	vst v3;
	v2 =	vmul.f32 v2, v1  }
0xfa: {  	v13 =	vld [tilespmem:s11+$0x2B80];
	[tilespmem:s0+$0x9C0] =	vst v4;
	v3 =	vmul.f32 v6, v1  }
0xfb: {  	v12 =	vld [tilespmem:s11+$0x2C00];
	[tilespmem:s0+$0x9D0] =	vst v2;
	v1 =	vmul.f32 v8, v1  }
0xfc: {  	v11 =	vld [tilespmem:s11+$0x2C80];
	[tilespmem:s0+$0x9E0] =	vst v3  }
0xfd: {  	v10 =	vld [tilespmem:s11+$0x2D00];
	[tilespmem:s0+$0x9F0] =	vst v1;
	s0 =	smov.u32 s11  }
0xfe: {  	v9 =	vld [tilespmem:s0+$0x2D80]  }
0xff: {  	v8 =	vld [tilespmem:s0+$0x2E00]  }
0x100: {  	v7 =	vld [tilespmem:s0+$0x2E80]  }
0x101: {  	v6 =	vld [tilespmem:s0+$0x2F00]  }
0x102: {  	v5 =	vld [tilespmem:s0+$0x2F80]  }
0x103: {  	v4 =	vld [tilespmem:s0+$0x3000]  }
0x104: {  	v3 =	vld [tilespmem:s0+$0x3080]  }
0x105: {  	v2 =	vld [tilespmem:s0+$0x3100]  }
0x106: {  	v1 =	vld [tilespmem:s0+$0x3180]  }
0x107: {  	v17 =	vld [tilespmem:s0+$0x200]  }
0x108: {  	v18 =	vld [tilespmem:s0+$0x210]  }
0x109: {  	v19 =	vld [tilespmem:s0+$0x220]  }
0x10a: {  	v20 =	vld [tilespmem:s0+$0x230]  }
0x10b: {  	v21 =	vld [tilespmem:s0+$0x240]  }
0x10c: {  	v17 =	vmul.f32 v17, v15;
	v22 =	vld [tilespmem:s0+$0x250]  }
0x10d: {  	v18 =	vmul.f32 v18, v15;
	v23 =	vld [tilespmem:s0+$0x260]  }
0x10e: {  	[tilespmem:s0+$0x200] =	vst v17;
	v17 =	vmul.f32 v19, v15;
	v19 =	vld [tilespmem:s0+$0x270]  }
0x10f: {  	[tilespmem:s0+$0x210] =	vst v18;
	v18 =	vmul.f32 v20, v15;
	v20 =	vld [tilespmem:s0+$0x280]  }
0x110: {  	[tilespmem:s0+$0x220] =	vst v17;
	v17 =	vmul.f32 v21, v15;
	v21 =	vld [tilespmem:s0+$0x290]  }
0x111: {  	[tilespmem:s0+$0x230] =	vst v18;
	v18 =	vmul.f32 v22, v15;
	v22 =	vld [tilespmem:s0+$0x2A0]  }
0x112: {  	[tilespmem:s0+$0x240] =	vst v17;
	v17 =	vmul.f32 v23, v15;
	v23 =	vld [tilespmem:s0+$0x2B0]  }
0x113: {  	[tilespmem:s0+$0x250] =	vst v18;
	v15 =	vmul.f32 v19, v15;
	v18 =	vld [tilespmem:s0+$0x2C0]  }
0x114: {  	[tilespmem:s0+$0x260] =	vst v17;
	v17 =	vmul.f32 v20, v16;
	v19 =	vld [tilespmem:s0+$0x2D0]  }
0x115: {  	[tilespmem:s0+$0x270] =	vst v15;
	v15 =	vmul.f32 v21, v16;
	v20 =	vld [tilespmem:s0+$0x2E0]  }
0x116: {  	[tilespmem:s0+$0x280] =	vst v17;
	v17 =	vmul.f32 v22, v16;
	v21 =	vld [tilespmem:s0+$0x2F0]  }
0x117: {  	[tilespmem:s0+$0x290] =	vst v15;
	v15 =	vmul.f32 v23, v16;
	v22 =	vld [tilespmem:s0+$0x300]  }
0x118: {  	[tilespmem:s0+$0x2A0] =	vst v17;
	v17 =	vmul.f32 v18, v16;
	v18 =	vld [tilespmem:s0+$0x310]  }
0x119: {  	[tilespmem:s0+$0x2B0] =	vst v15;
	v15 =	vmul.f32 v19, v16;
	v19 =	vld [tilespmem:s0+$0x320]  }
0x11a: {  	[tilespmem:s0+$0x2C0] =	vst v17;
	v17 =	vmul.f32 v20, v16;
	v20 =	vld [tilespmem:s0+$0x330]  }
0x11b: {  	[tilespmem:s0+$0x2D0] =	vst v15;
	v15 =	vmul.f32 v21, v16;
	v16 =	vld [tilespmem:s0+$0x340]  }
0x11c: {  	[tilespmem:s0+$0x2E0] =	vst v17;
	v17 =	vmul.f32 v22, v14;
	v21 =	vld [tilespmem:s0+$0x350]  }
0x11d: {  	[tilespmem:s0+$0x2F0] =	vst v15;
	v15 =	vmul.f32 v18, v14;
	v18 =	vld [tilespmem:s0+$0x360]  }
0x11e: {  	[tilespmem:s0+$0x300] =	vst v17;
	v17 =	vmul.f32 v19, v14;
	v19 =	vld [tilespmem:s0+$0x370]  }
0x11f: {  	[tilespmem:s0+$0x310] =	vst v15;
	v15 =	vmul.f32 v20, v14;
	v20 =	vld [tilespmem:s0+$0x380]  }
0x120: {  	[tilespmem:s0+$0x320] =	vst v17;
	v16 =	vmul.f32 v16, v14;
	v17 =	vld [tilespmem:s0+$0x390]  }
0x121: {  	[tilespmem:s0+$0x330] =	vst v15;
	v15 =	vmul.f32 v21, v14;
	v21 =	vld [tilespmem:s0+$0x3A0]  }
0x122: {  	[tilespmem:s0+$0x340] =	vst v16;
	v16 =	vmul.f32 v18, v14;
	v18 =	vld [tilespmem:s0+$0x3B0]  }
0x123: {  	[tilespmem:s0+$0x350] =	vst v15;
	v14 =	vmul.f32 v19, v14;
	v15 =	vld [tilespmem:s0+$0x3C0]  }
0x124: {  	[tilespmem:s0+$0x360] =	vst v16;
	v16 =	vmul.f32 v20, v13;
	v19 =	vld [tilespmem:s0+$0x3D0]  }
0x125: {  	[tilespmem:s0+$0x370] =	vst v14;
	v14 =	vmul.f32 v17, v13;
	v17 =	vld [tilespmem:s0+$0x3E0]  }
0x126: {  	[tilespmem:s0+$0x380] =	vst v16;
	v16 =	vmul.f32 v21, v13;
	v20 =	vld [tilespmem:s0+$0x3F0]  }
0x127: {  	[tilespmem:s0+$0x390] =	vst v14;
	v14 =	vmul.f32 v18, v13;
	v18 =	vld [tilespmem:s0+$0x400]  }
0x128: {  	[tilespmem:s0+$0x3A0] =	vst v16;
	v15 =	vmul.f32 v15, v13;
	v16 =	vld [tilespmem:s0+$0x410]  }
0x129: {  	[tilespmem:s0+$0x3B0] =	vst v14;
	v14 =	vmul.f32 v19, v13;
	v19 =	vld [tilespmem:s0+$0x420]  }
0x12a: {  	[tilespmem:s0+$0x3C0] =	vst v15;
	v15 =	vmul.f32 v17, v13;
	v17 =	vld [tilespmem:s0+$0x430]  }
0x12b: {  	[tilespmem:s0+$0x3D0] =	vst v14;
	v13 =	vmul.f32 v20, v13;
	v14 =	vld [tilespmem:s0+$0x440]  }
0x12c: {  	[tilespmem:s0+$0x3E0] =	vst v15;
	v15 =	vmul.f32 v18, v12;
	v18 =	vld [tilespmem:s0+$0x450]  }
0x12d: {  	[tilespmem:s0+$0x3F0] =	vst v13;
	v13 =	vmul.f32 v16, v12;
	v16 =	vld [tilespmem:s0+$0x460]  }
0x12e: {  	[tilespmem:s0+$0x400] =	vst v15;
	v15 =	vmul.f32 v19, v12;
	v19 =	vld [tilespmem:s0+$0x470]  }
0x12f: {  	[tilespmem:s0+$0x410] =	vst v13;
	v13 =	vmul.f32 v17, v12;
	v17 =	vld [tilespmem:s0+$0x480]  }
0x130: {  	[tilespmem:s0+$0x420] =	vst v15;
	v14 =	vmul.f32 v14, v12;
	v15 =	vld [tilespmem:s0+$0x490]  }
0x131: {  	[tilespmem:s0+$0x430] =	vst v13;
	v13 =	vmul.f32 v18, v12;
	v18 =	vld [tilespmem:s0+$0x4A0]  }
0x132: {  	[tilespmem:s0+$0x440] =	vst v14;
	v14 =	vmul.f32 v16, v12;
	v16 =	vld [tilespmem:s0+$0x4B0]  }
0x133: {  	[tilespmem:s0+$0x450] =	vst v13;
	v12 =	vmul.f32 v19, v12;
	v13 =	vld [tilespmem:s0+$0x4C0]  }
0x134: {  	[tilespmem:s0+$0x460] =	vst v14;
	v14 =	vmul.f32 v17, v11;
	v17 =	vld [tilespmem:s0+$0x4D0]  }
0x135: {  	[tilespmem:s0+$0x470] =	vst v12;
	v12 =	vmul.f32 v15, v11;
	v15 =	vld [tilespmem:s0+$0x4E0]  }
0x136: {  	[tilespmem:s0+$0x480] =	vst v14;
	v14 =	vmul.f32 v18, v11;
	v18 =	vld [tilespmem:s0+$0x4F0]  }
0x137: {  	[tilespmem:s0+$0x490] =	vst v12;
	v12 =	vmul.f32 v16, v11;
	v16 =	vld [tilespmem:s0+$0x500]  }
0x138: {  	[tilespmem:s0+$0x4A0] =	vst v14;
	v13 =	vmul.f32 v13, v11;
	v14 =	vld [tilespmem:s0+$0x510]  }
0x139: {  	[tilespmem:s0+$0x4B0] =	vst v12;
	v12 =	vmul.f32 v17, v11;
	v17 =	vld [tilespmem:s0+$0x520]  }
0x13a: {  	[tilespmem:s0+$0x4C0] =	vst v13;
	v13 =	vmul.f32 v15, v11;
	v15 =	vld [tilespmem:s0+$0x530]  }
0x13b: {  	[tilespmem:s0+$0x4D0] =	vst v12;
	v11 =	vmul.f32 v18, v11;
	v12 =	vld [tilespmem:s0+$0x540]  }
0x13c: {  	[tilespmem:s0+$0x4E0] =	vst v13;
	v13 =	vmul.f32 v16, v10;
	v16 =	vld [tilespmem:s0+$0x550]  }
0x13d: {  	[tilespmem:s0+$0x4F0] =	vst v11;
	v11 =	vmul.f32 v14, v10;
	v14 =	vld [tilespmem:s0+$0x560]  }
0x13e: {  	[tilespmem:s0+$0x500] =	vst v13;
	v13 =	vmul.f32 v17, v10;
	v17 =	vld [tilespmem:s0+$0x570]  }
0x13f: {  	[tilespmem:s0+$0x510] =	vst v11;
	v11 =	vmul.f32 v15, v10;
	v15 =	vld [tilespmem:s0+$0x580]  }
0x140: {  	[tilespmem:s0+$0x520] =	vst v13;
	v12 =	vmul.f32 v12, v10;
	v13 =	vld [tilespmem:s0+$0x590]  }
0x141: {  	[tilespmem:s0+$0x530] =	vst v11;
	v11 =	vmul.f32 v16, v10;
	v16 =	vld [tilespmem:s0+$0x5A0]  }
0x142: {  	[tilespmem:s0+$0x540] =	vst v12;
	v12 =	vmul.f32 v14, v10;
	v14 =	vld [tilespmem:s0+$0x5B0]  }
0x143: {  	[tilespmem:s0+$0x550] =	vst v11;
	v10 =	vmul.f32 v17, v10;
	v11 =	vld [tilespmem:s0+$0x5C0]  }
0x144: {  	[tilespmem:s0+$0x560] =	vst v12;
	v12 =	vmul.f32 v15, v9;
	v15 =	vld [tilespmem:s0+$0x5D0]  }
0x145: {  	[tilespmem:s0+$0x570] =	vst v10;
	v10 =	vmul.f32 v13, v9;
	v13 =	vld [tilespmem:s0+$0x5E0]  }
0x146: {  	[tilespmem:s0+$0x580] =	vst v12;
	v12 =	vmul.f32 v16, v9;
	v16 =	vld [tilespmem:s0+$0x5F0]  }
0x147: {  	[tilespmem:s0+$0x590] =	vst v10;
	v10 =	vmul.f32 v14, v9;
	v14 =	vld [tilespmem:s0+$0x600]  }
0x148: {  	[tilespmem:s0+$0x5A0] =	vst v12;
	v11 =	vmul.f32 v11, v9;
	v12 =	vld [tilespmem:s0+$0x610]  }
0x149: {  	[tilespmem:s0+$0x5B0] =	vst v10;
	v10 =	vmul.f32 v15, v9;
	v15 =	vld [tilespmem:s0+$0x620]  }
0x14a: {  	[tilespmem:s0+$0x5C0] =	vst v11;
	v11 =	vmul.f32 v13, v9;
	v13 =	vld [tilespmem:s0+$0x630]  }
0x14b: {  	[tilespmem:s0+$0x5D0] =	vst v10;
	v9 =	vmul.f32 v16, v9;
	v10 =	vld [tilespmem:s0+$0x640]  }
0x14c: {  	[tilespmem:s0+$0x5E0] =	vst v11;
	v11 =	vmul.f32 v14, v8;
	v14 =	vld [tilespmem:s0+$0x650]  }
0x14d: {  	[tilespmem:s0+$0x5F0] =	vst v9;
	v9 =	vmul.f32 v12, v8;
	v12 =	vld [tilespmem:s0+$0x660]  }
0x14e: {  	[tilespmem:s0+$0x600] =	vst v11;
	v11 =	vmul.f32 v15, v8;
	v15 =	vld [tilespmem:s0+$0x670]  }
0x14f: {  	[tilespmem:s0+$0x610] =	vst v9;
	v9 =	vmul.f32 v13, v8;
	v13 =	vld [tilespmem:s0+$0x680]  }
0x150: {  	[tilespmem:s0+$0x620] =	vst v11;
	v10 =	vmul.f32 v10, v8;
	v11 =	vld [tilespmem:s0+$0x690]  }
0x151: {  	[tilespmem:s0+$0x630] =	vst v9;
	v9 =	vmul.f32 v14, v8;
	v14 =	vld [tilespmem:s0+$0x6A0]  }
0x152: {  	[tilespmem:s0+$0x640] =	vst v10;
	v10 =	vmul.f32 v12, v8;
	v12 =	vld [tilespmem:s0+$0x6B0]  }
0x153: {  	[tilespmem:s0+$0x650] =	vst v9;
	v8 =	vmul.f32 v15, v8;
	v9 =	vld [tilespmem:s0+$0x6C0]  }
0x154: {  	[tilespmem:s0+$0x660] =	vst v10;
	v10 =	vmul.f32 v13, v7;
	v13 =	vld [tilespmem:s0+$0x6D0]  }
0x155: {  	[tilespmem:s0+$0x670] =	vst v8;
	v8 =	vmul.f32 v11, v7;
	v11 =	vld [tilespmem:s0+$0x6E0]  }
0x156: {  	[tilespmem:s0+$0x680] =	vst v10;
	v10 =	vmul.f32 v14, v7;
	v14 =	vld [tilespmem:s0+$0x6F0]  }
0x157: {  	[tilespmem:s0+$0x690] =	vst v8;
	v8 =	vmul.f32 v12, v7;
	v12 =	vld [tilespmem:s0+$0x700]  }
0x158: {  	[tilespmem:s0+$0x6A0] =	vst v10;
	v9 =	vmul.f32 v9, v7;
	v10 =	vld [tilespmem:s0+$0x710]  }
0x159: {  	[tilespmem:s0+$0x6B0] =	vst v8;
	v8 =	vmul.f32 v13, v7;
	v13 =	vld [tilespmem:s0+$0x720]  }
0x15a: {  	[tilespmem:s0+$0x6C0] =	vst v9;
	v9 =	vmul.f32 v11, v7;
	v11 =	vld [tilespmem:s0+$0x730]  }
0x15b: {  	[tilespmem:s0+$0x6D0] =	vst v8;
	v7 =	vmul.f32 v14, v7;
	v8 =	vld [tilespmem:s0+$0x740]  }
0x15c: {  	[tilespmem:s0+$0x6E0] =	vst v9;
	v9 =	vmul.f32 v12, v6;
	v12 =	vld [tilespmem:s0+$0x750]  }
0x15d: {  	[tilespmem:s0+$0x6F0] =	vst v7;
	v7 =	vmul.f32 v10, v6;
	v10 =	vld [tilespmem:s0+$0x760]  }
0x15e: {  	[tilespmem:s0+$0x700] =	vst v9;
	v9 =	vmul.f32 v13, v6;
	v13 =	vld [tilespmem:s0+$0x770]  }
0x15f: {  	[tilespmem:s0+$0x710] =	vst v7;
	v7 =	vmul.f32 v11, v6;
	v11 =	vld [tilespmem:s0+$0x780]  }
0x160: {  	[tilespmem:s0+$0x720] =	vst v9;
	v8 =	vmul.f32 v8, v6;
	v9 =	vld [tilespmem:s0+$0x790]  }
0x161: {  	[tilespmem:s0+$0x730] =	vst v7;
	v7 =	vmul.f32 v12, v6;
	v12 =	vld [tilespmem:s0+$0x7A0]  }
0x162: {  	[tilespmem:s0+$0x740] =	vst v8;
	v8 =	vmul.f32 v10, v6;
	v10 =	vld [tilespmem:s0+$0x7B0]  }
0x163: {  	[tilespmem:s0+$0x750] =	vst v7;
	v6 =	vmul.f32 v13, v6;
	v7 =	vld [tilespmem:s0+$0x7C0]  }
0x164: {  	[tilespmem:s0+$0x760] =	vst v8;
	v8 =	vmul.f32 v11, v5;
	v11 =	vld [tilespmem:s0+$0x7D0]  }
0x165: {  	[tilespmem:s0+$0x770] =	vst v6;
	v6 =	vmul.f32 v9, v5;
	v9 =	vld [tilespmem:s0+$0x7E0]  }
0x166: {  	[tilespmem:s0+$0x780] =	vst v8;
	v8 =	vmul.f32 v12, v5;
	v12 =	vld [tilespmem:s0+$0x7F0]  }
0x167: {  	[tilespmem:s0+$0x790] =	vst v6;
	v6 =	vmul.f32 v10, v5;
	v10 =	vld [tilespmem:s0+$0x800]  }
0x168: {  	[tilespmem:s0+$0x7A0] =	vst v8;
	v7 =	vmul.f32 v7, v5;
	v8 =	vld [tilespmem:s0+$0x810]  }
0x169: {  	[tilespmem:s0+$0x7B0] =	vst v6;
	v6 =	vmul.f32 v11, v5;
	v11 =	vld [tilespmem:s0+$0x820]  }
0x16a: {  	[tilespmem:s0+$0x7C0] =	vst v7;
	v7 =	vmul.f32 v9, v5;
	v9 =	vld [tilespmem:s0+$0x830]  }
0x16b: {  	[tilespmem:s0+$0x7D0] =	vst v6;
	v5 =	vmul.f32 v12, v5;
	v6 =	vld [tilespmem:s0+$0x840]  }
0x16c: {  	[tilespmem:s0+$0x7E0] =	vst v7;
	v7 =	vmul.f32 v10, v4;
	v10 =	vld [tilespmem:s0+$0x850]  }
0x16d: {  	[tilespmem:s0+$0x7F0] =	vst v5;
	v5 =	vmul.f32 v8, v4;
	v8 =	vld [tilespmem:s0+$0x860]  }
0x16e: {  	[tilespmem:s0+$0x800] =	vst v7;
	v7 =	vmul.f32 v11, v4;
	v11 =	vld [tilespmem:s0+$0x870]  }
0x16f: {  	[tilespmem:s0+$0x810] =	vst v5;
	v5 =	vmul.f32 v9, v4;
	v9 =	vld [tilespmem:s0+$0x880]  }
0x170: {  	[tilespmem:s0+$0x820] =	vst v7;
	v6 =	vmul.f32 v6, v4;
	v7 =	vld [tilespmem:s0+$0x890]  }
0x171: {  	[tilespmem:s0+$0x830] =	vst v5;
	v5 =	vmul.f32 v10, v4;
	v10 =	vld [tilespmem:s0+$0x8A0]  }
0x172: {  	[tilespmem:s0+$0x840] =	vst v6;
	v6 =	vmul.f32 v8, v4;
	v8 =	vld [tilespmem:s0+$0x8B0]  }
0x173: {  	[tilespmem:s0+$0x850] =	vst v5;
	v4 =	vmul.f32 v11, v4;
	v5 =	vld [tilespmem:s0+$0x8C0]  }
0x174: {  	[tilespmem:s0+$0x860] =	vst v6;
	v6 =	vmul.f32 v9, v3;
	v9 =	vld [tilespmem:s0+$0x8D0]  }
0x175: {  	[tilespmem:s0+$0x870] =	vst v4;
	v4 =	vmul.f32 v7, v3;
	v7 =	vld [tilespmem:s0+$0x8E0]  }
0x176: {  	[tilespmem:s0+$0x880] =	vst v6;
	v6 =	vmul.f32 v10, v3;
	v10 =	vld [tilespmem:s0+$0x8F0]  }
0x177: {  	[tilespmem:s0+$0x890] =	vst v4;
	v4 =	vmul.f32 v8, v3;
	v8 =	vld [tilespmem:s0+$0x900]  }
0x178: {  	[tilespmem:s0+$0x8A0] =	vst v6;
	v5 =	vmul.f32 v5, v3;
	v6 =	vld [tilespmem:s0+$0x910]  }
0x179: {  	[tilespmem:s0+$0x8B0] =	vst v4;
	v4 =	vmul.f32 v9, v3;
	v9 =	vld [tilespmem:s0+$0x920]  }
0x17a: {  	[tilespmem:s0+$0x8C0] =	vst v5;
	v5 =	vmul.f32 v7, v3;
	v7 =	vld [tilespmem:s0+$0x930]  }
0x17b: {  	[tilespmem:s0+$0x8D0] =	vst v4;
	v3 =	vmul.f32 v10, v3;
	v4 =	vld [tilespmem:s0+$0x940]  }
0x17c: {  	[tilespmem:s0+$0x8E0] =	vst v5;
	v5 =	vmul.f32 v8, v2;
	v8 =	vld [tilespmem:s0+$0x950]  }
0x17d: {  	[tilespmem:s0+$0x8F0] =	vst v3;
	v3 =	vmul.f32 v6, v2;
	v6 =	vld [tilespmem:s0+$0x960]  }
0x17e: {  	[tilespmem:s0+$0x900] =	vst v5;
	v5 =	vmul.f32 v9, v2;
	v9 =	vld [tilespmem:s0+$0x970]  }
0x17f: {  	[tilespmem:s0+$0x910] =	vst v3;
	v3 =	vmul.f32 v7, v2;
	v7 =	vld [tilespmem:s0+$0x980]  }
0x180: {  	[tilespmem:s0+$0x920] =	vst v5;
	v5 =	vmul.f32 v4, v2;
	v10 =	vld [tilespmem:s0+$0x990]  }
.Ltmp1:
0x181: {  	[tilespmem:s0+$0x930] =	vst v3;
	v8 =	vmul.f32 v8, v2;
	v4 =	vld [tilespmem:s0+$0x9A0];
	(pc) =	sbr.rel @p1 .LBB2_5-.Ltmp1, $4  }
0x182: {  	[tilespmem:s0+$0x940] =	vst v5;
	v6 =	vmul.f32 v6, v2;
	v3 =	vld [tilespmem:s0+$0x9B0]  }
0x183: {  	[tilespmem:s0+$0x950] =	vst v8;
	v9 =	vmul.f32 v9, v2;
	v5 =	vld [tilespmem:s0+$0x9C0]  }
0x184: {  	[tilespmem:s0+$0x960] =	vst v6;
	v8 =	vmul.f32 v7, v1;
	v2 =	vld [tilespmem:s0+$0x9D0]  }
0x185: {  	s7 =	sadd.s32 $0x1, s7;
	[tilespmem:s0+$0x970] =	vst v9;
	v7 =	vmul.f32 v10, v1;
	v6 =	vld [tilespmem:s0+$0x9E0]  }
0x186: {  	[tilespmem:s0+$0x980] =	vst v8;
	v4 =	vmul.f32 v4, v1;
	v62 =	vld [tilespmem:s0+$0x9F0]  }
0x187: {  	[tilespmem:s0+$0x990] =	vst v7;
	v3 =	vmul.f32 v3, v1  }
0x188: {  	[tilespmem:s0+$0x9A0] =	vst v4;
	v63 =	vmul.f32 v5, v1  }
0x189: {  	[tilespmem:s0+$0x9B0] =	vst v3;
	v2 =	vmul.f32 v2, v1  }
0x18a: {  	[tilespmem:s0+$0x9C0] =	vst v63;
	v3 =	vmul.f32 v6, v1  }
0x18b: {  	s31 =	sadd.s32 $0x1, s31;
	[tilespmem:s0+$0x9D0] =	vst v2;
	v1 =	vmul.f32 v62, v1  }
0x18c: {  	p1 =	sne.s32 s31, $0x7D;
	[tilespmem:s0+$0x9E0] =	vst v3  }
.Ltmp2:
0x18d: {  	[tilespmem:s0+$0x9F0] =	vst v1;
	(pc) =	sbr.rel @p1 .LBB2_4-.Ltmp2, $4  }
0x18e: {  	[spmem:s2] =	stream.indirect.scatter.add.f32 [tilespmem:s28], [sflag:$0x2], $0x80, s21, s23, $0xb8;
	[tilespmem:$0x1D200] =	vst v63  }
0x18f: {  	_ =	swait.ge [sflag:s19], $0x2800  }
0x190: {  	[sflag:s19] =	ssyncset.done $0x0  }
0x191: {  	[sflag:s19] =	ssyncadd.s32 $0xFFFFD800  }
0x192: {  	s0 =	stileid.u32  }
0x193: {  	[bflag:$0x0] =	sbarrier.arrive $0xFFFF;
	s0 =	sshll.u32 s0, $0x6  }
0x194: {  	s7 =	rddreg [dreg:$0x4];
	s0 =	sor.u32 $0x1C02, s0  }
0x195: {  	[hbm:s7], [sflag:s0] =	dma.local [spmem:s24], $0x2700  }
0x196: {  	_ =	swait.ge [sflag:s19], $0x2700  }
0x197: {  	s3 =	sadd.s32 $0x1, s3;
	[sflag:s19] =	ssyncset.done $0x0  }
0x198: {  	p1 =	sne.s32 s3, s13;
	[sflag:s19] =	ssyncadd.s32 $0xFFFFD900  }
0x199: {  	[hbm:s12], [sflag:s0] =	dma.local @!p0 [spmem:s25], $0x100  }
.Ltmp3:
0x19a: {  	_ = 	snop;
	(pc) =	sbr.rel @p1 .LBB2_1-.Ltmp3, $4  }
0x19b: {  	s0 =	simm.s32 @!p0 $0x2  }
0x19c: {  	_ =	swait.ge @!p0 [sflag:s0], $0x100  }
0x19d: {  	[sflag:s0] =	ssyncset.done @!p0 $0x0  }
0x19e: {  	[sflag:s0] =	ssyncadd.s32 @!p0 $0xFFFFFF00  }
0x19f: {  	_ =	sfence.sel $0x180000  }
0x1a0: {  	[bflag:$0x0] =	sbarrier.arrive $0xFFFF  }
0x1a1: {  	_ =	strace $0x90000050  }
0x1a2: {  	[bflag:$0x2] =	sbarrier.arrive $0xFFFF  }
0x1a3: {  	s0 =	rddreg [dreg:$0x3]  }
0x1a4: {  	s0 =	sadd.s32 @!p0 $0x100000, s0  }
0x1a5: {  	[sflag:s0] =	ssyncadd.tile.s32 @!p0 $0x1;
	_ =	shalt  }
.Lfunc_end2:
_tile_overlayer_lowered:
.L_overlay_start_2:
0x1a6: {  	(tag) =	ssettag $0x2  }
0x1a7: {  	s0 =	rddreg [dreg:$0x0];
	s2 =	stileid.u32  }
0x1a8: {  	s1 =	rddreg [dreg:$0x1];
	p0 =	sne.s32 s2, $0x0  }
0x1a9: {  	s3 =	rddreg [dreg:$0x2];
	[bflag:$0x3] =	sbarrier.arrive $0xFFFF;
	s2 =	simm.s32 @!p0 $0x1C02  }
0x1aa: {  	[timem:s3], [sflag:s2] =	dma.local @!p0 [hbm:s0], s1  }
0x1ab: {  	s0 =	simm.s32 @!p0 $0x2  }
0x1ac: {  	_ =	swait.ge @!p0 [sflag:s0], s1  }
0x1ad: {  	s1 =	ssub.s32 @!p0 $0x0, s1;
	[sflag:s0] =	ssyncset.done @!p0 $0x0  }
0x1ae: {  	[sflag:s0] =	ssyncadd.s32 @!p0 s1  }
0x1af: {  	[bflag:$0x3] =	sbarrier.arrive $0xFFFF  }
0x1b0: {  	_ =	shalt  }

// kernel: kernel.10.cloned.1.call-start
scs
__scs_entry_jumppad:
0x0: {  	(pc) =	sbr.rel $0x88, $3  }
0x1: {  	(tag) =	ssettag $0x0;
	lr =	simm.s32 $0x1  }
0x2: {  	[smem:$0x3F93] =	sst lr;
	_ =	strace $0xD0000000  }
0x3: {  	_ = 	snop  }
0x4: {  	_ = 	snop  }
0x5: {  	_ = 	snop  }
0x6: {  	_ = 	snop  }
0x7: {  	_ = 	snop  }
__scs_overlays_trampoline_lowered:
0x8: {  	[smem:$0x3FA2] =	sst s0  }
0x9: {  	[smem:$0x3FA3] =	sst s1  }
0xa: {  	[smem:$0x3FA4] =	sst s2  }
0xb: {  	[smem:$0x3FA5] =	sst s3  }
0xc: {  	[smem:$0x3FA6] =	sst s4  }
0xd: {  	[smem:$0x3FA7] =	sst s5  }
0xe: {  	[smem:$0x3FA8] =	sst s6  }
0xf: {  	[smem:$0x3FA9] =	sst s7  }
0x10: {  	[smem:$0x3FAA] =	sst s8  }
0x11: {  	[smem:$0x3FAB] =	sst s9;
	s0 =	simm.s32 @!p0 $0x0  }
0x12: {  	s1 =	sld [smem:$0x3F91];
	s0 =	simm.s32 @p0 $0x1  }
0x13: {  	[smem:$0x3FAC] =	sst s0;
	s0 =	simm.s32 @!p1 $0x0  }
0x14: {  	s2 =	sld [smem:$0x3F90];
	s0 =	simm.s32 @p1 $0x1  }
0x15: {  	[smem:$0x3FAD] =	sst s0;
	s0 =	simm.s32 @!p2 $0x0  }
0x16: {  	s3 =	sld [smem:$0x3FDB];
	s0 =	simm.s32 @p2 $0x1  }
0x17: {  	s4 =	simm.s32 $0x1BF5;
	[smem:$0x3FAF] =	sst s0  }
0x18: {  	s0 =	sld [smem:$0x3F92];
	_ =	swait.ge [sflag:s4], $0x0  }
0x19: {  	s7 =	sld [smem:$0x3F93]  }
0x1a: {  	s8 =	sadd.s32 $0xFFFFE003, lr  }
0x1b: {  	s9 =	sadd.s32 $0xFFFFFEF7, lr;
	s5 =	simm.s32 $0xFFFFFFFF;
	p2 =	slt.u32 s8, $0xFFFFF086  }
0x1c: {  	p1 =	slt.u32 s9, $0xF7A;
	s5 =	simm.s32 @!p2 $0x0  }
0x1d: {  	s5 =	simm.s32 @p1 $0x1;
	p0 =	seq.s32 s7, s2  }
0x1e: {  	s7 =	smul.u32 @!p0 $0xF7A, s2;
	p2 =	seq.s32 @!p0 s5, $0x0  }
0x1f: {  	s9 =	smul.u32 $0xF7A, s1;
	s8 =	simm.s32 @!p0 $0x1BF5;
	p2 =	por !p2, p0  }
0x20: {  	[sflag:s8] =	ssyncset.s32 @!p0 $0xFFFFF086;
	s6 =	sadd.s32 @!p0 s3, s7;
	s7 =	simm.s32 @!p0 $0x108  }
0x21: {  	s3 =	sadd.s32 s3, s9;
	s6 =	sadd.s32 @!p0 $0x88, s6;
	s7 =	simm.s32 @p2 $0x1082  }
0x22: {  	[simem:s7], [sflag:s8] =	dma.local @!p0 [hbm:s6], $0xF7A  }
0x23: {  	s9 =	sor.u32 $0xD0000000, s2;
	s6 =	simm.s32 $0x108;
	_ =	swait.ge @!p0 [sflag:s8], $0x0  }
0x24: {  	s3 =	sadd.s32 $0x88, s3;
	s6 =	simm.s32 @!p1 $0x1082;
	[sflag:s4] =	ssyncset.s32 $0xFFFFF086  }
0x25: {  	[simem:s6], [sflag:s4] =	dma.local [hbm:s3], $0xF7A  }
0x26: {  	[smem:$0x3F93] =	sst s1;
	(tag) =	ssettag s2;
	_ =	strace s9  }
0x27: {  	s1 =	sld [smem:$0x3FA3]  }
0x28: {  	s2 =	sld [smem:$0x3FA4]  }
0x29: {  	s4 =	sld [smem:$0x3FA6]  }
0x2a: {  	p0 =	seq.s32 s5, $0x0;
	s5 =	sld [smem:$0x3FA7]  }
0x2b: {  	s6 =	sld [smem:$0x3FA8]  }
0x2c: {  	s7 =	sld [smem:$0x3FA9]  }
0x2d: {  	s3 =	simm.s32 $0x108;
	s8 =	sld [smem:$0x3FAA]  }
0x2e: {  	s3 =	simm.s32 @!p0 $0x1082;
	s9 =	sld [smem:$0x3FAB]  }
0x2f: {  	lr =	sadd.s32 s0, s3;
	s0 =	sld [smem:$0x3FA2]  }
0x30: {  	s3 =	sld [smem:$0x3FA5]  }
0x31: {  	[smem:$0x3FAE] =	sst s10  }
0x32: {  	s10 =	sld [smem:$0x3FAC];
	_ =	sdelay $0x3  }
0x33: {  	p0 =	seq.s32 s10, $0x1;
	s10 =	sld [smem:$0x3FAE];
	_ =	sdelay $0x3  }
0x34: {  	[smem:$0x3FAE] =	sst s10  }
0x35: {  	s10 =	sld [smem:$0x3FAD];
	_ =	sdelay $0x3  }
0x36: {  	p1 =	seq.s32 s10, $0x1;
	s10 =	sld [smem:$0x3FAE];
	_ =	sdelay $0x3  }
0x37: {  	[smem:$0x3FAE] =	sst s10  }
0x38: {  	s10 =	sld [smem:$0x3FAF]  }
0x39: {  	_ = 	snop;
	(pc) =	sbr.ind lr, $3  }
0x3a: {  	_ = 	snop  }
0x3b: {  	_ = 	snop  }
0x3c: {  	p2 =	seq.s32 s10, $0x1;
	s10 =	sld [smem:$0x3FAE]  }
0x3d: {  	_ =	shalt  }
0x3e: {  	_ =	shalt  }
0x3f: {  	_ =	shalt  }
0x40: {  	_ =	shalt  }
0x41: {  	_ =	shalt  }
0x42: {  	_ =	shalt  }
0x43: {  	_ =	shalt  }
0x44: {  	_ =	shalt  }
0x45: {  	_ =	shalt  }
0x46: {  	_ =	shalt  }
0x47: {  	_ =	shalt  }
0x48: {  	_ =	shalt  }
0x49: {  	_ =	shalt  }
0x4a: {  	_ =	shalt  }
0x4b: {  	_ =	shalt  }
0x4c: {  	_ =	shalt  }
0x4d: {  	_ =	shalt  }
0x4e: {  	_ =	shalt  }
0x4f: {  	_ =	shalt  }
0x50: {  	_ =	shalt  }
0x51: {  	_ =	shalt  }
0x52: {  	_ =	shalt  }
0x53: {  	_ =	shalt  }
0x54: {  	_ =	shalt  }
0x55: {  	_ =	shalt  }
0x56: {  	_ =	shalt  }
0x57: {  	_ =	shalt  }
0x58: {  	_ =	shalt  }
0x59: {  	_ =	shalt  }
0x5a: {  	_ =	shalt  }
0x5b: {  	_ =	shalt  }
0x5c: {  	_ =	shalt  }
0x5d: {  	_ =	shalt  }
0x5e: {  	_ =	shalt  }
0x5f: {  	_ =	shalt  }
0x60: {  	_ =	shalt  }
0x61: {  	_ =	shalt  }
0x62: {  	_ =	shalt  }
0x63: {  	_ =	shalt  }
0x64: {  	_ =	shalt  }
0x65: {  	_ =	shalt  }
0x66: {  	_ =	shalt  }
0x67: {  	_ =	shalt  }
0x68: {  	_ =	shalt  }
0x69: {  	_ =	shalt  }
0x6a: {  	_ =	shalt  }
0x6b: {  	_ =	shalt  }
0x6c: {  	_ =	shalt  }
0x6d: {  	_ =	shalt  }
0x6e: {  	_ =	shalt  }
0x6f: {  	_ =	shalt  }
0x70: {  	_ =	shalt  }
0x71: {  	_ =	shalt  }
0x72: {  	_ =	shalt  }
0x73: {  	_ =	shalt  }
0x74: {  	_ =	shalt  }
0x75: {  	_ =	shalt  }
0x76: {  	_ =	shalt  }
0x77: {  	_ =	shalt  }
0x78: {  	_ =	shalt  }
0x79: {  	_ =	shalt  }
0x7a: {  	_ =	shalt  }
0x7b: {  	_ =	shalt  }
0x7c: {  	_ =	shalt  }
0x7d: {  	_ =	shalt  }
0x7e: {  	_ =	shalt  }
0x7f: {  	_ =	shalt  }
0x80: {  	_ =	shalt  }
0x81: {  	_ =	shalt  }
0x82: {  	_ =	shalt  }
0x83: {  	_ =	shalt  }
0x84: {  	_ =	shalt  }
0x85: {  	_ =	shalt  }
0x86: {  	_ =	shalt  }
0x87: {  	_ =	shalt  }
.Lfunc_end0:
.L_simem_size_0:
called_computation.2_lowered:
.L_overlay_start_0:
0x88: {  	s2 =	sld [smem:$0x3FD9]  }
0x89: {  	s3 =	sld [smem:$0x3FFE];
	_ =	sdelay $0x1  }
0x8a: {  	s1 =	srdreg.scid  }
0x8b: {  	s0 =	sand.u32 $0x1, s1  }
0x8c: {  	s17 =	sshll.u32 s0, $0xA;
	s2 =	sadd.s32 s3, s2  }
0x8d: {  	s2 =	sadd.s32 s2, s17  }
0x8e: {  	[smem:$0x3FBA] =	sst s2  }
0x8f: {  	_ = 	snop  }
0x90: {  	s2 =	sld [smem:$0x3FC6];
	(tm) =	ssettm $0x1  }
0x91: {  	s18 =	sld [smem:$0x3FFB];
	_ =	sdelay $0x3  }
0x92: {  	_ =	strace s18  }
0x93: {  	s3 =	sld [smem:$0x3FFC];
	_ =	sdelay $0x3  }
0x94: {  	_ =	strace s3  }
0x95: {  	s3 =	sld [smem:$0x3FFD];
	_ =	sdelay $0x3  }
0x96: {  	_ =	strace s3  }
0x97: {  	_ =	strace $0x8FFFFFFF  }
0x98: {  	s19 =	sld [smem:$0x3FDB];
	_ =	sdelay $0x1  }
0x99: {  	s4 =	simm.s32 $_scs_section_size  }
0x9a: {  	s5 =	simm.s32 $_size__tile_overlayer_lowered;
	s6 =	simm.s32 $_tile_overlayer_lowered  }
0x9b: {  	s22 =	simm.s32 $0x1BFF;
	s21 =	sshll.u32 s6, $0x1;
	s3 =	sadd.s32 s4, s19  }
0x9c: {  	s7 =	simm.s32 $0x0;
	s20 =	sshll.u32 s5, $0x1;
	s5 =	sadd.s32 s21, s3  }
0x9d: {  	[timem:s7], [sflag:s22] =	dma.local [hbm:s5], s20  }
0x9e: {  	_ =	swait.ge [sflag:s22], s20  }
0x9f: {  	s4 =	ssub.s32 $0x0, s20;
	[sflag:s22] =	ssyncset.done $0x0  }
0xa0: {  	[sflag:s22] =	ssyncadd.s32 s4;
	_ =	sdelay $0x1  }
0xa1: {  	s23 =	simm.s32 $0x1B8B  }
0xa2: {  	_ =	swait.ge [sflag:s23], $0x1  }
0xa3: {  	[sflag:s23] =	ssyncset.done $0x0  }
0xa4: {  	s25 =	simm.s32 $0x1B8E;
	s24 =	sld [smem:$0x3FFE];
	[sflag:s23] =	ssyncadd.s32 $0xFFFFFFFF  }
0xa5: {  	s26 =	simm.s32 $execute0_lowered;
	[smem:$0x3FD2] =	sst s25  }
0xa6: {  	s5 =	sshll.u32 s26, $0x1;
	_ =	strace $0x80000049;
	[dreg:$0x1] =	wrdreg $0xFFFFFFFF  }
0xa7: {  	s28 =	simm.s32 $_size_execute0_lowered;
	s3 =	sadd.s32 s3, s5;
	[dreg:$0x0] =	wrdreg $0x0  }
0xa8: {  	s5 =	sshll.u32 s28, $0x1;
	[dreg:$0x2] =	wrdreg s3  }
0xa9: {  	[dreg:$0x3] =	wrdreg s5  }
0xaa: {  	[dreg:$0x4] =	wrdreg $0xC0  }
0xab: {  	_ =	task [dreg:s7], $0x5FFFF  }
0xac: {  	[dreg:$0x1] =	wrdreg $0xFFFFFFFF  }
0xad: {  	[dreg:$0x0] =	wrdreg $0x60  }
0xae: {  	[dreg:$0x2] =	wrdreg s24  }
0xaf: {  	[dreg:$0x3] =	wrdreg s2  }
0xb0: {  	[dreg:$0x4] =	wrdreg $0x9  }
0xb1: {  	_ =	task.clear_ibuf [dreg:s7], $0x5FFFF;
	_ =	strace $0x90000049  }
0xb2: {  	s29 =	simm.s32 $0x9;
	_ =	strace $0x8000004B  }
0xb3: {  	_ =	swait.ge [sflag:s29], $0x1  }
0xb4: {  	[sflag:s29] =	ssyncadd.s32 $0xFFFFFFFF  }
0xb5: {  	_ =	strace $0x9000004B  }
0xb6: {  	_ =	sfence  }
0xb7: {  	s30 =	sld [smem:$0x0];
	_ =	sdelay $0x2  }
0xb8: {  	s31 =	sshll.u32 s1, $0xD;
	s1 =	sshrl.u32 s1, $0x2  }
0xb9: {  	s3 =	sand.u32 $0x4000, s31;
	s1 =	sadd.s32 s1, s30  }
0xba: {  	s0 =	sor.u32 s3, s0;
	s1 =	sshll.u32 s1, $0x11  }
0xbb: {  	s0 =	sor.u32 s1, s0  }
0xbc: {  	s0 =	sadd.s32 $0x8F2B, s0  }
0xbd: {  	[sflag:s0] =	ssyncadd.remote.s32 $0x1  }
0xbe: {  	_ =	sfence.sel $0xFFFF  }
0xbf: {  	[dreg:$0x0] =	wrdreg $0xFFFFFFFF;
	(pc) =	sbr.abs _section_cstart, $3  }
0xc0: {  	[dreg:$0x1] =	wrdreg $0xFFFFFFFF  }
0xc1: {  	_ =	task.clear_ibuf [dreg:s7], $0x2FFFF;
	_ =	strace $0x9FFFFFFF  }
0xc2: {  	(tm) =	ssettm $0x7FFFFFFF  }
0xc3: {  	_ =	shalt  }
tec
execute0_lowered:
.L_overlay_start_1:
0x0: {  	(tag) =	ssettag $0x1  }
0x1: {  	s4 =	rddreg [dreg:$0x0]  }
0x2: {  	s7 =	rddreg [dreg:$0x1]  }
0x3: {  	s0 =	rddreg [dreg:$0x2];
	s3 =	srdreg.scid  }
0x4: {  	s1 =	stileid.u32;
	s2 =	simm.s32 $0x0;
	s12 =	simm.s32 $0x180  }
0x5: {  	s13 =	simm.s32 $0x1;
	s14 =	simm.s32 $0x2980;
	s6 =	smul.u32 $0x4E20, s1  }
0x6: {  	s15 =	simm.s32 $0x0;
	s5 =	sand.u32 $0x1, s3;
	s9 =	smul.u32 $0x4E200, s1  }
0x7: {  	[smem:$0x7FF] =	sst s2;
	s3 =	sadd.s32 $0x16C00, s4;
	s8 =	smul.u32 $0x2710, s5  }
0x8: {  	_ =	strace $0x8000004A;
	s28 =	ssub.s32 $0x2, s5;
	s5 =	smul.u32 $0x27100, s5  }
0x9: {  	s29 =	sadd.s32 s9, s4;
	s30 =	sshrl.u32 s28, $0x1;
	s9 =	simm.s32 $0x80  }
0xa: {  	s6 =	sadd.s32 s8, s6;
	s31 =	ssub.s32 s28, s30;
	s5 =	sadd.s32 s5, s29  }
0xb: {  	s8 =	simm.s32 $0x2;
	s10 =	sshrl.u32 s6, $0x3;
	s5 =	sadd.s32 $0x14F400, s5  }
0xc: {  	s11 =	sadd.s32 s10, s4;
	s4 =	smax.u32 s31, $0x1;
	s7 =	sadd.s32 s10, s7  }
0xd: {  	s10 =	simm.s32 $0x50;
	s6 =	sadd.s32 $0xCE00, s11;
	s11 =	simm.s32 $0x100  }
.LBB2_1:
0xe: {  	s16 =	smov.u32 s5;
	s17 =	simm.s32 $0x0  }
.LBB2_2:
0xf: {  	s18 =	sadd.s32 s17, s7  }
0x10: {  	[tilespmem:s2], [sflag:$0x2] =	stream.linear.gather [hbm4b:s18+s2], $0x50, $0x38;
	[tilespmem:$0x5180] =	vst v63  }
0x11: {  	_ =	swait.ge [sflag:s8], $0x50  }
0x12: {  	[sflag:s8] =	ssyncset.done $0x0  }
0x13: {  	s31 =	sadd.s32 s17, s6;
	[sflag:s8] =	ssyncadd.s32 $0xFFFFFFB0  }
0x14: {  	[tilespmem:s9], [sflag:$0x2] =	stream.linear.gather [hbm4b:s31+s2], $0x50, $0x38;
	[tilespmem:$0x5180] =	vst v63  }
0x15: {  	_ =	swait.ge [sflag:s8], $0x50  }
0x16: {  	[sflag:s8] =	ssyncset.done $0x0  }
0x17: {  	[sflag:s8] =	ssyncadd.s32 $0xFFFFFFB0  }
0x18: {  	v0 =	vld [tilespmem:$0x80]  }
0x19: {  	v1 =	vld [tilespmem:$0x0]  }
0x1a: {  	v2 =	vld [tilespmem:$0x90]  }
0x1b: {  	v3 =	vld [tilespmem:$0x10]  }
0x1c: {  	v4 =	vld [tilespmem:$0xA0]  }
0x1d: {  	v5 =	vld [tilespmem:$0x20]  }
0x1e: {  	v6 =	vld [tilespmem:$0xB0]  }
0x1f: {  	v7 =	vld [tilespmem:$0x30]  }
0x20: {  	v8 =	vld [tilespmem:$0xC0]  }
0x21: {  	v9 =	vld [tilespmem:$0x40];
	v0 =	vshll.u32 v0, $0x3  }
0x22: {  	v32 =	vshll.u32 v2, $0x3;
	v0 =	vadd.s32 v1, v0  }
0x23: {  	v34 =	vshll.u32 v4, $0x3;
	v33 =	vadd.s32 v3, v32;
	[tilespmem:$0x100] =	vst v0  }
0x24: {  	v36 =	vshll.u32 v6, $0x3;
	v35 =	vadd.s32 v5, v34;
	[tilespmem:$0x110] =	vst v33  }
0x25: {  	v38 =	vshll.u32 v8, $0x3;
	v37 =	vadd.s32 v7, v36;
	[tilespmem:$0x120] =	vst v35  }
0x26: {  	v39 =	vadd.s32 v9, v38;
	[tilespmem:$0x130] =	vst v37  }
0x27: {  	[tilespmem:$0x140] =	vst v39  }
0x28: {  	[tilespmem:s12], [sflag:$0x1] =	stream.indirect.gather [hbm4b:s3+s10], $0x80, s11, s10, $0xb8;
	[tilespmem:$0x5180] =	vst v63  }
0x29: {  	_ =	swait.ge [sflag:s13], $0x2800  }
0x2a: {  	[sflag:s13] =	ssyncset.done $0x0  }
0x2b: {  	[sflag:s13] =	ssyncadd.s32 $0xFFFFD800  }
0x2c: {  	v40 =	vld [tilespmem:$0x180]  }
0x2d: {  	v41 =	vld [tilespmem:$0x200]  }
0x2e: {  	v42 =	vld [tilespmem:$0x280]  }
0x2f: {  	v43 =	vld [tilespmem:$0x300]  }
0x30: {  	v44 =	vld [tilespmem:$0x380]  }
0x31: {  	v45 =	vld [tilespmem:$0x400];
	[tilespmem:$0x2980] =	vst v40  }
0x32: {  	v46 =	vld [tilespmem:$0x480];
	[tilespmem:$0x2A00] =	vst v41  }
0x33: {  	v47 =	vld [tilespmem:$0x500];
	[tilespmem:$0x2A80] =	vst v42  }
0x34: {  	v48 =	vld [tilespmem:$0x580];
	[tilespmem:$0x2B00] =	vst v43  }
0x35: {  	v49 =	vld [tilespmem:$0x600];
	[tilespmem:$0x2B80] =	vst v44  }
0x36: {  	v50 =	vld [tilespmem:$0x680];
	[tilespmem:$0x2C00] =	vst v45  }
0x37: {  	v51 =	vld [tilespmem:$0x700];
	[tilespmem:$0x2C80] =	vst v46  }
0x38: {  	v52 =	vld [tilespmem:$0x780];
	[tilespmem:$0x2D00] =	vst v47  }
0x39: {  	v53 =	vld [tilespmem:$0x800];
	[tilespmem:$0x2D80] =	vst v48  }
0x3a: {  	v54 =	vld [tilespmem:$0x880];
	[tilespmem:$0x2E00] =	vst v49  }
0x3b: {  	v55 =	vld [tilespmem:$0x900];
	[tilespmem:$0x2E80] =	vst v50  }
0x3c: {  	v56 =	vld [tilespmem:$0x980];
	[tilespmem:$0x2F00] =	vst v51  }
0x3d: {  	v57 =	vld [tilespmem:$0xA00];
	[tilespmem:$0x2F80] =	vst v52  }
0x3e: {  	v58 =	vld [tilespmem:$0xA80];
	[tilespmem:$0x3000] =	vst v53  }
0x3f: {  	v59 =	vld [tilespmem:$0xB00];
	[tilespmem:$0x3080] =	vst v54  }
0x40: {  	v60 =	vld [tilespmem:$0xB80];
	[tilespmem:$0x3100] =	vst v55  }
0x41: {  	v61 =	vld [tilespmem:$0xC00];
	[tilespmem:$0x3180] =	vst v56  }
0x42: {  	v62 =	vld [tilespmem:$0xC80];
	[tilespmem:$0x3200] =	vst v57  }
0x43: {  	v63 =	vld [tilespmem:$0xD00];
	[tilespmem:$0x3280] =	vst v58  }
0x44: {  	v8 =	vld [tilespmem:$0xD80];
	[tilespmem:$0x3300] =	vst v59  }
0x45: {  	v9 =	vld [tilespmem:$0xE00];
	[tilespmem:$0x3380] =	vst v60  }
0x46: {  	v10 =	vld [tilespmem:$0xE80];
	[tilespmem:$0x3400] =	vst v61  }
0x47: {  	v11 =	vld [tilespmem:$0xF00];
	[tilespmem:$0x3480] =	vst v62  }
0x48: {  	v12 =	vld [tilespmem:$0xF80];
	[tilespmem:$0x3500] =	vst v63  }
0x49: {  	v13 =	vld [tilespmem:$0x1000];
	[tilespmem:$0x3580] =	vst v8  }
0x4a: {  	v14 =	vld [tilespmem:$0x1080];
	[tilespmem:$0x3600] =	vst v9  }
0x4b: {  	v15 =	vld [tilespmem:$0x1100];
	[tilespmem:$0x3680] =	vst v10  }
0x4c: {  	v16 =	vld [tilespmem:$0x1180];
	[tilespmem:$0x3700] =	vst v11  }
0x4d: {  	v17 =	vld [tilespmem:$0x1200];
	[tilespmem:$0x3780] =	vst v12  }
0x4e: {  	v18 =	vld [tilespmem:$0x1280];
	[tilespmem:$0x3800] =	vst v13  }
0x4f: {  	v19 =	vld [tilespmem:$0x1300];
	[tilespmem:$0x3880] =	vst v14  }
0x50: {  	v20 =	vld [tilespmem:$0x1380];
	[tilespmem:$0x3900] =	vst v15  }
0x51: {  	v21 =	vld [tilespmem:$0x1400];
	[tilespmem:$0x3980] =	vst v16  }
0x52: {  	v22 =	vld [tilespmem:$0x1480];
	[tilespmem:$0x3A00] =	vst v17  }
0x53: {  	v23 =	vld [tilespmem:$0x1500];
	[tilespmem:$0x3A80] =	vst v18  }
0x54: {  	v24 =	vld [tilespmem:$0x1580];
	[tilespmem:$0x3B00] =	vst v19  }
0x55: {  	v25 =	vld [tilespmem:$0x1600];
	[tilespmem:$0x3B80] =	vst v20  }
0x56: {  	v26 =	vld [tilespmem:$0x1680];
	[tilespmem:$0x3C00] =	vst v21  }
0x57: {  	v27 =	vld [tilespmem:$0x1700];
	[tilespmem:$0x3C80] =	vst v22  }
0x58: {  	v28 =	vld [tilespmem:$0x1780];
	[tilespmem:$0x3D00] =	vst v23  }
0x59: {  	v29 =	vld [tilespmem:$0x1800];
	[tilespmem:$0x3D80] =	vst v24  }
0x5a: {  	v30 =	vld [tilespmem:$0x1880];
	[tilespmem:$0x3E00] =	vst v25  }
0x5b: {  	v31 =	vld [tilespmem:$0x1900];
	[tilespmem:$0x3E80] =	vst v26  }
0x5c: {  	v32 =	vld [tilespmem:$0x1980];
	[tilespmem:$0x3F00] =	vst v27  }
0x5d: {  	v33 =	vld [tilespmem:$0x1A00];
	[tilespmem:$0x3F80] =	vst v28  }
0x5e: {  	v34 =	vld [tilespmem:$0x1A80];
	[tilespmem:$0x4000] =	vst v29  }
0x5f: {  	v35 =	vld [tilespmem:$0x1B00];
	[tilespmem:$0x4080] =	vst v30  }
0x60: {  	v36 =	vld [tilespmem:$0x1B80];
	[tilespmem:$0x4100] =	vst v31  }
0x61: {  	v37 =	vld [tilespmem:$0x1C00];
	[tilespmem:$0x4180] =	vst v32  }
0x62: {  	v38 =	vld [tilespmem:$0x1C80];
	[tilespmem:$0x4200] =	vst v33  }
0x63: {  	v39 =	vld [tilespmem:$0x1D00];
	[tilespmem:$0x4280] =	vst v34  }
0x64: {  	[tilespmem:$0x4300] =	vst v35;
	v40 =	vld [tilespmem:$0x1D80]  }
0x65: {  	[tilespmem:$0x4380] =	vst v36;
	v41 =	vld [tilespmem:$0x1E00]  }
0x66: {  	[tilespmem:$0x4400] =	vst v37;
	v42 =	vld [tilespmem:$0x1E80]  }
0x67: {  	[tilespmem:$0x4480] =	vst v38;
	v43 =	vld [tilespmem:$0x1F00]  }
0x68: {  	[tilespmem:$0x4500] =	vst v39;
	v44 =	vld [tilespmem:$0x1F80]  }
0x69: {  	v45 =	vld [tilespmem:$0x2000];
	[tilespmem:$0x4580] =	vst v40  }
0x6a: {  	v46 =	vld [tilespmem:$0x2080];
	[tilespmem:$0x4600] =	vst v41  }
0x6b: {  	v47 =	vld [tilespmem:$0x2100];
	[tilespmem:$0x4680] =	vst v42  }
0x6c: {  	v48 =	vld [tilespmem:$0x2180];
	[tilespmem:$0x4700] =	vst v43  }
0x6d: {  	v49 =	vld [tilespmem:$0x2200];
	[tilespmem:$0x4780] =	vst v44  }
0x6e: {  	v50 =	vld [tilespmem:$0x2280];
	[tilespmem:$0x4800] =	vst v45  }
0x6f: {  	v51 =	vld [tilespmem:$0x2300];
	[tilespmem:$0x4880] =	vst v46  }
0x70: {  	v52 =	vld [tilespmem:$0x2380];
	[tilespmem:$0x4900] =	vst v47  }
0x71: {  	v53 =	vld [tilespmem:$0x2400];
	[tilespmem:$0x4980] =	vst v48  }
0x72: {  	v54 =	vld [tilespmem:$0x2480];
	[tilespmem:$0x4A00] =	vst v49  }
0x73: {  	v55 =	vld [tilespmem:$0x2500];
	[tilespmem:$0x4A80] =	vst v50  }
0x74: {  	v56 =	vld [tilespmem:$0x2580];
	[tilespmem:$0x4B00] =	vst v51  }
0x75: {  	v57 =	vld [tilespmem:$0x2600];
	[tilespmem:$0x4B80] =	vst v52  }
0x76: {  	v58 =	vld [tilespmem:$0x2680];
	[tilespmem:$0x4C00] =	vst v53  }
0x77: {  	v59 =	vld [tilespmem:$0x2700];
	[tilespmem:$0x4C80] =	vst v54  }
0x78: {  	v60 =	vld [tilespmem:$0x2780];
	[tilespmem:$0x4D00] =	vst v55  }
0x79: {  	v61 =	vld [tilespmem:$0x2800];
	[tilespmem:$0x4D80] =	vst v56  }
0x7a: {  	v62 =	vld [tilespmem:$0x2880];
	[tilespmem:$0x4E00] =	vst v57  }
0x7b: {  	v63 =	vld [tilespmem:$0x2900];
	[tilespmem:$0x4E80] =	vst v58  }
0x7c: {  	[tilespmem:$0x4F00] =	vst v59  }
0x7d: {  	[tilespmem:$0x4F80] =	vst v60  }
0x7e: {  	[tilespmem:$0x5000] =	vst v61  }
0x7f: {  	p0 =	sne.s32 s17, $0x4D8;
	[tilespmem:$0x5080] =	vst v62  }
.Ltmp0:
0x80: {  	[tilespmem:$0x5100] =	vst v63;
	(pc) =	sbr.rel @p0 .LBB2_2-.Ltmp0, $4  }
0x81: {  	[hbm4b:s16+s2] =	stream.linear.scatter [tilespmem:s14], [sflag:$0x2], $0x2800, $0x38;
	[tilespmem:$0x5180] =	vst v63  }
0x82: {  	_ =	swait.ge [sflag:s8], $0x2800  }
0x83: {  	[sflag:s8] =	ssyncset.done $0x0  }
0x84: {  	s17 =	sadd.s32 $0xA, s17;
	s16 =	sadd.s32 $0x500, s16;
	[sflag:s8] =	ssyncadd.s32 $0xFFFFD800  }
0x85: {  	s15 =	sadd.s32 $0x1, s15  }
0x86: {  	p0 =	sne.s32 s15, s4  }
.Ltmp1:
0x87: {  	_ = 	snop;
	(pc) =	sbr.rel @p0 .LBB2_1-.Ltmp1, $1  }
0x88: {  	_ =	sdelay $0x3  }
0x89: {  	_ =	sfence.sel $0x180000  }
0x8a: {  	[bflag:$0x0] =	sbarrier.arrive $0xFFFF  }
0x8b: {  	p0 =	sne.s32 s1, $0x0;
	_ =	strace $0x9000004A  }
0x8c: {  	s0 =	sadd.s32 @!p0 $0x100000, s0;
	[bflag:$0x2] =	sbarrier.arrive $0xFFFF  }
0x8d: {  	[sflag:s0] =	ssyncadd.tile.s32 @!p0 $0x1;
	_ =	shalt  }
.Lfunc_end2:
_tile_overlayer_lowered:
.L_overlay_start_2:
0x8e: {  	(tag) =	ssettag $0x2  }
0x8f: {  	s0 =	rddreg [dreg:$0x0];
	s2 =	stileid.u32  }
0x90: {  	s1 =	rddreg [dreg:$0x1];
	p0 =	sne.s32 s2, $0x0  }
0x91: {  	s3 =	rddreg [dreg:$0x2];
	[bflag:$0x3] =	sbarrier.arrive $0xFFFF;
	s2 =	simm.s32 @!p0 $0x1C02  }
0x92: {  	[timem:s3], [sflag:s2] =	dma.local @!p0 [hbm:s0], s1  }
0x93: {  	s0 =	simm.s32 @!p0 $0x2  }
0x94: {  	_ =	swait.ge @!p0 [sflag:s0], s1  }
0x95: {  	s1 =	ssub.s32 @!p0 $0x0, s1;
	[sflag:s0] =	ssyncset.done @!p0 $0x0  }
0x96: {  	[sflag:s0] =	ssyncadd.s32 @!p0 s1  }
0x97: {  	[bflag:$0x3] =	sbarrier.arrive $0xFFFF  }
0x98: {  	_ =	shalt  }

// kernel: kernel.13.cloned.1.call-start
scs
__scs_entry_jumppad:
0x0: {  	(pc) =	sbr.rel $0x88, $3  }
0x1: {  	(tag) =	ssettag $0x0;
	lr =	simm.s32 $0x1  }
0x2: {  	[smem:$0x3F93] =	sst lr;
	_ =	strace $0xD0000000  }
0x3: {  	_ = 	snop  }
0x4: {  	_ = 	snop  }
0x5: {  	_ = 	snop  }
0x6: {  	_ = 	snop  }
0x7: {  	_ = 	snop  }
__scs_overlays_trampoline_lowered:
0x8: {  	[smem:$0x3FA2] =	sst s0  }
0x9: {  	[smem:$0x3FA3] =	sst s1  }
0xa: {  	[smem:$0x3FA4] =	sst s2  }
0xb: {  	[smem:$0x3FA5] =	sst s3  }
0xc: {  	[smem:$0x3FA6] =	sst s4  }
0xd: {  	[smem:$0x3FA7] =	sst s5  }
0xe: {  	[smem:$0x3FA8] =	sst s6  }
0xf: {  	[smem:$0x3FA9] =	sst s7  }
0x10: {  	[smem:$0x3FAA] =	sst s8  }
0x11: {  	[smem:$0x3FAB] =	sst s9;
	s0 =	simm.s32 @!p0 $0x0  }
0x12: {  	s1 =	sld [smem:$0x3F91];
	s0 =	simm.s32 @p0 $0x1  }
0x13: {  	[smem:$0x3FAC] =	sst s0;
	s0 =	simm.s32 @!p1 $0x0  }
0x14: {  	s2 =	sld [smem:$0x3F90];
	s0 =	simm.s32 @p1 $0x1  }
0x15: {  	[smem:$0x3FAD] =	sst s0;
	s0 =	simm.s32 @!p2 $0x0  }
0x16: {  	s3 =	sld [smem:$0x3FDB];
	s0 =	simm.s32 @p2 $0x1  }
0x17: {  	s4 =	simm.s32 $0x1BF5;
	[smem:$0x3FAF] =	sst s0  }
0x18: {  	s0 =	sld [smem:$0x3F92];
	_ =	swait.ge [sflag:s4], $0x0  }
0x19: {  	s7 =	sld [smem:$0x3F93]  }
0x1a: {  	s8 =	sadd.s32 $0xFFFFE003, lr  }
0x1b: {  	s9 =	sadd.s32 $0xFFFFFEF7, lr;
	s5 =	simm.s32 $0xFFFFFFFF;
	p2 =	slt.u32 s8, $0xFFFFF086  }
0x1c: {  	p1 =	slt.u32 s9, $0xF7A;
	s5 =	simm.s32 @!p2 $0x0  }
0x1d: {  	s5 =	simm.s32 @p1 $0x1;
	p0 =	seq.s32 s7, s2  }
0x1e: {  	s7 =	smul.u32 @!p0 $0xF7A, s2;
	p2 =	seq.s32 @!p0 s5, $0x0  }
0x1f: {  	s9 =	smul.u32 $0xF7A, s1;
	s8 =	simm.s32 @!p0 $0x1BF5;
	p2 =	por !p2, p0  }
0x20: {  	[sflag:s8] =	ssyncset.s32 @!p0 $0xFFFFF086;
	s6 =	sadd.s32 @!p0 s3, s7;
	s7 =	simm.s32 @!p0 $0x108  }
0x21: {  	s3 =	sadd.s32 s3, s9;
	s6 =	sadd.s32 @!p0 $0x88, s6;
	s7 =	simm.s32 @p2 $0x1082  }
0x22: {  	[simem:s7], [sflag:s8] =	dma.local @!p0 [hbm:s6], $0xF7A  }
0x23: {  	s9 =	sor.u32 $0xD0000000, s2;
	s6 =	simm.s32 $0x108;
	_ =	swait.ge @!p0 [sflag:s8], $0x0  }
0x24: {  	s3 =	sadd.s32 $0x88, s3;
	s6 =	simm.s32 @!p1 $0x1082;
	[sflag:s4] =	ssyncset.s32 $0xFFFFF086  }
0x25: {  	[simem:s6], [sflag:s4] =	dma.local [hbm:s3], $0xF7A  }
0x26: {  	[smem:$0x3F93] =	sst s1;
	(tag) =	ssettag s2;
	_ =	strace s9  }
0x27: {  	s1 =	sld [smem:$0x3FA3]  }
0x28: {  	s2 =	sld [smem:$0x3FA4]  }
0x29: {  	s4 =	sld [smem:$0x3FA6]  }
0x2a: {  	p0 =	seq.s32 s5, $0x0;
	s5 =	sld [smem:$0x3FA7]  }
0x2b: {  	s6 =	sld [smem:$0x3FA8]  }
0x2c: {  	s7 =	sld [smem:$0x3FA9]  }
0x2d: {  	s3 =	simm.s32 $0x108;
	s8 =	sld [smem:$0x3FAA]  }
0x2e: {  	s3 =	simm.s32 @!p0 $0x1082;
	s9 =	sld [smem:$0x3FAB]  }
0x2f: {  	lr =	sadd.s32 s0, s3;
	s0 =	sld [smem:$0x3FA2]  }
0x30: {  	s3 =	sld [smem:$0x3FA5]  }
0x31: {  	[smem:$0x3FAE] =	sst s10  }
0x32: {  	s10 =	sld [smem:$0x3FAC];
	_ =	sdelay $0x3  }
0x33: {  	p0 =	seq.s32 s10, $0x1;
	s10 =	sld [smem:$0x3FAE];
	_ =	sdelay $0x3  }
0x34: {  	[smem:$0x3FAE] =	sst s10  }
0x35: {  	s10 =	sld [smem:$0x3FAD];
	_ =	sdelay $0x3  }
0x36: {  	p1 =	seq.s32 s10, $0x1;
	s10 =	sld [smem:$0x3FAE];
	_ =	sdelay $0x3  }
0x37: {  	[smem:$0x3FAE] =	sst s10  }
0x38: {  	s10 =	sld [smem:$0x3FAF]  }
0x39: {  	_ = 	snop;
	(pc) =	sbr.ind lr, $3  }
0x3a: {  	_ = 	snop  }
0x3b: {  	_ = 	snop  }
0x3c: {  	p2 =	seq.s32 s10, $0x1;
	s10 =	sld [smem:$0x3FAE]  }
0x3d: {  	_ =	shalt  }
0x3e: {  	_ =	shalt  }
0x3f: {  	_ =	shalt  }
0x40: {  	_ =	shalt  }
0x41: {  	_ =	shalt  }
0x42: {  	_ =	shalt  }
0x43: {  	_ =	shalt  }
0x44: {  	_ =	shalt  }
0x45: {  	_ =	shalt  }
0x46: {  	_ =	shalt  }
0x47: {  	_ =	shalt  }
0x48: {  	_ =	shalt  }
0x49: {  	_ =	shalt  }
0x4a: {  	_ =	shalt  }
0x4b: {  	_ =	shalt  }
0x4c: {  	_ =	shalt  }
0x4d: {  	_ =	shalt  }
0x4e: {  	_ =	shalt  }
0x4f: {  	_ =	shalt  }
0x50: {  	_ =	shalt  }
0x51: {  	_ =	shalt  }
0x52: {  	_ =	shalt  }
0x53: {  	_ =	shalt  }
0x54: {  	_ =	shalt  }
0x55: {  	_ =	shalt  }
0x56: {  	_ =	shalt  }
0x57: {  	_ =	shalt  }
0x58: {  	_ =	shalt  }
0x59: {  	_ =	shalt  }
0x5a: {  	_ =	shalt  }
0x5b: {  	_ =	shalt  }
0x5c: {  	_ =	shalt  }
0x5d: {  	_ =	shalt  }
0x5e: {  	_ =	shalt  }
0x5f: {  	_ =	shalt  }
0x60: {  	_ =	shalt  }
0x61: {  	_ =	shalt  }
0x62: {  	_ =	shalt  }
0x63: {  	_ =	shalt  }
0x64: {  	_ =	shalt  }
0x65: {  	_ =	shalt  }
0x66: {  	_ =	shalt  }
0x67: {  	_ =	shalt  }
0x68: {  	_ =	shalt  }
0x69: {  	_ =	shalt  }
0x6a: {  	_ =	shalt  }
0x6b: {  	_ =	shalt  }
0x6c: {  	_ =	shalt  }
0x6d: {  	_ =	shalt  }
0x6e: {  	_ =	shalt  }
0x6f: {  	_ =	shalt  }
0x70: {  	_ =	shalt  }
0x71: {  	_ =	shalt  }
0x72: {  	_ =	shalt  }
0x73: {  	_ =	shalt  }
0x74: {  	_ =	shalt  }
0x75: {  	_ =	shalt  }
0x76: {  	_ =	shalt  }
0x77: {  	_ =	shalt  }
0x78: {  	_ =	shalt  }
0x79: {  	_ =	shalt  }
0x7a: {  	_ =	shalt  }
0x7b: {  	_ =	shalt  }
0x7c: {  	_ =	shalt  }
0x7d: {  	_ =	shalt  }
0x7e: {  	_ =	shalt  }
0x7f: {  	_ =	shalt  }
0x80: {  	_ =	shalt  }
0x81: {  	_ =	shalt  }
0x82: {  	_ =	shalt  }
0x83: {  	_ =	shalt  }
0x84: {  	_ =	shalt  }
0x85: {  	_ =	shalt  }
0x86: {  	_ =	shalt  }
0x87: {  	_ =	shalt  }
.Lfunc_end0:
.L_simem_size_0:
called_computation.3_lowered:
.L_overlay_start_0:
0x88: {  	s2 =	sld [smem:$0x3FD9]  }
0x89: {  	s3 =	sld [smem:$0x3FFE];
	_ =	sdelay $0x1  }
0x8a: {  	s1 =	srdreg.scid  }
0x8b: {  	s0 =	sand.u32 $0x1, s1  }
0x8c: {  	s14 =	sshll.u32 s0, $0xA;
	s2 =	sadd.s32 s3, s2  }
0x8d: {  	s2 =	sadd.s32 s2, s14  }
0x8e: {  	[smem:$0x3FBA] =	sst s2  }
0x8f: {  	_ = 	snop  }
0x90: {  	s2 =	sld [smem:$0x3FD0];
	_ =	sdelay $0x2  }
0x91: {  	s15 =	simm.s32 $0xA;
	s4 =	simm.s32 $0x10  }
0x92: {  	[smem:s4], [sflag:s15] =	dma.local [hbm:s2], $0x1  }
0x93: {  	_ =	swait.eq [sflag:s15], $0x1  }
0x94: {  	[sflag:s15] =	ssyncset.done $0x0  }
0x95: {  	[sflag:s15] =	ssyncadd.s32 $0xFFFFFFFF  }
0x96: {  	s16 =	sld [smem:$0x11];
	(tm) =	ssettm $0x1  }
0x97: {  	s17 =	sld [smem:$0x3FFB];
	_ =	sdelay $0x3  }
0x98: {  	_ =	strace s17  }
0x99: {  	s3 =	sld [smem:$0x3FFC];
	_ =	sdelay $0x3  }
0x9a: {  	_ =	strace s3  }
0x9b: {  	s3 =	sld [smem:$0x3FFD];
	_ =	sdelay $0x3  }
0x9c: {  	_ =	strace s3  }
0x9d: {  	_ =	strace $0x8FFFFFFF  }
0x9e: {  	s18 =	sld [smem:$0x3FDB];
	_ =	sdelay $0x1  }
0x9f: {  	s19 =	simm.s32 $_scs_section_size  }
0xa0: {  	s5 =	simm.s32 $_size__tile_overlayer_lowered;
	s6 =	simm.s32 $_tile_overlayer_lowered  }
0xa1: {  	s22 =	simm.s32 $0x1BFF;
	s21 =	sshll.u32 s6, $0x1;
	s3 =	sadd.s32 s19, s18  }
0xa2: {  	s7 =	simm.s32 $0x0;
	s20 =	sshll.u32 s5, $0x1;
	s5 =	sadd.s32 s21, s3  }
0xa3: {  	[timem:s7], [sflag:s22] =	dma.local [hbm:s5], s20  }
0xa4: {  	_ =	swait.ge [sflag:s22], s20  }
0xa5: {  	s4 =	ssub.s32 $0x0, s20;
	[sflag:s22] =	ssyncset.done $0x0  }
0xa6: {  	[sflag:s22] =	ssyncadd.s32 s4;
	_ =	sdelay $0x1  }
0xa7: {  	s23 =	simm.s32 $0x1B8B  }
0xa8: {  	_ =	swait.ge [sflag:s23], $0x1  }
0xa9: {  	[sflag:s23] =	ssyncset.done $0x0  }
0xaa: {  	s25 =	simm.s32 $0x1B8E;
	s24 =	sld [smem:$0x3FFE];
	[sflag:s23] =	ssyncadd.s32 $0xFFFFFFFF  }
0xab: {  	s26 =	simm.s32 $execute0_lowered;
	[smem:$0x3FD2] =	sst s25  }
0xac: {  	s5 =	sshll.u32 s26, $0x1;
	_ =	strace $0x8000004C;
	[dreg:$0x1] =	wrdreg $0xFFFFFFFF  }
0xad: {  	s28 =	simm.s32 $_size_execute0_lowered;
	s3 =	sadd.s32 s3, s5;
	[dreg:$0x0] =	wrdreg $0x0  }
0xae: {  	s5 =	sshll.u32 s28, $0x1;
	[dreg:$0x2] =	wrdreg s3  }
0xaf: {  	[dreg:$0x3] =	wrdreg s5  }
0xb0: {  	[dreg:$0x4] =	wrdreg $0xC0  }
0xb1: {  	_ =	task [dreg:s7], $0x5FFFF  }
0xb2: {  	[dreg:$0x1] =	wrdreg $0xFFFFFFFF  }
0xb3: {  	[dreg:$0x0] =	wrdreg $0x60  }
0xb4: {  	[dreg:$0x2] =	wrdreg s24  }
0xb5: {  	[dreg:$0x3] =	wrdreg s16  }
0xb6: {  	[dreg:$0x4] =	wrdreg $0x9  }
0xb7: {  	_ =	task.clear_ibuf [dreg:s7], $0x5FFFF;
	_ =	strace $0x9000004C  }
0xb8: {  	s29 =	simm.s32 $0x9;
	_ =	strace $0x8000004E  }
0xb9: {  	_ =	swait.ge [sflag:s29], $0x1  }
0xba: {  	[sflag:s29] =	ssyncadd.s32 $0xFFFFFFFF  }
0xbb: {  	_ =	strace $0x9000004E  }
0xbc: {  	_ =	sfence  }
0xbd: {  	s30 =	sld [smem:$0x0];
	_ =	sdelay $0x2  }
0xbe: {  	s31 =	sshll.u32 s1, $0xD;
	s1 =	sshrl.u32 s1, $0x2  }
0xbf: {  	s3 =	sand.u32 $0x4000, s31;
	s1 =	sadd.s32 s1, s30  }
0xc0: {  	s0 =	sor.u32 s3, s0;
	s1 =	sshll.u32 s1, $0x11  }
0xc1: {  	s0 =	sor.u32 s1, s0  }
0xc2: {  	s0 =	sadd.s32 $0x8F2B, s0  }
0xc3: {  	[sflag:s0] =	ssyncadd.remote.s32 $0x1  }
0xc4: {  	_ =	sfence.sel $0xFFFF  }
0xc5: {  	[dreg:$0x0] =	wrdreg $0xFFFFFFFF;
	(pc) =	sbr.abs _section_cstart, $3  }
0xc6: {  	[dreg:$0x1] =	wrdreg $0xFFFFFFFF  }
0xc7: {  	_ =	task.clear_ibuf [dreg:s7], $0x2FFFF;
	_ =	strace $0x9FFFFFFF  }
0xc8: {  	(tm) =	ssettm $0x7FFFFFFF  }
0xc9: {  	_ =	shalt  }
tec
execute0_lowered:
.L_overlay_start_1:
0x0: {  	(tag) =	ssettag $0x1  }
0x1: {  	s1 =	srdreg.scid  }
0x2: {  	s0 =	stileid.u32;
	s9 =	rddreg [dreg:$0x0]  }
0x3: {  	s3 =	rddreg [dreg:$0x1];
	s6 =	sand.u32 $0x1, s1;
	s30 =	sshll.u32 s0, $0x1  }
0x4: {  	s2 =	simm.s32 $0x0;
	s1 =	rddreg [dreg:$0x2];
	s7 =	sor.u32 s6, s30  }
0x5: {  	s8 =	simm.s32 $0x1;
	[smem:$0x7FF] =	sst s2;
	s4 =	smul.u32 $0x5, s7  }
0x6: {  	s5 =	sadd.s32 $0x631400, s9;
	_ =	strace $0x8000004D;
	s11 =	ssub.s32 $0x2, s6  }
0x7: {  	s6 =	simm.s32 $0x28;
	s4 =	sadd.s32 s3, s4;
	s3 =	simm.s32 $0x2  }
0x8: {  	[tilespmem:s2], [sflag:$0x2] =	stream.linear.gather [hbm4b:s4+s2], $0x28, $0x38;
	[tilespmem:$0x1480] =	vst v63  }
0x9: {  	s10 =	smul.u32 $0x280, s7;
	s12 =	sshrl.u32 s11, $0x1;
	_ =	swait.ge [sflag:s3], $0x28  }
0xa: {  	s7 =	simm.s32 $0x80;
	s31 =	ssub.s32 s11, s12;
	[sflag:s3] =	ssyncset.done $0x0  }
0xb: {  	s9 =	sadd.s32 s10, s9;
	s10 =	smax.u32 s31, $0x1;
	[sflag:s3] =	ssyncadd.s32 $0xFFFFFFD8  }
0xc: {  	[tilespmem:s7], [sflag:$0x1] =	stream.indirect.gather [hbm4b:s5+s6], $0x80, s2, s6, $0xb8;
	[tilespmem:$0x1480] =	vst v63  }
0xd: {  	p0 =	sne.s32 s10, $0x1;
	_ =	swait.ge [sflag:s8], $0x1400  }
.Ltmp0:
0xe: {  	[sflag:s8] =	ssyncset.done $0x0;
	(pc) =	sbr.rel @!p0 .LBB2_2-.Ltmp0, $4  }
0xf: {  	s9 =	sadd.s32 $0x3000, s9;
	[sflag:s8] =	ssyncadd.s32 $0xFFFFEC00  }
0x10: {  	[hbm4b:s9+s2] =	stream.linear.scatter [tilespmem:s7], [sflag:$0x2], $0x1400, $0x38;
	[tilespmem:$0x1480] =	vst v63  }
0x11: {  	_ =	swait.ge [sflag:s3], $0x1400  }
0x12: {  	s10 =	sadd.s32 $0xFFFFFFFF, s10;
	[sflag:s3] =	ssyncset.done $0x0  }
.LBB2_1:
0x13: {  	p0 =	sne.s32 s10, $0x1;
	s10 =	sadd.s32 $0xFFFFFFFF, s10;
	[sflag:s3] =	ssyncadd.s32 $0xFFFFEC00  }
0x14: {  	[tilespmem:s2], [sflag:$0x2] =	stream.linear.gather [hbm4b:s4+s2], $0x28, $0x38;
	[tilespmem:$0x1480] =	vst v63  }
0x15: {  	_ =	swait.ge [sflag:s3], $0x28  }
0x16: {  	[sflag:s3] =	ssyncset.done $0x0  }
0x17: {  	[sflag:s3] =	ssyncadd.s32 $0xFFFFFFD8  }
0x18: {  	[tilespmem:s7], [sflag:$0x1] =	stream.indirect.gather [hbm4b:s5+s6], $0x80, s2, s6, $0xb8;
	[tilespmem:$0x1480] =	vst v63  }
0x19: {  	_ =	swait.ge [sflag:s8], $0x1400  }
.Ltmp1:
0x1a: {  	[sflag:s8] =	ssyncset.done $0x0;
	(pc) =	sbr.rel @p0 .LBB2_1-.Ltmp1, $4  }
0x1b: {  	[sflag:s8] =	ssyncadd.s32 $0xFFFFEC00  }
0x1c: {  	[hbm4b:s9+s2] =	stream.linear.scatter [tilespmem:s7], [sflag:$0x2], $0x1400, $0x38;
	[tilespmem:$0x1480] =	vst v63  }
0x1d: {  	_ =	swait.ge [sflag:s3], $0x1400  }
0x1e: {  	[sflag:s3] =	ssyncset.done $0x0  }
.LBB2_2:
0x1f: {  	[sflag:s3] =	ssyncadd.s32 $0xFFFFEC00  }
0x20: {  	_ =	sfence.sel $0x180000  }
0x21: {  	[bflag:$0x0] =	sbarrier.arrive $0xFFFF  }
0x22: {  	p0 =	sne.s32 s0, $0x0;
	_ =	strace $0x9000004D  }
0x23: {  	s0 =	sadd.s32 @!p0 $0x100000, s1;
	[bflag:$0x2] =	sbarrier.arrive $0xFFFF  }
0x24: {  	[sflag:s0] =	ssyncadd.tile.s32 @!p0 $0x1;
	_ =	shalt  }
.Lfunc_end2:
_tile_overlayer_lowered:
.L_overlay_start_2:
0x25: {  	(tag) =	ssettag $0x2  }
0x26: {  	s0 =	rddreg [dreg:$0x0];
	s2 =	stileid.u32  }
0x27: {  	s1 =	rddreg [dreg:$0x1];
	p0 =	sne.s32 s2, $0x0  }
0x28: {  	s3 =	rddreg [dreg:$0x2];
	[bflag:$0x3] =	sbarrier.arrive $0xFFFF;
	s2 =	simm.s32 @!p0 $0x1C02  }
0x29: {  	[timem:s3], [sflag:s2] =	dma.local @!p0 [hbm:s0], s1  }
0x2a: {  	s0 =	simm.s32 @!p0 $0x2  }
0x2b: {  	_ =	swait.ge @!p0 [sflag:s0], s1  }
0x2c: {  	s1 =	ssub.s32 @!p0 $0x0, s1;
	[sflag:s0] =	ssyncset.done @!p0 $0x0  }
0x2d: {  	[sflag:s0] =	ssyncadd.s32 @!p0 s1  }
0x2e: {  	[bflag:$0x3] =	sbarrier.arrive $0xFFFF  }
0x2f: {  	_ =	shalt  }

// kernel: kernel.7.cloned.1.call-start
scs
__scs_entry_jumppad:
0x0: {  	(pc) =	sbr.rel $0x88, $3  }
0x1: {  	(tag) =	ssettag $0x0;
	lr =	simm.s32 $0x1  }
0x2: {  	[smem:$0x3F93] =	sst lr;
	_ =	strace $0xD0000000  }
0x3: {  	_ = 	snop  }
0x4: {  	_ = 	snop  }
0x5: {  	_ = 	snop  }
0x6: {  	_ = 	snop  }
0x7: {  	_ = 	snop  }
__scs_overlays_trampoline_lowered:
0x8: {  	[smem:$0x3FA2] =	sst s0  }
0x9: {  	[smem:$0x3FA3] =	sst s1  }
0xa: {  	[smem:$0x3FA4] =	sst s2  }
0xb: {  	[smem:$0x3FA5] =	sst s3  }
0xc: {  	[smem:$0x3FA6] =	sst s4  }
0xd: {  	[smem:$0x3FA7] =	sst s5  }
0xe: {  	[smem:$0x3FA8] =	sst s6  }
0xf: {  	[smem:$0x3FA9] =	sst s7  }
0x10: {  	[smem:$0x3FAA] =	sst s8  }
0x11: {  	[smem:$0x3FAB] =	sst s9;
	s0 =	simm.s32 @!p0 $0x0  }
0x12: {  	s1 =	sld [smem:$0x3F91];
	s0 =	simm.s32 @p0 $0x1  }
0x13: {  	[smem:$0x3FAC] =	sst s0;
	s0 =	simm.s32 @!p1 $0x0  }
0x14: {  	s2 =	sld [smem:$0x3F90];
	s0 =	simm.s32 @p1 $0x1  }
0x15: {  	[smem:$0x3FAD] =	sst s0;
	s0 =	simm.s32 @!p2 $0x0  }
0x16: {  	s3 =	sld [smem:$0x3FDB];
	s0 =	simm.s32 @p2 $0x1  }
0x17: {  	s4 =	simm.s32 $0x1BF5;
	[smem:$0x3FAF] =	sst s0  }
0x18: {  	s0 =	sld [smem:$0x3F92];
	_ =	swait.ge [sflag:s4], $0x0  }
0x19: {  	s7 =	sld [smem:$0x3F93]  }
0x1a: {  	s8 =	sadd.s32 $0xFFFFE003, lr  }
0x1b: {  	s9 =	sadd.s32 $0xFFFFFEF7, lr;
	s5 =	simm.s32 $0xFFFFFFFF;
	p2 =	slt.u32 s8, $0xFFFFF086  }
0x1c: {  	p1 =	slt.u32 s9, $0xF7A;
	s5 =	simm.s32 @!p2 $0x0  }
0x1d: {  	s5 =	simm.s32 @p1 $0x1;
	p0 =	seq.s32 s7, s2  }
0x1e: {  	s7 =	smul.u32 @!p0 $0xF7A, s2;
	p2 =	seq.s32 @!p0 s5, $0x0  }
0x1f: {  	s9 =	smul.u32 $0xF7A, s1;
	s8 =	simm.s32 @!p0 $0x1BF5;
	p2 =	por !p2, p0  }
0x20: {  	[sflag:s8] =	ssyncset.s32 @!p0 $0xFFFFF086;
	s6 =	sadd.s32 @!p0 s3, s7;
	s7 =	simm.s32 @!p0 $0x108  }
0x21: {  	s3 =	sadd.s32 s3, s9;
	s6 =	sadd.s32 @!p0 $0x88, s6;
	s7 =	simm.s32 @p2 $0x1082  }
0x22: {  	[simem:s7], [sflag:s8] =	dma.local @!p0 [hbm:s6], $0xF7A  }
0x23: {  	s9 =	sor.u32 $0xD0000000, s2;
	s6 =	simm.s32 $0x108;
	_ =	swait.ge @!p0 [sflag:s8], $0x0  }
0x24: {  	s3 =	sadd.s32 $0x88, s3;
	s6 =	simm.s32 @!p1 $0x1082;
	[sflag:s4] =	ssyncset.s32 $0xFFFFF086  }
0x25: {  	[simem:s6], [sflag:s4] =	dma.local [hbm:s3], $0xF7A  }
0x26: {  	[smem:$0x3F93] =	sst s1;
	(tag) =	ssettag s2;
	_ =	strace s9  }
0x27: {  	s1 =	sld [smem:$0x3FA3]  }
0x28: {  	s2 =	sld [smem:$0x3FA4]  }
0x29: {  	s4 =	sld [smem:$0x3FA6]  }
0x2a: {  	p0 =	seq.s32 s5, $0x0;
	s5 =	sld [smem:$0x3FA7]  }
0x2b: {  	s6 =	sld [smem:$0x3FA8]  }
0x2c: {  	s7 =	sld [smem:$0x3FA9]  }
0x2d: {  	s3 =	simm.s32 $0x108;
	s8 =	sld [smem:$0x3FAA]  }
0x2e: {  	s3 =	simm.s32 @!p0 $0x1082;
	s9 =	sld [smem:$0x3FAB]  }
0x2f: {  	lr =	sadd.s32 s0, s3;
	s0 =	sld [smem:$0x3FA2]  }
0x30: {  	s3 =	sld [smem:$0x3FA5]  }
0x31: {  	[smem:$0x3FAE] =	sst s10  }
0x32: {  	s10 =	sld [smem:$0x3FAC];
	_ =	sdelay $0x3  }
0x33: {  	p0 =	seq.s32 s10, $0x1;
	s10 =	sld [smem:$0x3FAE];
	_ =	sdelay $0x3  }
0x34: {  	[smem:$0x3FAE] =	sst s10  }
0x35: {  	s10 =	sld [smem:$0x3FAD];
	_ =	sdelay $0x3  }
0x36: {  	p1 =	seq.s32 s10, $0x1;
	s10 =	sld [smem:$0x3FAE];
	_ =	sdelay $0x3  }
0x37: {  	[smem:$0x3FAE] =	sst s10  }
0x38: {  	s10 =	sld [smem:$0x3FAF]  }
0x39: {  	_ = 	snop;
	(pc) =	sbr.ind lr, $3  }
0x3a: {  	_ = 	snop  }
0x3b: {  	_ = 	snop  }
0x3c: {  	p2 =	seq.s32 s10, $0x1;
	s10 =	sld [smem:$0x3FAE]  }
0x3d: {  	_ =	shalt  }
0x3e: {  	_ =	shalt  }
0x3f: {  	_ =	shalt  }
0x40: {  	_ =	shalt  }
0x41: {  	_ =	shalt  }
0x42: {  	_ =	shalt  }
0x43: {  	_ =	shalt  }
0x44: {  	_ =	shalt  }
0x45: {  	_ =	shalt  }
0x46: {  	_ =	shalt  }
0x47: {  	_ =	shalt  }
0x48: {  	_ =	shalt  }
0x49: {  	_ =	shalt  }
0x4a: {  	_ =	shalt  }
0x4b: {  	_ =	shalt  }
0x4c: {  	_ =	shalt  }
0x4d: {  	_ =	shalt  }
0x4e: {  	_ =	shalt  }
0x4f: {  	_ =	shalt  }
0x50: {  	_ =	shalt  }
0x51: {  	_ =	shalt  }
0x52: {  	_ =	shalt  }
0x53: {  	_ =	shalt  }
0x54: {  	_ =	shalt  }
0x55: {  	_ =	shalt  }
0x56: {  	_ =	shalt  }
0x57: {  	_ =	shalt  }
0x58: {  	_ =	shalt  }
0x59: {  	_ =	shalt  }
0x5a: {  	_ =	shalt  }
0x5b: {  	_ =	shalt  }
0x5c: {  	_ =	shalt  }
0x5d: {  	_ =	shalt  }
0x5e: {  	_ =	shalt  }
0x5f: {  	_ =	shalt  }
0x60: {  	_ =	shalt  }
0x61: {  	_ =	shalt  }
0x62: {  	_ =	shalt  }
0x63: {  	_ =	shalt  }
0x64: {  	_ =	shalt  }
0x65: {  	_ =	shalt  }
0x66: {  	_ =	shalt  }
0x67: {  	_ =	shalt  }
0x68: {  	_ =	shalt  }
0x69: {  	_ =	shalt  }
0x6a: {  	_ =	shalt  }
0x6b: {  	_ =	shalt  }
0x6c: {  	_ =	shalt  }
0x6d: {  	_ =	shalt  }
0x6e: {  	_ =	shalt  }
0x6f: {  	_ =	shalt  }
0x70: {  	_ =	shalt  }
0x71: {  	_ =	shalt  }
0x72: {  	_ =	shalt  }
0x73: {  	_ =	shalt  }
0x74: {  	_ =	shalt  }
0x75: {  	_ =	shalt  }
0x76: {  	_ =	shalt  }
0x77: {  	_ =	shalt  }
0x78: {  	_ =	shalt  }
0x79: {  	_ =	shalt  }
0x7a: {  	_ =	shalt  }
0x7b: {  	_ =	shalt  }
0x7c: {  	_ =	shalt  }
0x7d: {  	_ =	shalt  }
0x7e: {  	_ =	shalt  }
0x7f: {  	_ =	shalt  }
0x80: {  	_ =	shalt  }
0x81: {  	_ =	shalt  }
0x82: {  	_ =	shalt  }
0x83: {  	_ =	shalt  }
0x84: {  	_ =	shalt  }
0x85: {  	_ =	shalt  }
0x86: {  	_ =	shalt  }
0x87: {  	_ =	shalt  }
.Lfunc_end0:
.L_simem_size_0:
called_computation.1_lowered:
.L_overlay_start_0:
0x88: {  	s2 =	sld [smem:$0x3FD9]  }
0x89: {  	s3 =	sld [smem:$0x3FFE];
	_ =	sdelay $0x1  }
0x8a: {  	s1 =	srdreg.scid  }
0x8b: {  	s0 =	sand.u32 $0x1, s1  }
0x8c: {  	s14 =	sshll.u32 s0, $0xA;
	s2 =	sadd.s32 s3, s2  }
0x8d: {  	s2 =	sadd.s32 s2, s14  }
0x8e: {  	[smem:$0x3FBA] =	sst s2  }
0x8f: {  	_ = 	snop  }
0x90: {  	s2 =	sld [smem:$0x3FD0];
	_ =	sdelay $0x2  }
0x91: {  	s4 =	simm.s32 $0xA;
	s5 =	simm.s32 $0x10;
	s15 =	sld [smem:$0x3FC6]  }
0x92: {  	[smem:s5], [sflag:s4] =	dma.local [hbm:s2], $0x1  }
0x93: {  	_ =	swait.eq [sflag:s4], $0x1  }
0x94: {  	[sflag:s4] =	ssyncset.done $0x0  }
0x95: {  	[sflag:s4] =	ssyncadd.s32 $0xFFFFFFFF  }
0x96: {  	s16 =	sld [smem:$0x11];
	(tm) =	ssettm $0x1  }
0x97: {  	s17 =	sld [smem:$0x3FFB];
	_ =	sdelay $0x3  }
0x98: {  	_ =	strace s17  }
0x99: {  	s4 =	sld [smem:$0x3FFC];
	_ =	sdelay $0x3  }
0x9a: {  	_ =	strace s4  }
0x9b: {  	s4 =	sld [smem:$0x3FFD];
	_ =	sdelay $0x3  }
0x9c: {  	_ =	strace s4  }
0x9d: {  	_ =	strace $0x8FFFFFFF  }
0x9e: {  	s18 =	sld [smem:$0x3FDB];
	_ =	sdelay $0x1  }
0x9f: {  	s19 =	simm.s32 $_scs_section_size  }
0xa0: {  	s6 =	simm.s32 $_size__tile_overlayer_lowered;
	s7 =	simm.s32 $_tile_overlayer_lowered  }
0xa1: {  	s22 =	simm.s32 $0x1BFF;
	s21 =	sshll.u32 s7, $0x1;
	s4 =	sadd.s32 s19, s18  }
0xa2: {  	s8 =	simm.s32 $0x0;
	s20 =	sshll.u32 s6, $0x1;
	s6 =	sadd.s32 s21, s4  }
0xa3: {  	[timem:s8], [sflag:s22] =	dma.local [hbm:s6], s20  }
0xa4: {  	_ =	swait.ge [sflag:s22], s20  }
0xa5: {  	s5 =	ssub.s32 $0x0, s20;
	[sflag:s22] =	ssyncset.done $0x0  }
0xa6: {  	[sflag:s22] =	ssyncadd.s32 s5;
	_ =	sdelay $0x1  }
0xa7: {  	s23 =	simm.s32 $0x1B8B  }
0xa8: {  	_ =	swait.ge [sflag:s23], $0x1  }
0xa9: {  	[sflag:s23] =	ssyncset.done $0x0  }
0xaa: {  	s25 =	simm.s32 $0x1B8E;
	s24 =	sld [smem:$0x3FFE];
	[sflag:s23] =	ssyncadd.s32 $0xFFFFFFFF  }
0xab: {  	s26 =	simm.s32 $execute0_lowered;
	[smem:$0x3FD2] =	sst s25  }
0xac: {  	s6 =	sshll.u32 s26, $0x1;
	_ =	strace $0x80000046;
	[dreg:$0x1] =	wrdreg $0xFFFFFFFF  }
0xad: {  	s28 =	simm.s32 $_size_execute0_lowered;
	s4 =	sadd.s32 s4, s6;
	[dreg:$0x0] =	wrdreg $0x0  }
0xae: {  	s6 =	sshll.u32 s28, $0x1;
	[dreg:$0x2] =	wrdreg s4  }
0xaf: {  	[dreg:$0x3] =	wrdreg s6  }
0xb0: {  	[dreg:$0x4] =	wrdreg $0xC0  }
0xb1: {  	_ =	task [dreg:s8], $0x5FFFF  }
0xb2: {  	[dreg:$0x1] =	wrdreg $0xFFFFFFFF  }
0xb3: {  	[dreg:$0x0] =	wrdreg $0x60  }
0xb4: {  	[dreg:$0x2] =	wrdreg s16  }
0xb5: {  	[dreg:$0x3] =	wrdreg s15  }
0xb6: {  	[dreg:$0x4] =	wrdreg s24  }
0xb7: {  	[dreg:$0x5] =	wrdreg $0x7A000  }
0xb8: {  	[dreg:$0x6] =	wrdreg $0x9  }
0xb9: {  	_ =	task.clear_ibuf [dreg:s8], $0x7FFFF;
	_ =	strace $0x90000046  }
0xba: {  	s29 =	simm.s32 $0x9;
	_ =	strace $0x80000048  }
0xbb: {  	_ =	swait.ge [sflag:s29], $0x1  }
0xbc: {  	[sflag:s29] =	ssyncadd.s32 $0xFFFFFFFF  }
0xbd: {  	_ =	strace $0x90000048  }
0xbe: {  	_ =	sfence  }
0xbf: {  	s30 =	sld [smem:$0x0];
	_ =	sdelay $0x2  }
0xc0: {  	s31 =	sshll.u32 s1, $0xD;
	s1 =	sshrl.u32 s1, $0x2  }
0xc1: {  	s3 =	sand.u32 $0x4000, s31;
	s1 =	sadd.s32 s1, s30  }
0xc2: {  	s0 =	sor.u32 s3, s0;
	s1 =	sshll.u32 s1, $0x11  }
0xc3: {  	s0 =	sor.u32 s1, s0  }
0xc4: {  	s0 =	sadd.s32 $0x8F2B, s0  }
0xc5: {  	[sflag:s0] =	ssyncadd.remote.s32 $0x1  }
0xc6: {  	_ =	sfence.sel $0xFFFF  }
0xc7: {  	[dreg:$0x0] =	wrdreg $0xFFFFFFFF;
	(pc) =	sbr.abs _section_cstart, $3  }
0xc8: {  	[dreg:$0x1] =	wrdreg $0xFFFFFFFF  }
0xc9: {  	_ =	task.clear_ibuf [dreg:s8], $0x2FFFF;
	_ =	strace $0x9FFFFFFF  }
0xca: {  	(tm) =	ssettm $0x7FFFFFFF  }
0xcb: {  	_ =	shalt  }
tec
execute0_lowered:
.L_overlay_start_1:
0x0: {  	(tag) =	ssettag $0x1  }
0x1: {  	s0 =	rddreg [dreg:$0x0]  }
0x2: {  	s10 =	rddreg [dreg:$0x1]  }
0x3: {  	s5 =	rddreg [dreg:$0x2];
	s1 =	srdreg.scid  }
0x4: {  	s3 =	rddreg [dreg:$0x3];
	s2 =	stileid.u32  }
0x5: {  	s4 =	simm.s32 $0x0;
	s13 =	simm.s32 $0x80;
	s14 =	simm.s32 $0x50  }
0x6: {  	s15 =	simm.s32 $0x180;
	s16 =	simm.s32 $0x200;
	s17 =	simm.s32 $0x1  }
0x7: {  	s18 =	simm.s32 $0x100;
	s21 =	simm.s32 $0x0;
	s8 =	smul.u32 $0xA000, s2  }
0x8: {  	s6 =	sand.u32 $0x1, s1;
	s1 =	rddreg [dreg:$0x4];
	s11 =	smul.u32 $0x9C4, s2  }
0x9: {  	[smem:$0x7FF] =	sst s4;
	s9 =	smul.u32 $0x28000, s2;
	s20 =	sshll.u32 s2, $0x6  }
0xa: {  	s7 =	smul.u32 $0xA0000, s6;
	_ =	strace $0x80000047;
	s29 =	ssub.s32 $0x2, s6  }
0xb: {  	s19 =	smul.u32 $0x1388, s6;
	s12 =	sadd.s32 s11, s5;
	s30 =	sshrl.u32 s29, $0x1  }
0xc: {  	s31 =	sshrl.u32 s9, $0x2;
	s10 =	sadd.s32 s11, s10;
	s11 =	simm.s32 $0x2A00  }
0xd: {  	s7 =	sadd.s32 s8, s7;
	s6 =	sadd.s32 s31, s3;
	s9 =	sadd.s32 $0xCE00, s12  }
0xe: {  	s12 =	simm.s32 $0x2;
	v0 =	vmov s19;
	s19 =	sor.u32 $0x1C02, s20;
	s7 =	sshrl.u32 s7, $0x3  }
0xf: {  	s8 =	sadd.s32 $0x5000, s6;
	s5 =	sadd.s32 s7, s5;
	s7 =	ssub.s32 s29, s30  }
0x10: {  	v1 =	vimm.f32 $0.0e+00;
	s20 =	sshrl.u32 s6, $0x3;
	s5 =	sadd.s32 $0x16C00, s5;
	s7 =	smax.u32 s7, $0x1  }
.LBB2_1:
0x11: {  	s22 =	simm.s32 $0x0;
	s23 =	simm.s32 $0x200  }
.LBB2_2:
0x12: {  	p0 =	sne.s32 s23, $0x13E00;
	[tilespmem:s22+$0x2A70] =	vst v1  }
0x13: {  	[tilespmem:s22+$0x2A00] =	vst v1  }
0x14: {  	[tilespmem:s22+$0x2A10] =	vst v1  }
.Ltmp0:
0x15: {  	[tilespmem:s22+$0x2A20] =	vst v1;
	(pc) =	sbr.rel @p0 .LBB2_2-.Ltmp0, $4  }
0x16: {  	[tilespmem:s22+$0x2A30] =	vst v1  }
0x17: {  	[tilespmem:s22+$0x2A40] =	vst v1  }
0x18: {  	[tilespmem:s22+$0x2A50] =	vst v1  }
0x19: {  	[tilespmem:s22+$0x2A60] =	vst v1;
	s22 =	sshra.s32 s23, $0x2;
	s23 =	sadd.s32 $0x200, s23  }
0x1a: {  	[tilespmem:s22+$0x2A70] =	vst v1  }
0x1b: {  	[tilespmem:s22+$0x2A00] =	vst v1  }
0x1c: {  	[tilespmem:s22+$0x2A10] =	vst v1  }
0x1d: {  	[tilespmem:s22+$0x2A20] =	vst v1  }
0x1e: {  	[tilespmem:s22+$0x2A30] =	vst v1  }
0x1f: {  	[tilespmem:s22+$0x2A40] =	vst v1  }
0x20: {  	[tilespmem:s22+$0x2A50] =	vst v1  }
0x21: {  	[tilespmem:s22+$0x2A60] =	vst v1  }
0x22: {  	[spmem:s6] =	stream.linear.scatter [tilespmem:s11], [sflag:$0x2], $0x5000, $0x38;
	[tilespmem:$0x11A00] =	vst v63  }
0x23: {  	_ =	swait.ge [sflag:s12], $0x5000  }
0x24: {  	[sflag:s12] =	ssyncset.done $0x0  }
0x25: {  	[sflag:s12] =	ssyncadd.s32 $0xFFFFB000  }
0x26: {  	[spmem:s8] =	stream.linear.scatter [tilespmem:s11], [sflag:$0x2], $0x5000, $0x38;
	[tilespmem:$0x11A00] =	vst v63  }
0x27: {  	_ =	swait.ge [sflag:s12], $0x5000  }
0x28: {  	[sflag:s12] =	ssyncset.done $0x0  }
0x29: {  	[sflag:s12] =	ssyncadd.s32 $0xFFFFB000  }
0x2a: {  	s30 =	sadd.s32 $0x0, s10;
	[bflag:$0x0] =	sbarrier.arrive $0xFFFF  }
0x2b: {  	[tilespmem:s4], [sflag:$0x2] =	stream.linear.gather [hbm4b:s30+s4], $0x50, $0x38;
	[tilespmem:$0x11A00] =	vst v63  }
0x2c: {  	_ =	swait.ge [sflag:s12], $0x50  }
0x2d: {  	[sflag:s12] =	ssyncset.done $0x0  }
0x2e: {  	s31 =	sadd.s32 $0x0, s9;
	[sflag:s12] =	ssyncadd.s32 $0xFFFFFFB0  }
0x2f: {  	[tilespmem:s13], [sflag:$0x2] =	stream.linear.gather [hbm4b:s31+s4], $0x50, $0x38;
	[tilespmem:$0x11A00] =	vst v63  }
0x30: {  	_ =	swait.ge [sflag:s12], $0x50  }
0x31: {  	[sflag:s12] =	ssyncset.done $0x0  }
0x32: {  	[sflag:s12] =	ssyncadd.s32 $0xFFFFFFB0  }
0x33: {  	v2 =	vld [tilespmem:$0xC0]  }
0x34: {  	v3 =	vld [tilespmem:$0xB0]  }
0x35: {  	v4 =	vld [tilespmem:$0x90]  }
0x36: {  	v7 =	vld [tilespmem:$0x0]  }
0x37: {  	v8 =	vld [tilespmem:$0x10]  }
0x38: {  	v5 =	vld [tilespmem:$0x80]  }
0x39: {  	v6 =	vld [tilespmem:$0xA0]  }
0x3a: {  	v9 =	vld [tilespmem:$0x20];
	v2 =	vsub.s32 v2, v0  }
0x3b: {  	v10 =	vld [tilespmem:$0x30];
	v3 =	vsub.s32 v3, v0;
	[tilespmem:$0x180] =	vst v7;
	vm0 =	vlt.u32 v2, $0x1388  }
0x3c: {  	[tilespmem:$0x190] =	vst v8;
	vm1 =	vlt.u32 v3, $0x1388;
	v2 =	vnsel vm0, $0x13FF, v2  }
0x3d: {  	v3 =	vnsel vm1, $0x13FF, v3;
	[tilespmem:$0x140] =	vst v2;
	v2 =	vld [tilespmem:$0x40]  }
0x3e: {  	[tilespmem:$0x130] =	vst v3;
	v3 =	vsub.s32 v5, v0  }
0x3f: {  	[tilespmem:$0x1A0] =	vst v9;
	vm13 =	vlt.u32 v3, $0x1388  }
0x40: {  	v4 =	vsub.s32 v4, v0;
	[tilespmem:$0x1B0] =	vst v10;
	v5 =	vsub.s32 v6, v0;
	v63 =	vnsel vm13, $0x13FF, v3  }
0x41: {  	vm14 =	vlt.u32 v4, $0x1388;
	vm15 =	vlt.u32 v5, $0x1388;
	[tilespmem:$0x100] =	vst v63  }
0x42: {  	s22 =	simm.s32 $0xA;
	v3 =	vnsel vm15, $0x13FF, v5;
	[tilespmem:$0x1C0] =	vst v2;
	v2 =	vnsel vm14, $0x13FF, v4  }
.LBB2_4:
0x43: {  	p0 =	sne.s32 s22, $0x9BA;
	[tilespmem:$0x110] =	vst v2;
	s23 =	smov.u32 s22;
	s22 =	sadd.s32 $0xA, s22  }
0x44: {  	[tilespmem:$0x120] =	vst v3  }
0x45: {  	[tilespmem:s16], [sflag:$0x1] =	stream.indirect.gather [hbm4b:s0+s14], $0x80, s15, s14, $0xb8;
	[tilespmem:$0x11A00] =	vst v63  }
0x46: {  	_ =	swait.ge [sflag:s17], $0x2800  }
0x47: {  	[sflag:s17] =	ssyncset.done $0x0  }
0x48: {  	[sflag:s17] =	ssyncadd.s32 $0xFFFFD800  }
0x49: {  	[spmem:s3] =	stream.indirect.scatter.add.f32 [tilespmem:s16], [sflag:$0x2], $0x80, s18, s14, $0xb8;
	[tilespmem:$0x11A00] =	vst v63  }
0x4a: {  	_ =	swait.ge [sflag:s12], $0x2800  }
0x4b: {  	[sflag:s12] =	ssyncset.done $0x0  }
0x4c: {  	s24 =	sadd.s32 s23, s10;
	[sflag:s12] =	ssyncadd.s32 $0xFFFFD800  }
0x4d: {  	[tilespmem:s4], [sflag:$0x2] =	stream.linear.gather [hbm4b:s24+s4], $0x50, $0x38;
	[tilespmem:$0x11A00] =	vst v63  }
0x4e: {  	_ =	swait.ge [sflag:s12], $0x50  }
0x4f: {  	[sflag:s12] =	ssyncset.done $0x0  }
0x50: {  	s23 =	sadd.s32 s23, s9;
	[sflag:s12] =	ssyncadd.s32 $0xFFFFFFB0  }
0x51: {  	[tilespmem:s13], [sflag:$0x2] =	stream.linear.gather [hbm4b:s23+s4], $0x50, $0x38;
	[tilespmem:$0x11A00] =	vst v63  }
0x52: {  	_ =	swait.ge [sflag:s12], $0x50  }
0x53: {  	[sflag:s12] =	ssyncset.done $0x0  }
0x54: {  	[sflag:s12] =	ssyncadd.s32 $0xFFFFFFB0  }
0x55: {  	v2 =	vld [tilespmem:$0xC0]  }
0x56: {  	v3 =	vld [tilespmem:$0xB0]  }
0x57: {  	v4 =	vld [tilespmem:$0x90]  }
0x58: {  	v5 =	vld [tilespmem:$0x80]  }
0x59: {  	v6 =	vld [tilespmem:$0xA0]  }
0x5a: {  	v7 =	vld [tilespmem:$0x0];
	v2 =	vsub.s32 v2, v0  }
0x5b: {  	v8 =	vld [tilespmem:$0x10];
	v3 =	vsub.s32 v3, v0;
	vm0 =	vlt.u32 v2, $0x1388  }
0x5c: {  	v4 =	vsub.s32 v4, v0;
	v9 =	vld [tilespmem:$0x20];
	vm1 =	vlt.u32 v3, $0x1388;
	v2 =	vnsel vm0, $0x13FF, v2  }
0x5d: {  	v5 =	vsub.s32 v5, v0;
	v3 =	vnsel vm1, $0x13FF, v3;
	v10 =	vld [tilespmem:$0x30];
	[tilespmem:$0x140] =	vst v2  }
0x5e: {  	vm1 =	vlt.u32 v4, $0x1388;
	vm0 =	vlt.u32 v5, $0x1388;
	v6 =	vsub.s32 v6, v0;
	[tilespmem:$0x130] =	vst v3;
	v11 =	vld [tilespmem:$0x40]  }
0x5f: {  	v2 =	vnsel vm1, $0x13FF, v4;
	v5 =	vnsel vm0, $0x13FF, v5;
	[tilespmem:$0x180] =	vst v7;
	vm0 =	vlt.u32 v6, $0x1388  }
.Ltmp1:
0x60: {  	[tilespmem:$0x190] =	vst v8;
	v3 =	vnsel vm0, $0x13FF, v6;
	(pc) =	sbr.rel @p0 .LBB2_4-.Ltmp1, $4  }
0x61: {  	[tilespmem:$0x1A0] =	vst v9  }
0x62: {  	[tilespmem:$0x1B0] =	vst v10  }
0x63: {  	[tilespmem:$0x1C0] =	vst v11  }
0x64: {  	[tilespmem:$0x100] =	vst v5  }
0x65: {  	[tilespmem:$0x110] =	vst v2  }
0x66: {  	[tilespmem:$0x120] =	vst v3  }
0x67: {  	[tilespmem:s16], [sflag:$0x1] =	stream.indirect.gather [hbm4b:s0+s14], $0x80, s15, s14, $0xb8;
	[tilespmem:$0x11A00] =	vst v63  }
0x68: {  	_ =	swait.ge [sflag:s17], $0x2800  }
0x69: {  	[sflag:s17] =	ssyncset.done $0x0  }
0x6a: {  	[sflag:s17] =	ssyncadd.s32 $0xFFFFD800  }
0x6b: {  	[spmem:s3] =	stream.indirect.scatter.add.f32 [tilespmem:s16], [sflag:$0x2], $0x80, s18, s14, $0xb8;
	[tilespmem:$0x11A00] =	vst v63  }
0x6c: {  	_ =	swait.ge [sflag:s12], $0x2800  }
0x6d: {  	s21 =	sadd.s32 $0x1, s21;
	[sflag:s12] =	ssyncset.done $0x0  }
0x6e: {  	p0 =	sne.s32 s21, s7;
	[sflag:s12] =	ssyncadd.s32 $0xFFFFD800  }
.Ltmp2:
0x6f: {  	[bflag:$0x0] =	sbarrier.arrive $0xFFFF;
	(pc) =	sbr.rel @p0 .LBB2_1-.Ltmp2, $4  }
0x70: {  	[hbm:s5], [sflag:s19] =	dma.local [spmem:s20], $0x1400  }
0x71: {  	_ =	swait.ge [sflag:s12], $0x1400  }
0x72: {  	[sflag:s12] =	ssyncset.done $0x0  }
0x73: {  	[sflag:s12] =	ssyncadd.s32 $0xFFFFEC00  }
0x74: {  	_ =	sfence.sel $0x180000  }
0x75: {  	[bflag:$0x0] =	sbarrier.arrive $0xFFFF  }
0x76: {  	p0 =	sne.s32 s2, $0x0;
	_ =	strace $0x90000047  }
0x77: {  	s0 =	sadd.s32 @!p0 $0x100000, s1;
	[bflag:$0x2] =	sbarrier.arrive $0xFFFF  }
0x78: {  	[sflag:s0] =	ssyncadd.tile.s32 @!p0 $0x1;
	_ =	shalt  }
.Lfunc_end2:
_tile_overlayer_lowered:
.L_overlay_start_2:
0x79: {  	(tag) =	ssettag $0x2  }
0x7a: {  	s0 =	rddreg [dreg:$0x0];
	s2 =	stileid.u32  }
0x7b: {  	s1 =	rddreg [dreg:$0x1];
	p0 =	sne.s32 s2, $0x0  }
0x7c: {  	s3 =	rddreg [dreg:$0x2];
	[bflag:$0x3] =	sbarrier.arrive $0xFFFF;
	s2 =	simm.s32 @!p0 $0x1C02  }
0x7d: {  	[timem:s3], [sflag:s2] =	dma.local @!p0 [hbm:s0], s1  }
0x7e: {  	s0 =	simm.s32 @!p0 $0x2  }
0x7f: {  	_ =	swait.ge @!p0 [sflag:s0], s1  }
0x80: {  	s1 =	ssub.s32 @!p0 $0x0, s1;
	[sflag:s0] =	ssyncset.done @!p0 $0x0  }
0x81: {  	[sflag:s0] =	ssyncadd.s32 @!p0 s1  }
0x82: {  	[bflag:$0x3] =	sbarrier.arrive $0xFFFF  }
0x83: {  	_ =	shalt  }

</sc_bundles>
